<compile_context>
chip_gen: v7x
topology: tpu7x:2x2x1
jax: 0.10.2.dev20260603
libtpu: 0.0.44.dev20260713+nightly
codegen_flags: <defaults>
</compile_context>

<pallas_src>
import jax
import jax.numpy as jnp
import numpy as np
from jax import lax
from jax.experimental import pallas as pl
from jax.experimental.pallas import tpu as pltpu
from jax.experimental.pallas import tpu_sc as plsc

NEG = np.float32(-1e9)
SCORE_THR = np.float32(0.05)
HALF = np.float32(0.5)
VALID_CUT = np.float32(-5e8)
BIG = np.int32(1 << 30)

N = 5000
NP = 5120
L = 16
NCH = NP // L
CMAXP = 320
NCV = CMAXP // L
C = 20
B = 2
MAXD = 300
MD_P = 304
KV = MD_P // L
NC_ = 2
NS_ = 16


def _lanes():
    return lax.broadcasted_iota(jnp.int32, (L,), 0)


def _splat_i(x):
    return jnp.zeros((L,), jnp.int32) + x


def _splat_f(x):
    return jnp.zeros((L,), jnp.float32) + x


def _scalar(x):
    return x if x.ndim == 0 else jnp.max(x)


def _as_splat_i(x):
    return _splat_i(x) if x.ndim == 0 else x


def _rot(v, sh):
    lanes = _lanes()
    idx = jnp.bitwise_and(lanes + sh, L - 1)
    return v.at[idx].get(mode="promise_in_bounds")


def _tree_max(v):
    for sh in (8, 4, 2, 1):
        v = jnp.maximum(v, _rot(v, sh))
    return v


def _tree_min(v):
    for sh in (8, 4, 2, 1):
        v = jnp.minimum(v, _rot(v, sh))
    return v


def _nms_body(scores_hbm, boxes_hbm, ob_hbm, os_hbm, ol_hbm, *refs):
    bufs0 = refs[0:8]
    bufs1 = refs[8:16]
    sh_sel, sh_ssc, mg_sel, mg_ssc, heads, outb, outs, outl = refs[16:24]
    cid = lax.axis_index("c")
    sid = lax.axis_index("s")
    wid = sid * NC_ + cid
    lanes = _lanes()
    lane0 = lanes == 0

    def load_task(task, bufs):
        sraw, s, bx, area, cmax, kept, selv, sscv = bufs
        img = task // C
        klass = lax.rem(task, C)
        pltpu.sync_copy(scores_hbm.at[img, klass], sraw)
        pltpu.sync_copy(boxes_hbm.at[img], bx)

        def init_out(i, carry):
            @pl.when(i < KV)
            def _():
                selv[pl.ds(i * L, L)] = jnp.full((L,), -1, jnp.int32)
                sscv[pl.ds(i * L, L)] = jnp.full((L,), -1.0, jnp.float32)
            kept[0, pl.ds(i * L, L)] = jnp.full((L,), 3.0, jnp.float32)
            kept[1, pl.ds(i * L, L)] = jnp.full((L,), 3.0, jnp.float32)
            kept[2, pl.ds(i * L, L)] = jnp.full((L,), 0.0, jnp.float32)
            kept[3, pl.ds(i * L, L)] = jnp.full((L,), 0.0, jnp.float32)
            kept[4, pl.ds(i * L, L)] = jnp.full((L,), 0.0, jnp.float32)
            return carry

        lax.fori_loop(0, KV + 1, init_out, 0)

        def init_chunk(i, carry):
            for u in range(4):
                c = i * 4 + u
                v = sraw[pl.ds(c * L, L)]
                m = jnp.where(v > SCORE_THR, v, NEG)
                s[pl.ds(c * L, L)] = m
                y1 = bx[0, pl.ds(c * L, L)]
                x1 = bx[1, pl.ds(c * L, L)]
                y2 = bx[2, pl.ds(c * L, L)]
                x2 = bx[3, pl.ds(c * L, L)]
                a = jnp.maximum(y2 - y1, jnp.float32(0.0)) * \
                    jnp.maximum(x2 - x1, jnp.float32(0.0))
                area[pl.ds(c * L, L)] = a
                plsc.store_scatter(cmax, [_splat_i(c)], _splat_f(jnp.max(m)),
                                   mask=lane0)
            return carry

        lax.fori_loop(0, NCH // 4, init_chunk, 0)

    def pop(bufs, finv):
        sraw, s, bx, area, cmax, kept, selv, sscv = bufs
        m = cmax[pl.ds(0, L)]
        ci = jnp.zeros((L,), jnp.int32)
        for i in range(1, NCV):
            v = cmax[pl.ds(i * L, L)]
            upd = v > m
            m = jnp.where(upd, v, m)
            ci = jnp.where(upd, _splat_i(i), ci)
        Mv = _tree_max(m)
        gc = jnp.where(m == Mv, ci * L + lanes, BIG)
        cstarv = _tree_min(gc)
        validv = Mv > VALID_CUT

        v = plsc.load_gather(s, [cstarv * L + lanes])
        lanev = _as_splat_i(plsc.all_reduce_ffs(v == Mv))
        idxv = cstarv * L + lanev
        cy1 = plsc.load_gather(bx, [jnp.zeros((L,), jnp.int32), idxv])
        cx1 = plsc.load_gather(bx, [_splat_i(1), idxv])
        cy2 = plsc.load_gather(bx, [_splat_i(2), idxv])
        cx2 = plsc.load_gather(bx, [_splat_i(3), idxv])
        ca = plsc.load_gather(area, [idxv])
        rm = lane0 & validv & jnp.logical_not(finv)
        plsc.store_scatter(s, [idxv],
                           jnp.full((L,), NEG, jnp.float32), mask=rm)
        v2 = jnp.where(lanes == lanev, NEG, v)
        plsc.store_scatter(cmax, [cstarv], _tree_max(v2), mask=rm)
        return (cy1, cx1, cy2, cx2, ca, idxv, Mv, validv)

    def iou_block(cand, keptref, off, acc):
        cy1, cx1, cy2, cx2, ca = cand
        ky1 = keptref[0, pl.ds(off, L)]
        kx1 = keptref[1, pl.ds(off, L)]
        ky2 = keptref[2, pl.ds(off, L)]
        kx2 = keptref[3, pl.ds(off, L)]
        ka = keptref[4, pl.ds(off, L)]
        yy1 = jnp.maximum(cy1, ky1)
        xx1 = jnp.maximum(cx1, kx1)
        yy2 = jnp.minimum(cy2, ky2)
        xx2 = jnp.minimum(cx2, kx2)
        inter = jnp.maximum(yy2 - yy1, jnp.float32(0.0)) * \
            jnp.maximum(xx2 - xx1, jnp.float32(0.0))
        rhs = HALF * ((ca + ka) - inter)
        return jnp.logical_or(acc, inter > rhs)

    def commit(bufs, p, supv, t, K, fin):
        sraw, s, bx, area, cmax, kept, selv, sscv = bufs
        cy1, cx1, cy2, cx2, ca, idxv, Mv, validv = p
        keepv = validv & jnp.logical_not(supv)
        finv = _splat_i(fin) > 0
        wm = lane0 & keepv & jnp.logical_not(finv)
        Kv = _splat_i(K)
        plsc.store_scatter(kept, [jnp.zeros((L,), jnp.int32), Kv], cy1,
                           mask=wm)
        plsc.store_scatter(kept, [_splat_i(1), Kv], cx1, mask=wm)
        plsc.store_scatter(kept, [_splat_i(2), Kv], cy2, mask=wm)
        plsc.store_scatter(kept, [_splat_i(3), Kv], cx2, mask=wm)
        plsc.store_scatter(kept, [_splat_i(4), Kv], ca, mask=wm)
        plsc.store_scatter(selv, [_splat_i(t)], idxv, mask=wm)
        plsc.store_scatter(sscv, [_splat_i(t)], Mv, mask=wm)
        return jnp.any(keepv), jnp.any(validv)

    def store_task(task, bufs):
        sraw, s, bx, area, cmax, kept, selv, sscv = bufs
        klass = lax.rem(task, C)
        pltpu.sync_copy(selv, sh_sel.at[klass])
        pltpu.sync_copy(sscv, sh_ssc.at[klass])

    task0 = cid * C + sid
    task1 = cid * C + jnp.minimum(sid + NS_, C - 1)
    load_task(task0, bufs0)

    def single(_):
        def wcond(cw):
            t, K, alive = cw
            return (t < MAXD) & (alive > 0)

        def wbody(cw):
            t, K, alive = cw
            nofin = jnp.zeros((L,), jnp.bool_)
            p = pop(bufs0, nofin)
            cand = p[0:5]
            keptref = bufs0[5]

            def vb(j, acc):
                acc = iou_block(cand, keptref, j * 2 * L, acc)
                return iou_block(cand, keptref, j * 2 * L + L, acc)

            acc = lax.fori_loop(0, (K + 31) // 32, vb,
                                jnp.zeros((L,), jnp.bool_))
            supv = _as_splat_i(plsc.all_reduce_population_count(acc)) > 0
            kept_s, valid_s = commit(bufs0, p, supv, t, K, jnp.int32(0))
            inc = jnp.where(kept_s, jnp.int32(1), jnp.int32(0))
            return (t + inc, K + inc,
                    jnp.where(valid_s, alive, jnp.int32(0)))

        lax.while_loop(wcond, wbody, (jnp.int32(0), jnp.int32(0),
                                      jnp.int32(1)))
        return 0

    def dual(_):
        load_task(task1, bufs1)

        def wcond(cw):
            t0, K0, a0, t1, K1, a1 = cw
            return ((t0 < MAXD) & (a0 > 0)) | ((t1 < MAXD) & (a1 > 0))

        def wbody(cw):
            t0, K0, a0, t1, K1, a1 = cw
            fin0 = jnp.where((t0 < MAXD) & (a0 > 0), jnp.int32(0),
                             jnp.int32(1))
            fin1 = jnp.where((t1 < MAXD) & (a1 > 0), jnp.int32(0),
                             jnp.int32(1))
            fin0v = _splat_i(fin0) > 0
            fin1v = _splat_i(fin1) > 0
            p0 = pop(bufs0, fin0v)
            p1 = pop(bufs1, fin1v)
            cand0 = p0[0:5]
            cand1 = p1[0:5]
            kept0 = bufs0[5]
            kept1 = bufs1[5]

            def vb(j, accs):
                a, b = accs
                a = iou_block(cand0, kept0, j * 2 * L, a)
                b = iou_block(cand1, kept1, j * 2 * L, b)
                a = iou_block(cand0, kept0, j * 2 * L + L, a)
                b = iou_block(cand1, kept1, j * 2 * L + L, b)
                return (a, b)

            acc0, acc1 = lax.fori_loop(
                0, (jnp.maximum(K0, K1) + 31) // 32, vb,
                (jnp.zeros((L,), jnp.bool_), jnp.zeros((L,), jnp.bool_)))
            sup0 = _as_splat_i(plsc.all_reduce_population_count(acc0)) > 0
            sup1 = _as_splat_i(plsc.all_reduce_population_count(acc1)) > 0
            k0, v0 = commit(bufs0, p0, sup0, t0, K0, fin0)
            k1, v1 = commit(bufs1, p1, sup1, t1, K1, fin1)
            inc0 = jnp.where(k0 & (fin0 == 0), jnp.int32(1), jnp.int32(0))
            inc1 = jnp.where(k1 & (fin1 == 0), jnp.int32(1), jnp.int32(0))
            a0n = jnp.where((fin0 == 0) & jnp.logical_not(v0), jnp.int32(0),
                            a0)
            a1n = jnp.where((fin1 == 0) & jnp.logical_not(v1), jnp.int32(0),
                            a1)
            return (t0 + inc0, K0 + inc0, a0n, t1 + inc1, K1 + inc1, a1n)

        lax.while_loop(wcond, wbody,
                       (jnp.int32(0), jnp.int32(0), jnp.int32(1),
                        jnp.int32(0), jnp.int32(0), jnp.int32(1)))
        store_task(task1, bufs1)
        return 0

    lax.cond(sid + NS_ < C, dual, single, 0)
    store_task(task0, bufs0)
    plsc.subcore_barrier()

    @pl.when(sid == NS_ - 1)
    def _merge():
        img = cid
        bx = bufs0[2]
        pltpu.sync_copy(sh_ssc, mg_ssc)
        pltpu.sync_copy(sh_sel, mg_sel)
        heads[pl.ds(0, L)] = jnp.zeros((L,), jnp.int32)
        heads[pl.ds(L, L)] = jnp.zeros((L,), jnp.int32)

        def io(i, carry):
            outs[pl.ds(i * L, L)] = jnp.full((L,), -1.0, jnp.float32)
            outl[pl.ds(i * L, L)] = jnp.full((L,), -1, jnp.int32)
            return carry

        lax.fori_loop(0, KV, io, 0)

        def iob(i, carry):
            outb[pl.ds(i * L, L)] = jnp.full((L,), -1.0, jnp.float32)
            return carry

        lax.fori_loop(0, MD_P * 4 // L, iob, 0)

        def mstep(t, carry):
            hl = plsc.load_gather(heads, [lanes])
            g_lo = plsc.load_gather(mg_ssc, [lanes, hl])
            rhi = jnp.minimum(lanes + L, jnp.int32(C - 1))
            hh = plsc.load_gather(heads, [lanes + L])
            g_hi_raw = plsc.load_gather(mg_ssc, [rhi, hh])
            g_hi = jnp.where(lanes < C - L, g_hi_raw, jnp.float32(-2.0))
            comb = jnp.maximum(g_lo, g_hi)
            Mv = _tree_max(comb)
            in_lo = _as_splat_i(
                plsc.all_reduce_population_count(g_lo == Mv)) > 0
            lane_lo = _as_splat_i(plsc.all_reduce_ffs(g_lo == Mv))
            lane_hi = _as_splat_i(plsc.all_reduce_ffs(g_hi == Mv))
            clsv = jnp.where(in_lo, lane_lo, lane_hi + jnp.int32(L))
            hv = plsc.load_gather(heads, [clsv])
            plsc.store_scatter(heads, [clsv], hv + 1, mask=lane0)
            bi = plsc.load_gather(mg_sel, [clsv, hv])
            vv = bi >= 0
            safe = jnp.maximum(bi, 0)
            coord = lax.rem(lanes, jnp.int32(4))
            bvals = plsc.load_gather(bx, [coord, safe])
            obv = jnp.where(vv, bvals, jnp.float32(-1.0))
            plsc.store_scatter(outb, [_splat_i(t * 4) + coord], obv,
                               mask=lanes < 4)
            plsc.store_scatter(outs, [_splat_i(t)],
                               jnp.where(vv, Mv, jnp.float32(-1.0)),
                               mask=lane0)
            plsc.store_scatter(outl, [_splat_i(t)],
                               jnp.where(vv, clsv, jnp.int32(-1)), mask=lane0)
            return carry

        lax.fori_loop(0, MAXD, mstep, 0)
        pltpu.sync_copy(outb, ob_hbm.at[img])
        pltpu.sync_copy(outs, os_hbm.at[img])
        pltpu.sync_copy(outl, ol_hbm.at[img])


_mesh = plsc.VectorSubcoreMesh(core_axis_name="c", subcore_axis_name="s")

_nms_call = pl.kernel(
    _nms_body,
    out_type=(jax.ShapeDtypeStruct((B, MD_P * 4), jnp.float32),
              jax.ShapeDtypeStruct((B, MD_P), jnp.float32),
              jax.ShapeDtypeStruct((B, MD_P), jnp.int32)),
    mesh=_mesh,
    compiler_params=pltpu.CompilerParams(needs_layout_passes=False,
                                         use_tc_tiling_on_sc=False),
    scratch_types=[
        pltpu.VMEM((NP,), jnp.float32),
        pltpu.VMEM((NP,), jnp.float32),
        pltpu.VMEM((4, NP), jnp.float32),
        pltpu.VMEM((NP,), jnp.float32),
        pltpu.VMEM((CMAXP,), jnp.float32),
        pltpu.VMEM((5, MD_P + L), jnp.float32),
        pltpu.VMEM((MD_P,), jnp.int32),
        pltpu.VMEM((MD_P,), jnp.float32),
    ] * 2 + [
        pltpu.VMEM_SHARED((C, MD_P), jnp.int32),
        pltpu.VMEM_SHARED((C, MD_P), jnp.float32),
        pltpu.VMEM((C, MD_P), jnp.int32),
        pltpu.VMEM((C, MD_P), jnp.float32),
        pltpu.VMEM((2 * L,), jnp.int32),
        pltpu.VMEM((MD_P * 4,), jnp.float32),
        pltpu.VMEM((MD_P,), jnp.float32),
        pltpu.VMEM((MD_P,), jnp.int32),
    ],
)


def kernel(boxes, classification):
    b = boxes.astype(jnp.float32)
    c = classification.astype(jnp.float32)
    scores_t = jnp.pad(jnp.transpose(c, (0, 2, 1)),
                       ((0, 0), (0, 0), (0, NP - N)))
    boxes_t = jnp.pad(jnp.transpose(b, (0, 2, 1)),
                      ((0, 0), (0, 0), (0, NP - N)))
    ob, osc, ol = _nms_call(scores_t, boxes_t)
    ob = ob.reshape(B, MD_P, 4)[:, :MAXD, :]
    return ob, osc[:, :MAXD], ol[:, :MAXD]

# --- scband reference (transcript-rebuilt; emitter-appended) ---
"""Pipeline reference for scband-filter-detections-9509057593763 (READ-ONLY COPY).

The authoritative reference and input builder live on the scoring server;
editing this copy changes nothing except your own understanding.
"""

import jax, jax.numpy as jnp
import numpy as np

NEG = -1e9

def _iou_one_to_many(box, boxes):
    y1 = jnp.maximum(box[0], boxes[:, 0])
    x1 = jnp.maximum(box[1], boxes[:, 1])
    y2 = jnp.minimum(box[2], boxes[:, 2])
    x2 = jnp.minimum(box[3], boxes[:, 3])
    inter = jnp.maximum(y2 - y1, 0.0) * jnp.maximum(x2 - x1, 0.0)
    a1 = jnp.maximum(box[2] - box[0], 0.0) * jnp.maximum(box[3] - box[1], 0.0)
    a2 = jnp.maximum(boxes[:, 2] - boxes[:, 0], 0.0) * jnp.maximum(boxes[:, 3] - boxes[:, 1], 0.0)
    union = a1 + a2 - inter
    return jnp.where(union > 0.0, inter / union, 0.0)

def _nms(boxes, scores, iou_threshold, max_det):
    def step(scores_cur, _):
        idx = jnp.argmax(scores_cur)
        valid = scores_cur[idx] > NEG * 0.5
        ious = _iou_one_to_many(boxes[idx], boxes)
        suppressed = jnp.where(ious > iou_threshold, NEG, scores_cur)
        suppressed = suppressed.at[idx].set(NEG)
        scores_next = jnp.where(valid, suppressed, scores_cur)
        return scores_next, jnp.where(valid, idx, -1)
    _, sel = jax.lax.scan(step, scores, None, length=max_det)
    return sel

def _filter_image(boxes, cls, score_threshold, iou_threshold, max_det):
    num_classes = cls.shape[1]
    def per_class(scores):
        masked = jnp.where(scores > score_threshold, scores, NEG)
        return _nms(jax.lax.stop_gradient(boxes), jax.lax.stop_gradient(masked), iou_threshold, max_det)
    sel_all = jax.vmap(per_class, in_axes=1)(cls)
    labels_all = jnp.broadcast_to(jnp.arange(num_classes)[:, None], sel_all.shape)
    sel_flat = sel_all.reshape(-1)
    lab_flat = labels_all.reshape(-1)
    valid = sel_flat >= 0
    safe_idx = jnp.maximum(sel_flat, 0)
    cand_scores = jnp.where(valid, cls[safe_idx, lab_flat], -1.0)
    top_scores, top_pos = jax.lax.top_k(cand_scores, max_det)
    box_idx = safe_idx[top_pos]
    lab = lab_flat[top_pos]
    v = valid[top_pos]
    out_boxes = jnp.where(v[:, None], boxes[box_idx], -1.0)
    out_scores = jnp.where(v, top_scores, -1.0)
    out_labels = jnp.where(v, lab, -1).astype(jnp.int32)
    return out_boxes, out_scores, out_labels

def setup_inputs(seed: int = 0):
    key = jax.random.key(seed)
    k1, k2 = jax.random.split(key)
    boxes = jax.random.uniform(k1, (2, 5000, 4), dtype=jnp.float32)
    classification = jax.random.uniform(k2, (2, 5000, 20), dtype=jnp.float32)
    return {"boxes": boxes, "classification": classification}

def reference(boxes, classification):
    f = lambda b, c: _filter_image(b, c, 0.05, 0.5, 300)
    return jax.vmap(f)(boxes, classification)

if __name__ == "__main__":
    import jax
    _d = setup_inputs()
    print(jax.jit(kernel)(*tuple(_d.values())))

</pallas_src>

<mosaic_0001>
#map = affine_map<(d0, d1) -> (0, 0, 0)>
#map1 = affine_map<(d0, d1) -> (0, 0)>
module attributes {stable_mosaic.version = 14 : i64} {
  func.func @_nms_body(%arg0: i32, %arg1: i32, %arg2: memref<2x20x5120xf32, #tpu.memory_space<hbm>>, %arg3: memref<2x4x5120xf32, #tpu.memory_space<hbm>>, %arg4: memref<2x1216xf32, #tpu.memory_space<hbm>>, %arg5: memref<2x304xf32, #tpu.memory_space<hbm>>, %arg6: memref<2x304xi32, #tpu.memory_space<hbm>>, %arg7: memref<5120xf32, #tpu.memory_space<vmem>>, %arg8: memref<5120xf32, #tpu.memory_space<vmem>>, %arg9: memref<4x5120xf32, #tpu.memory_space<vmem>>, %arg10: memref<5120xf32, #tpu.memory_space<vmem>>, %arg11: memref<320xf32, #tpu.memory_space<vmem>>, %arg12: memref<5x320xf32, #tpu.memory_space<vmem>>, %arg13: memref<304xi32, #tpu.memory_space<vmem>>, %arg14: memref<304xf32, #tpu.memory_space<vmem>>, %arg15: memref<5120xf32, #tpu.memory_space<vmem>>, %arg16: memref<5120xf32, #tpu.memory_space<vmem>>, %arg17: memref<4x5120xf32, #tpu.memory_space<vmem>>, %arg18: memref<5120xf32, #tpu.memory_space<vmem>>, %arg19: memref<320xf32, #tpu.memory_space<vmem>>, %arg20: memref<5x320xf32, #tpu.memory_space<vmem>>, %arg21: memref<304xi32, #tpu.memory_space<vmem>>, %arg22: memref<304xf32, #tpu.memory_space<vmem>>, %arg23: memref<20x304xi32, #tpu.memory_space<vmem_shared>>, %arg24: memref<20x304xf32, #tpu.memory_space<vmem_shared>>, %arg25: memref<20x304xi32, #tpu.memory_space<vmem>>, %arg26: memref<20x304xf32, #tpu.memory_space<vmem>>, %arg27: memref<32xi32, #tpu.memory_space<vmem>>, %arg28: memref<1216xf32, #tpu.memory_space<vmem>>, %arg29: memref<304xf32, #tpu.memory_space<vmem>>, %arg30: memref<304xi32, #tpu.memory_space<vmem>>) attributes {dimension_semantics = [#tpu.dimension_semantics<core_parallel>, #tpu.dimension_semantics<subcore_parallel>], iteration_bounds = array<i64: 2, 16>, scalar_prefetch = 0 : i64, scratch_operands = 24 : i64, tpu.core_type = #tpu.core_type<sc_vector_subcore>, window_params = [{transform_indices = #map}, {transform_indices = #map}, {transform_indices = #map1}, {transform_indices = #map1}, {transform_indices = #map1}]} {
    %mul3A = arith.constant 2 : i32
    %mul3A_0 = arith.muli %arg1, %mul3A : i32
    %add3A = arith.addi %mul3A_0, %arg0 : i32
    %iota3A = tpu.iota {dimensions = array<i32: 0>} : vector<16xi32>
    %eq3A = arith.constant 0 : i32
    %eq3A_1 = vector.broadcast %eq3A : i32 to vector<16xi32>
    %eq3A_2 = arith.cmpi eq, %iota3A, %eq3A_1 : vector<16xi32>
    %mul3A_3 = arith.constant 20 : i32
    %mul3A_4 = arith.muli %arg0, %mul3A_3 : i32
    %add3A_5 = arith.addi %mul3A_4, %arg1 : i32
    %mul3A_6 = arith.constant 20 : i32
    %mul3A_7 = arith.muli %arg0, %mul3A_6 : i32
    %add3A_8 = arith.constant 16 : i32
    %add3A_9 = arith.addi %arg1, %add3A_8 : i32
    %min3A = arith.constant 19 : i32
    %min3A_10 = arith.minsi %add3A_9, %min3A : i32
    %add3A_11 = arith.addi %mul3A_7, %min3A_10 : i32
    %jit3A = arith.constant 20 : i32
    %div3A = arith.divsi %add3A_5, %jit3A : i32
    %sign3A = arith.constant 0 : i32
    %sign3A_12 = arith.cmpi sgt, %add3A_5, %sign3A : i32
    %sign3A_13 = arith.extui %sign3A_12 : i1 to i32
    %sign3A_14 = arith.constant 0 : i32
    %sign3A_15 = arith.cmpi slt, %add3A_5, %sign3A_14 : i32
    %sign3A_16 = arith.extui %sign3A_15 : i1 to i32
    %sign3A_17 = arith.subi %sign3A_13, %sign3A_16 : i32
    %sign3A_18 = arith.constant 0 : i32
    %sign3A_19 = arith.cmpi sgt, %jit3A, %sign3A_18 : i32
    %sign3A_20 = arith.extui %sign3A_19 : i1 to i32
    %sign3A_21 = arith.constant 0 : i32
    %sign3A_22 = arith.cmpi slt, %jit3A, %sign3A_21 : i32
    %sign3A_23 = arith.extui %sign3A_22 : i1 to i32
    %sign3A_24 = arith.subi %sign3A_20, %sign3A_23 : i32
    %ne3A = arith.cmpi ne, %sign3A_17, %sign3A_24 : i32
    %rem3A = arith.remsi %add3A_5, %jit3A : i32
    %ne3A_25 = arith.constant 0 : i32
    %ne3A_26 = arith.cmpi ne, %rem3A, %ne3A_25 : i32
    %and3A = arith.andi %ne3A, %ne3A_26 : i1
    %sub3A = arith.constant 1 : i32
    %sub3A_27 = arith.subi %div3A, %sub3A : i32
    %select_n3A = arith.select %and3A, %sub3A_27, %div3A : i32
    %rem3A_28 = arith.constant 20 : i32
    %rem3A_29 = arith.remsi %add3A_5, %rem3A_28 : i32
    "tpu.region"() ({
      %run_scoped3A = tpu.sem_alloc : memref<!tpu.dma_semaphore, #tpu.memory_space<semaphore_mem>>
      %dma_start3A = arith.constant 0 : i32
      %dma_start3A_54 = tpu.memref_slice %arg2[%select_n3A, %rem3A_29, %dma_start3A] : memref<2x20x5120xf32, #tpu.memory_space<hbm>> -> memref<1x1x5120xf32, #tpu.memory_space<hbm>>
      %dma_start3A_55 = tpu.memref_squeeze %dma_start3A_54 : memref<1x1x5120xf32, #tpu.memory_space<hbm>> -> memref<5120xf32, #tpu.memory_space<hbm>>
      %dma_start3A_56 = arith.constant 0 : i32
      %dma_start3A_57 = tpu.memref_slice %arg2[%select_n3A, %rem3A_29, %dma_start3A_56] : memref<2x20x5120xf32, #tpu.memory_space<hbm>> -> memref<1x1x5120xf32, #tpu.memory_space<hbm>>
      %dma_start3A_58 = tpu.memref_squeeze %dma_start3A_57 : memref<1x1x5120xf32, #tpu.memory_space<hbm>> -> memref<5120xf32, #tpu.memory_space<hbm>>
      tpu.enqueue_dma source(%dma_start3A_58 : memref<5120xf32, #tpu.memory_space<hbm>>) target(%arg7 : memref<5120xf32, #tpu.memory_space<vmem>>) target_semaphore(%run_scoped3A : memref<!tpu.dma_semaphore, #tpu.memory_space<semaphore_mem>>)
      %dma_wait3A = arith.constant 0 : i32
      %dma_wait3A_59 = tpu.memref_slice %arg2[%select_n3A, %rem3A_29, %dma_wait3A] : memref<2x20x5120xf32, #tpu.memory_space<hbm>> -> memref<1x1x5120xf32, #tpu.memory_space<hbm>>
      %dma_wait3A_60 = tpu.memref_squeeze %dma_wait3A_59 : memref<1x1x5120xf32, #tpu.memory_space<hbm>> -> memref<5120xf32, #tpu.memory_space<hbm>>
      %dma_wait3A_61 = arith.constant 0 : i32
      %dma_wait3A_62 = tpu.memref_slice %arg2[%select_n3A, %rem3A_29, %dma_wait3A_61] : memref<2x20x5120xf32, #tpu.memory_space<hbm>> -> memref<1x1x5120xf32, #tpu.memory_space<hbm>>
      %dma_wait3A_63 = tpu.memref_squeeze %dma_wait3A_62 : memref<1x1x5120xf32, #tpu.memory_space<hbm>> -> memref<5120xf32, #tpu.memory_space<hbm>>
      tpu.wait_dma2 semaphore(%run_scoped3A : memref<!tpu.dma_semaphore, #tpu.memory_space<semaphore_mem>>) src(%dma_wait3A_63 : memref<5120xf32, #tpu.memory_space<hbm>>) dst(%arg7 : memref<5120xf32, #tpu.memory_space<vmem>>)
      tpu.yield
    }) : () -> ()
    "tpu.region"() ({
      %run_scoped3A = tpu.sem_alloc : memref<!tpu.dma_semaphore, #tpu.memory_space<semaphore_mem>>
      %dma_start3A = arith.constant 0 : i32
      %dma_start3A_54 = arith.constant 0 : i32
      %dma_start3A_55 = tpu.memref_slice %arg3[%select_n3A, %dma_start3A, %dma_start3A_54] : memref<2x4x5120xf32, #tpu.memory_space<hbm>> -> memref<1x4x5120xf32, #tpu.memory_space<hbm>>
      %dma_start3A_56 = tpu.memref_squeeze %dma_start3A_55 : memref<1x4x5120xf32, #tpu.memory_space<hbm>> -> memref<4x5120xf32, #tpu.memory_space<hbm>>
      %dma_start3A_57 = arith.constant 0 : i32
      %dma_start3A_58 = arith.constant 0 : i32
      %dma_start3A_59 = tpu.memref_slice %arg3[%select_n3A, %dma_start3A_57, %dma_start3A_58] : memref<2x4x5120xf32, #tpu.memory_space<hbm>> -> memref<1x4x5120xf32, #tpu.memory_space<hbm>>
      %dma_start3A_60 = tpu.memref_squeeze %dma_start3A_59 : memref<1x4x5120xf32, #tpu.memory_space<hbm>> -> memref<4x5120xf32, #tpu.memory_space<hbm>>
      tpu.enqueue_dma source(%dma_start3A_60 : memref<4x5120xf32, #tpu.memory_space<hbm>>) target(%arg9 : memref<4x5120xf32, #tpu.memory_space<vmem>>) target_semaphore(%run_scoped3A : memref<!tpu.dma_semaphore, #tpu.memory_space<semaphore_mem>>)
      %dma_wait3A = arith.constant 0 : i32
      %dma_wait3A_61 = arith.constant 0 : i32
      %dma_wait3A_62 = tpu.memref_slice %arg3[%select_n3A, %dma_wait3A, %dma_wait3A_61] : memref<2x4x5120xf32, #tpu.memory_space<hbm>> -> memref<1x4x5120xf32, #tpu.memory_space<hbm>>
      %dma_wait3A_63 = tpu.memref_squeeze %dma_wait3A_62 : memref<1x4x5120xf32, #tpu.memory_space<hbm>> -> memref<4x5120xf32, #tpu.memory_space<hbm>>
      %dma_wait3A_64 = arith.constant 0 : i32
      %dma_wait3A_65 = arith.constant 0 : i32
      %dma_wait3A_66 = tpu.memref_slice %arg3[%select_n3A, %dma_wait3A_64, %dma_wait3A_65] : memref<2x4x5120xf32, #tpu.memory_space<hbm>> -> memref<1x4x5120xf32, #tpu.memory_space<hbm>>
      %dma_wait3A_67 = tpu.memref_squeeze %dma_wait3A_66 : memref<1x4x5120xf32, #tpu.memory_space<hbm>> -> memref<4x5120xf32, #tpu.memory_space<hbm>>
      tpu.wait_dma2 semaphore(%run_scoped3A : memref<!tpu.dma_semaphore, #tpu.memory_space<semaphore_mem>>) src(%dma_wait3A_67 : memref<4x5120xf32, #tpu.memory_space<hbm>>) dst(%arg9 : memref<4x5120xf32, #tpu.memory_space<vmem>>)
      tpu.yield
    }) : () -> ()
    %scan3A = arith.constant 0 : i32
    %scan3A_30 = arith.constant 0 : i32
    %scan3A_31 = arith.constant 20 : i32
    %scan3A_32 = arith.addi %scan3A_30, %scan3A_31 : i32
    %scan3A_33 = arith.constant 1 : i32
    scf.for %scan3A_54 = %scan3A_30 to %scan3A_32 step %scan3A_33  : i32 {
      %lt3A_55 = arith.constant 19 : i32
      %lt3A_56 = arith.cmpi slt, %scan3A_54, %lt3A_55 : i32
      %convert_element_type3A_57 = arith.extui %lt3A_56 : i1 to i32
      %cond3A_58 = arith.constant 0 : i32
      %cond3A_59 = arith.cmpi ne, %convert_element_type3A_57, %cond3A_58 : i32
      scf.if %cond3A_59 {
        %broadcast_in_dim3A_98 = arith.constant -1 : i32
        %broadcast_in_dim3A_99 = vector.broadcast %broadcast_in_dim3A_98 : i32 to vector<16xi32>
        %mul3A_100 = arith.constant 16 : i32
        %mul3A_101 = arith.muli %scan3A_54, %mul3A_100 : i32
        %swap3A_102 = arith.index_cast %mul3A_101 : i32 to index
        %swap3A_103 = tpu.vector_load %arg13[%swap3A_102] {strides = array<i32>} : memref<304xi32, #tpu.memory_space<vmem>>, vector<16xi32>,
        tpu.vector_store %arg13[%swap3A_102], %broadcast_in_dim3A_99 {strides = array<i32>} : memref<304xi32, #tpu.memory_space<vmem>>, vector<16xi32>,
        %broadcast_in_dim3A_104 = arith.constant -1.000000e+00 : f32
        %broadcast_in_dim3A_105 = vector.broadcast %broadcast_in_dim3A_104 : f32 to vector<16xf32>
        %mul3A_106 = arith.constant 16 : i32
        %mul3A_107 = arith.muli %scan3A_54, %mul3A_106 : i32
        %swap3A_108 = arith.index_cast %mul3A_107 : i32 to index
        %swap3A_109 = tpu.vector_load %arg14[%swap3A_108] {strides = array<i32>} : memref<304xf32, #tpu.memory_space<vmem>>, vector<16xf32>,
        tpu.vector_store %arg14[%swap3A_108], %broadcast_in_dim3A_105 {strides = array<i32>} : memref<304xf32, #tpu.memory_space<vmem>>, vector<16xf32>,
      } else {
      }
      %broadcast_in_dim3A = arith.constant 3.000000e+00 : f32
      %broadcast_in_dim3A_60 = vector.broadcast %broadcast_in_dim3A : f32 to vector<16xf32>
      %mul3A_61 = arith.constant 16 : i32
      %mul3A_62 = arith.muli %scan3A_54, %mul3A_61 : i32
      %swap3A = arith.constant 0 : i32
      %swap3A_63 = arith.index_cast %swap3A : i32 to index
      %swap3A_64 = arith.index_cast %mul3A_62 : i32 to index
      %swap3A_65 = tpu.vector_load %arg12[%swap3A_63, %swap3A_64] {strides = array<i32>} : memref<5x320xf32, #tpu.memory_space<vmem>>, vector<16xf32>,
      tpu.vector_store %arg12[%swap3A_63, %swap3A_64], %broadcast_in_dim3A_60 {strides = array<i32>} : memref<5x320xf32, #tpu.memory_space<vmem>>, vector<16xf32>,
      %broadcast_in_dim3A_66 = arith.constant 3.000000e+00 : f32
      %broadcast_in_dim3A_67 = vector.broadcast %broadcast_in_dim3A_66 : f32 to vector<16xf32>
      %mul3A_68 = arith.constant 16 : i32
      %mul3A_69 = arith.muli %scan3A_54, %mul3A_68 : i32
      %swap3A_70 = arith.constant 1 : i32
      %swap3A_71 = arith.index_cast %swap3A_70 : i32 to index
      %swap3A_72 = arith.index_cast %mul3A_69 : i32 to index
      %swap3A_73 = tpu.vector_load %arg12[%swap3A_71, %swap3A_72] {strides = array<i32>} : memref<5x320xf32, #tpu.memory_space<vmem>>, vector<16xf32>,
      tpu.vector_store %arg12[%swap3A_71, %swap3A_72], %broadcast_in_dim3A_67 {strides = array<i32>} : memref<5x320xf32, #tpu.memory_space<vmem>>, vector<16xf32>,
      %broadcast_in_dim3A_74 = arith.constant 0.000000e+00 : f32
      %broadcast_in_dim3A_75 = vector.broadcast %broadcast_in_dim3A_74 : f32 to vector<16xf32>
      %mul3A_76 = arith.constant 16 : i32
      %mul3A_77 = arith.muli %scan3A_54, %mul3A_76 : i32
      %swap3A_78 = arith.constant 2 : i32
      %swap3A_79 = arith.index_cast %swap3A_78 : i32 to index
      %swap3A_80 = arith.index_cast %mul3A_77 : i32 to index
      %swap3A_81 = tpu.vector_load %arg12[%swap3A_79, %swap3A_80] {strides = array<i32>} : memref<5x320xf32, #tpu.memory_space<vmem>>, vector<16xf32>,
      tpu.vector_store %arg12[%swap3A_79, %swap3A_80], %broadcast_in_dim3A_75 {strides = array<i32>} : memref<5x320xf32, #tpu.memory_space<vmem>>, vector<16xf32>,
      %broadcast_in_dim3A_82 = arith.constant 0.000000e+00 : f32
      %broadcast_in_dim3A_83 = vector.broadcast %broadcast_in_dim3A_82 : f32 to vector<16xf32>
      %mul3A_84 = arith.constant 16 : i32
      %mul3A_85 = arith.muli %scan3A_54, %mul3A_84 : i32
      %swap3A_86 = arith.constant 3 : i32
      %swap3A_87 = arith.index_cast %swap3A_86 : i32 to index
      %swap3A_88 = arith.index_cast %mul3A_85 : i32 to index
      %swap3A_89 = tpu.vector_load %arg12[%swap3A_87, %swap3A_88] {strides = array<i32>} : memref<5x320xf32, #tpu.memory_space<vmem>>, vector<16xf32>,
      tpu.vector_store %arg12[%swap3A_87, %swap3A_88], %broadcast_in_dim3A_83 {strides = array<i32>} : memref<5x320xf32, #tpu.memory_space<vmem>>, vector<16xf32>,
      %broadcast_in_dim3A_90 = arith.constant 0.000000e+00 : f32
      %broadcast_in_dim3A_91 = vector.broadcast %broadcast_in_dim3A_90 : f32 to vector<16xf32>
      %mul3A_92 = arith.constant 16 : i32
      %mul3A_93 = arith.muli %scan3A_54, %mul3A_92 : i32
      %swap3A_94 = arith.constant 4 : i32
      %swap3A_95 = arith.index_cast %swap3A_94 : i32 to index
      %swap3A_96 = arith.index_cast %mul3A_93 : i32 to index
      %swap3A_97 = tpu.vector_load %arg12[%swap3A_95, %swap3A_96] {strides = array<i32>} : memref<5x320xf32, #tpu.memory_space<vmem>>, vector<16xf32>,
      tpu.vector_store %arg12[%swap3A_95, %swap3A_96], %broadcast_in_dim3A_91 {strides = array<i32>} : memref<5x320xf32, #tpu.memory_space<vmem>>, vector<16xf32>,
    }
    %scan3A_34 = arith.constant 20 : i32
    %scan3A_35 = arith.constant 0 : i32
    %scan3A_36 = arith.constant 0 : i32
    %scan3A_37 = arith.constant 80 : i32
    %scan3A_38 = arith.addi %scan3A_36, %scan3A_37 : i32
    %scan3A_39 = arith.constant 1 : i32
    scf.for %scan3A_54 = %scan3A_36 to %scan3A_38 step %scan3A_39  : i32 {
      %mul3A_55 = arith.constant 4 : i32
      %mul3A_56 = arith.muli %scan3A_54, %mul3A_55 : i32
      %add3A_57 = arith.constant 0 : i32
      %add3A_58 = arith.addi %mul3A_56, %add3A_57 : i32
      %mul3A_59 = arith.constant 16 : i32
      %mul3A_60 = arith.muli %add3A_58, %mul3A_59 : i32
      %get3A = arith.index_cast %mul3A_60 : i32 to index
      %get3A_61 = tpu.vector_load %arg7[%get3A] {strides = array<i32>} : memref<5120xf32, #tpu.memory_space<vmem>>, vector<16xf32>,
      %gt3A = arith.constant 5.000000e-02 : f32
      %gt3A_62 = vector.broadcast %gt3A : f32 to vector<16xf32>
      %gt3A_63 = arith.cmpf ogt, %get3A_61, %gt3A_62 : vector<16xf32>
      %jit3A_64 = arith.constant -1.000000e+09 : f32
      %broadcast_in_dim3A = vector.broadcast %jit3A_64 : f32 to vector<16xf32>
      %select_n3A_65 = arith.select %gt3A_63, %get3A_61, %broadcast_in_dim3A : vector<16xi1>, vector<16xf32>
      %mul3A_66 = arith.constant 16 : i32
      %mul3A_67 = arith.muli %add3A_58, %mul3A_66 : i32
      %swap3A = arith.index_cast %mul3A_67 : i32 to index
      %swap3A_68 = tpu.vector_load %arg8[%swap3A] {strides = array<i32>} : memref<5120xf32, #tpu.memory_space<vmem>>, vector<16xf32>,
      tpu.vector_store %arg8[%swap3A], %select_n3A_65 {strides = array<i32>} : memref<5120xf32, #tpu.memory_space<vmem>>, vector<16xf32>,
      %mul3A_69 = arith.constant 16 : i32
      %mul3A_70 = arith.muli %add3A_58, %mul3A_69 : i32
      %get3A_71 = arith.constant 0 : i32
      %get3A_72 = arith.index_cast %get3A_71 : i32 to index
      %get3A_73 = arith.index_cast %mul3A_70 : i32 to index
      %get3A_74 = tpu.vector_load %arg9[%get3A_72, %get3A_73] {strides = array<i32>} : memref<4x5120xf32, #tpu.memory_space<vmem>>, vector<16xf32>,
      %mul3A_75 = arith.constant 16 : i32
      %mul3A_76 = arith.muli %add3A_58, %mul3A_75 : i32
      %get3A_77 = arith.constant 1 : i32
      %get3A_78 = arith.index_cast %get3A_77 : i32 to index
      %get3A_79 = arith.index_cast %mul3A_76 : i32 to index
      %get3A_80 = tpu.vector_load %arg9[%get3A_78, %get3A_79] {strides = array<i32>} : memref<4x5120xf32, #tpu.memory_space<vmem>>, vector<16xf32>,
      %mul3A_81 = arith.constant 16 : i32
      %mul3A_82 = arith.muli %add3A_58, %mul3A_81 : i32
      %get3A_83 = arith.constant 2 : i32
      %get3A_84 = arith.index_cast %get3A_83 : i32 to index
      %get3A_85 = arith.index_cast %mul3A_82 : i32 to index
      %get3A_86 = tpu.vector_load %arg9[%get3A_84, %get3A_85] {strides = array<i32>} : memref<4x5120xf32, #tpu.memory_space<vmem>>, vector<16xf32>,
      %mul3A_87 = arith.constant 16 : i32
      %mul3A_88 = arith.muli %add3A_58, %mul3A_87 : i32
      %get3A_89 = arith.constant 3 : i32
      %get3A_90 = arith.index_cast %get3A_89 : i32 to index
      %get3A_91 = arith.index_cast %mul3A_88 : i32 to index
      %get3A_92 = tpu.vector_load %arg9[%get3A_90, %get3A_91] {strides = array<i32>} : memref<4x5120xf32, #tpu.memory_space<vmem>>, vector<16xf32>,
      %sub3A_93 = arith.subf %get3A_86, %get3A_74 : vector<16xf32>
      %max3A = arith.constant 0.000000e+00 : f32
      %max3A_94 = vector.broadcast %max3A : f32 to vector<16xf32>
      %max3A_95 = arith.maximumf %sub3A_93, %max3A_94 : vector<16xf32>
      %sub3A_96 = arith.subf %get3A_92, %get3A_80 : vector<16xf32>
      %max3A_97 = arith.constant 0.000000e+00 : f32
      %max3A_98 = vector.broadcast %max3A_97 : f32 to vector<16xf32>
      %max3A_99 = arith.maximumf %sub3A_96, %max3A_98 : vector<16xf32>
      %mul3A_100 = arith.mulf %max3A_95, %max3A_99 : vector<16xf32>
      %mul3A_101 = arith.constant 16 : i32
      %mul3A_102 = arith.muli %add3A_58, %mul3A_101 : i32
      %swap3A_103 = arith.index_cast %mul3A_102 : i32 to index
      %swap3A_104 = tpu.vector_load %arg10[%swap3A_103] {strides = array<i32>} : memref<5120xf32, #tpu.memory_space<vmem>>, vector<16xf32>,
      tpu.vector_store %arg10[%swap3A_103], %mul3A_100 {strides = array<i32>} : memref<5120xf32, #tpu.memory_space<vmem>>, vector<16xf32>,
      %broadcast_in_dim3A_105 = arith.constant 0 : i32
      %broadcast_in_dim3A_106 = vector.broadcast %broadcast_in_dim3A_105 : i32 to vector<16xi32>
      %add3A_107 = vector.broadcast %add3A_58 : i32 to vector<16xi32>
      %add3A_108 = arith.addi %broadcast_in_dim3A_106, %add3A_107 : vector<16xi32>
      %reduce_max3A = arith.constant true
      %reduce_max3A_109 = vector.broadcast %reduce_max3A : i1 to vector<16xi1>
      %reduce_max3A_110 = tpu.scan <max>, %select_n3A_65 masked %reduce_max3A_109 : vector<16xf32>, vector<16xi1> -> vector<16xf32>
      %reduce_max3A_111 = vector.extract %reduce_max3A_110[15] : f32 from vector<16xf32>
      %broadcast_in_dim3A_112 = arith.constant 0.000000e+00 : f32
      %broadcast_in_dim3A_113 = vector.broadcast %broadcast_in_dim3A_112 : f32 to vector<16xf32>
      %add3A_114 = vector.broadcast %reduce_max3A_111 : f32 to vector<16xf32>
      %add3A_115 = arith.addf %broadcast_in_dim3A_113, %add3A_114 : vector<16xf32>
      tpu.vector_store_idx %arg11[%add3A_108], %add3A_115 masked %eq3A_2 : memref<320xf32, #tpu.memory_space<vmem>>[vector<16xi32>], vector<16xf32>, vector<16xi1>
      %mul3A_116 = arith.constant 4 : i32
      %mul3A_117 = arith.muli %scan3A_54, %mul3A_116 : i32
      %add3A_118 = arith.constant 1 : i32
      %add3A_119 = arith.addi %mul3A_117, %add3A_118 : i32
      %mul3A_120 = arith.constant 16 : i32
      %mul3A_121 = arith.muli %add3A_119, %mul3A_120 : i32
      %get3A_122 = arith.index_cast %mul3A_121 : i32 to index
      %get3A_123 = tpu.vector_load %arg7[%get3A_122] {strides = array<i32>} : memref<5120xf32, #tpu.memory_space<vmem>>, vector<16xf32>,
      %gt3A_124 = arith.constant 5.000000e-02 : f32
      %gt3A_125 = vector.broadcast %gt3A_124 : f32 to vector<16xf32>
      %gt3A_126 = arith.cmpf ogt, %get3A_123, %gt3A_125 : vector<16xf32>
      %jit3A_127 = arith.constant -1.000000e+09 : f32
      %broadcast_in_dim3A_128 = vector.broadcast %jit3A_127 : f32 to vector<16xf32>
      %select_n3A_129 = arith.select %gt3A_126, %get3A_123, %broadcast_in_dim3A_128 : vector<16xi1>, vector<16xf32>
      %mul3A_130 = arith.constant 16 : i32
      %mul3A_131 = arith.muli %add3A_119, %mul3A_130 : i32
      %swap3A_132 = arith.index_cast %mul3A_131 : i32 to index
      %swap3A_133 = tpu.vector_load %arg8[%swap3A_132] {strides = array<i32>} : memref<5120xf32, #tpu.memory_space<vmem>>, vector<16xf32>,
      tpu.vector_store %arg8[%swap3A_132], %select_n3A_129 {strides = array<i32>} : memref<5120xf32, #tpu.memory_space<vmem>>, vector<16xf32>,
      %mul3A_134 = arith.constant 16 : i32
      %mul3A_135 = arith.muli %add3A_119, %mul3A_134 : i32
      %get3A_136 = arith.constant 0 : i32
      %get3A_137 = arith.index_cast %get3A_136 : i32 to index
      %get3A_138 = arith.index_cast %mul3A_135 : i32 to index
      %get3A_139 = tpu.vector_load %arg9[%get3A_137, %get3A_138] {strides = array<i32>} : memref<4x5120xf32, #tpu.memory_space<vmem>>, vector<16xf32>,
      %mul3A_140 = arith.constant 16 : i32
      %mul3A_141 = arith.muli %add3A_119, %mul3A_140 : i32
      %get3A_142 = arith.constant 1 : i32
      %get3A_143 = arith.index_cast %get3A_142 : i32 to index
      %get3A_144 = arith.index_cast %mul3A_141 : i32 to index
      %get3A_145 = tpu.vector_load %arg9[%get3A_143, %get3A_144] {strides = array<i32>} : memref<4x5120xf32, #tpu.memory_space<vmem>>, vector<16xf32>,
      %mul3A_146 = arith.constant 16 : i32
      %mul3A_147 = arith.muli %add3A_119, %mul3A_146 : i32
      %get3A_148 = arith.constant 2 : i32
      %get3A_149 = arith.index_cast %get3A_148 : i32 to index
      %get3A_150 = arith.index_cast %mul3A_147 : i32 to index
      %get3A_151 = tpu.vector_load %arg9[%get3A_149, %get3A_150] {strides = array<i32>} : memref<4x5120xf32, #tpu.memory_space<vmem>>, vector<16xf32>,
      %mul3A_152 = arith.constant 16 : i32
      %mul3A_153 = arith.muli %add3A_119, %mul3A_152 : i32
      %get3A_154 = arith.constant 3 : i32
      %get3A_155 = arith.index_cast %get3A_154 : i32 to index
      %get3A_156 = arith.index_cast %mul3A_153 : i32 to index
      %get3A_157 = tpu.vector_load %arg9[%get3A_155, %get3A_156] {strides = array<i32>} : memref<4x5120xf32, #tpu.memory_space<vmem>>, vector<16xf32>,
      %sub3A_158 = arith.subf %get3A_151, %get3A_139 : vector<16xf32>
      %max3A_159 = arith.constant 0.000000e+00 : f32
      %max3A_160 = vector.broadcast %max3A_159 : f32 to vector<16xf32>
      %max3A_161 = arith.maximumf %sub3A_158, %max3A_160 : vector<16xf32>
      %sub3A_162 = arith.subf %get3A_157, %get3A_145 : vector<16xf32>
      %max3A_163 = arith.constant 0.000000e+00 : f32
      %max3A_164 = vector.broadcast %max3A_163 : f32 to vector<16xf32>
      %max3A_165 = arith.maximumf %sub3A_162, %max3A_164 : vector<16xf32>
      %mul3A_166 = arith.mulf %max3A_161, %max3A_165 : vector<16xf32>
      %mul3A_167 = arith.constant 16 : i32
      %mul3A_168 = arith.muli %add3A_119, %mul3A_167 : i32
      %swap3A_169 = arith.index_cast %mul3A_168 : i32 to index
      %swap3A_170 = tpu.vector_load %arg10[%swap3A_169] {strides = array<i32>} : memref<5120xf32, #tpu.memory_space<vmem>>, vector<16xf32>,
      tpu.vector_store %arg10[%swap3A_169], %mul3A_166 {strides = array<i32>} : memref<5120xf32, #tpu.memory_space<vmem>>, vector<16xf32>,
      %broadcast_in_dim3A_171 = arith.constant 0 : i32
      %broadcast_in_dim3A_172 = vector.broadcast %broadcast_in_dim3A_171 : i32 to vector<16xi32>
      %add3A_173 = vector.broadcast %add3A_119 : i32 to vector<16xi32>
      %add3A_174 = arith.addi %broadcast_in_dim3A_172, %add3A_173 : vector<16xi32>
      %reduce_max3A_175 = arith.constant true
      %reduce_max3A_176 = vector.broadcast %reduce_max3A_175 : i1 to vector<16xi1>
      %reduce_max3A_177 = tpu.scan <max>, %select_n3A_129 masked %reduce_max3A_176 : vector<16xf32>, vector<16xi1> -> vector<16xf32>
      %reduce_max3A_178 = vector.extract %reduce_max3A_177[15] : f32 from vector<16xf32>
      %broadcast_in_dim3A_179 = arith.constant 0.000000e+00 : f32
      %broadcast_in_dim3A_180 = vector.broadcast %broadcast_in_dim3A_179 : f32 to vector<16xf32>
      %add3A_181 = vector.broadcast %reduce_max3A_178 : f32 to vector<16xf32>
      %add3A_182 = arith.addf %broadcast_in_dim3A_180, %add3A_181 : vector<16xf32>
      tpu.vector_store_idx %arg11[%add3A_174], %add3A_182 masked %eq3A_2 : memref<320xf32, #tpu.memory_space<vmem>>[vector<16xi32>], vector<16xf32>, vector<16xi1>
      %mul3A_183 = arith.constant 4 : i32
      %mul3A_184 = arith.muli %scan3A_54, %mul3A_183 : i32
      %add3A_185 = arith.constant 2 : i32
      %add3A_186 = arith.addi %mul3A_184, %add3A_185 : i32
      %mul3A_187 = arith.constant 16 : i32
      %mul3A_188 = arith.muli %add3A_186, %mul3A_187 : i32
      %get3A_189 = arith.index_cast %mul3A_188 : i32 to index
      %get3A_190 = tpu.vector_load %arg7[%get3A_189] {strides = array<i32>} : memref<5120xf32, #tpu.memory_space<vmem>>, vector<16xf32>,
      %gt3A_191 = arith.constant 5.000000e-02 : f32
      %gt3A_192 = vector.broadcast %gt3A_191 : f32 to vector<16xf32>
      %gt3A_193 = arith.cmpf ogt, %get3A_190, %gt3A_192 : vector<16xf32>
      %jit3A_194 = arith.constant -1.000000e+09 : f32
      %broadcast_in_dim3A_195 = vector.broadcast %jit3A_194 : f32 to vector<16xf32>
      %select_n3A_196 = arith.select %gt3A_193, %get3A_190, %broadcast_in_dim3A_195 : vector<16xi1>, vector<16xf32>
      %mul3A_197 = arith.constant 16 : i32
      %mul3A_198 = arith.muli %add3A_186, %mul3A_197 : i32
      %swap3A_199 = arith.index_cast %mul3A_198 : i32 to index
      %swap3A_200 = tpu.vector_load %arg8[%swap3A_199] {strides = array<i32>} : memref<5120xf32, #tpu.memory_space<vmem>>, vector<16xf32>,
      tpu.vector_store %arg8[%swap3A_199], %select_n3A_196 {strides = array<i32>} : memref<5120xf32, #tpu.memory_space<vmem>>, vector<16xf32>,
      %mul3A_201 = arith.constant 16 : i32
      %mul3A_202 = arith.muli %add3A_186, %mul3A_201 : i32
      %get3A_203 = arith.constant 0 : i32
      %get3A_204 = arith.index_cast %get3A_203 : i32 to index
      %get3A_205 = arith.index_cast %mul3A_202 : i32 to index
      %get3A_206 = tpu.vector_load %arg9[%get3A_204, %get3A_205] {strides = array<i32>} : memref<4x5120xf32, #tpu.memory_space<vmem>>, vector<16xf32>,
      %mul3A_207 = arith.constant 16 : i32
      %mul3A_208 = arith.muli %add3A_186, %mul3A_207 : i32
      %get3A_209 = arith.constant 1 : i32
      %get3A_210 = arith.index_cast %get3A_209 : i32 to index
      %get3A_211 = arith.index_cast %mul3A_208 : i32 to index
      %get3A_212 = tpu.vector_load %arg9[%get3A_210, %get3A_211] {strides = array<i32>} : memref<4x5120xf32, #tpu.memory_space<vmem>>, vector<16xf32>,
      %mul3A_213 = arith.constant 16 : i32
      %mul3A_214 = arith.muli %add3A_186, %mul3A_213 : i32
      %get3A_215 = arith.constant 2 : i32
      %get3A_216 = arith.index_cast %get3A_215 : i32 to index
      %get3A_217 = arith.index_cast %mul3A_214 : i32 to index
      %get3A_218 = tpu.vector_load %arg9[%get3A_216, %get3A_217] {strides = array<i32>} : memref<4x5120xf32, #tpu.memory_space<vmem>>, vector<16xf32>,
      %mul3A_219 = arith.constant 16 : i32
      %mul3A_220 = arith.muli %add3A_186, %mul3A_219 : i32
      %get3A_221 = arith.constant 3 : i32
      %get3A_222 = arith.index_cast %get3A_221 : i32 to index
      %get3A_223 = arith.index_cast %mul3A_220 : i32 to index
      %get3A_224 = tpu.vector_load %arg9[%get3A_222, %get3A_223] {strides = array<i32>} : memref<4x5120xf32, #tpu.memory_space<vmem>>, vector<16xf32>,
      %sub3A_225 = arith.subf %get3A_218, %get3A_206 : vector<16xf32>
      %max3A_226 = arith.constant 0.000000e+00 : f32
      %max3A_227 = vector.broadcast %max3A_226 : f32 to vector<16xf32>
      %max3A_228 = arith.maximumf %sub3A_225, %max3A_227 : vector<16xf32>
      %sub3A_229 = arith.subf %get3A_224, %get3A_212 : vector<16xf32>
      %max3A_230 = arith.constant 0.000000e+00 : f32
      %max3A_231 = vector.broadcast %max3A_230 : f32 to vector<16xf32>
      %max3A_232 = arith.maximumf %sub3A_229, %max3A_231 : vector<16xf32>
      %mul3A_233 = arith.mulf %max3A_228, %max3A_232 : vector<16xf32>
      %mul3A_234 = arith.constant 16 : i32
      %mul3A_235 = arith.muli %add3A_186, %mul3A_234 : i32
      %swap3A_236 = arith.index_cast %mul3A_235 : i32 to index
      %swap3A_237 = tpu.vector_load %arg10[%swap3A_236] {strides = array<i32>} : memref<5120xf32, #tpu.memory_space<vmem>>, vector<16xf32>,
      tpu.vector_store %arg10[%swap3A_236], %mul3A_233 {strides = array<i32>} : memref<5120xf32, #tpu.memory_space<vmem>>, vector<16xf32>,
      %broadcast_in_dim3A_238 = arith.constant 0 : i32
      %broadcast_in_dim3A_239 = vector.broadcast %broadcast_in_dim3A_238 : i32 to vector<16xi32>
      %add3A_240 = vector.broadcast %add3A_186 : i32 to vector<16xi32>
      %add3A_241 = arith.addi %broadcast_in_dim3A_239, %add3A_240 : vector<16xi32>
      %reduce_max3A_242 = arith.constant true
      %reduce_max3A_243 = vector.broadcast %reduce_max3A_242 : i1 to vector<16xi1>
      %reduce_max3A_244 = tpu.scan <max>, %select_n3A_196 masked %reduce_max3A_243 : vector<16xf32>, vector<16xi1> -> vector<16xf32>
      %reduce_max3A_245 = vector.extract %reduce_max3A_244[15] : f32 from vector<16xf32>
      %broadcast_in_dim3A_246 = arith.constant 0.000000e+00 : f32
      %broadcast_in_dim3A_247 = vector.broadcast %broadcast_in_dim3A_246 : f32 to vector<16xf32>
      %add3A_248 = vector.broadcast %reduce_max3A_245 : f32 to vector<16xf32>
      %add3A_249 = arith.addf %broadcast_in_dim3A_247, %add3A_248 : vector<16xf32>
      tpu.vector_store_idx %arg11[%add3A_241], %add3A_249 masked %eq3A_2 : memref<320xf32, #tpu.memory_space<vmem>>[vector<16xi32>], vector<16xf32>, vector<16xi1>
      %mul3A_250 = arith.constant 4 : i32
      %mul3A_251 = arith.muli %scan3A_54, %mul3A_250 : i32
      %add3A_252 = arith.constant 3 : i32
      %add3A_253 = arith.addi %mul3A_251, %add3A_252 : i32
      %mul3A_254 = arith.constant 16 : i32
      %mul3A_255 = arith.muli %add3A_253, %mul3A_254 : i32
      %get3A_256 = arith.index_cast %mul3A_255 : i32 to index
      %get3A_257 = tpu.vector_load %arg7[%get3A_256] {strides = array<i32>} : memref<5120xf32, #tpu.memory_space<vmem>>, vector<16xf32>,
      %gt3A_258 = arith.constant 5.000000e-02 : f32
      %gt3A_259 = vector.broadcast %gt3A_258 : f32 to vector<16xf32>
      %gt3A_260 = arith.cmpf ogt, %get3A_257, %gt3A_259 : vector<16xf32>
      %jit3A_261 = arith.constant -1.000000e+09 : f32
      %broadcast_in_dim3A_262 = vector.broadcast %jit3A_261 : f32 to vector<16xf32>
      %select_n3A_263 = arith.select %gt3A_260, %get3A_257, %broadcast_in_dim3A_262 : vector<16xi1>, vector<16xf32>
      %mul3A_264 = arith.constant 16 : i32
      %mul3A_265 = arith.muli %add3A_253, %mul3A_264 : i32
      %swap3A_266 = arith.index_cast %mul3A_265 : i32 to index
      %swap3A_267 = tpu.vector_load %arg8[%swap3A_266] {strides = array<i32>} : memref<5120xf32, #tpu.memory_space<vmem>>, vector<16xf32>,
      tpu.vector_store %arg8[%swap3A_266], %select_n3A_263 {strides = array<i32>} : memref<5120xf32, #tpu.memory_space<vmem>>, vector<16xf32>,
      %mul3A_268 = arith.constant 16 : i32
      %mul3A_269 = arith.muli %add3A_253, %mul3A_268 : i32
      %get3A_270 = arith.constant 0 : i32
      %get3A_271 = arith.index_cast %get3A_270 : i32 to index
      %get3A_272 = arith.index_cast %mul3A_269 : i32 to index
      %get3A_273 = tpu.vector_load %arg9[%get3A_271, %get3A_272] {strides = array<i32>} : memref<4x5120xf32, #tpu.memory_space<vmem>>, vector<16xf32>,
      %mul3A_274 = arith.constant 16 : i32
      %mul3A_275 = arith.muli %add3A_253, %mul3A_274 : i32
      %get3A_276 = arith.constant 1 : i32
      %get3A_277 = arith.index_cast %get3A_276 : i32 to index
      %get3A_278 = arith.index_cast %mul3A_275 : i32 to index
      %get3A_279 = tpu.vector_load %arg9[%get3A_277, %get3A_278] {strides = array<i32>} : memref<4x5120xf32, #tpu.memory_space<vmem>>, vector<16xf32>,
      %mul3A_280 = arith.constant 16 : i32
      %mul3A_281 = arith.muli %add3A_253, %mul3A_280 : i32
      %get3A_282 = arith.constant 2 : i32
      %get3A_283 = arith.index_cast %get3A_282 : i32 to index
      %get3A_284 = arith.index_cast %mul3A_281 : i32 to index
      %get3A_285 = tpu.vector_load %arg9[%get3A_283, %get3A_284] {strides = array<i32>} : memref<4x5120xf32, #tpu.memory_space<vmem>>, vector<16xf32>,
      %mul3A_286 = arith.constant 16 : i32
      %mul3A_287 = arith.muli %add3A_253, %mul3A_286 : i32
      %get3A_288 = arith.constant 3 : i32
      %get3A_289 = arith.index_cast %get3A_288 : i32 to index
      %get3A_290 = arith.index_cast %mul3A_287 : i32 to index
      %get3A_291 = tpu.vector_load %arg9[%get3A_289, %get3A_290] {strides = array<i32>} : memref<4x5120xf32, #tpu.memory_space<vmem>>, vector<16xf32>,
      %sub3A_292 = arith.subf %get3A_285, %get3A_273 : vector<16xf32>
      %max3A_293 = arith.constant 0.000000e+00 : f32
      %max3A_294 = vector.broadcast %max3A_293 : f32 to vector<16xf32>
      %max3A_295 = arith.maximumf %sub3A_292, %max3A_294 : vector<16xf32>
      %sub3A_296 = arith.subf %get3A_291, %get3A_279 : vector<16xf32>
      %max3A_297 = arith.constant 0.000000e+00 : f32
      %max3A_298 = vector.broadcast %max3A_297 : f32 to vector<16xf32>
      %max3A_299 = arith.maximumf %sub3A_296, %max3A_298 : vector<16xf32>
      %mul3A_300 = arith.mulf %max3A_295, %max3A_299 : vector<16xf32>
      %mul3A_301 = arith.constant 16 : i32
      %mul3A_302 = arith.muli %add3A_253, %mul3A_301 : i32
      %swap3A_303 = arith.index_cast %mul3A_302 : i32 to index
      %swap3A_304 = tpu.vector_load %arg10[%swap3A_303] {strides = array<i32>} : memref<5120xf32, #tpu.memory_space<vmem>>, vector<16xf32>,
      tpu.vector_store %arg10[%swap3A_303], %mul3A_300 {strides = array<i32>} : memref<5120xf32, #tpu.memory_space<vmem>>, vector<16xf32>,
      %broadcast_in_dim3A_305 = arith.constant 0 : i32
      %broadcast_in_dim3A_306 = vector.broadcast %broadcast_in_dim3A_305 : i32 to vector<16xi32>
      %add3A_307 = vector.broadcast %add3A_253 : i32 to vector<16xi32>
      %add3A_308 = arith.addi %broadcast_in_dim3A_306, %add3A_307 : vector<16xi32>
      %reduce_max3A_309 = arith.constant true
      %reduce_max3A_310 = vector.broadcast %reduce_max3A_309 : i1 to vector<16xi1>
      %reduce_max3A_311 = tpu.scan <max>, %select_n3A_263 masked %reduce_max3A_310 : vector<16xf32>, vector<16xi1> -> vector<16xf32>
      %reduce_max3A_312 = vector.extract %reduce_max3A_311[15] : f32 from vector<16xf32>
      %broadcast_in_dim3A_313 = arith.constant 0.000000e+00 : f32
      %broadcast_in_dim3A_314 = vector.broadcast %broadcast_in_dim3A_313 : f32 to vector<16xf32>
      %add3A_315 = vector.broadcast %reduce_max3A_312 : f32 to vector<16xf32>
      %add3A_316 = arith.addf %broadcast_in_dim3A_314, %add3A_315 : vector<16xf32>
      tpu.vector_store_idx %arg11[%add3A_308], %add3A_316 masked %eq3A_2 : memref<320xf32, #tpu.memory_space<vmem>>[vector<16xi32>], vector<16xf32>, vector<16xi1>
    }
    %scan3A_40 = arith.constant 80 : i32
    %add3A_41 = arith.constant 16 : i32
    %add3A_42 = arith.addi %arg1, %add3A_41 : i32
    %lt3A = arith.constant 20 : i32
    %lt3A_43 = arith.cmpi slt, %add3A_42, %lt3A : i32
    %convert_element_type3A = arith.extui %lt3A_43 : i1 to i32
    %cond3A = arith.constant 0 : i32
    %cond3A_44 = arith.constant 0 : i32
    %cond3A_45 = arith.cmpi ne, %convert_element_type3A, %cond3A_44 : i32
    %cond3A_46 = scf.if %cond3A_45 -> (i32) {
      %jit3A_54 = arith.constant 20 : i32
      %div3A_55 = arith.divsi %add3A_11, %jit3A_54 : i32
      %sign3A_56 = arith.constant 0 : i32
      %sign3A_57 = arith.cmpi sgt, %add3A_11, %sign3A_56 : i32
      %sign3A_58 = arith.extui %sign3A_57 : i1 to i32
      %sign3A_59 = arith.constant 0 : i32
      %sign3A_60 = arith.cmpi slt, %add3A_11, %sign3A_59 : i32
      %sign3A_61 = arith.extui %sign3A_60 : i1 to i32
      %sign3A_62 = arith.subi %sign3A_58, %sign3A_61 : i32
      %sign3A_63 = arith.constant 0 : i32
      %sign3A_64 = arith.cmpi sgt, %jit3A_54, %sign3A_63 : i32
      %sign3A_65 = arith.extui %sign3A_64 : i1 to i32
      %sign3A_66 = arith.constant 0 : i32
      %sign3A_67 = arith.cmpi slt, %jit3A_54, %sign3A_66 : i32
      %sign3A_68 = arith.extui %sign3A_67 : i1 to i32
      %sign3A_69 = arith.subi %sign3A_65, %sign3A_68 : i32
      %ne3A_70 = arith.cmpi ne, %sign3A_62, %sign3A_69 : i32
      %rem3A_71 = arith.remsi %add3A_11, %jit3A_54 : i32
      %ne3A_72 = arith.constant 0 : i32
      %ne3A_73 = arith.cmpi ne, %rem3A_71, %ne3A_72 : i32
      %and3A_74 = arith.andi %ne3A_70, %ne3A_73 : i1
      %sub3A_75 = arith.constant 1 : i32
      %sub3A_76 = arith.subi %div3A_55, %sub3A_75 : i32
      %select_n3A_77 = arith.select %and3A_74, %sub3A_76, %div3A_55 : i32
      %rem3A_78 = arith.constant 20 : i32
      %rem3A_79 = arith.remsi %add3A_11, %rem3A_78 : i32
      "tpu.region"() ({
        %run_scoped3A = tpu.sem_alloc : memref<!tpu.dma_semaphore, #tpu.memory_space<semaphore_mem>>
        %dma_start3A = arith.constant 0 : i32
        %dma_start3A_101 = tpu.memref_slice %arg2[%select_n3A_77, %rem3A_79, %dma_start3A] : memref<2x20x5120xf32, #tpu.memory_space<hbm>> -> memref<1x1x5120xf32, #tpu.memory_space<hbm>>
        %dma_start3A_102 = tpu.memref_squeeze %dma_start3A_101 : memref<1x1x5120xf32, #tpu.memory_space<hbm>> -> memref<5120xf32, #tpu.memory_space<hbm>>
        %dma_start3A_103 = arith.constant 0 : i32
        %dma_start3A_104 = tpu.memref_slice %arg2[%select_n3A_77, %rem3A_79, %dma_start3A_103] : memref<2x20x5120xf32, #tpu.memory_space<hbm>> -> memref<1x1x5120xf32, #tpu.memory_space<hbm>>
        %dma_start3A_105 = tpu.memref_squeeze %dma_start3A_104 : memref<1x1x5120xf32, #tpu.memory_space<hbm>> -> memref<5120xf32, #tpu.memory_space<hbm>>
        tpu.enqueue_dma source(%dma_start3A_105 : memref<5120xf32, #tpu.memory_space<hbm>>) target(%arg15 : memref<5120xf32, #tpu.memory_space<vmem>>) target_semaphore(%run_scoped3A : memref<!tpu.dma_semaphore, #tpu.memory_space<semaphore_mem>>)
        %dma_wait3A = arith.constant 0 : i32
        %dma_wait3A_106 = tpu.memref_slice %arg2[%select_n3A_77, %rem3A_79, %dma_wait3A] : memref<2x20x5120xf32, #tpu.memory_space<hbm>> -> memref<1x1x5120xf32, #tpu.memory_space<hbm>>
        %dma_wait3A_107 = tpu.memref_squeeze %dma_wait3A_106 : memref<1x1x5120xf32, #tpu.memory_space<hbm>> -> memref<5120xf32, #tpu.memory_space<hbm>>
        %dma_wait3A_108 = arith.constant 0 : i32
        %dma_wait3A_109 = tpu.memref_slice %arg2[%select_n3A_77, %rem3A_79, %dma_wait3A_108] : memref<2x20x5120xf32, #tpu.memory_space<hbm>> -> memref<1x1x5120xf32, #tpu.memory_space<hbm>>
        %dma_wait3A_110 = tpu.memref_squeeze %dma_wait3A_109 : memref<1x1x5120xf32, #tpu.memory_space<hbm>> -> memref<5120xf32, #tpu.memory_space<hbm>>
        tpu.wait_dma2 semaphore(%run_scoped3A : memref<!tpu.dma_semaphore, #tpu.memory_space<semaphore_mem>>) src(%dma_wait3A_110 : memref<5120xf32, #tpu.memory_space<hbm>>) dst(%arg15 : memref<5120xf32, #tpu.memory_space<vmem>>)
        tpu.yield
      }) : () -> ()
      "tpu.region"() ({
        %run_scoped3A = tpu.sem_alloc : memref<!tpu.dma_semaphore, #tpu.memory_space<semaphore_mem>>
        %dma_start3A = arith.constant 0 : i32
        %dma_start3A_101 = arith.constant 0 : i32
        %dma_start3A_102 = tpu.memref_slice %arg3[%select_n3A_77, %dma_start3A, %dma_start3A_101] : memref<2x4x5120xf32, #tpu.memory_space<hbm>> -> memref<1x4x5120xf32, #tpu.memory_space<hbm>>
        %dma_start3A_103 = tpu.memref_squeeze %dma_start3A_102 : memref<1x4x5120xf32, #tpu.memory_space<hbm>> -> memref<4x5120xf32, #tpu.memory_space<hbm>>
        %dma_start3A_104 = arith.constant 0 : i32
        %dma_start3A_105 = arith.constant 0 : i32
        %dma_start3A_106 = tpu.memref_slice %arg3[%select_n3A_77, %dma_start3A_104, %dma_start3A_105] : memref<2x4x5120xf32, #tpu.memory_space<hbm>> -> memref<1x4x5120xf32, #tpu.memory_space<hbm>>
        %dma_start3A_107 = tpu.memref_squeeze %dma_start3A_106 : memref<1x4x5120xf32, #tpu.memory_space<hbm>> -> memref<4x5120xf32, #tpu.memory_space<hbm>>
        tpu.enqueue_dma source(%dma_start3A_107 : memref<4x5120xf32, #tpu.memory_space<hbm>>) target(%arg17 : memref<4x5120xf32, #tpu.memory_space<vmem>>) target_semaphore(%run_scoped3A : memref<!tpu.dma_semaphore, #tpu.memory_space<semaphore_mem>>)
        %dma_wait3A = arith.constant 0 : i32
        %dma_wait3A_108 = arith.constant 0 : i32
        %dma_wait3A_109 = tpu.memref_slice %arg3[%select_n3A_77, %dma_wait3A, %dma_wait3A_108] : memref<2x4x5120xf32, #tpu.memory_space<hbm>> -> memref<1x4x5120xf32, #tpu.memory_space<hbm>>
        %dma_wait3A_110 = tpu.memref_squeeze %dma_wait3A_109 : memref<1x4x5120xf32, #tpu.memory_space<hbm>> -> memref<4x5120xf32, #tpu.memory_space<hbm>>
        %dma_wait3A_111 = arith.constant 0 : i32
        %dma_wait3A_112 = arith.constant 0 : i32
        %dma_wait3A_113 = tpu.memref_slice %arg3[%select_n3A_77, %dma_wait3A_111, %dma_wait3A_112] : memref<2x4x5120xf32, #tpu.memory_space<hbm>> -> memref<1x4x5120xf32, #tpu.memory_space<hbm>>
        %dma_wait3A_114 = tpu.memref_squeeze %dma_wait3A_113 : memref<1x4x5120xf32, #tpu.memory_space<hbm>> -> memref<4x5120xf32, #tpu.memory_space<hbm>>
        tpu.wait_dma2 semaphore(%run_scoped3A : memref<!tpu.dma_semaphore, #tpu.memory_space<semaphore_mem>>) src(%dma_wait3A_114 : memref<4x5120xf32, #tpu.memory_space<hbm>>) dst(%arg17 : memref<4x5120xf32, #tpu.memory_space<vmem>>)
        tpu.yield
      }) : () -> ()
      %scan3A_80 = arith.constant 0 : i32
      %scan3A_81 = arith.constant 0 : i32
      %scan3A_82 = arith.constant 20 : i32
      %scan3A_83 = arith.addi %scan3A_81, %scan3A_82 : i32
      %scan3A_84 = arith.constant 1 : i32
      scf.for %scan3A_101 = %scan3A_81 to %scan3A_83 step %scan3A_84  : i32 {
        %lt3A_102 = arith.constant 19 : i32
        %lt3A_103 = arith.cmpi slt, %scan3A_101, %lt3A_102 : i32
        %convert_element_type3A_104 = arith.extui %lt3A_103 : i1 to i32
        %cond3A_105 = arith.constant 0 : i32
        %cond3A_106 = arith.cmpi ne, %convert_element_type3A_104, %cond3A_105 : i32
        scf.if %cond3A_106 {
          %broadcast_in_dim3A_145 = arith.constant -1 : i32
          %broadcast_in_dim3A_146 = vector.broadcast %broadcast_in_dim3A_145 : i32 to vector<16xi32>
          %mul3A_147 = arith.constant 16 : i32
          %mul3A_148 = arith.muli %scan3A_101, %mul3A_147 : i32
          %swap3A_149 = arith.index_cast %mul3A_148 : i32 to index
          %swap3A_150 = tpu.vector_load %arg21[%swap3A_149] {strides = array<i32>} : memref<304xi32, #tpu.memory_space<vmem>>, vector<16xi32>,
          tpu.vector_store %arg21[%swap3A_149], %broadcast_in_dim3A_146 {strides = array<i32>} : memref<304xi32, #tpu.memory_space<vmem>>, vector<16xi32>,
          %broadcast_in_dim3A_151 = arith.constant -1.000000e+00 : f32
          %broadcast_in_dim3A_152 = vector.broadcast %broadcast_in_dim3A_151 : f32 to vector<16xf32>
          %mul3A_153 = arith.constant 16 : i32
          %mul3A_154 = arith.muli %scan3A_101, %mul3A_153 : i32
          %swap3A_155 = arith.index_cast %mul3A_154 : i32 to index
          %swap3A_156 = tpu.vector_load %arg22[%swap3A_155] {strides = array<i32>} : memref<304xf32, #tpu.memory_space<vmem>>, vector<16xf32>,
          tpu.vector_store %arg22[%swap3A_155], %broadcast_in_dim3A_152 {strides = array<i32>} : memref<304xf32, #tpu.memory_space<vmem>>, vector<16xf32>,
        } else {
        }
        %broadcast_in_dim3A = arith.constant 3.000000e+00 : f32
        %broadcast_in_dim3A_107 = vector.broadcast %broadcast_in_dim3A : f32 to vector<16xf32>
        %mul3A_108 = arith.constant 16 : i32
        %mul3A_109 = arith.muli %scan3A_101, %mul3A_108 : i32
        %swap3A = arith.constant 0 : i32
        %swap3A_110 = arith.index_cast %swap3A : i32 to index
        %swap3A_111 = arith.index_cast %mul3A_109 : i32 to index
        %swap3A_112 = tpu.vector_load %arg20[%swap3A_110, %swap3A_111] {strides = array<i32>} : memref<5x320xf32, #tpu.memory_space<vmem>>, vector<16xf32>,
        tpu.vector_store %arg20[%swap3A_110, %swap3A_111], %broadcast_in_dim3A_107 {strides = array<i32>} : memref<5x320xf32, #tpu.memory_space<vmem>>, vector<16xf32>,
        %broadcast_in_dim3A_113 = arith.constant 3.000000e+00 : f32
        %broadcast_in_dim3A_114 = vector.broadcast %broadcast_in_dim3A_113 : f32 to vector<16xf32>
        %mul3A_115 = arith.constant 16 : i32
        %mul3A_116 = arith.muli %scan3A_101, %mul3A_115 : i32
        %swap3A_117 = arith.constant 1 : i32
        %swap3A_118 = arith.index_cast %swap3A_117 : i32 to index
        %swap3A_119 = arith.index_cast %mul3A_116 : i32 to index
        %swap3A_120 = tpu.vector_load %arg20[%swap3A_118, %swap3A_119] {strides = array<i32>} : memref<5x320xf32, #tpu.memory_space<vmem>>, vector<16xf32>,
        tpu.vector_store %arg20[%swap3A_118, %swap3A_119], %broadcast_in_dim3A_114 {strides = array<i32>} : memref<5x320xf32, #tpu.memory_space<vmem>>, vector<16xf32>,
        %broadcast_in_dim3A_121 = arith.constant 0.000000e+00 : f32
        %broadcast_in_dim3A_122 = vector.broadcast %broadcast_in_dim3A_121 : f32 to vector<16xf32>
        %mul3A_123 = arith.constant 16 : i32
        %mul3A_124 = arith.muli %scan3A_101, %mul3A_123 : i32
        %swap3A_125 = arith.constant 2 : i32
        %swap3A_126 = arith.index_cast %swap3A_125 : i32 to index
        %swap3A_127 = arith.index_cast %mul3A_124 : i32 to index
        %swap3A_128 = tpu.vector_load %arg20[%swap3A_126, %swap3A_127] {strides = array<i32>} : memref<5x320xf32, #tpu.memory_space<vmem>>, vector<16xf32>,
        tpu.vector_store %arg20[%swap3A_126, %swap3A_127], %broadcast_in_dim3A_122 {strides = array<i32>} : memref<5x320xf32, #tpu.memory_space<vmem>>, vector<16xf32>,
        %broadcast_in_dim3A_129 = arith.constant 0.000000e+00 : f32
        %broadcast_in_dim3A_130 = vector.broadcast %broadcast_in_dim3A_129 : f32 to vector<16xf32>
        %mul3A_131 = arith.constant 16 : i32
        %mul3A_132 = arith.muli %scan3A_101, %mul3A_131 : i32
        %swap3A_133 = arith.constant 3 : i32
        %swap3A_134 = arith.index_cast %swap3A_133 : i32 to index
        %swap3A_135 = arith.index_cast %mul3A_132 : i32 to index
        %swap3A_136 = tpu.vector_load %arg20[%swap3A_134, %swap3A_135] {strides = array<i32>} : memref<5x320xf32, #tpu.memory_space<vmem>>, vector<16xf32>,
        tpu.vector_store %arg20[%swap3A_134, %swap3A_135], %broadcast_in_dim3A_130 {strides = array<i32>} : memref<5x320xf32, #tpu.memory_space<vmem>>, vector<16xf32>,
        %broadcast_in_dim3A_137 = arith.constant 0.000000e+00 : f32
        %broadcast_in_dim3A_138 = vector.broadcast %broadcast_in_dim3A_137 : f32 to vector<16xf32>
        %mul3A_139 = arith.constant 16 : i32
        %mul3A_140 = arith.muli %scan3A_101, %mul3A_139 : i32
        %swap3A_141 = arith.constant 4 : i32
        %swap3A_142 = arith.index_cast %swap3A_141 : i32 to index
        %swap3A_143 = arith.index_cast %mul3A_140 : i32 to index
        %swap3A_144 = tpu.vector_load %arg20[%swap3A_142, %swap3A_143] {strides = array<i32>} : memref<5x320xf32, #tpu.memory_space<vmem>>, vector<16xf32>,
        tpu.vector_store %arg20[%swap3A_142, %swap3A_143], %broadcast_in_dim3A_138 {strides = array<i32>} : memref<5x320xf32, #tpu.memory_space<vmem>>, vector<16xf32>,
      }
      %scan3A_85 = arith.constant 20 : i32
      %scan3A_86 = arith.constant 0 : i32
      %scan3A_87 = arith.constant 0 : i32
      %scan3A_88 = arith.constant 80 : i32
      %scan3A_89 = arith.addi %scan3A_87, %scan3A_88 : i32
      %scan3A_90 = arith.constant 1 : i32
      scf.for %scan3A_101 = %scan3A_87 to %scan3A_89 step %scan3A_90  : i32 {
        %mul3A_102 = arith.constant 4 : i32
        %mul3A_103 = arith.muli %scan3A_101, %mul3A_102 : i32
        %add3A_104 = arith.constant 0 : i32
        %add3A_105 = arith.addi %mul3A_103, %add3A_104 : i32
        %mul3A_106 = arith.constant 16 : i32
        %mul3A_107 = arith.muli %add3A_105, %mul3A_106 : i32
        %get3A = arith.index_cast %mul3A_107 : i32 to index
        %get3A_108 = tpu.vector_load %arg15[%get3A] {strides = array<i32>} : memref<5120xf32, #tpu.memory_space<vmem>>, vector<16xf32>,
        %gt3A = arith.constant 5.000000e-02 : f32
        %gt3A_109 = vector.broadcast %gt3A : f32 to vector<16xf32>
        %gt3A_110 = arith.cmpf ogt, %get3A_108, %gt3A_109 : vector<16xf32>
        %jit3A_111 = arith.constant -1.000000e+09 : f32
        %broadcast_in_dim3A = vector.broadcast %jit3A_111 : f32 to vector<16xf32>
        %select_n3A_112 = arith.select %gt3A_110, %get3A_108, %broadcast_in_dim3A : vector<16xi1>, vector<16xf32>
        %mul3A_113 = arith.constant 16 : i32
        %mul3A_114 = arith.muli %add3A_105, %mul3A_113 : i32
        %swap3A = arith.index_cast %mul3A_114 : i32 to index
        %swap3A_115 = tpu.vector_load %arg16[%swap3A] {strides = array<i32>} : memref<5120xf32, #tpu.memory_space<vmem>>, vector<16xf32>,
        tpu.vector_store %arg16[%swap3A], %select_n3A_112 {strides = array<i32>} : memref<5120xf32, #tpu.memory_space<vmem>>, vector<16xf32>,
        %mul3A_116 = arith.constant 16 : i32
        %mul3A_117 = arith.muli %add3A_105, %mul3A_116 : i32
        %get3A_118 = arith.constant 0 : i32
        %get3A_119 = arith.index_cast %get3A_118 : i32 to index
        %get3A_120 = arith.index_cast %mul3A_117 : i32 to index
        %get3A_121 = tpu.vector_load %arg17[%get3A_119, %get3A_120] {strides = array<i32>} : memref<4x5120xf32, #tpu.memory_space<vmem>>, vector<16xf32>,
        %mul3A_122 = arith.constant 16 : i32
        %mul3A_123 = arith.muli %add3A_105, %mul3A_122 : i32
        %get3A_124 = arith.constant 1 : i32
        %get3A_125 = arith.index_cast %get3A_124 : i32 to index
        %get3A_126 = arith.index_cast %mul3A_123 : i32 to index
        %get3A_127 = tpu.vector_load %arg17[%get3A_125, %get3A_126] {strides = array<i32>} : memref<4x5120xf32, #tpu.memory_space<vmem>>, vector<16xf32>,
        %mul3A_128 = arith.constant 16 : i32
        %mul3A_129 = arith.muli %add3A_105, %mul3A_128 : i32
        %get3A_130 = arith.constant 2 : i32
        %get3A_131 = arith.index_cast %get3A_130 : i32 to index
        %get3A_132 = arith.index_cast %mul3A_129 : i32 to index
        %get3A_133 = tpu.vector_load %arg17[%get3A_131, %get3A_132] {strides = array<i32>} : memref<4x5120xf32, #tpu.memory_space<vmem>>, vector<16xf32>,
        %mul3A_134 = arith.constant 16 : i32
        %mul3A_135 = arith.muli %add3A_105, %mul3A_134 : i32
        %get3A_136 = arith.constant 3 : i32
        %get3A_137 = arith.index_cast %get3A_136 : i32 to index
        %get3A_138 = arith.index_cast %mul3A_135 : i32 to index
        %get3A_139 = tpu.vector_load %arg17[%get3A_137, %get3A_138] {strides = array<i32>} : memref<4x5120xf32, #tpu.memory_space<vmem>>, vector<16xf32>,
        %sub3A_140 = arith.subf %get3A_133, %get3A_121 : vector<16xf32>
        %max3A = arith.constant 0.000000e+00 : f32
        %max3A_141 = vector.broadcast %max3A : f32 to vector<16xf32>
        %max3A_142 = arith.maximumf %sub3A_140, %max3A_141 : vector<16xf32>
        %sub3A_143 = arith.subf %get3A_139, %get3A_127 : vector<16xf32>
        %max3A_144 = arith.constant 0.000000e+00 : f32
        %max3A_145 = vector.broadcast %max3A_144 : f32 to vector<16xf32>
        %max3A_146 = arith.maximumf %sub3A_143, %max3A_145 : vector<16xf32>
        %mul3A_147 = arith.mulf %max3A_142, %max3A_146 : vector<16xf32>
        %mul3A_148 = arith.constant 16 : i32
        %mul3A_149 = arith.muli %add3A_105, %mul3A_148 : i32
        %swap3A_150 = arith.index_cast %mul3A_149 : i32 to index
        %swap3A_151 = tpu.vector_load %arg18[%swap3A_150] {strides = array<i32>} : memref<5120xf32, #tpu.memory_space<vmem>>, vector<16xf32>,
        tpu.vector_store %arg18[%swap3A_150], %mul3A_147 {strides = array<i32>} : memref<5120xf32, #tpu.memory_space<vmem>>, vector<16xf32>,
        %broadcast_in_dim3A_152 = arith.constant 0 : i32
        %broadcast_in_dim3A_153 = vector.broadcast %broadcast_in_dim3A_152 : i32 to vector<16xi32>
        %add3A_154 = vector.broadcast %add3A_105 : i32 to vector<16xi32>
        %add3A_155 = arith.addi %broadcast_in_dim3A_153, %add3A_154 : vector<16xi32>
        %reduce_max3A = arith.constant true
        %reduce_max3A_156 = vector.broadcast %reduce_max3A : i1 to vector<16xi1>
        %reduce_max3A_157 = tpu.scan <max>, %select_n3A_112 masked %reduce_max3A_156 : vector<16xf32>, vector<16xi1> -> vector<16xf32>
        %reduce_max3A_158 = vector.extract %reduce_max3A_157[15] : f32 from vector<16xf32>
        %broadcast_in_dim3A_159 = arith.constant 0.000000e+00 : f32
        %broadcast_in_dim3A_160 = vector.broadcast %broadcast_in_dim3A_159 : f32 to vector<16xf32>
        %add3A_161 = vector.broadcast %reduce_max3A_158 : f32 to vector<16xf32>
        %add3A_162 = arith.addf %broadcast_in_dim3A_160, %add3A_161 : vector<16xf32>
        tpu.vector_store_idx %arg19[%add3A_155], %add3A_162 masked %eq3A_2 : memref<320xf32, #tpu.memory_space<vmem>>[vector<16xi32>], vector<16xf32>, vector<16xi1>
        %mul3A_163 = arith.constant 4 : i32
        %mul3A_164 = arith.muli %scan3A_101, %mul3A_163 : i32
        %add3A_165 = arith.constant 1 : i32
        %add3A_166 = arith.addi %mul3A_164, %add3A_165 : i32
        %mul3A_167 = arith.constant 16 : i32
        %mul3A_168 = arith.muli %add3A_166, %mul3A_167 : i32
        %get3A_169 = arith.index_cast %mul3A_168 : i32 to index
        %get3A_170 = tpu.vector_load %arg15[%get3A_169] {strides = array<i32>} : memref<5120xf32, #tpu.memory_space<vmem>>, vector<16xf32>,
        %gt3A_171 = arith.constant 5.000000e-02 : f32
        %gt3A_172 = vector.broadcast %gt3A_171 : f32 to vector<16xf32>
        %gt3A_173 = arith.cmpf ogt, %get3A_170, %gt3A_172 : vector<16xf32>
        %jit3A_174 = arith.constant -1.000000e+09 : f32
        %broadcast_in_dim3A_175 = vector.broadcast %jit3A_174 : f32 to vector<16xf32>
        %select_n3A_176 = arith.select %gt3A_173, %get3A_170, %broadcast_in_dim3A_175 : vector<16xi1>, vector<16xf32>
        %mul3A_177 = arith.constant 16 : i32
        %mul3A_178 = arith.muli %add3A_166, %mul3A_177 : i32
        %swap3A_179 = arith.index_cast %mul3A_178 : i32 to index
        %swap3A_180 = tpu.vector_load %arg16[%swap3A_179] {strides = array<i32>} : memref<5120xf32, #tpu.memory_space<vmem>>, vector<16xf32>,
        tpu.vector_store %arg16[%swap3A_179], %select_n3A_176 {strides = array<i32>} : memref<5120xf32, #tpu.memory_space<vmem>>, vector<16xf32>,
        %mul3A_181 = arith.constant 16 : i32
        %mul3A_182 = arith.muli %add3A_166, %mul3A_181 : i32
        %get3A_183 = arith.constant 0 : i32
        %get3A_184 = arith.index_cast %get3A_183 : i32 to index
        %get3A_185 = arith.index_cast %mul3A_182 : i32 to index
        %get3A_186 = tpu.vector_load %arg17[%get3A_184, %get3A_185] {strides = array<i32>} : memref<4x5120xf32, #tpu.memory_space<vmem>>, vector<16xf32>,
        %mul3A_187 = arith.constant 16 : i32
        %mul3A_188 = arith.muli %add3A_166, %mul3A_187 : i32
        %get3A_189 = arith.constant 1 : i32
        %get3A_190 = arith.index_cast %get3A_189 : i32 to index
        %get3A_191 = arith.index_cast %mul3A_188 : i32 to index
        %get3A_192 = tpu.vector_load %arg17[%get3A_190, %get3A_191] {strides = array<i32>} : memref<4x5120xf32, #tpu.memory_space<vmem>>, vector<16xf32>,
        %mul3A_193 = arith.constant 16 : i32
        %mul3A_194 = arith.muli %add3A_166, %mul3A_193 : i32
        %get3A_195 = arith.constant 2 : i32
        %get3A_196 = arith.index_cast %get3A_195 : i32 to index
        %get3A_197 = arith.index_cast %mul3A_194 : i32 to index
        %get3A_198 = tpu.vector_load %arg17[%get3A_196, %get3A_197] {strides = array<i32>} : memref<4x5120xf32, #tpu.memory_space<vmem>>, vector<16xf32>,
        %mul3A_199 = arith.constant 16 : i32
        %mul3A_200 = arith.muli %add3A_166, %mul3A_199 : i32
        %get3A_201 = arith.constant 3 : i32
        %get3A_202 = arith.index_cast %get3A_201 : i32 to index
        %get3A_203 = arith.index_cast %mul3A_200 : i32 to index
        %get3A_204 = tpu.vector_load %arg17[%get3A_202, %get3A_203] {strides = array<i32>} : memref<4x5120xf32, #tpu.memory_space<vmem>>, vector<16xf32>,
        %sub3A_205 = arith.subf %get3A_198, %get3A_186 : vector<16xf32>
        %max3A_206 = arith.constant 0.000000e+00 : f32
        %max3A_207 = vector.broadcast %max3A_206 : f32 to vector<16xf32>
        %max3A_208 = arith.maximumf %sub3A_205, %max3A_207 : vector<16xf32>
        %sub3A_209 = arith.subf %get3A_204, %get3A_192 : vector<16xf32>
        %max3A_210 = arith.constant 0.000000e+00 : f32
        %max3A_211 = vector.broadcast %max3A_210 : f32 to vector<16xf32>
        %max3A_212 = arith.maximumf %sub3A_209, %max3A_211 : vector<16xf32>
        %mul3A_213 = arith.mulf %max3A_208, %max3A_212 : vector<16xf32>
        %mul3A_214 = arith.constant 16 : i32
        %mul3A_215 = arith.muli %add3A_166, %mul3A_214 : i32
        %swap3A_216 = arith.index_cast %mul3A_215 : i32 to index
        %swap3A_217 = tpu.vector_load %arg18[%swap3A_216] {strides = array<i32>} : memref<5120xf32, #tpu.memory_space<vmem>>, vector<16xf32>,
        tpu.vector_store %arg18[%swap3A_216], %mul3A_213 {strides = array<i32>} : memref<5120xf32, #tpu.memory_space<vmem>>, vector<16xf32>,
        %broadcast_in_dim3A_218 = arith.constant 0 : i32
        %broadcast_in_dim3A_219 = vector.broadcast %broadcast_in_dim3A_218 : i32 to vector<16xi32>
        %add3A_220 = vector.broadcast %add3A_166 : i32 to vector<16xi32>
        %add3A_221 = arith.addi %broadcast_in_dim3A_219, %add3A_220 : vector<16xi32>
        %reduce_max3A_222 = arith.constant true
        %reduce_max3A_223 = vector.broadcast %reduce_max3A_222 : i1 to vector<16xi1>
        %reduce_max3A_224 = tpu.scan <max>, %select_n3A_176 masked %reduce_max3A_223 : vector<16xf32>, vector<16xi1> -> vector<16xf32>
        %reduce_max3A_225 = vector.extract %reduce_max3A_224[15] : f32 from vector<16xf32>
        %broadcast_in_dim3A_226 = arith.constant 0.000000e+00 : f32
        %broadcast_in_dim3A_227 = vector.broadcast %broadcast_in_dim3A_226 : f32 to vector<16xf32>
        %add3A_228 = vector.broadcast %reduce_max3A_225 : f32 to vector<16xf32>
        %add3A_229 = arith.addf %broadcast_in_dim3A_227, %add3A_228 : vector<16xf32>
        tpu.vector_store_idx %arg19[%add3A_221], %add3A_229 masked %eq3A_2 : memref<320xf32, #tpu.memory_space<vmem>>[vector<16xi32>], vector<16xf32>, vector<16xi1>
        %mul3A_230 = arith.constant 4 : i32
        %mul3A_231 = arith.muli %scan3A_101, %mul3A_230 : i32
        %add3A_232 = arith.constant 2 : i32
        %add3A_233 = arith.addi %mul3A_231, %add3A_232 : i32
        %mul3A_234 = arith.constant 16 : i32
        %mul3A_235 = arith.muli %add3A_233, %mul3A_234 : i32
        %get3A_236 = arith.index_cast %mul3A_235 : i32 to index
        %get3A_237 = tpu.vector_load %arg15[%get3A_236] {strides = array<i32>} : memref<5120xf32, #tpu.memory_space<vmem>>, vector<16xf32>,
        %gt3A_238 = arith.constant 5.000000e-02 : f32
        %gt3A_239 = vector.broadcast %gt3A_238 : f32 to vector<16xf32>
        %gt3A_240 = arith.cmpf ogt, %get3A_237, %gt3A_239 : vector<16xf32>
        %jit3A_241 = arith.constant -1.000000e+09 : f32
        %broadcast_in_dim3A_242 = vector.broadcast %jit3A_241 : f32 to vector<16xf32>
        %select_n3A_243 = arith.select %gt3A_240, %get3A_237, %broadcast_in_dim3A_242 : vector<16xi1>, vector<16xf32>
        %mul3A_244 = arith.constant 16 : i32
        %mul3A_245 = arith.muli %add3A_233, %mul3A_244 : i32
        %swap3A_246 = arith.index_cast %mul3A_245 : i32 to index
        %swap3A_247 = tpu.vector_load %arg16[%swap3A_246] {strides = array<i32>} : memref<5120xf32, #tpu.memory_space<vmem>>, vector<16xf32>,
        tpu.vector_store %arg16[%swap3A_246], %select_n3A_243 {strides = array<i32>} : memref<5120xf32, #tpu.memory_space<vmem>>, vector<16xf32>,
        %mul3A_248 = arith.constant 16 : i32
        %mul3A_249 = arith.muli %add3A_233, %mul3A_248 : i32
        %get3A_250 = arith.constant 0 : i32
        %get3A_251 = arith.index_cast %get3A_250 : i32 to index
        %get3A_252 = arith.index_cast %mul3A_249 : i32 to index
        %get3A_253 = tpu.vector_load %arg17[%get3A_251, %get3A_252] {strides = array<i32>} : memref<4x5120xf32, #tpu.memory_space<vmem>>, vector<16xf32>,
        %mul3A_254 = arith.constant 16 : i32
        %mul3A_255 = arith.muli %add3A_233, %mul3A_254 : i32
        %get3A_256 = arith.constant 1 : i32
        %get3A_257 = arith.index_cast %get3A_256 : i32 to index
        %get3A_258 = arith.index_cast %mul3A_255 : i32 to index
        %get3A_259 = tpu.vector_load %arg17[%get3A_257, %get3A_258] {strides = array<i32>} : memref<4x5120xf32, #tpu.memory_space<vmem>>, vector<16xf32>,
        %mul3A_260 = arith.constant 16 : i32
        %mul3A_261 = arith.muli %add3A_233, %mul3A_260 : i32
        %get3A_262 = arith.constant 2 : i32
        %get3A_263 = arith.index_cast %get3A_262 : i32 to index
        %get3A_264 = arith.index_cast %mul3A_261 : i32 to index
        %get3A_265 = tpu.vector_load %arg17[%get3A_263, %get3A_264] {strides = array<i32>} : memref<4x5120xf32, #tpu.memory_space<vmem>>, vector<16xf32>,
        %mul3A_266 = arith.constant 16 : i32
        %mul3A_267 = arith.muli %add3A_233, %mul3A_266 : i32
        %get3A_268 = arith.constant 3 : i32
        %get3A_269 = arith.index_cast %get3A_268 : i32 to index
        %get3A_270 = arith.index_cast %mul3A_267 : i32 to index
        %get3A_271 = tpu.vector_load %arg17[%get3A_269, %get3A_270] {strides = array<i32>} : memref<4x5120xf32, #tpu.memory_space<vmem>>, vector<16xf32>,
        %sub3A_272 = arith.subf %get3A_265, %get3A_253 : vector<16xf32>
        %max3A_273 = arith.constant 0.000000e+00 : f32
        %max3A_274 = vector.broadcast %max3A_273 : f32 to vector<16xf32>
        %max3A_275 = arith.maximumf %sub3A_272, %max3A_274 : vector<16xf32>
        %sub3A_276 = arith.subf %get3A_271, %get3A_259 : vector<16xf32>
        %max3A_277 = arith.constant 0.000000e+00 : f32
        %max3A_278 = vector.broadcast %max3A_277 : f32 to vector<16xf32>
        %max3A_279 = arith.maximumf %sub3A_276, %max3A_278 : vector<16xf32>
        %mul3A_280 = arith.mulf %max3A_275, %max3A_279 : vector<16xf32>
        %mul3A_281 = arith.constant 16 : i32
        %mul3A_282 = arith.muli %add3A_233, %mul3A_281 : i32
        %swap3A_283 = arith.index_cast %mul3A_282 : i32 to index
        %swap3A_284 = tpu.vector_load %arg18[%swap3A_283] {strides = array<i32>} : memref<5120xf32, #tpu.memory_space<vmem>>, vector<16xf32>,
        tpu.vector_store %arg18[%swap3A_283], %mul3A_280 {strides = array<i32>} : memref<5120xf32, #tpu.memory_space<vmem>>, vector<16xf32>,
        %broadcast_in_dim3A_285 = arith.constant 0 : i32
        %broadcast_in_dim3A_286 = vector.broadcast %broadcast_in_dim3A_285 : i32 to vector<16xi32>
        %add3A_287 = vector.broadcast %add3A_233 : i32 to vector<16xi32>
        %add3A_288 = arith.addi %broadcast_in_dim3A_286, %add3A_287 : vector<16xi32>
        %reduce_max3A_289 = arith.constant true
        %reduce_max3A_290 = vector.broadcast %reduce_max3A_289 : i1 to vector<16xi1>
        %reduce_max3A_291 = tpu.scan <max>, %select_n3A_243 masked %reduce_max3A_290 : vector<16xf32>, vector<16xi1> -> vector<16xf32>
        %reduce_max3A_292 = vector.extract %reduce_max3A_291[15] : f32 from vector<16xf32>
        %broadcast_in_dim3A_293 = arith.constant 0.000000e+00 : f32
        %broadcast_in_dim3A_294 = vector.broadcast %broadcast_in_dim3A_293 : f32 to vector<16xf32>
        %add3A_295 = vector.broadcast %reduce_max3A_292 : f32 to vector<16xf32>
        %add3A_296 = arith.addf %broadcast_in_dim3A_294, %add3A_295 : vector<16xf32>
        tpu.vector_store_idx %arg19[%add3A_288], %add3A_296 masked %eq3A_2 : memref<320xf32, #tpu.memory_space<vmem>>[vector<16xi32>], vector<16xf32>, vector<16xi1>
        %mul3A_297 = arith.constant 4 : i32
        %mul3A_298 = arith.muli %scan3A_101, %mul3A_297 : i32
        %add3A_299 = arith.constant 3 : i32
        %add3A_300 = arith.addi %mul3A_298, %add3A_299 : i32
        %mul3A_301 = arith.constant 16 : i32
        %mul3A_302 = arith.muli %add3A_300, %mul3A_301 : i32
        %get3A_303 = arith.index_cast %mul3A_302 : i32 to index
        %get3A_304 = tpu.vector_load %arg15[%get3A_303] {strides = array<i32>} : memref<5120xf32, #tpu.memory_space<vmem>>, vector<16xf32>,
        %gt3A_305 = arith.constant 5.000000e-02 : f32
        %gt3A_306 = vector.broadcast %gt3A_305 : f32 to vector<16xf32>
        %gt3A_307 = arith.cmpf ogt, %get3A_304, %gt3A_306 : vector<16xf32>
        %jit3A_308 = arith.constant -1.000000e+09 : f32
        %broadcast_in_dim3A_309 = vector.broadcast %jit3A_308 : f32 to vector<16xf32>
        %select_n3A_310 = arith.select %gt3A_307, %get3A_304, %broadcast_in_dim3A_309 : vector<16xi1>, vector<16xf32>
        %mul3A_311 = arith.constant 16 : i32
        %mul3A_312 = arith.muli %add3A_300, %mul3A_311 : i32
        %swap3A_313 = arith.index_cast %mul3A_312 : i32 to index
        %swap3A_314 = tpu.vector_load %arg16[%swap3A_313] {strides = array<i32>} : memref<5120xf32, #tpu.memory_space<vmem>>, vector<16xf32>,
        tpu.vector_store %arg16[%swap3A_313], %select_n3A_310 {strides = array<i32>} : memref<5120xf32, #tpu.memory_space<vmem>>, vector<16xf32>,
        %mul3A_315 = arith.constant 16 : i32
        %mul3A_316 = arith.muli %add3A_300, %mul3A_315 : i32
        %get3A_317 = arith.constant 0 : i32
        %get3A_318 = arith.index_cast %get3A_317 : i32 to index
        %get3A_319 = arith.index_cast %mul3A_316 : i32 to index
        %get3A_320 = tpu.vector_load %arg17[%get3A_318, %get3A_319] {strides = array<i32>} : memref<4x5120xf32, #tpu.memory_space<vmem>>, vector<16xf32>,
        %mul3A_321 = arith.constant 16 : i32
        %mul3A_322 = arith.muli %add3A_300, %mul3A_321 : i32
        %get3A_323 = arith.constant 1 : i32
        %get3A_324 = arith.index_cast %get3A_323 : i32 to index
        %get3A_325 = arith.index_cast %mul3A_322 : i32 to index
        %get3A_326 = tpu.vector_load %arg17[%get3A_324, %get3A_325] {strides = array<i32>} : memref<4x5120xf32, #tpu.memory_space<vmem>>, vector<16xf32>,
        %mul3A_327 = arith.constant 16 : i32
        %mul3A_328 = arith.muli %add3A_300, %mul3A_327 : i32
        %get3A_329 = arith.constant 2 : i32
        %get3A_330 = arith.index_cast %get3A_329 : i32 to index
        %get3A_331 = arith.index_cast %mul3A_328 : i32 to index
        %get3A_332 = tpu.vector_load %arg17[%get3A_330, %get3A_331] {strides = array<i32>} : memref<4x5120xf32, #tpu.memory_space<vmem>>, vector<16xf32>,
        %mul3A_333 = arith.constant 16 : i32
        %mul3A_334 = arith.muli %add3A_300, %mul3A_333 : i32
        %get3A_335 = arith.constant 3 : i32
        %get3A_336 = arith.index_cast %get3A_335 : i32 to index
        %get3A_337 = arith.index_cast %mul3A_334 : i32 to index
        %get3A_338 = tpu.vector_load %arg17[%get3A_336, %get3A_337] {strides = array<i32>} : memref<4x5120xf32, #tpu.memory_space<vmem>>, vector<16xf32>,
        %sub3A_339 = arith.subf %get3A_332, %get3A_320 : vector<16xf32>
        %max3A_340 = arith.constant 0.000000e+00 : f32
        %max3A_341 = vector.broadcast %max3A_340 : f32 to vector<16xf32>
        %max3A_342 = arith.maximumf %sub3A_339, %max3A_341 : vector<16xf32>
        %sub3A_343 = arith.subf %get3A_338, %get3A_326 : vector<16xf32>
        %max3A_344 = arith.constant 0.000000e+00 : f32
        %max3A_345 = vector.broadcast %max3A_344 : f32 to vector<16xf32>
        %max3A_346 = arith.maximumf %sub3A_343, %max3A_345 : vector<16xf32>
        %mul3A_347 = arith.mulf %max3A_342, %max3A_346 : vector<16xf32>
        %mul3A_348 = arith.constant 16 : i32
        %mul3A_349 = arith.muli %add3A_300, %mul3A_348 : i32
        %swap3A_350 = arith.index_cast %mul3A_349 : i32 to index
        %swap3A_351 = tpu.vector_load %arg18[%swap3A_350] {strides = array<i32>} : memref<5120xf32, #tpu.memory_space<vmem>>, vector<16xf32>,
        tpu.vector_store %arg18[%swap3A_350], %mul3A_347 {strides = array<i32>} : memref<5120xf32, #tpu.memory_space<vmem>>, vector<16xf32>,
        %broadcast_in_dim3A_352 = arith.constant 0 : i32
        %broadcast_in_dim3A_353 = vector.broadcast %broadcast_in_dim3A_352 : i32 to vector<16xi32>
        %add3A_354 = vector.broadcast %add3A_300 : i32 to vector<16xi32>
        %add3A_355 = arith.addi %broadcast_in_dim3A_353, %add3A_354 : vector<16xi32>
        %reduce_max3A_356 = arith.constant true
        %reduce_max3A_357 = vector.broadcast %reduce_max3A_356 : i1 to vector<16xi1>
        %reduce_max3A_358 = tpu.scan <max>, %select_n3A_310 masked %reduce_max3A_357 : vector<16xf32>, vector<16xi1> -> vector<16xf32>
        %reduce_max3A_359 = vector.extract %reduce_max3A_358[15] : f32 from vector<16xf32>
        %broadcast_in_dim3A_360 = arith.constant 0.000000e+00 : f32
        %broadcast_in_dim3A_361 = vector.broadcast %broadcast_in_dim3A_360 : f32 to vector<16xf32>
        %add3A_362 = vector.broadcast %reduce_max3A_359 : f32 to vector<16xf32>
        %add3A_363 = arith.addf %broadcast_in_dim3A_361, %add3A_362 : vector<16xf32>
        tpu.vector_store_idx %arg19[%add3A_355], %add3A_363 masked %eq3A_2 : memref<320xf32, #tpu.memory_space<vmem>>[vector<16xi32>], vector<16xf32>, vector<16xi1>
      }
      %scan3A_91 = arith.constant 80 : i32
      %while3A = arith.constant 0 : i32
      %while3A_92 = arith.constant 0 : i32
      %while3A_93 = arith.constant 1 : i32
      %while3A_94 = arith.constant 0 : i32
      %while3A_95 = arith.constant 0 : i32
      %while3A_96 = arith.constant 1 : i32
      %while3A_97:6 = scf.while (%while3A_101 = %while3A, %while3A_102 = %while3A_92, %while3A_103 = %while3A_93, %while3A_104 = %while3A_94, %while3A_105 = %while3A_95, %while3A_106 = %while3A_96) : (i32, i32, i32, i32, i32, i32) -> (i32, i32, i32, i32, i32, i32) {
        %lt3A_107 = arith.constant 300 : i32
        %lt3A_108 = arith.cmpi slt, %while3A_101, %lt3A_107 : i32
        %gt3A = arith.constant 0 : i32
        %gt3A_109 = arith.cmpi sgt, %while3A_103, %gt3A : i32
        %and3A_110 = arith.andi %lt3A_108, %gt3A_109 : i1
        %lt3A_111 = arith.constant 300 : i32
        %lt3A_112 = arith.cmpi slt, %while3A_104, %lt3A_111 : i32
        %gt3A_113 = arith.constant 0 : i32
        %gt3A_114 = arith.cmpi sgt, %while3A_106, %gt3A_113 : i32
        %and3A_115 = arith.andi %lt3A_112, %gt3A_114 : i1
        %or3A = arith.ori %and3A_110, %and3A_115 : i1
        scf.condition(%or3A) %while3A_101, %while3A_102, %while3A_103, %while3A_104, %while3A_105, %while3A_106 : i32, i32, i32, i32, i32, i32
      } do {
      ^bb0(%while3A_101: i32, %while3A_102: i32, %while3A_103: i32, %while3A_104: i32, %while3A_105: i32, %while3A_106: i32):
        %lt3A_107 = arith.constant 300 : i32
        %lt3A_108 = arith.cmpi slt, %while3A_101, %lt3A_107 : i32
        %gt3A = arith.constant 0 : i32
        %gt3A_109 = arith.cmpi sgt, %while3A_103, %gt3A : i32
        %and3A_110 = arith.andi %lt3A_108, %gt3A_109 : i1
        %jit3A_111 = arith.constant 0 : i32
        %jit3A_112 = arith.constant 1 : i32
        %select_n3A_113 = arith.select %and3A_110, %jit3A_111, %jit3A_112 : i32
        %lt3A_114 = arith.constant 300 : i32
        %lt3A_115 = arith.cmpi slt, %while3A_104, %lt3A_114 : i32
        %gt3A_116 = arith.constant 0 : i32
        %gt3A_117 = arith.cmpi sgt, %while3A_106, %gt3A_116 : i32
        %and3A_118 = arith.andi %lt3A_115, %gt3A_117 : i1
        %jit3A_119 = arith.constant 0 : i32
        %jit3A_120 = arith.constant 1 : i32
        %select_n3A_121 = arith.select %and3A_118, %jit3A_119, %jit3A_120 : i32
        %broadcast_in_dim3A = arith.constant 0 : i32
        %broadcast_in_dim3A_122 = vector.broadcast %broadcast_in_dim3A : i32 to vector<16xi32>
        %add3A_123 = vector.broadcast %select_n3A_113 : i32 to vector<16xi32>
        %add3A_124 = arith.addi %broadcast_in_dim3A_122, %add3A_123 : vector<16xi32>
        %gt3A_125 = arith.constant 0 : i32
        %gt3A_126 = vector.broadcast %gt3A_125 : i32 to vector<16xi32>
        %gt3A_127 = arith.cmpi sgt, %add3A_124, %gt3A_126 : vector<16xi32>
        %broadcast_in_dim3A_128 = arith.constant 0 : i32
        %broadcast_in_dim3A_129 = vector.broadcast %broadcast_in_dim3A_128 : i32 to vector<16xi32>
        %add3A_130 = vector.broadcast %select_n3A_121 : i32 to vector<16xi32>
        %add3A_131 = arith.addi %broadcast_in_dim3A_129, %add3A_130 : vector<16xi32>
        %gt3A_132 = arith.constant 0 : i32
        %gt3A_133 = vector.broadcast %gt3A_132 : i32 to vector<16xi32>
        %gt3A_134 = arith.cmpi sgt, %add3A_131, %gt3A_133 : vector<16xi32>
        %get3A = arith.constant 0 : index
        %get3A_135 = tpu.vector_load %arg11[%get3A] {strides = array<i32>} : memref<320xf32, #tpu.memory_space<vmem>>, vector<16xf32>,
        %broadcast_in_dim3A_136 = arith.constant 0 : i32
        %broadcast_in_dim3A_137 = vector.broadcast %broadcast_in_dim3A_136 : i32 to vector<16xi32>
        %get3A_138 = arith.constant 16 : index
        %get3A_139 = tpu.vector_load %arg11[%get3A_138] {strides = array<i32>} : memref<320xf32, #tpu.memory_space<vmem>>, vector<16xf32>,
        %gt3A_140 = arith.cmpf ogt, %get3A_139, %get3A_135 : vector<16xf32>
        %select_n3A_141 = arith.select %gt3A_140, %get3A_139, %get3A_135 : vector<16xi1>, vector<16xf32>
        %broadcast_in_dim3A_142 = arith.constant 0 : i32
        %broadcast_in_dim3A_143 = vector.broadcast %broadcast_in_dim3A_142 : i32 to vector<16xi32>
        %add3A_144 = arith.constant 1 : i32
        %add3A_145 = vector.broadcast %add3A_144 : i32 to vector<16xi32>
        %add3A_146 = arith.addi %broadcast_in_dim3A_143, %add3A_145 : vector<16xi32>
        %select_n3A_147 = arith.select %gt3A_140, %add3A_146, %broadcast_in_dim3A_137 : vector<16xi1>, vector<16xi32>
        %get3A_148 = arith.constant 32 : index
        %get3A_149 = tpu.vector_load %arg11[%get3A_148] {strides = array<i32>} : memref<320xf32, #tpu.memory_space<vmem>>, vector<16xf32>,
        %gt3A_150 = arith.cmpf ogt, %get3A_149, %select_n3A_141 : vector<16xf32>
        %select_n3A_151 = arith.select %gt3A_150, %get3A_149, %select_n3A_141 : vector<16xi1>, vector<16xf32>
        %broadcast_in_dim3A_152 = arith.constant 0 : i32
        %broadcast_in_dim3A_153 = vector.broadcast %broadcast_in_dim3A_152 : i32 to vector<16xi32>
        %add3A_154 = arith.constant 2 : i32
        %add3A_155 = vector.broadcast %add3A_154 : i32 to vector<16xi32>
        %add3A_156 = arith.addi %broadcast_in_dim3A_153, %add3A_155 : vector<16xi32>
        %select_n3A_157 = arith.select %gt3A_150, %add3A_156, %select_n3A_147 : vector<16xi1>, vector<16xi32>
        %get3A_158 = arith.constant 48 : index
        %get3A_159 = tpu.vector_load %arg11[%get3A_158] {strides = array<i32>} : memref<320xf32, #tpu.memory_space<vmem>>, vector<16xf32>,
        %gt3A_160 = arith.cmpf ogt, %get3A_159, %select_n3A_151 : vector<16xf32>
        %select_n3A_161 = arith.select %gt3A_160, %get3A_159, %select_n3A_151 : vector<16xi1>, vector<16xf32>
        %broadcast_in_dim3A_162 = arith.constant 0 : i32
        %broadcast_in_dim3A_163 = vector.broadcast %broadcast_in_dim3A_162 : i32 to vector<16xi32>
        %add3A_164 = arith.constant 3 : i32
        %add3A_165 = vector.broadcast %add3A_164 : i32 to vector<16xi32>
        %add3A_166 = arith.addi %broadcast_in_dim3A_163, %add3A_165 : vector<16xi32>
        %select_n3A_167 = arith.select %gt3A_160, %add3A_166, %select_n3A_157 : vector<16xi1>, vector<16xi32>
        %get3A_168 = arith.constant 64 : index
        %get3A_169 = tpu.vector_load %arg11[%get3A_168] {strides = array<i32>} : memref<320xf32, #tpu.memory_space<vmem>>, vector<16xf32>,
        %gt3A_170 = arith.cmpf ogt, %get3A_169, %select_n3A_161 : vector<16xf32>
        %select_n3A_171 = arith.select %gt3A_170, %get3A_169, %select_n3A_161 : vector<16xi1>, vector<16xf32>
        %broadcast_in_dim3A_172 = arith.constant 0 : i32
        %broadcast_in_dim3A_173 = vector.broadcast %broadcast_in_dim3A_172 : i32 to vector<16xi32>
        %add3A_174 = arith.constant 4 : i32
        %add3A_175 = vector.broadcast %add3A_174 : i32 to vector<16xi32>
        %add3A_176 = arith.addi %broadcast_in_dim3A_173, %add3A_175 : vector<16xi32>
        %select_n3A_177 = arith.select %gt3A_170, %add3A_176, %select_n3A_167 : vector<16xi1>, vector<16xi32>
        %get3A_178 = arith.constant 80 : index
        %get3A_179 = tpu.vector_load %arg11[%get3A_178] {strides = array<i32>} : memref<320xf32, #tpu.memory_space<vmem>>, vector<16xf32>,
        %gt3A_180 = arith.cmpf ogt, %get3A_179, %select_n3A_171 : vector<16xf32>
        %select_n3A_181 = arith.select %gt3A_180, %get3A_179, %select_n3A_171 : vector<16xi1>, vector<16xf32>
        %broadcast_in_dim3A_182 = arith.constant 0 : i32
        %broadcast_in_dim3A_183 = vector.broadcast %broadcast_in_dim3A_182 : i32 to vector<16xi32>
        %add3A_184 = arith.constant 5 : i32
        %add3A_185 = vector.broadcast %add3A_184 : i32 to vector<16xi32>
        %add3A_186 = arith.addi %broadcast_in_dim3A_183, %add3A_185 : vector<16xi32>
        %select_n3A_187 = arith.select %gt3A_180, %add3A_186, %select_n3A_177 : vector<16xi1>, vector<16xi32>
        %get3A_188 = arith.constant 96 : index
        %get3A_189 = tpu.vector_load %arg11[%get3A_188] {strides = array<i32>} : memref<320xf32, #tpu.memory_space<vmem>>, vector<16xf32>,
        %gt3A_190 = arith.cmpf ogt, %get3A_189, %select_n3A_181 : vector<16xf32>
        %select_n3A_191 = arith.select %gt3A_190, %get3A_189, %select_n3A_181 : vector<16xi1>, vector<16xf32>
        %broadcast_in_dim3A_192 = arith.constant 0 : i32
        %broadcast_in_dim3A_193 = vector.broadcast %broadcast_in_dim3A_192 : i32 to vector<16xi32>
        %add3A_194 = arith.constant 6 : i32
        %add3A_195 = vector.broadcast %add3A_194 : i32 to vector<16xi32>
        %add3A_196 = arith.addi %broadcast_in_dim3A_193, %add3A_195 : vector<16xi32>
        %select_n3A_197 = arith.select %gt3A_190, %add3A_196, %select_n3A_187 : vector<16xi1>, vector<16xi32>
        %get3A_198 = arith.constant 112 : index
        %get3A_199 = tpu.vector_load %arg11[%get3A_198] {strides = array<i32>} : memref<320xf32, #tpu.memory_space<vmem>>, vector<16xf32>,
        %gt3A_200 = arith.cmpf ogt, %get3A_199, %select_n3A_191 : vector<16xf32>
        %select_n3A_201 = arith.select %gt3A_200, %get3A_199, %select_n3A_191 : vector<16xi1>, vector<16xf32>
        %broadcast_in_dim3A_202 = arith.constant 0 : i32
        %broadcast_in_dim3A_203 = vector.broadcast %broadcast_in_dim3A_202 : i32 to vector<16xi32>
        %add3A_204 = arith.constant 7 : i32
        %add3A_205 = vector.broadcast %add3A_204 : i32 to vector<16xi32>
        %add3A_206 = arith.addi %broadcast_in_dim3A_203, %add3A_205 : vector<16xi32>
        %select_n3A_207 = arith.select %gt3A_200, %add3A_206, %select_n3A_197 : vector<16xi1>, vector<16xi32>
        %get3A_208 = arith.constant 128 : index
        %get3A_209 = tpu.vector_load %arg11[%get3A_208] {strides = array<i32>} : memref<320xf32, #tpu.memory_space<vmem>>, vector<16xf32>,
        %gt3A_210 = arith.cmpf ogt, %get3A_209, %select_n3A_201 : vector<16xf32>
        %select_n3A_211 = arith.select %gt3A_210, %get3A_209, %select_n3A_201 : vector<16xi1>, vector<16xf32>
        %broadcast_in_dim3A_212 = arith.constant 0 : i32
        %broadcast_in_dim3A_213 = vector.broadcast %broadcast_in_dim3A_212 : i32 to vector<16xi32>
        %add3A_214 = arith.constant 8 : i32
        %add3A_215 = vector.broadcast %add3A_214 : i32 to vector<16xi32>
        %add3A_216 = arith.addi %broadcast_in_dim3A_213, %add3A_215 : vector<16xi32>
        %select_n3A_217 = arith.select %gt3A_210, %add3A_216, %select_n3A_207 : vector<16xi1>, vector<16xi32>
        %get3A_218 = arith.constant 144 : index
        %get3A_219 = tpu.vector_load %arg11[%get3A_218] {strides = array<i32>} : memref<320xf32, #tpu.memory_space<vmem>>, vector<16xf32>,
        %gt3A_220 = arith.cmpf ogt, %get3A_219, %select_n3A_211 : vector<16xf32>
        %select_n3A_221 = arith.select %gt3A_220, %get3A_219, %select_n3A_211 : vector<16xi1>, vector<16xf32>
        %broadcast_in_dim3A_222 = arith.constant 0 : i32
        %broadcast_in_dim3A_223 = vector.broadcast %broadcast_in_dim3A_222 : i32 to vector<16xi32>
        %add3A_224 = arith.constant 9 : i32
        %add3A_225 = vector.broadcast %add3A_224 : i32 to vector<16xi32>
        %add3A_226 = arith.addi %broadcast_in_dim3A_223, %add3A_225 : vector<16xi32>
        %select_n3A_227 = arith.select %gt3A_220, %add3A_226, %select_n3A_217 : vector<16xi1>, vector<16xi32>
        %get3A_228 = arith.constant 160 : index
        %get3A_229 = tpu.vector_load %arg11[%get3A_228] {strides = array<i32>} : memref<320xf32, #tpu.memory_space<vmem>>, vector<16xf32>,
        %gt3A_230 = arith.cmpf ogt, %get3A_229, %select_n3A_221 : vector<16xf32>
        %select_n3A_231 = arith.select %gt3A_230, %get3A_229, %select_n3A_221 : vector<16xi1>, vector<16xf32>
        %broadcast_in_dim3A_232 = arith.constant 0 : i32
        %broadcast_in_dim3A_233 = vector.broadcast %broadcast_in_dim3A_232 : i32 to vector<16xi32>
        %add3A_234 = arith.constant 10 : i32
        %add3A_235 = vector.broadcast %add3A_234 : i32 to vector<16xi32>
        %add3A_236 = arith.addi %broadcast_in_dim3A_233, %add3A_235 : vector<16xi32>
        %select_n3A_237 = arith.select %gt3A_230, %add3A_236, %select_n3A_227 : vector<16xi1>, vector<16xi32>
        %get3A_238 = arith.constant 176 : index
        %get3A_239 = tpu.vector_load %arg11[%get3A_238] {strides = array<i32>} : memref<320xf32, #tpu.memory_space<vmem>>, vector<16xf32>,
        %gt3A_240 = arith.cmpf ogt, %get3A_239, %select_n3A_231 : vector<16xf32>
        %select_n3A_241 = arith.select %gt3A_240, %get3A_239, %select_n3A_231 : vector<16xi1>, vector<16xf32>
        %broadcast_in_dim3A_242 = arith.constant 0 : i32
        %broadcast_in_dim3A_243 = vector.broadcast %broadcast_in_dim3A_242 : i32 to vector<16xi32>
        %add3A_244 = arith.constant 11 : i32
        %add3A_245 = vector.broadcast %add3A_244 : i32 to vector<16xi32>
        %add3A_246 = arith.addi %broadcast_in_dim3A_243, %add3A_245 : vector<16xi32>
        %select_n3A_247 = arith.select %gt3A_240, %add3A_246, %select_n3A_237 : vector<16xi1>, vector<16xi32>
        %get3A_248 = arith.constant 192 : index
        %get3A_249 = tpu.vector_load %arg11[%get3A_248] {strides = array<i32>} : memref<320xf32, #tpu.memory_space<vmem>>, vector<16xf32>,
        %gt3A_250 = arith.cmpf ogt, %get3A_249, %select_n3A_241 : vector<16xf32>
        %select_n3A_251 = arith.select %gt3A_250, %get3A_249, %select_n3A_241 : vector<16xi1>, vector<16xf32>
        %broadcast_in_dim3A_252 = arith.constant 0 : i32
        %broadcast_in_dim3A_253 = vector.broadcast %broadcast_in_dim3A_252 : i32 to vector<16xi32>
        %add3A_254 = arith.constant 12 : i32
        %add3A_255 = vector.broadcast %add3A_254 : i32 to vector<16xi32>
        %add3A_256 = arith.addi %broadcast_in_dim3A_253, %add3A_255 : vector<16xi32>
        %select_n3A_257 = arith.select %gt3A_250, %add3A_256, %select_n3A_247 : vector<16xi1>, vector<16xi32>
        %get3A_258 = arith.constant 208 : index
        %get3A_259 = tpu.vector_load %arg11[%get3A_258] {strides = array<i32>} : memref<320xf32, #tpu.memory_space<vmem>>, vector<16xf32>,
        %gt3A_260 = arith.cmpf ogt, %get3A_259, %select_n3A_251 : vector<16xf32>
        %select_n3A_261 = arith.select %gt3A_260, %get3A_259, %select_n3A_251 : vector<16xi1>, vector<16xf32>
        %broadcast_in_dim3A_262 = arith.constant 0 : i32
        %broadcast_in_dim3A_263 = vector.broadcast %broadcast_in_dim3A_262 : i32 to vector<16xi32>
        %add3A_264 = arith.constant 13 : i32
        %add3A_265 = vector.broadcast %add3A_264 : i32 to vector<16xi32>
        %add3A_266 = arith.addi %broadcast_in_dim3A_263, %add3A_265 : vector<16xi32>
        %select_n3A_267 = arith.select %gt3A_260, %add3A_266, %select_n3A_257 : vector<16xi1>, vector<16xi32>
        %get3A_268 = arith.constant 224 : index
        %get3A_269 = tpu.vector_load %arg11[%get3A_268] {strides = array<i32>} : memref<320xf32, #tpu.memory_space<vmem>>, vector<16xf32>,
        %gt3A_270 = arith.cmpf ogt, %get3A_269, %select_n3A_261 : vector<16xf32>
        %select_n3A_271 = arith.select %gt3A_270, %get3A_269, %select_n3A_261 : vector<16xi1>, vector<16xf32>
        %broadcast_in_dim3A_272 = arith.constant 0 : i32
        %broadcast_in_dim3A_273 = vector.broadcast %broadcast_in_dim3A_272 : i32 to vector<16xi32>
        %add3A_274 = arith.constant 14 : i32
        %add3A_275 = vector.broadcast %add3A_274 : i32 to vector<16xi32>
        %add3A_276 = arith.addi %broadcast_in_dim3A_273, %add3A_275 : vector<16xi32>
        %select_n3A_277 = arith.select %gt3A_270, %add3A_276, %select_n3A_267 : vector<16xi1>, vector<16xi32>
        %get3A_278 = arith.constant 240 : index
        %get3A_279 = tpu.vector_load %arg11[%get3A_278] {strides = array<i32>} : memref<320xf32, #tpu.memory_space<vmem>>, vector<16xf32>,
        %gt3A_280 = arith.cmpf ogt, %get3A_279, %select_n3A_271 : vector<16xf32>
        %select_n3A_281 = arith.select %gt3A_280, %get3A_279, %select_n3A_271 : vector<16xi1>, vector<16xf32>
        %broadcast_in_dim3A_282 = arith.constant 0 : i32
        %broadcast_in_dim3A_283 = vector.broadcast %broadcast_in_dim3A_282 : i32 to vector<16xi32>
        %add3A_284 = arith.constant 15 : i32
        %add3A_285 = vector.broadcast %add3A_284 : i32 to vector<16xi32>
        %add3A_286 = arith.addi %broadcast_in_dim3A_283, %add3A_285 : vector<16xi32>
        %select_n3A_287 = arith.select %gt3A_280, %add3A_286, %select_n3A_277 : vector<16xi1>, vector<16xi32>
        %get3A_288 = arith.constant 256 : index
        %get3A_289 = tpu.vector_load %arg11[%get3A_288] {strides = array<i32>} : memref<320xf32, #tpu.memory_space<vmem>>, vector<16xf32>,
        %gt3A_290 = arith.cmpf ogt, %get3A_289, %select_n3A_281 : vector<16xf32>
        %select_n3A_291 = arith.select %gt3A_290, %get3A_289, %select_n3A_281 : vector<16xi1>, vector<16xf32>
        %broadcast_in_dim3A_292 = arith.constant 0 : i32
        %broadcast_in_dim3A_293 = vector.broadcast %broadcast_in_dim3A_292 : i32 to vector<16xi32>
        %add3A_294 = arith.constant 16 : i32
        %add3A_295 = vector.broadcast %add3A_294 : i32 to vector<16xi32>
        %add3A_296 = arith.addi %broadcast_in_dim3A_293, %add3A_295 : vector<16xi32>
        %select_n3A_297 = arith.select %gt3A_290, %add3A_296, %select_n3A_287 : vector<16xi1>, vector<16xi32>
        %get3A_298 = arith.constant 272 : index
        %get3A_299 = tpu.vector_load %arg11[%get3A_298] {strides = array<i32>} : memref<320xf32, #tpu.memory_space<vmem>>, vector<16xf32>,
        %gt3A_300 = arith.cmpf ogt, %get3A_299, %select_n3A_291 : vector<16xf32>
        %select_n3A_301 = arith.select %gt3A_300, %get3A_299, %select_n3A_291 : vector<16xi1>, vector<16xf32>
        %broadcast_in_dim3A_302 = arith.constant 0 : i32
        %broadcast_in_dim3A_303 = vector.broadcast %broadcast_in_dim3A_302 : i32 to vector<16xi32>
        %add3A_304 = arith.constant 17 : i32
        %add3A_305 = vector.broadcast %add3A_304 : i32 to vector<16xi32>
        %add3A_306 = arith.addi %broadcast_in_dim3A_303, %add3A_305 : vector<16xi32>
        %select_n3A_307 = arith.select %gt3A_300, %add3A_306, %select_n3A_297 : vector<16xi1>, vector<16xi32>
        %get3A_308 = arith.constant 288 : index
        %get3A_309 = tpu.vector_load %arg11[%get3A_308] {strides = array<i32>} : memref<320xf32, #tpu.memory_space<vmem>>, vector<16xf32>,
        %gt3A_310 = arith.cmpf ogt, %get3A_309, %select_n3A_301 : vector<16xf32>
        %select_n3A_311 = arith.select %gt3A_310, %get3A_309, %select_n3A_301 : vector<16xi1>, vector<16xf32>
        %broadcast_in_dim3A_312 = arith.constant 0 : i32
        %broadcast_in_dim3A_313 = vector.broadcast %broadcast_in_dim3A_312 : i32 to vector<16xi32>
        %add3A_314 = arith.constant 18 : i32
        %add3A_315 = vector.broadcast %add3A_314 : i32 to vector<16xi32>
        %add3A_316 = arith.addi %broadcast_in_dim3A_313, %add3A_315 : vector<16xi32>
        %select_n3A_317 = arith.select %gt3A_310, %add3A_316, %select_n3A_307 : vector<16xi1>, vector<16xi32>
        %get3A_318 = arith.constant 304 : index
        %get3A_319 = tpu.vector_load %arg11[%get3A_318] {strides = array<i32>} : memref<320xf32, #tpu.memory_space<vmem>>, vector<16xf32>,
        %gt3A_320 = arith.cmpf ogt, %get3A_319, %select_n3A_311 : vector<16xf32>
        %select_n3A_321 = arith.select %gt3A_320, %get3A_319, %select_n3A_311 : vector<16xi1>, vector<16xf32>
        %broadcast_in_dim3A_322 = arith.constant 0 : i32
        %broadcast_in_dim3A_323 = vector.broadcast %broadcast_in_dim3A_322 : i32 to vector<16xi32>
        %add3A_324 = arith.constant 19 : i32
        %add3A_325 = vector.broadcast %add3A_324 : i32 to vector<16xi32>
        %add3A_326 = arith.addi %broadcast_in_dim3A_323, %add3A_325 : vector<16xi32>
        %select_n3A_327 = arith.select %gt3A_320, %add3A_326, %select_n3A_317 : vector<16xi1>, vector<16xi32>
        %iota3A_328 = tpu.iota {dimensions = array<i32: 0>} : vector<16xi32>
        %add3A_329 = arith.constant 8 : i32
        %add3A_330 = vector.broadcast %add3A_329 : i32 to vector<16xi32>
        %add3A_331 = arith.addi %iota3A_328, %add3A_330 : vector<16xi32>
        %and3A_332 = arith.constant 15 : i32
        %and3A_333 = vector.broadcast %and3A_332 : i32 to vector<16xi32>
        %and3A_334 = arith.andi %add3A_331, %and3A_333 : vector<16xi32>
        %lt3A_335 = arith.constant 0 : i32
        %lt3A_336 = vector.broadcast %lt3A_335 : i32 to vector<16xi32>
        %lt3A_337 = arith.cmpi slt, %and3A_334, %lt3A_336 : vector<16xi32>
        %add3A_338 = arith.constant 16 : i32
        %add3A_339 = vector.broadcast %add3A_338 : i32 to vector<16xi32>
        %add3A_340 = arith.addi %and3A_334, %add3A_339 : vector<16xi32>
        %select_n3A_341 = arith.select %lt3A_337, %add3A_340, %and3A_334 : vector<16xi1>, vector<16xi32>
        %broadcast_in_dim3A_342 = vector.shape_cast %select_n3A_341 : vector<16xi32> to vector<16x1xi32>
        %gather3A = vector.shape_cast %broadcast_in_dim3A_342 : vector<16x1xi32> to vector<16xi32>
        %gather3A_343 = tpu.dynamic_gather %select_n3A_321[%gather3A] in [0] : vector<16xf32>, vector<16xi32> -> vector<16xf32>
        %max3A = arith.maximumf %select_n3A_321, %gather3A_343 : vector<16xf32>
        %iota3A_344 = tpu.iota {dimensions = array<i32: 0>} : vector<16xi32>
        %add3A_345 = arith.constant 4 : i32
        %add3A_346 = vector.broadcast %add3A_345 : i32 to vector<16xi32>
        %add3A_347 = arith.addi %iota3A_344, %add3A_346 : vector<16xi32>
        %and3A_348 = arith.constant 15 : i32
        %and3A_349 = vector.broadcast %and3A_348 : i32 to vector<16xi32>
        %and3A_350 = arith.andi %add3A_347, %and3A_349 : vector<16xi32>
        %lt3A_351 = arith.constant 0 : i32
        %lt3A_352 = vector.broadcast %lt3A_351 : i32 to vector<16xi32>
        %lt3A_353 = arith.cmpi slt, %and3A_350, %lt3A_352 : vector<16xi32>
        %add3A_354 = arith.constant 16 : i32
        %add3A_355 = vector.broadcast %add3A_354 : i32 to vector<16xi32>
        %add3A_356 = arith.addi %and3A_350, %add3A_355 : vector<16xi32>
        %select_n3A_357 = arith.select %lt3A_353, %add3A_356, %and3A_350 : vector<16xi1>, vector<16xi32>
        %broadcast_in_dim3A_358 = vector.shape_cast %select_n3A_357 : vector<16xi32> to vector<16x1xi32>
        %gather3A_359 = vector.shape_cast %broadcast_in_dim3A_358 : vector<16x1xi32> to vector<16xi32>
        %gather3A_360 = tpu.dynamic_gather %max3A[%gather3A_359] in [0] : vector<16xf32>, vector<16xi32> -> vector<16xf32>
        %max3A_361 = arith.maximumf %max3A, %gather3A_360 : vector<16xf32>
        %iota3A_362 = tpu.iota {dimensions = array<i32: 0>} : vector<16xi32>
        %add3A_363 = arith.constant 2 : i32
        %add3A_364 = vector.broadcast %add3A_363 : i32 to vector<16xi32>
        %add3A_365 = arith.addi %iota3A_362, %add3A_364 : vector<16xi32>
        %and3A_366 = arith.constant 15 : i32
        %and3A_367 = vector.broadcast %and3A_366 : i32 to vector<16xi32>
        %and3A_368 = arith.andi %add3A_365, %and3A_367 : vector<16xi32>
        %lt3A_369 = arith.constant 0 : i32
        %lt3A_370 = vector.broadcast %lt3A_369 : i32 to vector<16xi32>
        %lt3A_371 = arith.cmpi slt, %and3A_368, %lt3A_370 : vector<16xi32>
        %add3A_372 = arith.constant 16 : i32
        %add3A_373 = vector.broadcast %add3A_372 : i32 to vector<16xi32>
        %add3A_374 = arith.addi %and3A_368, %add3A_373 : vector<16xi32>
        %select_n3A_375 = arith.select %lt3A_371, %add3A_374, %and3A_368 : vector<16xi1>, vector<16xi32>
        %broadcast_in_dim3A_376 = vector.shape_cast %select_n3A_375 : vector<16xi32> to vector<16x1xi32>
        %gather3A_377 = vector.shape_cast %broadcast_in_dim3A_376 : vector<16x1xi32> to vector<16xi32>
        %gather3A_378 = tpu.dynamic_gather %max3A_361[%gather3A_377] in [0] : vector<16xf32>, vector<16xi32> -> vector<16xf32>
        %max3A_379 = arith.maximumf %max3A_361, %gather3A_378 : vector<16xf32>
        %iota3A_380 = tpu.iota {dimensions = array<i32: 0>} : vector<16xi32>
        %add3A_381 = arith.constant 1 : i32
        %add3A_382 = vector.broadcast %add3A_381 : i32 to vector<16xi32>
        %add3A_383 = arith.addi %iota3A_380, %add3A_382 : vector<16xi32>
        %and3A_384 = arith.constant 15 : i32
        %and3A_385 = vector.broadcast %and3A_384 : i32 to vector<16xi32>
        %and3A_386 = arith.andi %add3A_383, %and3A_385 : vector<16xi32>
        %lt3A_387 = arith.constant 0 : i32
        %lt3A_388 = vector.broadcast %lt3A_387 : i32 to vector<16xi32>
        %lt3A_389 = arith.cmpi slt, %and3A_386, %lt3A_388 : vector<16xi32>
        %add3A_390 = arith.constant 16 : i32
        %add3A_391 = vector.broadcast %add3A_390 : i32 to vector<16xi32>
        %add3A_392 = arith.addi %and3A_386, %add3A_391 : vector<16xi32>
        %select_n3A_393 = arith.select %lt3A_389, %add3A_392, %and3A_386 : vector<16xi1>, vector<16xi32>
        %broadcast_in_dim3A_394 = vector.shape_cast %select_n3A_393 : vector<16xi32> to vector<16x1xi32>
        %gather3A_395 = vector.shape_cast %broadcast_in_dim3A_394 : vector<16x1xi32> to vector<16xi32>
        %gather3A_396 = tpu.dynamic_gather %max3A_379[%gather3A_395] in [0] : vector<16xf32>, vector<16xi32> -> vector<16xf32>
        %max3A_397 = arith.maximumf %max3A_379, %gather3A_396 : vector<16xf32>
        %eq3A_398 = arith.cmpf oeq, %select_n3A_321, %max3A_397 : vector<16xf32>
        %mul3A_399 = arith.constant 16 : i32
        %mul3A_400 = vector.broadcast %mul3A_399 : i32 to vector<16xi32>
        %mul3A_401 = arith.muli %select_n3A_327, %mul3A_400 : vector<16xi32>
        %add3A_402 = arith.addi %mul3A_401, %iota3A : vector<16xi32>
        %jit3A_403 = arith.constant 1073741824 : i32
        %broadcast_in_dim3A_404 = vector.broadcast %jit3A_403 : i32 to vector<16xi32>
        %select_n3A_405 = arith.select %eq3A_398, %add3A_402, %broadcast_in_dim3A_404 : vector<16xi1>, vector<16xi32>
        %iota3A_406 = tpu.iota {dimensions = array<i32: 0>} : vector<16xi32>
        %add3A_407 = arith.constant 8 : i32
        %add3A_408 = vector.broadcast %add3A_407 : i32 to vector<16xi32>
        %add3A_409 = arith.addi %iota3A_406, %add3A_408 : vector<16xi32>
        %and3A_410 = arith.constant 15 : i32
        %and3A_411 = vector.broadcast %and3A_410 : i32 to vector<16xi32>
        %and3A_412 = arith.andi %add3A_409, %and3A_411 : vector<16xi32>
        %lt3A_413 = arith.constant 0 : i32
        %lt3A_414 = vector.broadcast %lt3A_413 : i32 to vector<16xi32>
        %lt3A_415 = arith.cmpi slt, %and3A_412, %lt3A_414 : vector<16xi32>
        %add3A_416 = arith.constant 16 : i32
        %add3A_417 = vector.broadcast %add3A_416 : i32 to vector<16xi32>
        %add3A_418 = arith.addi %and3A_412, %add3A_417 : vector<16xi32>
        %select_n3A_419 = arith.select %lt3A_415, %add3A_418, %and3A_412 : vector<16xi1>, vector<16xi32>
        %broadcast_in_dim3A_420 = vector.shape_cast %select_n3A_419 : vector<16xi32> to vector<16x1xi32>
        %gather3A_421 = vector.shape_cast %broadcast_in_dim3A_420 : vector<16x1xi32> to vector<16xi32>
        %gather3A_422 = tpu.dynamic_gather %select_n3A_405[%gather3A_421] in [0] : vector<16xi32>, vector<16xi32> -> vector<16xi32>
        %min3A_423 = arith.minsi %select_n3A_405, %gather3A_422 : vector<16xi32>
        %iota3A_424 = tpu.iota {dimensions = array<i32: 0>} : vector<16xi32>
        %add3A_425 = arith.constant 4 : i32
        %add3A_426 = vector.broadcast %add3A_425 : i32 to vector<16xi32>
        %add3A_427 = arith.addi %iota3A_424, %add3A_426 : vector<16xi32>
        %and3A_428 = arith.constant 15 : i32
        %and3A_429 = vector.broadcast %and3A_428 : i32 to vector<16xi32>
        %and3A_430 = arith.andi %add3A_427, %and3A_429 : vector<16xi32>
        %lt3A_431 = arith.constant 0 : i32
        %lt3A_432 = vector.broadcast %lt3A_431 : i32 to vector<16xi32>
        %lt3A_433 = arith.cmpi slt, %and3A_430, %lt3A_432 : vector<16xi32>
        %add3A_434 = arith.constant 16 : i32
        %add3A_435 = vector.broadcast %add3A_434 : i32 to vector<16xi32>
        %add3A_436 = arith.addi %and3A_430, %add3A_435 : vector<16xi32>
        %select_n3A_437 = arith.select %lt3A_433, %add3A_436, %and3A_430 : vector<16xi1>, vector<16xi32>
        %broadcast_in_dim3A_438 = vector.shape_cast %select_n3A_437 : vector<16xi32> to vector<16x1xi32>
        %gather3A_439 = vector.shape_cast %broadcast_in_dim3A_438 : vector<16x1xi32> to vector<16xi32>
        %gather3A_440 = tpu.dynamic_gather %min3A_423[%gather3A_439] in [0] : vector<16xi32>, vector<16xi32> -> vector<16xi32>
        %min3A_441 = arith.minsi %min3A_423, %gather3A_440 : vector<16xi32>
        %iota3A_442 = tpu.iota {dimensions = array<i32: 0>} : vector<16xi32>
        %add3A_443 = arith.constant 2 : i32
        %add3A_444 = vector.broadcast %add3A_443 : i32 to vector<16xi32>
        %add3A_445 = arith.addi %iota3A_442, %add3A_444 : vector<16xi32>
        %and3A_446 = arith.constant 15 : i32
        %and3A_447 = vector.broadcast %and3A_446 : i32 to vector<16xi32>
        %and3A_448 = arith.andi %add3A_445, %and3A_447 : vector<16xi32>
        %lt3A_449 = arith.constant 0 : i32
        %lt3A_450 = vector.broadcast %lt3A_449 : i32 to vector<16xi32>
        %lt3A_451 = arith.cmpi slt, %and3A_448, %lt3A_450 : vector<16xi32>
        %add3A_452 = arith.constant 16 : i32
        %add3A_453 = vector.broadcast %add3A_452 : i32 to vector<16xi32>
        %add3A_454 = arith.addi %and3A_448, %add3A_453 : vector<16xi32>
        %select_n3A_455 = arith.select %lt3A_451, %add3A_454, %and3A_448 : vector<16xi1>, vector<16xi32>
        %broadcast_in_dim3A_456 = vector.shape_cast %select_n3A_455 : vector<16xi32> to vector<16x1xi32>
        %gather3A_457 = vector.shape_cast %broadcast_in_dim3A_456 : vector<16x1xi32> to vector<16xi32>
        %gather3A_458 = tpu.dynamic_gather %min3A_441[%gather3A_457] in [0] : vector<16xi32>, vector<16xi32> -> vector<16xi32>
        %min3A_459 = arith.minsi %min3A_441, %gather3A_458 : vector<16xi32>
        %iota3A_460 = tpu.iota {dimensions = array<i32: 0>} : vector<16xi32>
        %add3A_461 = arith.constant 1 : i32
        %add3A_462 = vector.broadcast %add3A_461 : i32 to vector<16xi32>
        %add3A_463 = arith.addi %iota3A_460, %add3A_462 : vector<16xi32>
        %and3A_464 = arith.constant 15 : i32
        %and3A_465 = vector.broadcast %and3A_464 : i32 to vector<16xi32>
        %and3A_466 = arith.andi %add3A_463, %and3A_465 : vector<16xi32>
        %lt3A_467 = arith.constant 0 : i32
        %lt3A_468 = vector.broadcast %lt3A_467 : i32 to vector<16xi32>
        %lt3A_469 = arith.cmpi slt, %and3A_466, %lt3A_468 : vector<16xi32>
        %add3A_470 = arith.constant 16 : i32
        %add3A_471 = vector.broadcast %add3A_470 : i32 to vector<16xi32>
        %add3A_472 = arith.addi %and3A_466, %add3A_471 : vector<16xi32>
        %select_n3A_473 = arith.select %lt3A_469, %add3A_472, %and3A_466 : vector<16xi1>, vector<16xi32>
        %broadcast_in_dim3A_474 = vector.shape_cast %select_n3A_473 : vector<16xi32> to vector<16x1xi32>
        %gather3A_475 = vector.shape_cast %broadcast_in_dim3A_474 : vector<16x1xi32> to vector<16xi32>
        %gather3A_476 = tpu.dynamic_gather %min3A_459[%gather3A_475] in [0] : vector<16xi32>, vector<16xi32> -> vector<16xi32>
        %min3A_477 = arith.minsi %min3A_459, %gather3A_476 : vector<16xi32>
        %gt3A_478 = arith.constant -5.000000e+08 : f32
        %gt3A_479 = vector.broadcast %gt3A_478 : f32 to vector<16xf32>
        %gt3A_480 = arith.cmpf ogt, %max3A_397, %gt3A_479 : vector<16xf32>
        %mul3A_481 = arith.constant 16 : i32
        %mul3A_482 = vector.broadcast %mul3A_481 : i32 to vector<16xi32>
        %mul3A_483 = arith.muli %min3A_477, %mul3A_482 : vector<16xi32>
        %add3A_484 = arith.addi %mul3A_483, %iota3A : vector<16xi32>
        %gather3A_485 = tpu.vector_load_idx %arg8[%add3A_484] : memref<5120xf32, #tpu.memory_space<vmem>>[vector<16xi32>], vector<16xf32>,
        %eq3A_486 = arith.cmpf oeq, %gather3A_485, %max3A_397 : vector<16xf32>
        %all_reduce_ffs3A = tpu.all_reduce %eq3A_486 {dim = 0 : i64, kind = #tpu.reduction_kind<find_first_set>} : vector<16xi1> -> vector<16xi32>
        %mul3A_487 = arith.constant 16 : i32
        %mul3A_488 = vector.broadcast %mul3A_487 : i32 to vector<16xi32>
        %mul3A_489 = arith.muli %min3A_477, %mul3A_488 : vector<16xi32>
        %add3A_490 = arith.addi %mul3A_489, %all_reduce_ffs3A : vector<16xi32>
        %broadcast_in_dim3A_491 = arith.constant 0 : i32
        %broadcast_in_dim3A_492 = vector.broadcast %broadcast_in_dim3A_491 : i32 to vector<16xi32>
        %gather3A_493 = tpu.vector_load_idx %arg9[%broadcast_in_dim3A_492, %add3A_490] : memref<4x5120xf32, #tpu.memory_space<vmem>>[vector<16xi32>, vector<16xi32>], vector<16xf32>,
        %broadcast_in_dim3A_494 = arith.constant 0 : i32
        %broadcast_in_dim3A_495 = vector.broadcast %broadcast_in_dim3A_494 : i32 to vector<16xi32>
        %add3A_496 = arith.constant 1 : i32
        %add3A_497 = vector.broadcast %add3A_496 : i32 to vector<16xi32>
        %add3A_498 = arith.addi %broadcast_in_dim3A_495, %add3A_497 : vector<16xi32>
        %gather3A_499 = tpu.vector_load_idx %arg9[%add3A_498, %add3A_490] : memref<4x5120xf32, #tpu.memory_space<vmem>>[vector<16xi32>, vector<16xi32>], vector<16xf32>,
        %broadcast_in_dim3A_500 = arith.constant 0 : i32
        %broadcast_in_dim3A_501 = vector.broadcast %broadcast_in_dim3A_500 : i32 to vector<16xi32>
        %add3A_502 = arith.constant 2 : i32
        %add3A_503 = vector.broadcast %add3A_502 : i32 to vector<16xi32>
        %add3A_504 = arith.addi %broadcast_in_dim3A_501, %add3A_503 : vector<16xi32>
        %gather3A_505 = tpu.vector_load_idx %arg9[%add3A_504, %add3A_490] : memref<4x5120xf32, #tpu.memory_space<vmem>>[vector<16xi32>, vector<16xi32>], vector<16xf32>,
        %broadcast_in_dim3A_506 = arith.constant 0 : i32
        %broadcast_in_dim3A_507 = vector.broadcast %broadcast_in_dim3A_506 : i32 to vector<16xi32>
        %add3A_508 = arith.constant 3 : i32
        %add3A_509 = vector.broadcast %add3A_508 : i32 to vector<16xi32>
        %add3A_510 = arith.addi %broadcast_in_dim3A_507, %add3A_509 : vector<16xi32>
        %gather3A_511 = tpu.vector_load_idx %arg9[%add3A_510, %add3A_490] : memref<4x5120xf32, #tpu.memory_space<vmem>>[vector<16xi32>, vector<16xi32>], vector<16xf32>,
        %gather3A_512 = tpu.vector_load_idx %arg10[%add3A_490] : memref<5120xf32, #tpu.memory_space<vmem>>[vector<16xi32>], vector<16xf32>,
        %and3A_513 = arith.andi %eq3A_2, %gt3A_480 : vector<16xi1>
        %not3A = arith.constant dense<true> : vector<16xi1>
        %not3A_514 = arith.xori %gt3A_127, %not3A : vector<16xi1>
        %and3A_515 = arith.andi %and3A_513, %not3A_514 : vector<16xi1>
        %broadcast_in_dim3A_516 = arith.constant -1.000000e+09 : f32
        %broadcast_in_dim3A_517 = vector.broadcast %broadcast_in_dim3A_516 : f32 to vector<16xf32>
        tpu.vector_store_idx %arg8[%add3A_490], %broadcast_in_dim3A_517 masked %and3A_515 : memref<5120xf32, #tpu.memory_space<vmem>>[vector<16xi32>], vector<16xf32>, vector<16xi1>
        %eq3A_518 = arith.cmpi eq, %iota3A, %all_reduce_ffs3A : vector<16xi32>
        %jit3A_519 = arith.constant -1.000000e+09 : f32
        %broadcast_in_dim3A_520 = vector.broadcast %jit3A_519 : f32 to vector<16xf32>
        %select_n3A_521 = arith.select %eq3A_518, %broadcast_in_dim3A_520, %gather3A_485 : vector<16xi1>, vector<16xf32>
        %iota3A_522 = tpu.iota {dimensions = array<i32: 0>} : vector<16xi32>
        %add3A_523 = arith.constant 8 : i32
        %add3A_524 = vector.broadcast %add3A_523 : i32 to vector<16xi32>
        %add3A_525 = arith.addi %iota3A_522, %add3A_524 : vector<16xi32>
        %and3A_526 = arith.constant 15 : i32
        %and3A_527 = vector.broadcast %and3A_526 : i32 to vector<16xi32>
        %and3A_528 = arith.andi %add3A_525, %and3A_527 : vector<16xi32>
        %lt3A_529 = arith.constant 0 : i32
        %lt3A_530 = vector.broadcast %lt3A_529 : i32 to vector<16xi32>
        %lt3A_531 = arith.cmpi slt, %and3A_528, %lt3A_530 : vector<16xi32>
        %add3A_532 = arith.constant 16 : i32
        %add3A_533 = vector.broadcast %add3A_532 : i32 to vector<16xi32>
        %add3A_534 = arith.addi %and3A_528, %add3A_533 : vector<16xi32>
        %select_n3A_535 = arith.select %lt3A_531, %add3A_534, %and3A_528 : vector<16xi1>, vector<16xi32>
        %broadcast_in_dim3A_536 = vector.shape_cast %select_n3A_535 : vector<16xi32> to vector<16x1xi32>
        %gather3A_537 = vector.shape_cast %broadcast_in_dim3A_536 : vector<16x1xi32> to vector<16xi32>
        %gather3A_538 = tpu.dynamic_gather %select_n3A_521[%gather3A_537] in [0] : vector<16xf32>, vector<16xi32> -> vector<16xf32>
        %max3A_539 = arith.maximumf %select_n3A_521, %gather3A_538 : vector<16xf32>
        %iota3A_540 = tpu.iota {dimensions = array<i32: 0>} : vector<16xi32>
        %add3A_541 = arith.constant 4 : i32
        %add3A_542 = vector.broadcast %add3A_541 : i32 to vector<16xi32>
        %add3A_543 = arith.addi %iota3A_540, %add3A_542 : vector<16xi32>
        %and3A_544 = arith.constant 15 : i32
        %and3A_545 = vector.broadcast %and3A_544 : i32 to vector<16xi32>
        %and3A_546 = arith.andi %add3A_543, %and3A_545 : vector<16xi32>
        %lt3A_547 = arith.constant 0 : i32
        %lt3A_548 = vector.broadcast %lt3A_547 : i32 to vector<16xi32>
        %lt3A_549 = arith.cmpi slt, %and3A_546, %lt3A_548 : vector<16xi32>
        %add3A_550 = arith.constant 16 : i32
        %add3A_551 = vector.broadcast %add3A_550 : i32 to vector<16xi32>
        %add3A_552 = arith.addi %and3A_546, %add3A_551 : vector<16xi32>
        %select_n3A_553 = arith.select %lt3A_549, %add3A_552, %and3A_546 : vector<16xi1>, vector<16xi32>
        %broadcast_in_dim3A_554 = vector.shape_cast %select_n3A_553 : vector<16xi32> to vector<16x1xi32>
        %gather3A_555 = vector.shape_cast %broadcast_in_dim3A_554 : vector<16x1xi32> to vector<16xi32>
        %gather3A_556 = tpu.dynamic_gather %max3A_539[%gather3A_555] in [0] : vector<16xf32>, vector<16xi32> -> vector<16xf32>
        %max3A_557 = arith.maximumf %max3A_539, %gather3A_556 : vector<16xf32>
        %iota3A_558 = tpu.iota {dimensions = array<i32: 0>} : vector<16xi32>
        %add3A_559 = arith.constant 2 : i32
        %add3A_560 = vector.broadcast %add3A_559 : i32 to vector<16xi32>
        %add3A_561 = arith.addi %iota3A_558, %add3A_560 : vector<16xi32>
        %and3A_562 = arith.constant 15 : i32
        %and3A_563 = vector.broadcast %and3A_562 : i32 to vector<16xi32>
        %and3A_564 = arith.andi %add3A_561, %and3A_563 : vector<16xi32>
        %lt3A_565 = arith.constant 0 : i32
        %lt3A_566 = vector.broadcast %lt3A_565 : i32 to vector<16xi32>
        %lt3A_567 = arith.cmpi slt, %and3A_564, %lt3A_566 : vector<16xi32>
        %add3A_568 = arith.constant 16 : i32
        %add3A_569 = vector.broadcast %add3A_568 : i32 to vector<16xi32>
        %add3A_570 = arith.addi %and3A_564, %add3A_569 : vector<16xi32>
        %select_n3A_571 = arith.select %lt3A_567, %add3A_570, %and3A_564 : vector<16xi1>, vector<16xi32>
        %broadcast_in_dim3A_572 = vector.shape_cast %select_n3A_571 : vector<16xi32> to vector<16x1xi32>
        %gather3A_573 = vector.shape_cast %broadcast_in_dim3A_572 : vector<16x1xi32> to vector<16xi32>
        %gather3A_574 = tpu.dynamic_gather %max3A_557[%gather3A_573] in [0] : vector<16xf32>, vector<16xi32> -> vector<16xf32>
        %max3A_575 = arith.maximumf %max3A_557, %gather3A_574 : vector<16xf32>
        %iota3A_576 = tpu.iota {dimensions = array<i32: 0>} : vector<16xi32>
        %add3A_577 = arith.constant 1 : i32
        %add3A_578 = vector.broadcast %add3A_577 : i32 to vector<16xi32>
        %add3A_579 = arith.addi %iota3A_576, %add3A_578 : vector<16xi32>
        %and3A_580 = arith.constant 15 : i32
        %and3A_581 = vector.broadcast %and3A_580 : i32 to vector<16xi32>
        %and3A_582 = arith.andi %add3A_579, %and3A_581 : vector<16xi32>
        %lt3A_583 = arith.constant 0 : i32
        %lt3A_584 = vector.broadcast %lt3A_583 : i32 to vector<16xi32>
        %lt3A_585 = arith.cmpi slt, %and3A_582, %lt3A_584 : vector<16xi32>
        %add3A_586 = arith.constant 16 : i32
        %add3A_587 = vector.broadcast %add3A_586 : i32 to vector<16xi32>
        %add3A_588 = arith.addi %and3A_582, %add3A_587 : vector<16xi32>
        %select_n3A_589 = arith.select %lt3A_585, %add3A_588, %and3A_582 : vector<16xi1>, vector<16xi32>
        %broadcast_in_dim3A_590 = vector.shape_cast %select_n3A_589 : vector<16xi32> to vector<16x1xi32>
        %gather3A_591 = vector.shape_cast %broadcast_in_dim3A_590 : vector<16x1xi32> to vector<16xi32>
        %gather3A_592 = tpu.dynamic_gather %max3A_575[%gather3A_591] in [0] : vector<16xf32>, vector<16xi32> -> vector<16xf32>
        %max3A_593 = arith.maximumf %max3A_575, %gather3A_592 : vector<16xf32>
        tpu.vector_store_idx %arg11[%min3A_477], %max3A_593 masked %and3A_515 : memref<320xf32, #tpu.memory_space<vmem>>[vector<16xi32>], vector<16xf32>, vector<16xi1>
        %get3A_594 = arith.constant 0 : index
        %get3A_595 = tpu.vector_load %arg19[%get3A_594] {strides = array<i32>} : memref<320xf32, #tpu.memory_space<vmem>>, vector<16xf32>,
        %broadcast_in_dim3A_596 = arith.constant 0 : i32
        %broadcast_in_dim3A_597 = vector.broadcast %broadcast_in_dim3A_596 : i32 to vector<16xi32>
        %get3A_598 = arith.constant 16 : index
        %get3A_599 = tpu.vector_load %arg19[%get3A_598] {strides = array<i32>} : memref<320xf32, #tpu.memory_space<vmem>>, vector<16xf32>,
        %gt3A_600 = arith.cmpf ogt, %get3A_599, %get3A_595 : vector<16xf32>
        %select_n3A_601 = arith.select %gt3A_600, %get3A_599, %get3A_595 : vector<16xi1>, vector<16xf32>
        %broadcast_in_dim3A_602 = arith.constant 0 : i32
        %broadcast_in_dim3A_603 = vector.broadcast %broadcast_in_dim3A_602 : i32 to vector<16xi32>
        %add3A_604 = arith.constant 1 : i32
        %add3A_605 = vector.broadcast %add3A_604 : i32 to vector<16xi32>
        %add3A_606 = arith.addi %broadcast_in_dim3A_603, %add3A_605 : vector<16xi32>
        %select_n3A_607 = arith.select %gt3A_600, %add3A_606, %broadcast_in_dim3A_597 : vector<16xi1>, vector<16xi32>
        %get3A_608 = arith.constant 32 : index
        %get3A_609 = tpu.vector_load %arg19[%get3A_608] {strides = array<i32>} : memref<320xf32, #tpu.memory_space<vmem>>, vector<16xf32>,
        %gt3A_610 = arith.cmpf ogt, %get3A_609, %select_n3A_601 : vector<16xf32>
        %select_n3A_611 = arith.select %gt3A_610, %get3A_609, %select_n3A_601 : vector<16xi1>, vector<16xf32>
        %broadcast_in_dim3A_612 = arith.constant 0 : i32
        %broadcast_in_dim3A_613 = vector.broadcast %broadcast_in_dim3A_612 : i32 to vector<16xi32>
        %add3A_614 = arith.constant 2 : i32
        %add3A_615 = vector.broadcast %add3A_614 : i32 to vector<16xi32>
        %add3A_616 = arith.addi %broadcast_in_dim3A_613, %add3A_615 : vector<16xi32>
        %select_n3A_617 = arith.select %gt3A_610, %add3A_616, %select_n3A_607 : vector<16xi1>, vector<16xi32>
        %get3A_618 = arith.constant 48 : index
        %get3A_619 = tpu.vector_load %arg19[%get3A_618] {strides = array<i32>} : memref<320xf32, #tpu.memory_space<vmem>>, vector<16xf32>,
        %gt3A_620 = arith.cmpf ogt, %get3A_619, %select_n3A_611 : vector<16xf32>
        %select_n3A_621 = arith.select %gt3A_620, %get3A_619, %select_n3A_611 : vector<16xi1>, vector<16xf32>
        %broadcast_in_dim3A_622 = arith.constant 0 : i32
        %broadcast_in_dim3A_623 = vector.broadcast %broadcast_in_dim3A_622 : i32 to vector<16xi32>
        %add3A_624 = arith.constant 3 : i32
        %add3A_625 = vector.broadcast %add3A_624 : i32 to vector<16xi32>
        %add3A_626 = arith.addi %broadcast_in_dim3A_623, %add3A_625 : vector<16xi32>
        %select_n3A_627 = arith.select %gt3A_620, %add3A_626, %select_n3A_617 : vector<16xi1>, vector<16xi32>
        %get3A_628 = arith.constant 64 : index
        %get3A_629 = tpu.vector_load %arg19[%get3A_628] {strides = array<i32>} : memref<320xf32, #tpu.memory_space<vmem>>, vector<16xf32>,
        %gt3A_630 = arith.cmpf ogt, %get3A_629, %select_n3A_621 : vector<16xf32>
        %select_n3A_631 = arith.select %gt3A_630, %get3A_629, %select_n3A_621 : vector<16xi1>, vector<16xf32>
        %broadcast_in_dim3A_632 = arith.constant 0 : i32
        %broadcast_in_dim3A_633 = vector.broadcast %broadcast_in_dim3A_632 : i32 to vector<16xi32>
        %add3A_634 = arith.constant 4 : i32
        %add3A_635 = vector.broadcast %add3A_634 : i32 to vector<16xi32>
        %add3A_636 = arith.addi %broadcast_in_dim3A_633, %add3A_635 : vector<16xi32>
        %select_n3A_637 = arith.select %gt3A_630, %add3A_636, %select_n3A_627 : vector<16xi1>, vector<16xi32>
        %get3A_638 = arith.constant 80 : index
        %get3A_639 = tpu.vector_load %arg19[%get3A_638] {strides = array<i32>} : memref<320xf32, #tpu.memory_space<vmem>>, vector<16xf32>,
        %gt3A_640 = arith.cmpf ogt, %get3A_639, %select_n3A_631 : vector<16xf32>
        %select_n3A_641 = arith.select %gt3A_640, %get3A_639, %select_n3A_631 : vector<16xi1>, vector<16xf32>
        %broadcast_in_dim3A_642 = arith.constant 0 : i32
        %broadcast_in_dim3A_643 = vector.broadcast %broadcast_in_dim3A_642 : i32 to vector<16xi32>
        %add3A_644 = arith.constant 5 : i32
        %add3A_645 = vector.broadcast %add3A_644 : i32 to vector<16xi32>
        %add3A_646 = arith.addi %broadcast_in_dim3A_643, %add3A_645 : vector<16xi32>
        %select_n3A_647 = arith.select %gt3A_640, %add3A_646, %select_n3A_637 : vector<16xi1>, vector<16xi32>
        %get3A_648 = arith.constant 96 : index
        %get3A_649 = tpu.vector_load %arg19[%get3A_648] {strides = array<i32>} : memref<320xf32, #tpu.memory_space<vmem>>, vector<16xf32>,
        %gt3A_650 = arith.cmpf ogt, %get3A_649, %select_n3A_641 : vector<16xf32>
        %select_n3A_651 = arith.select %gt3A_650, %get3A_649, %select_n3A_641 : vector<16xi1>, vector<16xf32>
        %broadcast_in_dim3A_652 = arith.constant 0 : i32
        %broadcast_in_dim3A_653 = vector.broadcast %broadcast_in_dim3A_652 : i32 to vector<16xi32>
        %add3A_654 = arith.constant 6 : i32
        %add3A_655 = vector.broadcast %add3A_654 : i32 to vector<16xi32>
        %add3A_656 = arith.addi %broadcast_in_dim3A_653, %add3A_655 : vector<16xi32>
        %select_n3A_657 = arith.select %gt3A_650, %add3A_656, %select_n3A_647 : vector<16xi1>, vector<16xi32>
        %get3A_658 = arith.constant 112 : index
        %get3A_659 = tpu.vector_load %arg19[%get3A_658] {strides = array<i32>} : memref<320xf32, #tpu.memory_space<vmem>>, vector<16xf32>,
        %gt3A_660 = arith.cmpf ogt, %get3A_659, %select_n3A_651 : vector<16xf32>
        %select_n3A_661 = arith.select %gt3A_660, %get3A_659, %select_n3A_651 : vector<16xi1>, vector<16xf32>
        %broadcast_in_dim3A_662 = arith.constant 0 : i32
        %broadcast_in_dim3A_663 = vector.broadcast %broadcast_in_dim3A_662 : i32 to vector<16xi32>
        %add3A_664 = arith.constant 7 : i32
        %add3A_665 = vector.broadcast %add3A_664 : i32 to vector<16xi32>
        %add3A_666 = arith.addi %broadcast_in_dim3A_663, %add3A_665 : vector<16xi32>
        %select_n3A_667 = arith.select %gt3A_660, %add3A_666, %select_n3A_657 : vector<16xi1>, vector<16xi32>
        %get3A_668 = arith.constant 128 : index
        %get3A_669 = tpu.vector_load %arg19[%get3A_668] {strides = array<i32>} : memref<320xf32, #tpu.memory_space<vmem>>, vector<16xf32>,
        %gt3A_670 = arith.cmpf ogt, %get3A_669, %select_n3A_661 : vector<16xf32>
        %select_n3A_671 = arith.select %gt3A_670, %get3A_669, %select_n3A_661 : vector<16xi1>, vector<16xf32>
        %broadcast_in_dim3A_672 = arith.constant 0 : i32
        %broadcast_in_dim3A_673 = vector.broadcast %broadcast_in_dim3A_672 : i32 to vector<16xi32>
        %add3A_674 = arith.constant 8 : i32
        %add3A_675 = vector.broadcast %add3A_674 : i32 to vector<16xi32>
        %add3A_676 = arith.addi %broadcast_in_dim3A_673, %add3A_675 : vector<16xi32>
        %select_n3A_677 = arith.select %gt3A_670, %add3A_676, %select_n3A_667 : vector<16xi1>, vector<16xi32>
        %get3A_678 = arith.constant 144 : index
        %get3A_679 = tpu.vector_load %arg19[%get3A_678] {strides = array<i32>} : memref<320xf32, #tpu.memory_space<vmem>>, vector<16xf32>,
        %gt3A_680 = arith.cmpf ogt, %get3A_679, %select_n3A_671 : vector<16xf32>
        %select_n3A_681 = arith.select %gt3A_680, %get3A_679, %select_n3A_671 : vector<16xi1>, vector<16xf32>
        %broadcast_in_dim3A_682 = arith.constant 0 : i32
        %broadcast_in_dim3A_683 = vector.broadcast %broadcast_in_dim3A_682 : i32 to vector<16xi32>
        %add3A_684 = arith.constant 9 : i32
        %add3A_685 = vector.broadcast %add3A_684 : i32 to vector<16xi32>
        %add3A_686 = arith.addi %broadcast_in_dim3A_683, %add3A_685 : vector<16xi32>
        %select_n3A_687 = arith.select %gt3A_680, %add3A_686, %select_n3A_677 : vector<16xi1>, vector<16xi32>
        %get3A_688 = arith.constant 160 : index
        %get3A_689 = tpu.vector_load %arg19[%get3A_688] {strides = array<i32>} : memref<320xf32, #tpu.memory_space<vmem>>, vector<16xf32>,
        %gt3A_690 = arith.cmpf ogt, %get3A_689, %select_n3A_681 : vector<16xf32>
        %select_n3A_691 = arith.select %gt3A_690, %get3A_689, %select_n3A_681 : vector<16xi1>, vector<16xf32>
        %broadcast_in_dim3A_692 = arith.constant 0 : i32
        %broadcast_in_dim3A_693 = vector.broadcast %broadcast_in_dim3A_692 : i32 to vector<16xi32>
        %add3A_694 = arith.constant 10 : i32
        %add3A_695 = vector.broadcast %add3A_694 : i32 to vector<16xi32>
        %add3A_696 = arith.addi %broadcast_in_dim3A_693, %add3A_695 : vector<16xi32>
        %select_n3A_697 = arith.select %gt3A_690, %add3A_696, %select_n3A_687 : vector<16xi1>, vector<16xi32>
        %get3A_698 = arith.constant 176 : index
        %get3A_699 = tpu.vector_load %arg19[%get3A_698] {strides = array<i32>} : memref<320xf32, #tpu.memory_space<vmem>>, vector<16xf32>,
        %gt3A_700 = arith.cmpf ogt, %get3A_699, %select_n3A_691 : vector<16xf32>
        %select_n3A_701 = arith.select %gt3A_700, %get3A_699, %select_n3A_691 : vector<16xi1>, vector<16xf32>
        %broadcast_in_dim3A_702 = arith.constant 0 : i32
        %broadcast_in_dim3A_703 = vector.broadcast %broadcast_in_dim3A_702 : i32 to vector<16xi32>
        %add3A_704 = arith.constant 11 : i32
        %add3A_705 = vector.broadcast %add3A_704 : i32 to vector<16xi32>
        %add3A_706 = arith.addi %broadcast_in_dim3A_703, %add3A_705 : vector<16xi32>
        %select_n3A_707 = arith.select %gt3A_700, %add3A_706, %select_n3A_697 : vector<16xi1>, vector<16xi32>
        %get3A_708 = arith.constant 192 : index
        %get3A_709 = tpu.vector_load %arg19[%get3A_708] {strides = array<i32>} : memref<320xf32, #tpu.memory_space<vmem>>, vector<16xf32>,
        %gt3A_710 = arith.cmpf ogt, %get3A_709, %select_n3A_701 : vector<16xf32>
        %select_n3A_711 = arith.select %gt3A_710, %get3A_709, %select_n3A_701 : vector<16xi1>, vector<16xf32>
        %broadcast_in_dim3A_712 = arith.constant 0 : i32
        %broadcast_in_dim3A_713 = vector.broadcast %broadcast_in_dim3A_712 : i32 to vector<16xi32>
        %add3A_714 = arith.constant 12 : i32
        %add3A_715 = vector.broadcast %add3A_714 : i32 to vector<16xi32>
        %add3A_716 = arith.addi %broadcast_in_dim3A_713, %add3A_715 : vector<16xi32>
        %select_n3A_717 = arith.select %gt3A_710, %add3A_716, %select_n3A_707 : vector<16xi1>, vector<16xi32>
        %get3A_718 = arith.constant 208 : index
        %get3A_719 = tpu.vector_load %arg19[%get3A_718] {strides = array<i32>} : memref<320xf32, #tpu.memory_space<vmem>>, vector<16xf32>,
        %gt3A_720 = arith.cmpf ogt, %get3A_719, %select_n3A_711 : vector<16xf32>
        %select_n3A_721 = arith.select %gt3A_720, %get3A_719, %select_n3A_711 : vector<16xi1>, vector<16xf32>
        %broadcast_in_dim3A_722 = arith.constant 0 : i32
        %broadcast_in_dim3A_723 = vector.broadcast %broadcast_in_dim3A_722 : i32 to vector<16xi32>
        %add3A_724 = arith.constant 13 : i32
        %add3A_725 = vector.broadcast %add3A_724 : i32 to vector<16xi32>
        %add3A_726 = arith.addi %broadcast_in_dim3A_723, %add3A_725 : vector<16xi32>
        %select_n3A_727 = arith.select %gt3A_720, %add3A_726, %select_n3A_717 : vector<16xi1>, vector<16xi32>
        %get3A_728 = arith.constant 224 : index
        %get3A_729 = tpu.vector_load %arg19[%get3A_728] {strides = array<i32>} : memref<320xf32, #tpu.memory_space<vmem>>, vector<16xf32>,
        %gt3A_730 = arith.cmpf ogt, %get3A_729, %select_n3A_721 : vector<16xf32>
        %select_n3A_731 = arith.select %gt3A_730, %get3A_729, %select_n3A_721 : vector<16xi1>, vector<16xf32>
        %broadcast_in_dim3A_732 = arith.constant 0 : i32
        %broadcast_in_dim3A_733 = vector.broadcast %broadcast_in_dim3A_732 : i32 to vector<16xi32>
        %add3A_734 = arith.constant 14 : i32
        %add3A_735 = vector.broadcast %add3A_734 : i32 to vector<16xi32>
        %add3A_736 = arith.addi %broadcast_in_dim3A_733, %add3A_735 : vector<16xi32>
        %select_n3A_737 = arith.select %gt3A_730, %add3A_736, %select_n3A_727 : vector<16xi1>, vector<16xi32>
        %get3A_738 = arith.constant 240 : index
        %get3A_739 = tpu.vector_load %arg19[%get3A_738] {strides = array<i32>} : memref<320xf32, #tpu.memory_space<vmem>>, vector<16xf32>,
        %gt3A_740 = arith.cmpf ogt, %get3A_739, %select_n3A_731 : vector<16xf32>
        %select_n3A_741 = arith.select %gt3A_740, %get3A_739, %select_n3A_731 : vector<16xi1>, vector<16xf32>
        %broadcast_in_dim3A_742 = arith.constant 0 : i32
        %broadcast_in_dim3A_743 = vector.broadcast %broadcast_in_dim3A_742 : i32 to vector<16xi32>
        %add3A_744 = arith.constant 15 : i32
        %add3A_745 = vector.broadcast %add3A_744 : i32 to vector<16xi32>
        %add3A_746 = arith.addi %broadcast_in_dim3A_743, %add3A_745 : vector<16xi32>
        %select_n3A_747 = arith.select %gt3A_740, %add3A_746, %select_n3A_737 : vector<16xi1>, vector<16xi32>
        %get3A_748 = arith.constant 256 : index
        %get3A_749 = tpu.vector_load %arg19[%get3A_748] {strides = array<i32>} : memref<320xf32, #tpu.memory_space<vmem>>, vector<16xf32>,
        %gt3A_750 = arith.cmpf ogt, %get3A_749, %select_n3A_741 : vector<16xf32>
        %select_n3A_751 = arith.select %gt3A_750, %get3A_749, %select_n3A_741 : vector<16xi1>, vector<16xf32>
        %broadcast_in_dim3A_752 = arith.constant 0 : i32
        %broadcast_in_dim3A_753 = vector.broadcast %broadcast_in_dim3A_752 : i32 to vector<16xi32>
        %add3A_754 = arith.constant 16 : i32
        %add3A_755 = vector.broadcast %add3A_754 : i32 to vector<16xi32>
        %add3A_756 = arith.addi %broadcast_in_dim3A_753, %add3A_755 : vector<16xi32>
        %select_n3A_757 = arith.select %gt3A_750, %add3A_756, %select_n3A_747 : vector<16xi1>, vector<16xi32>
        %get3A_758 = arith.constant 272 : index
        %get3A_759 = tpu.vector_load %arg19[%get3A_758] {strides = array<i32>} : memref<320xf32, #tpu.memory_space<vmem>>, vector<16xf32>,
        %gt3A_760 = arith.cmpf ogt, %get3A_759, %select_n3A_751 : vector<16xf32>
        %select_n3A_761 = arith.select %gt3A_760, %get3A_759, %select_n3A_751 : vector<16xi1>, vector<16xf32>
        %broadcast_in_dim3A_762 = arith.constant 0 : i32
        %broadcast_in_dim3A_763 = vector.broadcast %broadcast_in_dim3A_762 : i32 to vector<16xi32>
        %add3A_764 = arith.constant 17 : i32
        %add3A_765 = vector.broadcast %add3A_764 : i32 to vector<16xi32>
        %add3A_766 = arith.addi %broadcast_in_dim3A_763, %add3A_765 : vector<16xi32>
        %select_n3A_767 = arith.select %gt3A_760, %add3A_766, %select_n3A_757 : vector<16xi1>, vector<16xi32>
        %get3A_768 = arith.constant 288 : index
        %get3A_769 = tpu.vector_load %arg19[%get3A_768] {strides = array<i32>} : memref<320xf32, #tpu.memory_space<vmem>>, vector<16xf32>,
        %gt3A_770 = arith.cmpf ogt, %get3A_769, %select_n3A_761 : vector<16xf32>
        %select_n3A_771 = arith.select %gt3A_770, %get3A_769, %select_n3A_761 : vector<16xi1>, vector<16xf32>
        %broadcast_in_dim3A_772 = arith.constant 0 : i32
        %broadcast_in_dim3A_773 = vector.broadcast %broadcast_in_dim3A_772 : i32 to vector<16xi32>
        %add3A_774 = arith.constant 18 : i32
        %add3A_775 = vector.broadcast %add3A_774 : i32 to vector<16xi32>
        %add3A_776 = arith.addi %broadcast_in_dim3A_773, %add3A_775 : vector<16xi32>
        %select_n3A_777 = arith.select %gt3A_770, %add3A_776, %select_n3A_767 : vector<16xi1>, vector<16xi32>
        %get3A_778 = arith.constant 304 : index
        %get3A_779 = tpu.vector_load %arg19[%get3A_778] {strides = array<i32>} : memref<320xf32, #tpu.memory_space<vmem>>, vector<16xf32>,
        %gt3A_780 = arith.cmpf ogt, %get3A_779, %select_n3A_771 : vector<16xf32>
        %select_n3A_781 = arith.select %gt3A_780, %get3A_779, %select_n3A_771 : vector<16xi1>, vector<16xf32>
        %broadcast_in_dim3A_782 = arith.constant 0 : i32
        %broadcast_in_dim3A_783 = vector.broadcast %broadcast_in_dim3A_782 : i32 to vector<16xi32>
        %add3A_784 = arith.constant 19 : i32
        %add3A_785 = vector.broadcast %add3A_784 : i32 to vector<16xi32>
        %add3A_786 = arith.addi %broadcast_in_dim3A_783, %add3A_785 : vector<16xi32>
        %select_n3A_787 = arith.select %gt3A_780, %add3A_786, %select_n3A_777 : vector<16xi1>, vector<16xi32>
        %iota3A_788 = tpu.iota {dimensions = array<i32: 0>} : vector<16xi32>
        %add3A_789 = arith.constant 8 : i32
        %add3A_790 = vector.broadcast %add3A_789 : i32 to vector<16xi32>
        %add3A_791 = arith.addi %iota3A_788, %add3A_790 : vector<16xi32>
        %and3A_792 = arith.constant 15 : i32
        %and3A_793 = vector.broadcast %and3A_792 : i32 to vector<16xi32>
        %and3A_794 = arith.andi %add3A_791, %and3A_793 : vector<16xi32>
        %lt3A_795 = arith.constant 0 : i32
        %lt3A_796 = vector.broadcast %lt3A_795 : i32 to vector<16xi32>
        %lt3A_797 = arith.cmpi slt, %and3A_794, %lt3A_796 : vector<16xi32>
        %add3A_798 = arith.constant 16 : i32
        %add3A_799 = vector.broadcast %add3A_798 : i32 to vector<16xi32>
        %add3A_800 = arith.addi %and3A_794, %add3A_799 : vector<16xi32>
        %select_n3A_801 = arith.select %lt3A_797, %add3A_800, %and3A_794 : vector<16xi1>, vector<16xi32>
        %broadcast_in_dim3A_802 = vector.shape_cast %select_n3A_801 : vector<16xi32> to vector<16x1xi32>
        %gather3A_803 = vector.shape_cast %broadcast_in_dim3A_802 : vector<16x1xi32> to vector<16xi32>
        %gather3A_804 = tpu.dynamic_gather %select_n3A_781[%gather3A_803] in [0] : vector<16xf32>, vector<16xi32> -> vector<16xf32>
        %max3A_805 = arith.maximumf %select_n3A_781, %gather3A_804 : vector<16xf32>
        %iota3A_806 = tpu.iota {dimensions = array<i32: 0>} : vector<16xi32>
        %add3A_807 = arith.constant 4 : i32
        %add3A_808 = vector.broadcast %add3A_807 : i32 to vector<16xi32>
        %add3A_809 = arith.addi %iota3A_806, %add3A_808 : vector<16xi32>
        %and3A_810 = arith.constant 15 : i32
        %and3A_811 = vector.broadcast %and3A_810 : i32 to vector<16xi32>
        %and3A_812 = arith.andi %add3A_809, %and3A_811 : vector<16xi32>
        %lt3A_813 = arith.constant 0 : i32
        %lt3A_814 = vector.broadcast %lt3A_813 : i32 to vector<16xi32>
        %lt3A_815 = arith.cmpi slt, %and3A_812, %lt3A_814 : vector<16xi32>
        %add3A_816 = arith.constant 16 : i32
        %add3A_817 = vector.broadcast %add3A_816 : i32 to vector<16xi32>
        %add3A_818 = arith.addi %and3A_812, %add3A_817 : vector<16xi32>
        %select_n3A_819 = arith.select %lt3A_815, %add3A_818, %and3A_812 : vector<16xi1>, vector<16xi32>
        %broadcast_in_dim3A_820 = vector.shape_cast %select_n3A_819 : vector<16xi32> to vector<16x1xi32>
        %gather3A_821 = vector.shape_cast %broadcast_in_dim3A_820 : vector<16x1xi32> to vector<16xi32>
        %gather3A_822 = tpu.dynamic_gather %max3A_805[%gather3A_821] in [0] : vector<16xf32>, vector<16xi32> -> vector<16xf32>
        %max3A_823 = arith.maximumf %max3A_805, %gather3A_822 : vector<16xf32>
        %iota3A_824 = tpu.iota {dimensions = array<i32: 0>} : vector<16xi32>
        %add3A_825 = arith.constant 2 : i32
        %add3A_826 = vector.broadcast %add3A_825 : i32 to vector<16xi32>
        %add3A_827 = arith.addi %iota3A_824, %add3A_826 : vector<16xi32>
        %and3A_828 = arith.constant 15 : i32
        %and3A_829 = vector.broadcast %and3A_828 : i32 to vector<16xi32>
        %and3A_830 = arith.andi %add3A_827, %and3A_829 : vector<16xi32>
        %lt3A_831 = arith.constant 0 : i32
        %lt3A_832 = vector.broadcast %lt3A_831 : i32 to vector<16xi32>
        %lt3A_833 = arith.cmpi slt, %and3A_830, %lt3A_832 : vector<16xi32>
        %add3A_834 = arith.constant 16 : i32
        %add3A_835 = vector.broadcast %add3A_834 : i32 to vector<16xi32>
        %add3A_836 = arith.addi %and3A_830, %add3A_835 : vector<16xi32>
        %select_n3A_837 = arith.select %lt3A_833, %add3A_836, %and3A_830 : vector<16xi1>, vector<16xi32>
        %broadcast_in_dim3A_838 = vector.shape_cast %select_n3A_837 : vector<16xi32> to vector<16x1xi32>
        %gather3A_839 = vector.shape_cast %broadcast_in_dim3A_838 : vector<16x1xi32> to vector<16xi32>
        %gather3A_840 = tpu.dynamic_gather %max3A_823[%gather3A_839] in [0] : vector<16xf32>, vector<16xi32> -> vector<16xf32>
        %max3A_841 = arith.maximumf %max3A_823, %gather3A_840 : vector<16xf32>
        %iota3A_842 = tpu.iota {dimensions = array<i32: 0>} : vector<16xi32>
        %add3A_843 = arith.constant 1 : i32
        %add3A_844 = vector.broadcast %add3A_843 : i32 to vector<16xi32>
        %add3A_845 = arith.addi %iota3A_842, %add3A_844 : vector<16xi32>
        %and3A_846 = arith.constant 15 : i32
        %and3A_847 = vector.broadcast %and3A_846 : i32 to vector<16xi32>
        %and3A_848 = arith.andi %add3A_845, %and3A_847 : vector<16xi32>
        %lt3A_849 = arith.constant 0 : i32
        %lt3A_850 = vector.broadcast %lt3A_849 : i32 to vector<16xi32>
        %lt3A_851 = arith.cmpi slt, %and3A_848, %lt3A_850 : vector<16xi32>
        %add3A_852 = arith.constant 16 : i32
        %add3A_853 = vector.broadcast %add3A_852 : i32 to vector<16xi32>
        %add3A_854 = arith.addi %and3A_848, %add3A_853 : vector<16xi32>
        %select_n3A_855 = arith.select %lt3A_851, %add3A_854, %and3A_848 : vector<16xi1>, vector<16xi32>
        %broadcast_in_dim3A_856 = vector.shape_cast %select_n3A_855 : vector<16xi32> to vector<16x1xi32>
        %gather3A_857 = vector.shape_cast %broadcast_in_dim3A_856 : vector<16x1xi32> to vector<16xi32>
        %gather3A_858 = tpu.dynamic_gather %max3A_841[%gather3A_857] in [0] : vector<16xf32>, vector<16xi32> -> vector<16xf32>
        %max3A_859 = arith.maximumf %max3A_841, %gather3A_858 : vector<16xf32>
        %eq3A_860 = arith.cmpf oeq, %select_n3A_781, %max3A_859 : vector<16xf32>
        %mul3A_861 = arith.constant 16 : i32
        %mul3A_862 = vector.broadcast %mul3A_861 : i32 to vector<16xi32>
        %mul3A_863 = arith.muli %select_n3A_787, %mul3A_862 : vector<16xi32>
        %add3A_864 = arith.addi %mul3A_863, %iota3A : vector<16xi32>
        %jit3A_865 = arith.constant 1073741824 : i32
        %broadcast_in_dim3A_866 = vector.broadcast %jit3A_865 : i32 to vector<16xi32>
        %select_n3A_867 = arith.select %eq3A_860, %add3A_864, %broadcast_in_dim3A_866 : vector<16xi1>, vector<16xi32>
        %iota3A_868 = tpu.iota {dimensions = array<i32: 0>} : vector<16xi32>
        %add3A_869 = arith.constant 8 : i32
        %add3A_870 = vector.broadcast %add3A_869 : i32 to vector<16xi32>
        %add3A_871 = arith.addi %iota3A_868, %add3A_870 : vector<16xi32>
        %and3A_872 = arith.constant 15 : i32
        %and3A_873 = vector.broadcast %and3A_872 : i32 to vector<16xi32>
        %and3A_874 = arith.andi %add3A_871, %and3A_873 : vector<16xi32>
        %lt3A_875 = arith.constant 0 : i32
        %lt3A_876 = vector.broadcast %lt3A_875 : i32 to vector<16xi32>
        %lt3A_877 = arith.cmpi slt, %and3A_874, %lt3A_876 : vector<16xi32>
        %add3A_878 = arith.constant 16 : i32
        %add3A_879 = vector.broadcast %add3A_878 : i32 to vector<16xi32>
        %add3A_880 = arith.addi %and3A_874, %add3A_879 : vector<16xi32>
        %select_n3A_881 = arith.select %lt3A_877, %add3A_880, %and3A_874 : vector<16xi1>, vector<16xi32>
        %broadcast_in_dim3A_882 = vector.shape_cast %select_n3A_881 : vector<16xi32> to vector<16x1xi32>
        %gather3A_883 = vector.shape_cast %broadcast_in_dim3A_882 : vector<16x1xi32> to vector<16xi32>
        %gather3A_884 = tpu.dynamic_gather %select_n3A_867[%gather3A_883] in [0] : vector<16xi32>, vector<16xi32> -> vector<16xi32>
        %min3A_885 = arith.minsi %select_n3A_867, %gather3A_884 : vector<16xi32>
        %iota3A_886 = tpu.iota {dimensions = array<i32: 0>} : vector<16xi32>
        %add3A_887 = arith.constant 4 : i32
        %add3A_888 = vector.broadcast %add3A_887 : i32 to vector<16xi32>
        %add3A_889 = arith.addi %iota3A_886, %add3A_888 : vector<16xi32>
        %and3A_890 = arith.constant 15 : i32
        %and3A_891 = vector.broadcast %and3A_890 : i32 to vector<16xi32>
        %and3A_892 = arith.andi %add3A_889, %and3A_891 : vector<16xi32>
        %lt3A_893 = arith.constant 0 : i32
        %lt3A_894 = vector.broadcast %lt3A_893 : i32 to vector<16xi32>
        %lt3A_895 = arith.cmpi slt, %and3A_892, %lt3A_894 : vector<16xi32>
        %add3A_896 = arith.constant 16 : i32
        %add3A_897 = vector.broadcast %add3A_896 : i32 to vector<16xi32>
        %add3A_898 = arith.addi %and3A_892, %add3A_897 : vector<16xi32>
        %select_n3A_899 = arith.select %lt3A_895, %add3A_898, %and3A_892 : vector<16xi1>, vector<16xi32>
        %broadcast_in_dim3A_900 = vector.shape_cast %select_n3A_899 : vector<16xi32> to vector<16x1xi32>
        %gather3A_901 = vector.shape_cast %broadcast_in_dim3A_900 : vector<16x1xi32> to vector<16xi32>
        %gather3A_902 = tpu.dynamic_gather %min3A_885[%gather3A_901] in [0] : vector<16xi32>, vector<16xi32> -> vector<16xi32>
        %min3A_903 = arith.minsi %min3A_885, %gather3A_902 : vector<16xi32>
        %iota3A_904 = tpu.iota {dimensions = array<i32: 0>} : vector<16xi32>
        %add3A_905 = arith.constant 2 : i32
        %add3A_906 = vector.broadcast %add3A_905 : i32 to vector<16xi32>
        %add3A_907 = arith.addi %iota3A_904, %add3A_906 : vector<16xi32>
        %and3A_908 = arith.constant 15 : i32
        %and3A_909 = vector.broadcast %and3A_908 : i32 to vector<16xi32>
        %and3A_910 = arith.andi %add3A_907, %and3A_909 : vector<16xi32>
        %lt3A_911 = arith.constant 0 : i32
        %lt3A_912 = vector.broadcast %lt3A_911 : i32 to vector<16xi32>
        %lt3A_913 = arith.cmpi slt, %and3A_910, %lt3A_912 : vector<16xi32>
        %add3A_914 = arith.constant 16 : i32
        %add3A_915 = vector.broadcast %add3A_914 : i32 to vector<16xi32>
        %add3A_916 = arith.addi %and3A_910, %add3A_915 : vector<16xi32>
        %select_n3A_917 = arith.select %lt3A_913, %add3A_916, %and3A_910 : vector<16xi1>, vector<16xi32>
        %broadcast_in_dim3A_918 = vector.shape_cast %select_n3A_917 : vector<16xi32> to vector<16x1xi32>
        %gather3A_919 = vector.shape_cast %broadcast_in_dim3A_918 : vector<16x1xi32> to vector<16xi32>
        %gather3A_920 = tpu.dynamic_gather %min3A_903[%gather3A_919] in [0] : vector<16xi32>, vector<16xi32> -> vector<16xi32>
        %min3A_921 = arith.minsi %min3A_903, %gather3A_920 : vector<16xi32>
        %iota3A_922 = tpu.iota {dimensions = array<i32: 0>} : vector<16xi32>
        %add3A_923 = arith.constant 1 : i32
        %add3A_924 = vector.broadcast %add3A_923 : i32 to vector<16xi32>
        %add3A_925 = arith.addi %iota3A_922, %add3A_924 : vector<16xi32>
        %and3A_926 = arith.constant 15 : i32
        %and3A_927 = vector.broadcast %and3A_926 : i32 to vector<16xi32>
        %and3A_928 = arith.andi %add3A_925, %and3A_927 : vector<16xi32>
        %lt3A_929 = arith.constant 0 : i32
        %lt3A_930 = vector.broadcast %lt3A_929 : i32 to vector<16xi32>
        %lt3A_931 = arith.cmpi slt, %and3A_928, %lt3A_930 : vector<16xi32>
        %add3A_932 = arith.constant 16 : i32
        %add3A_933 = vector.broadcast %add3A_932 : i32 to vector<16xi32>
        %add3A_934 = arith.addi %and3A_928, %add3A_933 : vector<16xi32>
        %select_n3A_935 = arith.select %lt3A_931, %add3A_934, %and3A_928 : vector<16xi1>, vector<16xi32>
        %broadcast_in_dim3A_936 = vector.shape_cast %select_n3A_935 : vector<16xi32> to vector<16x1xi32>
        %gather3A_937 = vector.shape_cast %broadcast_in_dim3A_936 : vector<16x1xi32> to vector<16xi32>
        %gather3A_938 = tpu.dynamic_gather %min3A_921[%gather3A_937] in [0] : vector<16xi32>, vector<16xi32> -> vector<16xi32>
        %min3A_939 = arith.minsi %min3A_921, %gather3A_938 : vector<16xi32>
        %gt3A_940 = arith.constant -5.000000e+08 : f32
        %gt3A_941 = vector.broadcast %gt3A_940 : f32 to vector<16xf32>
        %gt3A_942 = arith.cmpf ogt, %max3A_859, %gt3A_941 : vector<16xf32>
        %mul3A_943 = arith.constant 16 : i32
        %mul3A_944 = vector.broadcast %mul3A_943 : i32 to vector<16xi32>
        %mul3A_945 = arith.muli %min3A_939, %mul3A_944 : vector<16xi32>
        %add3A_946 = arith.addi %mul3A_945, %iota3A : vector<16xi32>
        %gather3A_947 = tpu.vector_load_idx %arg16[%add3A_946] : memref<5120xf32, #tpu.memory_space<vmem>>[vector<16xi32>], vector<16xf32>,
        %eq3A_948 = arith.cmpf oeq, %gather3A_947, %max3A_859 : vector<16xf32>
        %all_reduce_ffs3A_949 = tpu.all_reduce %eq3A_948 {dim = 0 : i64, kind = #tpu.reduction_kind<find_first_set>} : vector<16xi1> -> vector<16xi32>
        %mul3A_950 = arith.constant 16 : i32
        %mul3A_951 = vector.broadcast %mul3A_950 : i32 to vector<16xi32>
        %mul3A_952 = arith.muli %min3A_939, %mul3A_951 : vector<16xi32>
        %add3A_953 = arith.addi %mul3A_952, %all_reduce_ffs3A_949 : vector<16xi32>
        %broadcast_in_dim3A_954 = arith.constant 0 : i32
        %broadcast_in_dim3A_955 = vector.broadcast %broadcast_in_dim3A_954 : i32 to vector<16xi32>
        %gather3A_956 = tpu.vector_load_idx %arg17[%broadcast_in_dim3A_955, %add3A_953] : memref<4x5120xf32, #tpu.memory_space<vmem>>[vector<16xi32>, vector<16xi32>], vector<16xf32>,
        %broadcast_in_dim3A_957 = arith.constant 0 : i32
        %broadcast_in_dim3A_958 = vector.broadcast %broadcast_in_dim3A_957 : i32 to vector<16xi32>
        %add3A_959 = arith.constant 1 : i32
        %add3A_960 = vector.broadcast %add3A_959 : i32 to vector<16xi32>
        %add3A_961 = arith.addi %broadcast_in_dim3A_958, %add3A_960 : vector<16xi32>
        %gather3A_962 = tpu.vector_load_idx %arg17[%add3A_961, %add3A_953] : memref<4x5120xf32, #tpu.memory_space<vmem>>[vector<16xi32>, vector<16xi32>], vector<16xf32>,
        %broadcast_in_dim3A_963 = arith.constant 0 : i32
        %broadcast_in_dim3A_964 = vector.broadcast %broadcast_in_dim3A_963 : i32 to vector<16xi32>
        %add3A_965 = arith.constant 2 : i32
        %add3A_966 = vector.broadcast %add3A_965 : i32 to vector<16xi32>
        %add3A_967 = arith.addi %broadcast_in_dim3A_964, %add3A_966 : vector<16xi32>
        %gather3A_968 = tpu.vector_load_idx %arg17[%add3A_967, %add3A_953] : memref<4x5120xf32, #tpu.memory_space<vmem>>[vector<16xi32>, vector<16xi32>], vector<16xf32>,
        %broadcast_in_dim3A_969 = arith.constant 0 : i32
        %broadcast_in_dim3A_970 = vector.broadcast %broadcast_in_dim3A_969 : i32 to vector<16xi32>
        %add3A_971 = arith.constant 3 : i32
        %add3A_972 = vector.broadcast %add3A_971 : i32 to vector<16xi32>
        %add3A_973 = arith.addi %broadcast_in_dim3A_970, %add3A_972 : vector<16xi32>
        %gather3A_974 = tpu.vector_load_idx %arg17[%add3A_973, %add3A_953] : memref<4x5120xf32, #tpu.memory_space<vmem>>[vector<16xi32>, vector<16xi32>], vector<16xf32>,
        %gather3A_975 = tpu.vector_load_idx %arg18[%add3A_953] : memref<5120xf32, #tpu.memory_space<vmem>>[vector<16xi32>], vector<16xf32>,
        %and3A_976 = arith.andi %eq3A_2, %gt3A_942 : vector<16xi1>
        %not3A_977 = arith.constant dense<true> : vector<16xi1>
        %not3A_978 = arith.xori %gt3A_134, %not3A_977 : vector<16xi1>
        %and3A_979 = arith.andi %and3A_976, %not3A_978 : vector<16xi1>
        %broadcast_in_dim3A_980 = arith.constant -1.000000e+09 : f32
        %broadcast_in_dim3A_981 = vector.broadcast %broadcast_in_dim3A_980 : f32 to vector<16xf32>
        tpu.vector_store_idx %arg16[%add3A_953], %broadcast_in_dim3A_981 masked %and3A_979 : memref<5120xf32, #tpu.memory_space<vmem>>[vector<16xi32>], vector<16xf32>, vector<16xi1>
        %eq3A_982 = arith.cmpi eq, %iota3A, %all_reduce_ffs3A_949 : vector<16xi32>
        %jit3A_983 = arith.constant -1.000000e+09 : f32
        %broadcast_in_dim3A_984 = vector.broadcast %jit3A_983 : f32 to vector<16xf32>
        %select_n3A_985 = arith.select %eq3A_982, %broadcast_in_dim3A_984, %gather3A_947 : vector<16xi1>, vector<16xf32>
        %iota3A_986 = tpu.iota {dimensions = array<i32: 0>} : vector<16xi32>
        %add3A_987 = arith.constant 8 : i32
        %add3A_988 = vector.broadcast %add3A_987 : i32 to vector<16xi32>
        %add3A_989 = arith.addi %iota3A_986, %add3A_988 : vector<16xi32>
        %and3A_990 = arith.constant 15 : i32
        %and3A_991 = vector.broadcast %and3A_990 : i32 to vector<16xi32>
        %and3A_992 = arith.andi %add3A_989, %and3A_991 : vector<16xi32>
        %lt3A_993 = arith.constant 0 : i32
        %lt3A_994 = vector.broadcast %lt3A_993 : i32 to vector<16xi32>
        %lt3A_995 = arith.cmpi slt, %and3A_992, %lt3A_994 : vector<16xi32>
        %add3A_996 = arith.constant 16 : i32
        %add3A_997 = vector.broadcast %add3A_996 : i32 to vector<16xi32>
        %add3A_998 = arith.addi %and3A_992, %add3A_997 : vector<16xi32>
        %select_n3A_999 = arith.select %lt3A_995, %add3A_998, %and3A_992 : vector<16xi1>, vector<16xi32>
        %broadcast_in_dim3A_1000 = vector.shape_cast %select_n3A_999 : vector<16xi32> to vector<16x1xi32>
        %gather3A_1001 = vector.shape_cast %broadcast_in_dim3A_1000 : vector<16x1xi32> to vector<16xi32>
        %gather3A_1002 = tpu.dynamic_gather %select_n3A_985[%gather3A_1001] in [0] : vector<16xf32>, vector<16xi32> -> vector<16xf32>
        %max3A_1003 = arith.maximumf %select_n3A_985, %gather3A_1002 : vector<16xf32>
        %iota3A_1004 = tpu.iota {dimensions = array<i32: 0>} : vector<16xi32>
        %add3A_1005 = arith.constant 4 : i32
        %add3A_1006 = vector.broadcast %add3A_1005 : i32 to vector<16xi32>
        %add3A_1007 = arith.addi %iota3A_1004, %add3A_1006 : vector<16xi32>
        %and3A_1008 = arith.constant 15 : i32
        %and3A_1009 = vector.broadcast %and3A_1008 : i32 to vector<16xi32>
        %and3A_1010 = arith.andi %add3A_1007, %and3A_1009 : vector<16xi32>
        %lt3A_1011 = arith.constant 0 : i32
        %lt3A_1012 = vector.broadcast %lt3A_1011 : i32 to vector<16xi32>
        %lt3A_1013 = arith.cmpi slt, %and3A_1010, %lt3A_1012 : vector<16xi32>
        %add3A_1014 = arith.constant 16 : i32
        %add3A_1015 = vector.broadcast %add3A_1014 : i32 to vector<16xi32>
        %add3A_1016 = arith.addi %and3A_1010, %add3A_1015 : vector<16xi32>
        %select_n3A_1017 = arith.select %lt3A_1013, %add3A_1016, %and3A_1010 : vector<16xi1>, vector<16xi32>
        %broadcast_in_dim3A_1018 = vector.shape_cast %select_n3A_1017 : vector<16xi32> to vector<16x1xi32>
        %gather3A_1019 = vector.shape_cast %broadcast_in_dim3A_1018 : vector<16x1xi32> to vector<16xi32>
        %gather3A_1020 = tpu.dynamic_gather %max3A_1003[%gather3A_1019] in [0] : vector<16xf32>, vector<16xi32> -> vector<16xf32>
        %max3A_1021 = arith.maximumf %max3A_1003, %gather3A_1020 : vector<16xf32>
        %iota3A_1022 = tpu.iota {dimensions = array<i32: 0>} : vector<16xi32>
        %add3A_1023 = arith.constant 2 : i32
        %add3A_1024 = vector.broadcast %add3A_1023 : i32 to vector<16xi32>
        %add3A_1025 = arith.addi %iota3A_1022, %add3A_1024 : vector<16xi32>
        %and3A_1026 = arith.constant 15 : i32
        %and3A_1027 = vector.broadcast %and3A_1026 : i32 to vector<16xi32>
        %and3A_1028 = arith.andi %add3A_1025, %and3A_1027 : vector<16xi32>
        %lt3A_1029 = arith.constant 0 : i32
        %lt3A_1030 = vector.broadcast %lt3A_1029 : i32 to vector<16xi32>
        %lt3A_1031 = arith.cmpi slt, %and3A_1028, %lt3A_1030 : vector<16xi32>
        %add3A_1032 = arith.constant 16 : i32
        %add3A_1033 = vector.broadcast %add3A_1032 : i32 to vector<16xi32>
        %add3A_1034 = arith.addi %and3A_1028, %add3A_1033 : vector<16xi32>
        %select_n3A_1035 = arith.select %lt3A_1031, %add3A_1034, %and3A_1028 : vector<16xi1>, vector<16xi32>
        %broadcast_in_dim3A_1036 = vector.shape_cast %select_n3A_1035 : vector<16xi32> to vector<16x1xi32>
        %gather3A_1037 = vector.shape_cast %broadcast_in_dim3A_1036 : vector<16x1xi32> to vector<16xi32>
        %gather3A_1038 = tpu.dynamic_gather %max3A_1021[%gather3A_1037] in [0] : vector<16xf32>, vector<16xi32> -> vector<16xf32>
        %max3A_1039 = arith.maximumf %max3A_1021, %gather3A_1038 : vector<16xf32>
        %iota3A_1040 = tpu.iota {dimensions = array<i32: 0>} : vector<16xi32>
        %add3A_1041 = arith.constant 1 : i32
        %add3A_1042 = vector.broadcast %add3A_1041 : i32 to vector<16xi32>
        %add3A_1043 = arith.addi %iota3A_1040, %add3A_1042 : vector<16xi32>
        %and3A_1044 = arith.constant 15 : i32
        %and3A_1045 = vector.broadcast %and3A_1044 : i32 to vector<16xi32>
        %and3A_1046 = arith.andi %add3A_1043, %and3A_1045 : vector<16xi32>
        %lt3A_1047 = arith.constant 0 : i32
        %lt3A_1048 = vector.broadcast %lt3A_1047 : i32 to vector<16xi32>
        %lt3A_1049 = arith.cmpi slt, %and3A_1046, %lt3A_1048 : vector<16xi32>
        %add3A_1050 = arith.constant 16 : i32
        %add3A_1051 = vector.broadcast %add3A_1050 : i32 to vector<16xi32>
        %add3A_1052 = arith.addi %and3A_1046, %add3A_1051 : vector<16xi32>
        %select_n3A_1053 = arith.select %lt3A_1049, %add3A_1052, %and3A_1046 : vector<16xi1>, vector<16xi32>
        %broadcast_in_dim3A_1054 = vector.shape_cast %select_n3A_1053 : vector<16xi32> to vector<16x1xi32>
        %gather3A_1055 = vector.shape_cast %broadcast_in_dim3A_1054 : vector<16x1xi32> to vector<16xi32>
        %gather3A_1056 = tpu.dynamic_gather %max3A_1039[%gather3A_1055] in [0] : vector<16xf32>, vector<16xi32> -> vector<16xf32>
        %max3A_1057 = arith.maximumf %max3A_1039, %gather3A_1056 : vector<16xf32>
        tpu.vector_store_idx %arg19[%min3A_939], %max3A_1057 masked %and3A_979 : memref<320xf32, #tpu.memory_space<vmem>>[vector<16xi32>], vector<16xf32>, vector<16xi1>
        %max3A_1058 = arith.maxsi %while3A_102, %while3A_105 : i32
        %add3A_1059 = arith.constant 31 : i32
        %add3A_1060 = arith.addi %max3A_1058, %add3A_1059 : i32
        %jit3A_1061 = arith.constant 32 : i32
        %div3A_1062 = arith.divsi %add3A_1060, %jit3A_1061 : i32
        %sign3A_1063 = arith.constant 0 : i32
        %sign3A_1064 = arith.cmpi sgt, %add3A_1060, %sign3A_1063 : i32
        %sign3A_1065 = arith.extui %sign3A_1064 : i1 to i32
        %sign3A_1066 = arith.constant 0 : i32
        %sign3A_1067 = arith.cmpi slt, %add3A_1060, %sign3A_1066 : i32
        %sign3A_1068 = arith.extui %sign3A_1067 : i1 to i32
        %sign3A_1069 = arith.subi %sign3A_1065, %sign3A_1068 : i32
        %sign3A_1070 = arith.constant 0 : i32
        %sign3A_1071 = arith.cmpi sgt, %jit3A_1061, %sign3A_1070 : i32
        %sign3A_1072 = arith.extui %sign3A_1071 : i1 to i32
        %sign3A_1073 = arith.constant 0 : i32
        %sign3A_1074 = arith.cmpi slt, %jit3A_1061, %sign3A_1073 : i32
        %sign3A_1075 = arith.extui %sign3A_1074 : i1 to i32
        %sign3A_1076 = arith.subi %sign3A_1072, %sign3A_1075 : i32
        %ne3A_1077 = arith.cmpi ne, %sign3A_1069, %sign3A_1076 : i32
        %rem3A_1078 = arith.remsi %add3A_1060, %jit3A_1061 : i32
        %ne3A_1079 = arith.constant 0 : i32
        %ne3A_1080 = arith.cmpi ne, %rem3A_1078, %ne3A_1079 : i32
        %and3A_1081 = arith.andi %ne3A_1077, %ne3A_1080 : i1
        %sub3A_1082 = arith.constant 1 : i32
        %sub3A_1083 = arith.subi %div3A_1062, %sub3A_1082 : i32
        %select_n3A_1084 = arith.select %and3A_1081, %sub3A_1083, %div3A_1062 : i32
        %broadcast_in_dim3A_1085 = arith.constant false
        %broadcast_in_dim3A_1086 = vector.broadcast %broadcast_in_dim3A_1085 : i1 to vector<16xi1>
        %broadcast_in_dim3A_1087 = arith.constant false
        %broadcast_in_dim3A_1088 = vector.broadcast %broadcast_in_dim3A_1087 : i1 to vector<16xi1>
        %while3A_1089 = arith.constant 0 : i32
        %while3A_1090 = arith.subi %select_n3A_1084, %while3A_1089 : i32
        %while3A_1091 = arith.addi %while3A_1089, %while3A_1090 : i32
        %while3A_1092 = arith.constant 1 : i32
        %while3A_1093 = arith.divsi %while3A_1090, %while3A_1092 : i32
        %while3A_1094 = arith.muli %while3A_1093, %while3A_1092 : i32
        %while3A_1095 = arith.addi %while3A_1089, %while3A_1094 : i32
        %while3A_1096 = arith.constant 1 : i32
        %while3A_1097:2 = scf.for %while3A_1276 = %while3A_1089 to %while3A_1095 step %while3A_1096 iter_args(%while3A_1277 = %broadcast_in_dim3A_1086, %while3A_1278 = %broadcast_in_dim3A_1088) -> (vector<16xi1>, vector<16xi1>)  : i32 {
          %mul3A_1279 = arith.constant 2 : i32
          %mul3A_1280 = arith.muli %while3A_1276, %mul3A_1279 : i32
          %mul3A_1281 = arith.constant 16 : i32
          %mul3A_1282 = arith.muli %mul3A_1280, %mul3A_1281 : i32
          %get3A_1283 = arith.constant 0 : i32
          %get3A_1284 = arith.index_cast %get3A_1283 : i32 to index
          %get3A_1285 = arith.index_cast %mul3A_1282 : i32 to index
          %get3A_1286 = tpu.vector_load %arg12[%get3A_1284, %get3A_1285] {strides = array<i32>} : memref<5x320xf32, #tpu.memory_space<vmem>>, vector<16xf32>,
          %get3A_1287 = arith.constant 1 : i32
          %get3A_1288 = arith.index_cast %get3A_1287 : i32 to index
          %get3A_1289 = arith.index_cast %mul3A_1282 : i32 to index
          %get3A_1290 = tpu.vector_load %arg12[%get3A_1288, %get3A_1289] {strides = array<i32>} : memref<5x320xf32, #tpu.memory_space<vmem>>, vector<16xf32>,
          %get3A_1291 = arith.constant 2 : i32
          %get3A_1292 = arith.index_cast %get3A_1291 : i32 to index
          %get3A_1293 = arith.index_cast %mul3A_1282 : i32 to index
          %get3A_1294 = tpu.vector_load %arg12[%get3A_1292, %get3A_1293] {strides = array<i32>} : memref<5x320xf32, #tpu.memory_space<vmem>>, vector<16xf32>,
          %get3A_1295 = arith.constant 3 : i32
          %get3A_1296 = arith.index_cast %get3A_1295 : i32 to index
          %get3A_1297 = arith.index_cast %mul3A_1282 : i32 to index
          %get3A_1298 = tpu.vector_load %arg12[%get3A_1296, %get3A_1297] {strides = array<i32>} : memref<5x320xf32, #tpu.memory_space<vmem>>, vector<16xf32>,
          %get3A_1299 = arith.constant 4 : i32
          %get3A_1300 = arith.index_cast %get3A_1299 : i32 to index
          %get3A_1301 = arith.index_cast %mul3A_1282 : i32 to index
          %get3A_1302 = tpu.vector_load %arg12[%get3A_1300, %get3A_1301] {strides = array<i32>} : memref<5x320xf32, #tpu.memory_space<vmem>>, vector<16xf32>,
          %max3A_1303 = arith.maximumf %gather3A_493, %get3A_1286 : vector<16xf32>
          %max3A_1304 = arith.maximumf %gather3A_499, %get3A_1290 : vector<16xf32>
          %min3A_1305 = arith.minimumf %gather3A_505, %get3A_1294 : vector<16xf32>
          %min3A_1306 = arith.minimumf %gather3A_511, %get3A_1298 : vector<16xf32>
          %sub3A_1307 = arith.subf %min3A_1305, %max3A_1303 : vector<16xf32>
          %max3A_1308 = arith.constant 0.000000e+00 : f32
          %max3A_1309 = vector.broadcast %max3A_1308 : f32 to vector<16xf32>
          %max3A_1310 = arith.maximumf %sub3A_1307, %max3A_1309 : vector<16xf32>
          %sub3A_1311 = arith.subf %min3A_1306, %max3A_1304 : vector<16xf32>
          %max3A_1312 = arith.constant 0.000000e+00 : f32
          %max3A_1313 = vector.broadcast %max3A_1312 : f32 to vector<16xf32>
          %max3A_1314 = arith.maximumf %sub3A_1311, %max3A_1313 : vector<16xf32>
          %mul3A_1315 = arith.mulf %max3A_1310, %max3A_1314 : vector<16xf32>
          %add3A_1316 = arith.addf %gather3A_512, %get3A_1302 : vector<16xf32>
          %sub3A_1317 = arith.subf %add3A_1316, %mul3A_1315 : vector<16xf32>
          %mul3A_1318 = arith.constant 5.000000e-01 : f32
          %mul3A_1319 = vector.broadcast %mul3A_1318 : f32 to vector<16xf32>
          %mul3A_1320 = arith.mulf %mul3A_1319, %sub3A_1317 : vector<16xf32>
          %gt3A_1321 = arith.cmpf ogt, %mul3A_1315, %mul3A_1320 : vector<16xf32>
          %or3A = arith.ori %while3A_1277, %gt3A_1321 : vector<16xi1>
          %mul3A_1322 = arith.constant 2 : i32
          %mul3A_1323 = arith.muli %while3A_1276, %mul3A_1322 : i32
          %mul3A_1324 = arith.constant 16 : i32
          %mul3A_1325 = arith.muli %mul3A_1323, %mul3A_1324 : i32
          %get3A_1326 = arith.constant 0 : i32
          %get3A_1327 = arith.index_cast %get3A_1326 : i32 to index
          %get3A_1328 = arith.index_cast %mul3A_1325 : i32 to index
          %get3A_1329 = tpu.vector_load %arg20[%get3A_1327, %get3A_1328] {strides = array<i32>} : memref<5x320xf32, #tpu.memory_space<vmem>>, vector<16xf32>,
          %get3A_1330 = arith.constant 1 : i32
          %get3A_1331 = arith.index_cast %get3A_1330 : i32 to index
          %get3A_1332 = arith.index_cast %mul3A_1325 : i32 to index
          %get3A_1333 = tpu.vector_load %arg20[%get3A_1331, %get3A_1332] {strides = array<i32>} : memref<5x320xf32, #tpu.memory_space<vmem>>, vector<16xf32>,
          %get3A_1334 = arith.constant 2 : i32
          %get3A_1335 = arith.index_cast %get3A_1334 : i32 to index
          %get3A_1336 = arith.index_cast %mul3A_1325 : i32 to index
          %get3A_1337 = tpu.vector_load %arg20[%get3A_1335, %get3A_1336] {strides = array<i32>} : memref<5x320xf32, #tpu.memory_space<vmem>>, vector<16xf32>,
          %get3A_1338 = arith.constant 3 : i32
          %get3A_1339 = arith.index_cast %get3A_1338 : i32 to index
          %get3A_1340 = arith.index_cast %mul3A_1325 : i32 to index
          %get3A_1341 = tpu.vector_load %arg20[%get3A_1339, %get3A_1340] {strides = array<i32>} : memref<5x320xf32, #tpu.memory_space<vmem>>, vector<16xf32>,
          %get3A_1342 = arith.constant 4 : i32
          %get3A_1343 = arith.index_cast %get3A_1342 : i32 to index
          %get3A_1344 = arith.index_cast %mul3A_1325 : i32 to index
          %get3A_1345 = tpu.vector_load %arg20[%get3A_1343, %get3A_1344] {strides = array<i32>} : memref<5x320xf32, #tpu.memory_space<vmem>>, vector<16xf32>,
          %max3A_1346 = arith.maximumf %gather3A_956, %get3A_1329 : vector<16xf32>
          %max3A_1347 = arith.maximumf %gather3A_962, %get3A_1333 : vector<16xf32>
          %min3A_1348 = arith.minimumf %gather3A_968, %get3A_1337 : vector<16xf32>
          %min3A_1349 = arith.minimumf %gather3A_974, %get3A_1341 : vector<16xf32>
          %sub3A_1350 = arith.subf %min3A_1348, %max3A_1346 : vector<16xf32>
          %max3A_1351 = arith.constant 0.000000e+00 : f32
          %max3A_1352 = vector.broadcast %max3A_1351 : f32 to vector<16xf32>
          %max3A_1353 = arith.maximumf %sub3A_1350, %max3A_1352 : vector<16xf32>
          %sub3A_1354 = arith.subf %min3A_1349, %max3A_1347 : vector<16xf32>
          %max3A_1355 = arith.constant 0.000000e+00 : f32
          %max3A_1356 = vector.broadcast %max3A_1355 : f32 to vector<16xf32>
          %max3A_1357 = arith.maximumf %sub3A_1354, %max3A_1356 : vector<16xf32>
          %mul3A_1358 = arith.mulf %max3A_1353, %max3A_1357 : vector<16xf32>
          %add3A_1359 = arith.addf %gather3A_975, %get3A_1345 : vector<16xf32>
          %sub3A_1360 = arith.subf %add3A_1359, %mul3A_1358 : vector<16xf32>
          %mul3A_1361 = arith.constant 5.000000e-01 : f32
          %mul3A_1362 = vector.broadcast %mul3A_1361 : f32 to vector<16xf32>
          %mul3A_1363 = arith.mulf %mul3A_1362, %sub3A_1360 : vector<16xf32>
          %gt3A_1364 = arith.cmpf ogt, %mul3A_1358, %mul3A_1363 : vector<16xf32>
          %or3A_1365 = arith.ori %while3A_1278, %gt3A_1364 : vector<16xi1>
          %mul3A_1366 = arith.constant 2 : i32
          %mul3A_1367 = arith.muli %while3A_1276, %mul3A_1366 : i32
          %mul3A_1368 = arith.constant 16 : i32
          %mul3A_1369 = arith.muli %mul3A_1367, %mul3A_1368 : i32
          %add3A_1370 = arith.constant 16 : i32
          %add3A_1371 = arith.addi %mul3A_1369, %add3A_1370 : i32
          %get3A_1372 = arith.constant 0 : i32
          %get3A_1373 = arith.index_cast %get3A_1372 : i32 to index
          %get3A_1374 = arith.index_cast %add3A_1371 : i32 to index
          %get3A_1375 = tpu.vector_load %arg12[%get3A_1373, %get3A_1374] {strides = array<i32>} : memref<5x320xf32, #tpu.memory_space<vmem>>, vector<16xf32>,
          %get3A_1376 = arith.constant 1 : i32
          %get3A_1377 = arith.index_cast %get3A_1376 : i32 to index
          %get3A_1378 = arith.index_cast %add3A_1371 : i32 to index
          %get3A_1379 = tpu.vector_load %arg12[%get3A_1377, %get3A_1378] {strides = array<i32>} : memref<5x320xf32, #tpu.memory_space<vmem>>, vector<16xf32>,
          %get3A_1380 = arith.constant 2 : i32
          %get3A_1381 = arith.index_cast %get3A_1380 : i32 to index
          %get3A_1382 = arith.index_cast %add3A_1371 : i32 to index
          %get3A_1383 = tpu.vector_load %arg12[%get3A_1381, %get3A_1382] {strides = array<i32>} : memref<5x320xf32, #tpu.memory_space<vmem>>, vector<16xf32>,
          %get3A_1384 = arith.constant 3 : i32
          %get3A_1385 = arith.index_cast %get3A_1384 : i32 to index
          %get3A_1386 = arith.index_cast %add3A_1371 : i32 to index
          %get3A_1387 = tpu.vector_load %arg12[%get3A_1385, %get3A_1386] {strides = array<i32>} : memref<5x320xf32, #tpu.memory_space<vmem>>, vector<16xf32>,
          %get3A_1388 = arith.constant 4 : i32
          %get3A_1389 = arith.index_cast %get3A_1388 : i32 to index
          %get3A_1390 = arith.index_cast %add3A_1371 : i32 to index
          %get3A_1391 = tpu.vector_load %arg12[%get3A_1389, %get3A_1390] {strides = array<i32>} : memref<5x320xf32, #tpu.memory_space<vmem>>, vector<16xf32>,
          %max3A_1392 = arith.maximumf %gather3A_493, %get3A_1375 : vector<16xf32>
          %max3A_1393 = arith.maximumf %gather3A_499, %get3A_1379 : vector<16xf32>
          %min3A_1394 = arith.minimumf %gather3A_505, %get3A_1383 : vector<16xf32>
          %min3A_1395 = arith.minimumf %gather3A_511, %get3A_1387 : vector<16xf32>
          %sub3A_1396 = arith.subf %min3A_1394, %max3A_1392 : vector<16xf32>
          %max3A_1397 = arith.constant 0.000000e+00 : f32
          %max3A_1398 = vector.broadcast %max3A_1397 : f32 to vector<16xf32>
          %max3A_1399 = arith.maximumf %sub3A_1396, %max3A_1398 : vector<16xf32>
          %sub3A_1400 = arith.subf %min3A_1395, %max3A_1393 : vector<16xf32>
          %max3A_1401 = arith.constant 0.000000e+00 : f32
          %max3A_1402 = vector.broadcast %max3A_1401 : f32 to vector<16xf32>
          %max3A_1403 = arith.maximumf %sub3A_1400, %max3A_1402 : vector<16xf32>
          %mul3A_1404 = arith.mulf %max3A_1399, %max3A_1403 : vector<16xf32>
          %add3A_1405 = arith.addf %gather3A_512, %get3A_1391 : vector<16xf32>
          %sub3A_1406 = arith.subf %add3A_1405, %mul3A_1404 : vector<16xf32>
          %mul3A_1407 = arith.constant 5.000000e-01 : f32
          %mul3A_1408 = vector.broadcast %mul3A_1407 : f32 to vector<16xf32>
          %mul3A_1409 = arith.mulf %mul3A_1408, %sub3A_1406 : vector<16xf32>
          %gt3A_1410 = arith.cmpf ogt, %mul3A_1404, %mul3A_1409 : vector<16xf32>
          %or3A_1411 = arith.ori %or3A, %gt3A_1410 : vector<16xi1>
          %mul3A_1412 = arith.constant 2 : i32
          %mul3A_1413 = arith.muli %while3A_1276, %mul3A_1412 : i32
          %mul3A_1414 = arith.constant 16 : i32
          %mul3A_1415 = arith.muli %mul3A_1413, %mul3A_1414 : i32
          %add3A_1416 = arith.constant 16 : i32
          %add3A_1417 = arith.addi %mul3A_1415, %add3A_1416 : i32
          %get3A_1418 = arith.constant 0 : i32
          %get3A_1419 = arith.index_cast %get3A_1418 : i32 to index
          %get3A_1420 = arith.index_cast %add3A_1417 : i32 to index
          %get3A_1421 = tpu.vector_load %arg20[%get3A_1419, %get3A_1420] {strides = array<i32>} : memref<5x320xf32, #tpu.memory_space<vmem>>, vector<16xf32>,
          %get3A_1422 = arith.constant 1 : i32
          %get3A_1423 = arith.index_cast %get3A_1422 : i32 to index
          %get3A_1424 = arith.index_cast %add3A_1417 : i32 to index
          %get3A_1425 = tpu.vector_load %arg20[%get3A_1423, %get3A_1424] {strides = array<i32>} : memref<5x320xf32, #tpu.memory_space<vmem>>, vector<16xf32>,
          %get3A_1426 = arith.constant 2 : i32
          %get3A_1427 = arith.index_cast %get3A_1426 : i32 to index
          %get3A_1428 = arith.index_cast %add3A_1417 : i32 to index
          %get3A_1429 = tpu.vector_load %arg20[%get3A_1427, %get3A_1428] {strides = array<i32>} : memref<5x320xf32, #tpu.memory_space<vmem>>, vector<16xf32>,
          %get3A_1430 = arith.constant 3 : i32
          %get3A_1431 = arith.index_cast %get3A_1430 : i32 to index
          %get3A_1432 = arith.index_cast %add3A_1417 : i32 to index
          %get3A_1433 = tpu.vector_load %arg20[%get3A_1431, %get3A_1432] {strides = array<i32>} : memref<5x320xf32, #tpu.memory_space<vmem>>, vector<16xf32>,
          %get3A_1434 = arith.constant 4 : i32
          %get3A_1435 = arith.index_cast %get3A_1434 : i32 to index
          %get3A_1436 = arith.index_cast %add3A_1417 : i32 to index
          %get3A_1437 = tpu.vector_load %arg20[%get3A_1435, %get3A_1436] {strides = array<i32>} : memref<5x320xf32, #tpu.memory_space<vmem>>, vector<16xf32>,
          %max3A_1438 = arith.maximumf %gather3A_956, %get3A_1421 : vector<16xf32>
          %max3A_1439 = arith.maximumf %gather3A_962, %get3A_1425 : vector<16xf32>
          %min3A_1440 = arith.minimumf %gather3A_968, %get3A_1429 : vector<16xf32>
          %min3A_1441 = arith.minimumf %gather3A_974, %get3A_1433 : vector<16xf32>
          %sub3A_1442 = arith.subf %min3A_1440, %max3A_1438 : vector<16xf32>
          %max3A_1443 = arith.constant 0.000000e+00 : f32
          %max3A_1444 = vector.broadcast %max3A_1443 : f32 to vector<16xf32>
          %max3A_1445 = arith.maximumf %sub3A_1442, %max3A_1444 : vector<16xf32>
          %sub3A_1446 = arith.subf %min3A_1441, %max3A_1439 : vector<16xf32>
          %max3A_1447 = arith.constant 0.000000e+00 : f32
          %max3A_1448 = vector.broadcast %max3A_1447 : f32 to vector<16xf32>
          %max3A_1449 = arith.maximumf %sub3A_1446, %max3A_1448 : vector<16xf32>
          %mul3A_1450 = arith.mulf %max3A_1445, %max3A_1449 : vector<16xf32>
          %add3A_1451 = arith.addf %gather3A_975, %get3A_1437 : vector<16xf32>
          %sub3A_1452 = arith.subf %add3A_1451, %mul3A_1450 : vector<16xf32>
          %mul3A_1453 = arith.constant 5.000000e-01 : f32
          %mul3A_1454 = vector.broadcast %mul3A_1453 : f32 to vector<16xf32>
          %mul3A_1455 = arith.mulf %mul3A_1454, %sub3A_1452 : vector<16xf32>
          %gt3A_1456 = arith.cmpf ogt, %mul3A_1450, %mul3A_1455 : vector<16xf32>
          %or3A_1457 = arith.ori %or3A_1365, %gt3A_1456 : vector<16xi1>
          scf.yield %or3A_1411, %or3A_1457 : vector<16xi1>, vector<16xi1>
        }
        %while3A_1098 = arith.constant 1 : i32
        %while3A_1099:2 = scf.for %while3A_1276 = %while3A_1095 to %while3A_1091 step %while3A_1098 iter_args(%while3A_1277 = %while3A_1097#0, %while3A_1278 = %while3A_1097#1) -> (vector<16xi1>, vector<16xi1>)  : i32 {
          %mul3A_1279 = arith.constant 2 : i32
          %mul3A_1280 = arith.muli %while3A_1276, %mul3A_1279 : i32
          %mul3A_1281 = arith.constant 16 : i32
          %mul3A_1282 = arith.muli %mul3A_1280, %mul3A_1281 : i32
          %get3A_1283 = arith.constant 0 : i32
          %get3A_1284 = arith.index_cast %get3A_1283 : i32 to index
          %get3A_1285 = arith.index_cast %mul3A_1282 : i32 to index
          %get3A_1286 = tpu.vector_load %arg12[%get3A_1284, %get3A_1285] {strides = array<i32>} : memref<5x320xf32, #tpu.memory_space<vmem>>, vector<16xf32>,
          %get3A_1287 = arith.constant 1 : i32
          %get3A_1288 = arith.index_cast %get3A_1287 : i32 to index
          %get3A_1289 = arith.index_cast %mul3A_1282 : i32 to index
          %get3A_1290 = tpu.vector_load %arg12[%get3A_1288, %get3A_1289] {strides = array<i32>} : memref<5x320xf32, #tpu.memory_space<vmem>>, vector<16xf32>,
          %get3A_1291 = arith.constant 2 : i32
          %get3A_1292 = arith.index_cast %get3A_1291 : i32 to index
          %get3A_1293 = arith.index_cast %mul3A_1282 : i32 to index
          %get3A_1294 = tpu.vector_load %arg12[%get3A_1292, %get3A_1293] {strides = array<i32>} : memref<5x320xf32, #tpu.memory_space<vmem>>, vector<16xf32>,
          %get3A_1295 = arith.constant 3 : i32
          %get3A_1296 = arith.index_cast %get3A_1295 : i32 to index
          %get3A_1297 = arith.index_cast %mul3A_1282 : i32 to index
          %get3A_1298 = tpu.vector_load %arg12[%get3A_1296, %get3A_1297] {strides = array<i32>} : memref<5x320xf32, #tpu.memory_space<vmem>>, vector<16xf32>,
          %get3A_1299 = arith.constant 4 : i32
          %get3A_1300 = arith.index_cast %get3A_1299 : i32 to index
          %get3A_1301 = arith.index_cast %mul3A_1282 : i32 to index
          %get3A_1302 = tpu.vector_load %arg12[%get3A_1300, %get3A_1301] {strides = array<i32>} : memref<5x320xf32, #tpu.memory_space<vmem>>, vector<16xf32>,
          %max3A_1303 = arith.maximumf %gather3A_493, %get3A_1286 : vector<16xf32>
          %max3A_1304 = arith.maximumf %gather3A_499, %get3A_1290 : vector<16xf32>
          %min3A_1305 = arith.minimumf %gather3A_505, %get3A_1294 : vector<16xf32>
          %min3A_1306 = arith.minimumf %gather3A_511, %get3A_1298 : vector<16xf32>
          %sub3A_1307 = arith.subf %min3A_1305, %max3A_1303 : vector<16xf32>
          %max3A_1308 = arith.constant 0.000000e+00 : f32
          %max3A_1309 = vector.broadcast %max3A_1308 : f32 to vector<16xf32>
          %max3A_1310 = arith.maximumf %sub3A_1307, %max3A_1309 : vector<16xf32>
          %sub3A_1311 = arith.subf %min3A_1306, %max3A_1304 : vector<16xf32>
          %max3A_1312 = arith.constant 0.000000e+00 : f32
          %max3A_1313 = vector.broadcast %max3A_1312 : f32 to vector<16xf32>
          %max3A_1314 = arith.maximumf %sub3A_1311, %max3A_1313 : vector<16xf32>
          %mul3A_1315 = arith.mulf %max3A_1310, %max3A_1314 : vector<16xf32>
          %add3A_1316 = arith.addf %gather3A_512, %get3A_1302 : vector<16xf32>
          %sub3A_1317 = arith.subf %add3A_1316, %mul3A_1315 : vector<16xf32>
          %mul3A_1318 = arith.constant 5.000000e-01 : f32
          %mul3A_1319 = vector.broadcast %mul3A_1318 : f32 to vector<16xf32>
          %mul3A_1320 = arith.mulf %mul3A_1319, %sub3A_1317 : vector<16xf32>
          %gt3A_1321 = arith.cmpf ogt, %mul3A_1315, %mul3A_1320 : vector<16xf32>
          %or3A = arith.ori %while3A_1277, %gt3A_1321 : vector<16xi1>
          %mul3A_1322 = arith.constant 2 : i32
          %mul3A_1323 = arith.muli %while3A_1276, %mul3A_1322 : i32
          %mul3A_1324 = arith.constant 16 : i32
          %mul3A_1325 = arith.muli %mul3A_1323, %mul3A_1324 : i32
          %get3A_1326 = arith.constant 0 : i32
          %get3A_1327 = arith.index_cast %get3A_1326 : i32 to index
          %get3A_1328 = arith.index_cast %mul3A_1325 : i32 to index
          %get3A_1329 = tpu.vector_load %arg20[%get3A_1327, %get3A_1328] {strides = array<i32>} : memref<5x320xf32, #tpu.memory_space<vmem>>, vector<16xf32>,
          %get3A_1330 = arith.constant 1 : i32
          %get3A_1331 = arith.index_cast %get3A_1330 : i32 to index
          %get3A_1332 = arith.index_cast %mul3A_1325 : i32 to index
          %get3A_1333 = tpu.vector_load %arg20[%get3A_1331, %get3A_1332] {strides = array<i32>} : memref<5x320xf32, #tpu.memory_space<vmem>>, vector<16xf32>,
          %get3A_1334 = arith.constant 2 : i32
          %get3A_1335 = arith.index_cast %get3A_1334 : i32 to index
          %get3A_1336 = arith.index_cast %mul3A_1325 : i32 to index
          %get3A_1337 = tpu.vector_load %arg20[%get3A_1335, %get3A_1336] {strides = array<i32>} : memref<5x320xf32, #tpu.memory_space<vmem>>, vector<16xf32>,
          %get3A_1338 = arith.constant 3 : i32
          %get3A_1339 = arith.index_cast %get3A_1338 : i32 to index
          %get3A_1340 = arith.index_cast %mul3A_1325 : i32 to index
          %get3A_1341 = tpu.vector_load %arg20[%get3A_1339, %get3A_1340] {strides = array<i32>} : memref<5x320xf32, #tpu.memory_space<vmem>>, vector<16xf32>,
          %get3A_1342 = arith.constant 4 : i32
          %get3A_1343 = arith.index_cast %get3A_1342 : i32 to index
          %get3A_1344 = arith.index_cast %mul3A_1325 : i32 to index
          %get3A_1345 = tpu.vector_load %arg20[%get3A_1343, %get3A_1344] {strides = array<i32>} : memref<5x320xf32, #tpu.memory_space<vmem>>, vector<16xf32>,
          %max3A_1346 = arith.maximumf %gather3A_956, %get3A_1329 : vector<16xf32>
          %max3A_1347 = arith.maximumf %gather3A_962, %get3A_1333 : vector<16xf32>
          %min3A_1348 = arith.minimumf %gather3A_968, %get3A_1337 : vector<16xf32>
          %min3A_1349 = arith.minimumf %gather3A_974, %get3A_1341 : vector<16xf32>
          %sub3A_1350 = arith.subf %min3A_1348, %max3A_1346 : vector<16xf32>
          %max3A_1351 = arith.constant 0.000000e+00 : f32
          %max3A_1352 = vector.broadcast %max3A_1351 : f32 to vector<16xf32>
          %max3A_1353 = arith.maximumf %sub3A_1350, %max3A_1352 : vector<16xf32>
          %sub3A_1354 = arith.subf %min3A_1349, %max3A_1347 : vector<16xf32>
          %max3A_1355 = arith.constant 0.000000e+00 : f32
          %max3A_1356 = vector.broadcast %max3A_1355 : f32 to vector<16xf32>
          %max3A_1357 = arith.maximumf %sub3A_1354, %max3A_1356 : vector<16xf32>
          %mul3A_1358 = arith.mulf %max3A_1353, %max3A_1357 : vector<16xf32>
          %add3A_1359 = arith.addf %gather3A_975, %get3A_1345 : vector<16xf32>
          %sub3A_1360 = arith.subf %add3A_1359, %mul3A_1358 : vector<16xf32>
          %mul3A_1361 = arith.constant 5.000000e-01 : f32
          %mul3A_1362 = vector.broadcast %mul3A_1361 : f32 to vector<16xf32>
          %mul3A_1363 = arith.mulf %mul3A_1362, %sub3A_1360 : vector<16xf32>
          %gt3A_1364 = arith.cmpf ogt, %mul3A_1358, %mul3A_1363 : vector<16xf32>
          %or3A_1365 = arith.ori %while3A_1278, %gt3A_1364 : vector<16xi1>
          %mul3A_1366 = arith.constant 2 : i32
          %mul3A_1367 = arith.muli %while3A_1276, %mul3A_1366 : i32
          %mul3A_1368 = arith.constant 16 : i32
          %mul3A_1369 = arith.muli %mul3A_1367, %mul3A_1368 : i32
          %add3A_1370 = arith.constant 16 : i32
          %add3A_1371 = arith.addi %mul3A_1369, %add3A_1370 : i32
          %get3A_1372 = arith.constant 0 : i32
          %get3A_1373 = arith.index_cast %get3A_1372 : i32 to index
          %get3A_1374 = arith.index_cast %add3A_1371 : i32 to index
          %get3A_1375 = tpu.vector_load %arg12[%get3A_1373, %get3A_1374] {strides = array<i32>} : memref<5x320xf32, #tpu.memory_space<vmem>>, vector<16xf32>,
          %get3A_1376 = arith.constant 1 : i32
          %get3A_1377 = arith.index_cast %get3A_1376 : i32 to index
          %get3A_1378 = arith.index_cast %add3A_1371 : i32 to index
          %get3A_1379 = tpu.vector_load %arg12[%get3A_1377, %get3A_1378] {strides = array<i32>} : memref<5x320xf32, #tpu.memory_space<vmem>>, vector<16xf32>,
          %get3A_1380 = arith.constant 2 : i32
          %get3A_1381 = arith.index_cast %get3A_1380 : i32 to index
          %get3A_1382 = arith.index_cast %add3A_1371 : i32 to index
          %get3A_1383 = tpu.vector_load %arg12[%get3A_1381, %get3A_1382] {strides = array<i32>} : memref<5x320xf32, #tpu.memory_space<vmem>>, vector<16xf32>,
          %get3A_1384 = arith.constant 3 : i32
          %get3A_1385 = arith.index_cast %get3A_1384 : i32 to index
          %get3A_1386 = arith.index_cast %add3A_1371 : i32 to index
          %get3A_1387 = tpu.vector_load %arg12[%get3A_1385, %get3A_1386] {strides = array<i32>} : memref<5x320xf32, #tpu.memory_space<vmem>>, vector<16xf32>,
          %get3A_1388 = arith.constant 4 : i32
          %get3A_1389 = arith.index_cast %get3A_1388 : i32 to index
          %get3A_1390 = arith.index_cast %add3A_1371 : i32 to index
          %get3A_1391 = tpu.vector_load %arg12[%get3A_1389, %get3A_1390] {strides = array<i32>} : memref<5x320xf32, #tpu.memory_space<vmem>>, vector<16xf32>,
          %max3A_1392 = arith.maximumf %gather3A_493, %get3A_1375 : vector<16xf32>
          %max3A_1393 = arith.maximumf %gather3A_499, %get3A_1379 : vector<16xf32>
          %min3A_1394 = arith.minimumf %gather3A_505, %get3A_1383 : vector<16xf32>
          %min3A_1395 = arith.minimumf %gather3A_511, %get3A_1387 : vector<16xf32>
          %sub3A_1396 = arith.subf %min3A_1394, %max3A_1392 : vector<16xf32>
          %max3A_1397 = arith.constant 0.000000e+00 : f32
          %max3A_1398 = vector.broadcast %max3A_1397 : f32 to vector<16xf32>
          %max3A_1399 = arith.maximumf %sub3A_1396, %max3A_1398 : vector<16xf32>
          %sub3A_1400 = arith.subf %min3A_1395, %max3A_1393 : vector<16xf32>
          %max3A_1401 = arith.constant 0.000000e+00 : f32
          %max3A_1402 = vector.broadcast %max3A_1401 : f32 to vector<16xf32>
          %max3A_1403 = arith.maximumf %sub3A_1400, %max3A_1402 : vector<16xf32>
          %mul3A_1404 = arith.mulf %max3A_1399, %max3A_1403 : vector<16xf32>
          %add3A_1405 = arith.addf %gather3A_512, %get3A_1391 : vector<16xf32>
          %sub3A_1406 = arith.subf %add3A_1405, %mul3A_1404 : vector<16xf32>
          %mul3A_1407 = arith.constant 5.000000e-01 : f32
          %mul3A_1408 = vector.broadcast %mul3A_1407 : f32 to vector<16xf32>
          %mul3A_1409 = arith.mulf %mul3A_1408, %sub3A_1406 : vector<16xf32>
          %gt3A_1410 = arith.cmpf ogt, %mul3A_1404, %mul3A_1409 : vector<16xf32>
          %or3A_1411 = arith.ori %or3A, %gt3A_1410 : vector<16xi1>
          %mul3A_1412 = arith.constant 2 : i32
          %mul3A_1413 = arith.muli %while3A_1276, %mul3A_1412 : i32
          %mul3A_1414 = arith.constant 16 : i32
          %mul3A_1415 = arith.muli %mul3A_1413, %mul3A_1414 : i32
          %add3A_1416 = arith.constant 16 : i32
          %add3A_1417 = arith.addi %mul3A_1415, %add3A_1416 : i32
          %get3A_1418 = arith.constant 0 : i32
          %get3A_1419 = arith.index_cast %get3A_1418 : i32 to index
          %get3A_1420 = arith.index_cast %add3A_1417 : i32 to index
          %get3A_1421 = tpu.vector_load %arg20[%get3A_1419, %get3A_1420] {strides = array<i32>} : memref<5x320xf32, #tpu.memory_space<vmem>>, vector<16xf32>,
          %get3A_1422 = arith.constant 1 : i32
          %get3A_1423 = arith.index_cast %get3A_1422 : i32 to index
          %get3A_1424 = arith.index_cast %add3A_1417 : i32 to index
          %get3A_1425 = tpu.vector_load %arg20[%get3A_1423, %get3A_1424] {strides = array<i32>} : memref<5x320xf32, #tpu.memory_space<vmem>>, vector<16xf32>,
          %get3A_1426 = arith.constant 2 : i32
          %get3A_1427 = arith.index_cast %get3A_1426 : i32 to index
          %get3A_1428 = arith.index_cast %add3A_1417 : i32 to index
          %get3A_1429 = tpu.vector_load %arg20[%get3A_1427, %get3A_1428] {strides = array<i32>} : memref<5x320xf32, #tpu.memory_space<vmem>>, vector<16xf32>,
          %get3A_1430 = arith.constant 3 : i32
          %get3A_1431 = arith.index_cast %get3A_1430 : i32 to index
          %get3A_1432 = arith.index_cast %add3A_1417 : i32 to index
          %get3A_1433 = tpu.vector_load %arg20[%get3A_1431, %get3A_1432] {strides = array<i32>} : memref<5x320xf32, #tpu.memory_space<vmem>>, vector<16xf32>,
          %get3A_1434 = arith.constant 4 : i32
          %get3A_1435 = arith.index_cast %get3A_1434 : i32 to index
          %get3A_1436 = arith.index_cast %add3A_1417 : i32 to index
          %get3A_1437 = tpu.vector_load %arg20[%get3A_1435, %get3A_1436] {strides = array<i32>} : memref<5x320xf32, #tpu.memory_space<vmem>>, vector<16xf32>,
          %max3A_1438 = arith.maximumf %gather3A_956, %get3A_1421 : vector<16xf32>
          %max3A_1439 = arith.maximumf %gather3A_962, %get3A_1425 : vector<16xf32>
          %min3A_1440 = arith.minimumf %gather3A_968, %get3A_1429 : vector<16xf32>
          %min3A_1441 = arith.minimumf %gather3A_974, %get3A_1433 : vector<16xf32>
          %sub3A_1442 = arith.subf %min3A_1440, %max3A_1438 : vector<16xf32>
          %max3A_1443 = arith.constant 0.000000e+00 : f32
          %max3A_1444 = vector.broadcast %max3A_1443 : f32 to vector<16xf32>
          %max3A_1445 = arith.maximumf %sub3A_1442, %max3A_1444 : vector<16xf32>
          %sub3A_1446 = arith.subf %min3A_1441, %max3A_1439 : vector<16xf32>
          %max3A_1447 = arith.constant 0.000000e+00 : f32
          %max3A_1448 = vector.broadcast %max3A_1447 : f32 to vector<16xf32>
          %max3A_1449 = arith.maximumf %sub3A_1446, %max3A_1448 : vector<16xf32>
          %mul3A_1450 = arith.mulf %max3A_1445, %max3A_1449 : vector<16xf32>
          %add3A_1451 = arith.addf %gather3A_975, %get3A_1437 : vector<16xf32>
          %sub3A_1452 = arith.subf %add3A_1451, %mul3A_1450 : vector<16xf32>
          %mul3A_1453 = arith.constant 5.000000e-01 : f32
          %mul3A_1454 = vector.broadcast %mul3A_1453 : f32 to vector<16xf32>
          %mul3A_1455 = arith.mulf %mul3A_1454, %sub3A_1452 : vector<16xf32>
          %gt3A_1456 = arith.cmpf ogt, %mul3A_1450, %mul3A_1455 : vector<16xf32>
          %or3A_1457 = arith.ori %or3A_1365, %gt3A_1456 : vector<16xi1>
          scf.yield %or3A_1411, %or3A_1457 : vector<16xi1>, vector<16xi1>
        }
        %all_reduce_population_count3A = tpu.all_reduce %while3A_1099#0 {dim = 0 : i64, kind = #tpu.reduction_kind<sum>} : vector<16xi1> -> vector<16xi32>
        %gt3A_1100 = arith.constant 0 : i32
        %gt3A_1101 = vector.broadcast %gt3A_1100 : i32 to vector<16xi32>
        %gt3A_1102 = arith.cmpi sgt, %all_reduce_population_count3A, %gt3A_1101 : vector<16xi32>
        %all_reduce_population_count3A_1103 = tpu.all_reduce %while3A_1099#1 {dim = 0 : i64, kind = #tpu.reduction_kind<sum>} : vector<16xi1> -> vector<16xi32>
        %gt3A_1104 = arith.constant 0 : i32
        %gt3A_1105 = vector.broadcast %gt3A_1104 : i32 to vector<16xi32>
        %gt3A_1106 = arith.cmpi sgt, %all_reduce_population_count3A_1103, %gt3A_1105 : vector<16xi32>
        %not3A_1107 = arith.constant dense<true> : vector<16xi1>
        %not3A_1108 = arith.xori %gt3A_1102, %not3A_1107 : vector<16xi1>
        %and3A_1109 = arith.andi %gt3A_480, %not3A_1108 : vector<16xi1>
        %broadcast_in_dim3A_1110 = arith.constant 0 : i32
        %broadcast_in_dim3A_1111 = vector.broadcast %broadcast_in_dim3A_1110 : i32 to vector<16xi32>
        %add3A_1112 = vector.broadcast %select_n3A_113 : i32 to vector<16xi32>
        %add3A_1113 = arith.addi %broadcast_in_dim3A_1111, %add3A_1112 : vector<16xi32>
        %gt3A_1114 = arith.constant 0 : i32
        %gt3A_1115 = vector.broadcast %gt3A_1114 : i32 to vector<16xi32>
        %gt3A_1116 = arith.cmpi sgt, %add3A_1113, %gt3A_1115 : vector<16xi32>
        %and3A_1117 = arith.andi %eq3A_2, %and3A_1109 : vector<16xi1>
        %not3A_1118 = arith.constant dense<true> : vector<16xi1>
        %not3A_1119 = arith.xori %gt3A_1116, %not3A_1118 : vector<16xi1>
        %and3A_1120 = arith.andi %and3A_1117, %not3A_1119 : vector<16xi1>
        %broadcast_in_dim3A_1121 = arith.constant 0 : i32
        %broadcast_in_dim3A_1122 = vector.broadcast %broadcast_in_dim3A_1121 : i32 to vector<16xi32>
        %add3A_1123 = vector.broadcast %while3A_102 : i32 to vector<16xi32>
        %add3A_1124 = arith.addi %broadcast_in_dim3A_1122, %add3A_1123 : vector<16xi32>
        %broadcast_in_dim3A_1125 = arith.constant 0 : i32
        %broadcast_in_dim3A_1126 = vector.broadcast %broadcast_in_dim3A_1125 : i32 to vector<16xi32>
        tpu.vector_store_idx %arg12[%broadcast_in_dim3A_1126, %add3A_1124], %gather3A_493 masked %and3A_1120 : memref<5x320xf32, #tpu.memory_space<vmem>>[vector<16xi32>, vector<16xi32>], vector<16xf32>, vector<16xi1>
        %broadcast_in_dim3A_1127 = arith.constant 0 : i32
        %broadcast_in_dim3A_1128 = vector.broadcast %broadcast_in_dim3A_1127 : i32 to vector<16xi32>
        %add3A_1129 = arith.constant 1 : i32
        %add3A_1130 = vector.broadcast %add3A_1129 : i32 to vector<16xi32>
        %add3A_1131 = arith.addi %broadcast_in_dim3A_1128, %add3A_1130 : vector<16xi32>
        tpu.vector_store_idx %arg12[%add3A_1131, %add3A_1124], %gather3A_499 masked %and3A_1120 : memref<5x320xf32, #tpu.memory_space<vmem>>[vector<16xi32>, vector<16xi32>], vector<16xf32>, vector<16xi1>
        %broadcast_in_dim3A_1132 = arith.constant 0 : i32
        %broadcast_in_dim3A_1133 = vector.broadcast %broadcast_in_dim3A_1132 : i32 to vector<16xi32>
        %add3A_1134 = arith.constant 2 : i32
        %add3A_1135 = vector.broadcast %add3A_1134 : i32 to vector<16xi32>
        %add3A_1136 = arith.addi %broadcast_in_dim3A_1133, %add3A_1135 : vector<16xi32>
        tpu.vector_store_idx %arg12[%add3A_1136, %add3A_1124], %gather3A_505 masked %and3A_1120 : memref<5x320xf32, #tpu.memory_space<vmem>>[vector<16xi32>, vector<16xi32>], vector<16xf32>, vector<16xi1>
        %broadcast_in_dim3A_1137 = arith.constant 0 : i32
        %broadcast_in_dim3A_1138 = vector.broadcast %broadcast_in_dim3A_1137 : i32 to vector<16xi32>
        %add3A_1139 = arith.constant 3 : i32
        %add3A_1140 = vector.broadcast %add3A_1139 : i32 to vector<16xi32>
        %add3A_1141 = arith.addi %broadcast_in_dim3A_1138, %add3A_1140 : vector<16xi32>
        tpu.vector_store_idx %arg12[%add3A_1141, %add3A_1124], %gather3A_511 masked %and3A_1120 : memref<5x320xf32, #tpu.memory_space<vmem>>[vector<16xi32>, vector<16xi32>], vector<16xf32>, vector<16xi1>
        %broadcast_in_dim3A_1142 = arith.constant 0 : i32
        %broadcast_in_dim3A_1143 = vector.broadcast %broadcast_in_dim3A_1142 : i32 to vector<16xi32>
        %add3A_1144 = arith.constant 4 : i32
        %add3A_1145 = vector.broadcast %add3A_1144 : i32 to vector<16xi32>
        %add3A_1146 = arith.addi %broadcast_in_dim3A_1143, %add3A_1145 : vector<16xi32>
        tpu.vector_store_idx %arg12[%add3A_1146, %add3A_1124], %gather3A_512 masked %and3A_1120 : memref<5x320xf32, #tpu.memory_space<vmem>>[vector<16xi32>, vector<16xi32>], vector<16xf32>, vector<16xi1>
        %broadcast_in_dim3A_1147 = arith.constant 0 : i32
        %broadcast_in_dim3A_1148 = vector.broadcast %broadcast_in_dim3A_1147 : i32 to vector<16xi32>
        %add3A_1149 = vector.broadcast %while3A_101 : i32 to vector<16xi32>
        %add3A_1150 = arith.addi %broadcast_in_dim3A_1148, %add3A_1149 : vector<16xi32>
        tpu.vector_store_idx %arg13[%add3A_1150], %add3A_490 masked %and3A_1120 : memref<304xi32, #tpu.memory_space<vmem>>[vector<16xi32>], vector<16xi32>, vector<16xi1>
        %broadcast_in_dim3A_1151 = arith.constant 0 : i32
        %broadcast_in_dim3A_1152 = vector.broadcast %broadcast_in_dim3A_1151 : i32 to vector<16xi32>
        %add3A_1153 = vector.broadcast %while3A_101 : i32 to vector<16xi32>
        %add3A_1154 = arith.addi %broadcast_in_dim3A_1152, %add3A_1153 : vector<16xi32>
        tpu.vector_store_idx %arg14[%add3A_1154], %max3A_397 masked %and3A_1120 : memref<304xf32, #tpu.memory_space<vmem>>[vector<16xi32>], vector<16xf32>, vector<16xi1>
        %reduce_or3A = arith.constant 1.000000e+00 : f32
        %reduce_or3A_1155 = arith.constant 0.000000e+00 : f32
        %reduce_or3A_1156 = vector.broadcast %reduce_or3A : f32 to vector<16xf32>
        %reduce_or3A_1157 = vector.broadcast %reduce_or3A_1155 : f32 to vector<16xf32>
        %reduce_or3A_1158 = arith.select %and3A_1109, %reduce_or3A_1156, %reduce_or3A_1157 : vector<16xi1>, vector<16xf32>
        %reduce_or3A_1159 = arith.constant true
        %reduce_or3A_1160 = vector.broadcast %reduce_or3A_1159 : i1 to vector<16xi1>
        %reduce_or3A_1161 = tpu.scan <max>, %reduce_or3A_1158 masked %reduce_or3A_1160 : vector<16xf32>, vector<16xi1> -> vector<16xf32>
        %reduce_or3A_1162 = vector.extract %reduce_or3A_1161[15] : f32 from vector<16xf32>
        %reduce_or3A_1163 = arith.constant 0.000000e+00 : f32
        %reduce_or3A_1164 = arith.cmpf ogt, %reduce_or3A_1162, %reduce_or3A_1163 : f32
        %reduce_or3A_1165 = arith.constant 1.000000e+00 : f32
        %reduce_or3A_1166 = arith.constant 0.000000e+00 : f32
        %reduce_or3A_1167 = vector.broadcast %reduce_or3A_1165 : f32 to vector<16xf32>
        %reduce_or3A_1168 = vector.broadcast %reduce_or3A_1166 : f32 to vector<16xf32>
        %reduce_or3A_1169 = arith.select %gt3A_480, %reduce_or3A_1167, %reduce_or3A_1168 : vector<16xi1>, vector<16xf32>
        %reduce_or3A_1170 = arith.constant true
        %reduce_or3A_1171 = vector.broadcast %reduce_or3A_1170 : i1 to vector<16xi1>
        %reduce_or3A_1172 = tpu.scan <max>, %reduce_or3A_1169 masked %reduce_or3A_1171 : vector<16xf32>, vector<16xi1> -> vector<16xf32>
        %reduce_or3A_1173 = vector.extract %reduce_or3A_1172[15] : f32 from vector<16xf32>
        %reduce_or3A_1174 = arith.constant 0.000000e+00 : f32
        %reduce_or3A_1175 = arith.cmpf ogt, %reduce_or3A_1173, %reduce_or3A_1174 : f32
        %not3A_1176 = arith.constant dense<true> : vector<16xi1>
        %not3A_1177 = arith.xori %gt3A_1106, %not3A_1176 : vector<16xi1>
        %and3A_1178 = arith.andi %gt3A_942, %not3A_1177 : vector<16xi1>
        %broadcast_in_dim3A_1179 = arith.constant 0 : i32
        %broadcast_in_dim3A_1180 = vector.broadcast %broadcast_in_dim3A_1179 : i32 to vector<16xi32>
        %add3A_1181 = vector.broadcast %select_n3A_121 : i32 to vector<16xi32>
        %add3A_1182 = arith.addi %broadcast_in_dim3A_1180, %add3A_1181 : vector<16xi32>
        %gt3A_1183 = arith.constant 0 : i32
        %gt3A_1184 = vector.broadcast %gt3A_1183 : i32 to vector<16xi32>
        %gt3A_1185 = arith.cmpi sgt, %add3A_1182, %gt3A_1184 : vector<16xi32>
        %and3A_1186 = arith.andi %eq3A_2, %and3A_1178 : vector<16xi1>
        %not3A_1187 = arith.constant dense<true> : vector<16xi1>
        %not3A_1188 = arith.xori %gt3A_1185, %not3A_1187 : vector<16xi1>
        %and3A_1189 = arith.andi %and3A_1186, %not3A_1188 : vector<16xi1>
        %broadcast_in_dim3A_1190 = arith.constant 0 : i32
        %broadcast_in_dim3A_1191 = vector.broadcast %broadcast_in_dim3A_1190 : i32 to vector<16xi32>
        %add3A_1192 = vector.broadcast %while3A_105 : i32 to vector<16xi32>
        %add3A_1193 = arith.addi %broadcast_in_dim3A_1191, %add3A_1192 : vector<16xi32>
        %broadcast_in_dim3A_1194 = arith.constant 0 : i32
        %broadcast_in_dim3A_1195 = vector.broadcast %broadcast_in_dim3A_1194 : i32 to vector<16xi32>
        tpu.vector_store_idx %arg20[%broadcast_in_dim3A_1195, %add3A_1193], %gather3A_956 masked %and3A_1189 : memref<5x320xf32, #tpu.memory_space<vmem>>[vector<16xi32>, vector<16xi32>], vector<16xf32>, vector<16xi1>
        %broadcast_in_dim3A_1196 = arith.constant 0 : i32
        %broadcast_in_dim3A_1197 = vector.broadcast %broadcast_in_dim3A_1196 : i32 to vector<16xi32>
        %add3A_1198 = arith.constant 1 : i32
        %add3A_1199 = vector.broadcast %add3A_1198 : i32 to vector<16xi32>
        %add3A_1200 = arith.addi %broadcast_in_dim3A_1197, %add3A_1199 : vector<16xi32>
        tpu.vector_store_idx %arg20[%add3A_1200, %add3A_1193], %gather3A_962 masked %and3A_1189 : memref<5x320xf32, #tpu.memory_space<vmem>>[vector<16xi32>, vector<16xi32>], vector<16xf32>, vector<16xi1>
        %broadcast_in_dim3A_1201 = arith.constant 0 : i32
        %broadcast_in_dim3A_1202 = vector.broadcast %broadcast_in_dim3A_1201 : i32 to vector<16xi32>
        %add3A_1203 = arith.constant 2 : i32
        %add3A_1204 = vector.broadcast %add3A_1203 : i32 to vector<16xi32>
        %add3A_1205 = arith.addi %broadcast_in_dim3A_1202, %add3A_1204 : vector<16xi32>
        tpu.vector_store_idx %arg20[%add3A_1205, %add3A_1193], %gather3A_968 masked %and3A_1189 : memref<5x320xf32, #tpu.memory_space<vmem>>[vector<16xi32>, vector<16xi32>], vector<16xf32>, vector<16xi1>
        %broadcast_in_dim3A_1206 = arith.constant 0 : i32
        %broadcast_in_dim3A_1207 = vector.broadcast %broadcast_in_dim3A_1206 : i32 to vector<16xi32>
        %add3A_1208 = arith.constant 3 : i32
        %add3A_1209 = vector.broadcast %add3A_1208 : i32 to vector<16xi32>
        %add3A_1210 = arith.addi %broadcast_in_dim3A_1207, %add3A_1209 : vector<16xi32>
        tpu.vector_store_idx %arg20[%add3A_1210, %add3A_1193], %gather3A_974 masked %and3A_1189 : memref<5x320xf32, #tpu.memory_space<vmem>>[vector<16xi32>, vector<16xi32>], vector<16xf32>, vector<16xi1>
        %broadcast_in_dim3A_1211 = arith.constant 0 : i32
        %broadcast_in_dim3A_1212 = vector.broadcast %broadcast_in_dim3A_1211 : i32 to vector<16xi32>
        %add3A_1213 = arith.constant 4 : i32
        %add3A_1214 = vector.broadcast %add3A_1213 : i32 to vector<16xi32>
        %add3A_1215 = arith.addi %broadcast_in_dim3A_1212, %add3A_1214 : vector<16xi32>
        tpu.vector_store_idx %arg20[%add3A_1215, %add3A_1193], %gather3A_975 masked %and3A_1189 : memref<5x320xf32, #tpu.memory_space<vmem>>[vector<16xi32>, vector<16xi32>], vector<16xf32>, vector<16xi1>
        %broadcast_in_dim3A_1216 = arith.constant 0 : i32
        %broadcast_in_dim3A_1217 = vector.broadcast %broadcast_in_dim3A_1216 : i32 to vector<16xi32>
        %add3A_1218 = vector.broadcast %while3A_104 : i32 to vector<16xi32>
        %add3A_1219 = arith.addi %broadcast_in_dim3A_1217, %add3A_1218 : vector<16xi32>
        tpu.vector_store_idx %arg21[%add3A_1219], %add3A_953 masked %and3A_1189 : memref<304xi32, #tpu.memory_space<vmem>>[vector<16xi32>], vector<16xi32>, vector<16xi1>
        %broadcast_in_dim3A_1220 = arith.constant 0 : i32
        %broadcast_in_dim3A_1221 = vector.broadcast %broadcast_in_dim3A_1220 : i32 to vector<16xi32>
        %add3A_1222 = vector.broadcast %while3A_104 : i32 to vector<16xi32>
        %add3A_1223 = arith.addi %broadcast_in_dim3A_1221, %add3A_1222 : vector<16xi32>
        tpu.vector_store_idx %arg22[%add3A_1223], %max3A_859 masked %and3A_1189 : memref<304xf32, #tpu.memory_space<vmem>>[vector<16xi32>], vector<16xf32>, vector<16xi1>
        %reduce_or3A_1224 = arith.constant 1.000000e+00 : f32
        %reduce_or3A_1225 = arith.constant 0.000000e+00 : f32
        %reduce_or3A_1226 = vector.broadcast %reduce_or3A_1224 : f32 to vector<16xf32>
        %reduce_or3A_1227 = vector.broadcast %reduce_or3A_1225 : f32 to vector<16xf32>
        %reduce_or3A_1228 = arith.select %and3A_1178, %reduce_or3A_1226, %reduce_or3A_1227 : vector<16xi1>, vector<16xf32>
        %reduce_or3A_1229 = arith.constant true
        %reduce_or3A_1230 = vector.broadcast %reduce_or3A_1229 : i1 to vector<16xi1>
        %reduce_or3A_1231 = tpu.scan <max>, %reduce_or3A_1228 masked %reduce_or3A_1230 : vector<16xf32>, vector<16xi1> -> vector<16xf32>
        %reduce_or3A_1232 = vector.extract %reduce_or3A_1231[15] : f32 from vector<16xf32>
        %reduce_or3A_1233 = arith.constant 0.000000e+00 : f32
        %reduce_or3A_1234 = arith.cmpf ogt, %reduce_or3A_1232, %reduce_or3A_1233 : f32
        %reduce_or3A_1235 = arith.constant 1.000000e+00 : f32
        %reduce_or3A_1236 = arith.constant 0.000000e+00 : f32
        %reduce_or3A_1237 = vector.broadcast %reduce_or3A_1235 : f32 to vector<16xf32>
        %reduce_or3A_1238 = vector.broadcast %reduce_or3A_1236 : f32 to vector<16xf32>
        %reduce_or3A_1239 = arith.select %gt3A_942, %reduce_or3A_1237, %reduce_or3A_1238 : vector<16xi1>, vector<16xf32>
        %reduce_or3A_1240 = arith.constant true
        %reduce_or3A_1241 = vector.broadcast %reduce_or3A_1240 : i1 to vector<16xi1>
        %reduce_or3A_1242 = tpu.scan <max>, %reduce_or3A_1239 masked %reduce_or3A_1241 : vector<16xf32>, vector<16xi1> -> vector<16xf32>
        %reduce_or3A_1243 = vector.extract %reduce_or3A_1242[15] : f32 from vector<16xf32>
        %reduce_or3A_1244 = arith.constant 0.000000e+00 : f32
        %reduce_or3A_1245 = arith.cmpf ogt, %reduce_or3A_1243, %reduce_or3A_1244 : f32
        %eq3A_1246 = arith.constant 0 : i32
        %eq3A_1247 = arith.cmpi eq, %select_n3A_113, %eq3A_1246 : i32
        %and3A_1248 = arith.andi %reduce_or3A_1164, %eq3A_1247 : i1
        %jit3A_1249 = arith.constant 1 : i32
        %jit3A_1250 = arith.constant 0 : i32
        %select_n3A_1251 = arith.select %and3A_1248, %jit3A_1249, %jit3A_1250 : i32
        %eq3A_1252 = arith.constant 0 : i32
        %eq3A_1253 = arith.cmpi eq, %select_n3A_121, %eq3A_1252 : i32
        %and3A_1254 = arith.andi %reduce_or3A_1234, %eq3A_1253 : i1
        %jit3A_1255 = arith.constant 1 : i32
        %jit3A_1256 = arith.constant 0 : i32
        %select_n3A_1257 = arith.select %and3A_1254, %jit3A_1255, %jit3A_1256 : i32
        %eq3A_1258 = arith.constant 0 : i32
        %eq3A_1259 = arith.cmpi eq, %select_n3A_113, %eq3A_1258 : i32
        %not3A_1260 = arith.constant true
        %not3A_1261 = arith.xori %reduce_or3A_1175, %not3A_1260 : i1
        %and3A_1262 = arith.andi %eq3A_1259, %not3A_1261 : i1
        %jit3A_1263 = arith.constant 0 : i32
        %select_n3A_1264 = arith.select %and3A_1262, %jit3A_1263, %while3A_103 : i32
        %eq3A_1265 = arith.constant 0 : i32
        %eq3A_1266 = arith.cmpi eq, %select_n3A_121, %eq3A_1265 : i32
        %not3A_1267 = arith.constant true
        %not3A_1268 = arith.xori %reduce_or3A_1245, %not3A_1267 : i1
        %and3A_1269 = arith.andi %eq3A_1266, %not3A_1268 : i1
        %jit3A_1270 = arith.constant 0 : i32
        %select_n3A_1271 = arith.select %and3A_1269, %jit3A_1270, %while3A_106 : i32
        %add3A_1272 = arith.addi %while3A_101, %select_n3A_1251 : i32
        %add3A_1273 = arith.addi %while3A_102, %select_n3A_1251 : i32
        %add3A_1274 = arith.addi %while3A_104, %select_n3A_1257 : i32
        %add3A_1275 = arith.addi %while3A_105, %select_n3A_1257 : i32
        scf.yield %add3A_1272, %add3A_1273, %select_n3A_1264, %add3A_1274, %add3A_1275, %select_n3A_1271 : i32, i32, i32, i32, i32, i32
      }
      %rem3A_98 = arith.constant 20 : i32
      %rem3A_99 = arith.remsi %add3A_11, %rem3A_98 : i32
      "tpu.region"() ({
        %run_scoped3A = tpu.sem_alloc : memref<!tpu.dma_semaphore, #tpu.memory_space<semaphore_mem>>
        %dma_start3A = arith.constant 0 : i32
        %dma_start3A_101 = tpu.memref_slice %arg23[%rem3A_99, %dma_start3A] : memref<20x304xi32, #tpu.memory_space<vmem_shared>> -> memref<1x304xi32, #tpu.memory_space<vmem_shared>>
        %dma_start3A_102 = tpu.memref_squeeze %dma_start3A_101 : memref<1x304xi32, #tpu.memory_space<vmem_shared>> -> memref<304xi32, #tpu.memory_space<vmem_shared>>
        %dma_start3A_103 = arith.constant 0 : i32
        %dma_start3A_104 = tpu.memref_slice %arg23[%rem3A_99, %dma_start3A_103] : memref<20x304xi32, #tpu.memory_space<vmem_shared>> -> memref<1x304xi32, #tpu.memory_space<vmem_shared>>
        %dma_start3A_105 = tpu.memref_squeeze %dma_start3A_104 : memref<1x304xi32, #tpu.memory_space<vmem_shared>> -> memref<304xi32, #tpu.memory_space<vmem_shared>>
        tpu.enqueue_dma source(%arg21 : memref<304xi32, #tpu.memory_space<vmem>>) target(%dma_start3A_105 : memref<304xi32, #tpu.memory_space<vmem_shared>>) target_semaphore(%run_scoped3A : memref<!tpu.dma_semaphore, #tpu.memory_space<semaphore_mem>>)
        %dma_wait3A = arith.constant 0 : i32
        %dma_wait3A_106 = tpu.memref_slice %arg23[%rem3A_99, %dma_wait3A] : memref<20x304xi32, #tpu.memory_space<vmem_shared>> -> memref<1x304xi32, #tpu.memory_space<vmem_shared>>
        %dma_wait3A_107 = tpu.memref_squeeze %dma_wait3A_106 : memref<1x304xi32, #tpu.memory_space<vmem_shared>> -> memref<304xi32, #tpu.memory_space<vmem_shared>>
        %dma_wait3A_108 = arith.constant 0 : i32
        %dma_wait3A_109 = tpu.memref_slice %arg23[%rem3A_99, %dma_wait3A_108] : memref<20x304xi32, #tpu.memory_space<vmem_shared>> -> memref<1x304xi32, #tpu.memory_space<vmem_shared>>
        %dma_wait3A_110 = tpu.memref_squeeze %dma_wait3A_109 : memref<1x304xi32, #tpu.memory_space<vmem_shared>> -> memref<304xi32, #tpu.memory_space<vmem_shared>>
        tpu.wait_dma2 semaphore(%run_scoped3A : memref<!tpu.dma_semaphore, #tpu.memory_space<semaphore_mem>>) src(%arg21 : memref<304xi32, #tpu.memory_space<vmem>>) dst(%dma_wait3A_110 : memref<304xi32, #tpu.memory_space<vmem_shared>>)
        tpu.yield
      }) : () -> ()
      "tpu.region"() ({
        %run_scoped3A = tpu.sem_alloc : memref<!tpu.dma_semaphore, #tpu.memory_space<semaphore_mem>>
        %dma_start3A = arith.constant 0 : i32
        %dma_start3A_101 = tpu.memref_slice %arg24[%rem3A_99, %dma_start3A] : memref<20x304xf32, #tpu.memory_space<vmem_shared>> -> memref<1x304xf32, #tpu.memory_space<vmem_shared>>
        %dma_start3A_102 = tpu.memref_squeeze %dma_start3A_101 : memref<1x304xf32, #tpu.memory_space<vmem_shared>> -> memref<304xf32, #tpu.memory_space<vmem_shared>>
        %dma_start3A_103 = arith.constant 0 : i32
        %dma_start3A_104 = tpu.memref_slice %arg24[%rem3A_99, %dma_start3A_103] : memref<20x304xf32, #tpu.memory_space<vmem_shared>> -> memref<1x304xf32, #tpu.memory_space<vmem_shared>>
        %dma_start3A_105 = tpu.memref_squeeze %dma_start3A_104 : memref<1x304xf32, #tpu.memory_space<vmem_shared>> -> memref<304xf32, #tpu.memory_space<vmem_shared>>
        tpu.enqueue_dma source(%arg22 : memref<304xf32, #tpu.memory_space<vmem>>) target(%dma_start3A_105 : memref<304xf32, #tpu.memory_space<vmem_shared>>) target_semaphore(%run_scoped3A : memref<!tpu.dma_semaphore, #tpu.memory_space<semaphore_mem>>)
        %dma_wait3A = arith.constant 0 : i32
        %dma_wait3A_106 = tpu.memref_slice %arg24[%rem3A_99, %dma_wait3A] : memref<20x304xf32, #tpu.memory_space<vmem_shared>> -> memref<1x304xf32, #tpu.memory_space<vmem_shared>>
        %dma_wait3A_107 = tpu.memref_squeeze %dma_wait3A_106 : memref<1x304xf32, #tpu.memory_space<vmem_shared>> -> memref<304xf32, #tpu.memory_space<vmem_shared>>
        %dma_wait3A_108 = arith.constant 0 : i32
        %dma_wait3A_109 = tpu.memref_slice %arg24[%rem3A_99, %dma_wait3A_108] : memref<20x304xf32, #tpu.memory_space<vmem_shared>> -> memref<1x304xf32, #tpu.memory_space<vmem_shared>>
        %dma_wait3A_110 = tpu.memref_squeeze %dma_wait3A_109 : memref<1x304xf32, #tpu.memory_space<vmem_shared>> -> memref<304xf32, #tpu.memory_space<vmem_shared>>
        tpu.wait_dma2 semaphore(%run_scoped3A : memref<!tpu.dma_semaphore, #tpu.memory_space<semaphore_mem>>) src(%arg22 : memref<304xf32, #tpu.memory_space<vmem>>) dst(%dma_wait3A_110 : memref<304xf32, #tpu.memory_space<vmem_shared>>)
        tpu.yield
      }) : () -> ()
      %cond3A_100 = arith.constant 0 : i32
      scf.yield %cond3A_100 : i32
    } else {
      %while3A = arith.constant 0 : i32
      %while3A_54 = arith.constant 0 : i32
      %while3A_55 = arith.constant 1 : i32
      %while3A_56:3 = scf.while (%while3A_58 = %while3A, %while3A_59 = %while3A_54, %while3A_60 = %while3A_55) : (i32, i32, i32) -> (i32, i32, i32) {
        %lt3A_61 = arith.constant 300 : i32
        %lt3A_62 = arith.cmpi slt, %while3A_58, %lt3A_61 : i32
        %gt3A = arith.constant 0 : i32
        %gt3A_63 = arith.cmpi sgt, %while3A_60, %gt3A : i32
        %and3A_64 = arith.andi %lt3A_62, %gt3A_63 : i1
        scf.condition(%and3A_64) %while3A_58, %while3A_59, %while3A_60 : i32, i32, i32
      } do {
      ^bb0(%while3A_58: i32, %while3A_59: i32, %while3A_60: i32):
        %broadcast_in_dim3A = arith.constant false
        %broadcast_in_dim3A_61 = vector.broadcast %broadcast_in_dim3A : i1 to vector<16xi1>
        %get3A = arith.constant 0 : index
        %get3A_62 = tpu.vector_load %arg11[%get3A] {strides = array<i32>} : memref<320xf32, #tpu.memory_space<vmem>>, vector<16xf32>,
        %broadcast_in_dim3A_63 = arith.constant 0 : i32
        %broadcast_in_dim3A_64 = vector.broadcast %broadcast_in_dim3A_63 : i32 to vector<16xi32>
        %get3A_65 = arith.constant 16 : index
        %get3A_66 = tpu.vector_load %arg11[%get3A_65] {strides = array<i32>} : memref<320xf32, #tpu.memory_space<vmem>>, vector<16xf32>,
        %gt3A = arith.cmpf ogt, %get3A_66, %get3A_62 : vector<16xf32>
        %select_n3A_67 = arith.select %gt3A, %get3A_66, %get3A_62 : vector<16xi1>, vector<16xf32>
        %broadcast_in_dim3A_68 = arith.constant 0 : i32
        %broadcast_in_dim3A_69 = vector.broadcast %broadcast_in_dim3A_68 : i32 to vector<16xi32>
        %add3A_70 = arith.constant 1 : i32
        %add3A_71 = vector.broadcast %add3A_70 : i32 to vector<16xi32>
        %add3A_72 = arith.addi %broadcast_in_dim3A_69, %add3A_71 : vector<16xi32>
        %select_n3A_73 = arith.select %gt3A, %add3A_72, %broadcast_in_dim3A_64 : vector<16xi1>, vector<16xi32>
        %get3A_74 = arith.constant 32 : index
        %get3A_75 = tpu.vector_load %arg11[%get3A_74] {strides = array<i32>} : memref<320xf32, #tpu.memory_space<vmem>>, vector<16xf32>,
        %gt3A_76 = arith.cmpf ogt, %get3A_75, %select_n3A_67 : vector<16xf32>
        %select_n3A_77 = arith.select %gt3A_76, %get3A_75, %select_n3A_67 : vector<16xi1>, vector<16xf32>
        %broadcast_in_dim3A_78 = arith.constant 0 : i32
        %broadcast_in_dim3A_79 = vector.broadcast %broadcast_in_dim3A_78 : i32 to vector<16xi32>
        %add3A_80 = arith.constant 2 : i32
        %add3A_81 = vector.broadcast %add3A_80 : i32 to vector<16xi32>
        %add3A_82 = arith.addi %broadcast_in_dim3A_79, %add3A_81 : vector<16xi32>
        %select_n3A_83 = arith.select %gt3A_76, %add3A_82, %select_n3A_73 : vector<16xi1>, vector<16xi32>
        %get3A_84 = arith.constant 48 : index
        %get3A_85 = tpu.vector_load %arg11[%get3A_84] {strides = array<i32>} : memref<320xf32, #tpu.memory_space<vmem>>, vector<16xf32>,
        %gt3A_86 = arith.cmpf ogt, %get3A_85, %select_n3A_77 : vector<16xf32>
        %select_n3A_87 = arith.select %gt3A_86, %get3A_85, %select_n3A_77 : vector<16xi1>, vector<16xf32>
        %broadcast_in_dim3A_88 = arith.constant 0 : i32
        %broadcast_in_dim3A_89 = vector.broadcast %broadcast_in_dim3A_88 : i32 to vector<16xi32>
        %add3A_90 = arith.constant 3 : i32
        %add3A_91 = vector.broadcast %add3A_90 : i32 to vector<16xi32>
        %add3A_92 = arith.addi %broadcast_in_dim3A_89, %add3A_91 : vector<16xi32>
        %select_n3A_93 = arith.select %gt3A_86, %add3A_92, %select_n3A_83 : vector<16xi1>, vector<16xi32>
        %get3A_94 = arith.constant 64 : index
        %get3A_95 = tpu.vector_load %arg11[%get3A_94] {strides = array<i32>} : memref<320xf32, #tpu.memory_space<vmem>>, vector<16xf32>,
        %gt3A_96 = arith.cmpf ogt, %get3A_95, %select_n3A_87 : vector<16xf32>
        %select_n3A_97 = arith.select %gt3A_96, %get3A_95, %select_n3A_87 : vector<16xi1>, vector<16xf32>
        %broadcast_in_dim3A_98 = arith.constant 0 : i32
        %broadcast_in_dim3A_99 = vector.broadcast %broadcast_in_dim3A_98 : i32 to vector<16xi32>
        %add3A_100 = arith.constant 4 : i32
        %add3A_101 = vector.broadcast %add3A_100 : i32 to vector<16xi32>
        %add3A_102 = arith.addi %broadcast_in_dim3A_99, %add3A_101 : vector<16xi32>
        %select_n3A_103 = arith.select %gt3A_96, %add3A_102, %select_n3A_93 : vector<16xi1>, vector<16xi32>
        %get3A_104 = arith.constant 80 : index
        %get3A_105 = tpu.vector_load %arg11[%get3A_104] {strides = array<i32>} : memref<320xf32, #tpu.memory_space<vmem>>, vector<16xf32>,
        %gt3A_106 = arith.cmpf ogt, %get3A_105, %select_n3A_97 : vector<16xf32>
        %select_n3A_107 = arith.select %gt3A_106, %get3A_105, %select_n3A_97 : vector<16xi1>, vector<16xf32>
        %broadcast_in_dim3A_108 = arith.constant 0 : i32
        %broadcast_in_dim3A_109 = vector.broadcast %broadcast_in_dim3A_108 : i32 to vector<16xi32>
        %add3A_110 = arith.constant 5 : i32
        %add3A_111 = vector.broadcast %add3A_110 : i32 to vector<16xi32>
        %add3A_112 = arith.addi %broadcast_in_dim3A_109, %add3A_111 : vector<16xi32>
        %select_n3A_113 = arith.select %gt3A_106, %add3A_112, %select_n3A_103 : vector<16xi1>, vector<16xi32>
        %get3A_114 = arith.constant 96 : index
        %get3A_115 = tpu.vector_load %arg11[%get3A_114] {strides = array<i32>} : memref<320xf32, #tpu.memory_space<vmem>>, vector<16xf32>,
        %gt3A_116 = arith.cmpf ogt, %get3A_115, %select_n3A_107 : vector<16xf32>
        %select_n3A_117 = arith.select %gt3A_116, %get3A_115, %select_n3A_107 : vector<16xi1>, vector<16xf32>
        %broadcast_in_dim3A_118 = arith.constant 0 : i32
        %broadcast_in_dim3A_119 = vector.broadcast %broadcast_in_dim3A_118 : i32 to vector<16xi32>
        %add3A_120 = arith.constant 6 : i32
        %add3A_121 = vector.broadcast %add3A_120 : i32 to vector<16xi32>
        %add3A_122 = arith.addi %broadcast_in_dim3A_119, %add3A_121 : vector<16xi32>
        %select_n3A_123 = arith.select %gt3A_116, %add3A_122, %select_n3A_113 : vector<16xi1>, vector<16xi32>
        %get3A_124 = arith.constant 112 : index
        %get3A_125 = tpu.vector_load %arg11[%get3A_124] {strides = array<i32>} : memref<320xf32, #tpu.memory_space<vmem>>, vector<16xf32>,
        %gt3A_126 = arith.cmpf ogt, %get3A_125, %select_n3A_117 : vector<16xf32>
        %select_n3A_127 = arith.select %gt3A_126, %get3A_125, %select_n3A_117 : vector<16xi1>, vector<16xf32>
        %broadcast_in_dim3A_128 = arith.constant 0 : i32
        %broadcast_in_dim3A_129 = vector.broadcast %broadcast_in_dim3A_128 : i32 to vector<16xi32>
        %add3A_130 = arith.constant 7 : i32
        %add3A_131 = vector.broadcast %add3A_130 : i32 to vector<16xi32>
        %add3A_132 = arith.addi %broadcast_in_dim3A_129, %add3A_131 : vector<16xi32>
        %select_n3A_133 = arith.select %gt3A_126, %add3A_132, %select_n3A_123 : vector<16xi1>, vector<16xi32>
        %get3A_134 = arith.constant 128 : index
        %get3A_135 = tpu.vector_load %arg11[%get3A_134] {strides = array<i32>} : memref<320xf32, #tpu.memory_space<vmem>>, vector<16xf32>,
        %gt3A_136 = arith.cmpf ogt, %get3A_135, %select_n3A_127 : vector<16xf32>
        %select_n3A_137 = arith.select %gt3A_136, %get3A_135, %select_n3A_127 : vector<16xi1>, vector<16xf32>
        %broadcast_in_dim3A_138 = arith.constant 0 : i32
        %broadcast_in_dim3A_139 = vector.broadcast %broadcast_in_dim3A_138 : i32 to vector<16xi32>
        %add3A_140 = arith.constant 8 : i32
        %add3A_141 = vector.broadcast %add3A_140 : i32 to vector<16xi32>
        %add3A_142 = arith.addi %broadcast_in_dim3A_139, %add3A_141 : vector<16xi32>
        %select_n3A_143 = arith.select %gt3A_136, %add3A_142, %select_n3A_133 : vector<16xi1>, vector<16xi32>
        %get3A_144 = arith.constant 144 : index
        %get3A_145 = tpu.vector_load %arg11[%get3A_144] {strides = array<i32>} : memref<320xf32, #tpu.memory_space<vmem>>, vector<16xf32>,
        %gt3A_146 = arith.cmpf ogt, %get3A_145, %select_n3A_137 : vector<16xf32>
        %select_n3A_147 = arith.select %gt3A_146, %get3A_145, %select_n3A_137 : vector<16xi1>, vector<16xf32>
        %broadcast_in_dim3A_148 = arith.constant 0 : i32
        %broadcast_in_dim3A_149 = vector.broadcast %broadcast_in_dim3A_148 : i32 to vector<16xi32>
        %add3A_150 = arith.constant 9 : i32
        %add3A_151 = vector.broadcast %add3A_150 : i32 to vector<16xi32>
        %add3A_152 = arith.addi %broadcast_in_dim3A_149, %add3A_151 : vector<16xi32>
        %select_n3A_153 = arith.select %gt3A_146, %add3A_152, %select_n3A_143 : vector<16xi1>, vector<16xi32>
        %get3A_154 = arith.constant 160 : index
        %get3A_155 = tpu.vector_load %arg11[%get3A_154] {strides = array<i32>} : memref<320xf32, #tpu.memory_space<vmem>>, vector<16xf32>,
        %gt3A_156 = arith.cmpf ogt, %get3A_155, %select_n3A_147 : vector<16xf32>
        %select_n3A_157 = arith.select %gt3A_156, %get3A_155, %select_n3A_147 : vector<16xi1>, vector<16xf32>
        %broadcast_in_dim3A_158 = arith.constant 0 : i32
        %broadcast_in_dim3A_159 = vector.broadcast %broadcast_in_dim3A_158 : i32 to vector<16xi32>
        %add3A_160 = arith.constant 10 : i32
        %add3A_161 = vector.broadcast %add3A_160 : i32 to vector<16xi32>
        %add3A_162 = arith.addi %broadcast_in_dim3A_159, %add3A_161 : vector<16xi32>
        %select_n3A_163 = arith.select %gt3A_156, %add3A_162, %select_n3A_153 : vector<16xi1>, vector<16xi32>
        %get3A_164 = arith.constant 176 : index
        %get3A_165 = tpu.vector_load %arg11[%get3A_164] {strides = array<i32>} : memref<320xf32, #tpu.memory_space<vmem>>, vector<16xf32>,
        %gt3A_166 = arith.cmpf ogt, %get3A_165, %select_n3A_157 : vector<16xf32>
        %select_n3A_167 = arith.select %gt3A_166, %get3A_165, %select_n3A_157 : vector<16xi1>, vector<16xf32>
        %broadcast_in_dim3A_168 = arith.constant 0 : i32
        %broadcast_in_dim3A_169 = vector.broadcast %broadcast_in_dim3A_168 : i32 to vector<16xi32>
        %add3A_170 = arith.constant 11 : i32
        %add3A_171 = vector.broadcast %add3A_170 : i32 to vector<16xi32>
        %add3A_172 = arith.addi %broadcast_in_dim3A_169, %add3A_171 : vector<16xi32>
        %select_n3A_173 = arith.select %gt3A_166, %add3A_172, %select_n3A_163 : vector<16xi1>, vector<16xi32>
        %get3A_174 = arith.constant 192 : index
        %get3A_175 = tpu.vector_load %arg11[%get3A_174] {strides = array<i32>} : memref<320xf32, #tpu.memory_space<vmem>>, vector<16xf32>,
        %gt3A_176 = arith.cmpf ogt, %get3A_175, %select_n3A_167 : vector<16xf32>
        %select_n3A_177 = arith.select %gt3A_176, %get3A_175, %select_n3A_167 : vector<16xi1>, vector<16xf32>
        %broadcast_in_dim3A_178 = arith.constant 0 : i32
        %broadcast_in_dim3A_179 = vector.broadcast %broadcast_in_dim3A_178 : i32 to vector<16xi32>
        %add3A_180 = arith.constant 12 : i32
        %add3A_181 = vector.broadcast %add3A_180 : i32 to vector<16xi32>
        %add3A_182 = arith.addi %broadcast_in_dim3A_179, %add3A_181 : vector<16xi32>
        %select_n3A_183 = arith.select %gt3A_176, %add3A_182, %select_n3A_173 : vector<16xi1>, vector<16xi32>
        %get3A_184 = arith.constant 208 : index
        %get3A_185 = tpu.vector_load %arg11[%get3A_184] {strides = array<i32>} : memref<320xf32, #tpu.memory_space<vmem>>, vector<16xf32>,
        %gt3A_186 = arith.cmpf ogt, %get3A_185, %select_n3A_177 : vector<16xf32>
        %select_n3A_187 = arith.select %gt3A_186, %get3A_185, %select_n3A_177 : vector<16xi1>, vector<16xf32>
        %broadcast_in_dim3A_188 = arith.constant 0 : i32
        %broadcast_in_dim3A_189 = vector.broadcast %broadcast_in_dim3A_188 : i32 to vector<16xi32>
        %add3A_190 = arith.constant 13 : i32
        %add3A_191 = vector.broadcast %add3A_190 : i32 to vector<16xi32>
        %add3A_192 = arith.addi %broadcast_in_dim3A_189, %add3A_191 : vector<16xi32>
        %select_n3A_193 = arith.select %gt3A_186, %add3A_192, %select_n3A_183 : vector<16xi1>, vector<16xi32>
        %get3A_194 = arith.constant 224 : index
        %get3A_195 = tpu.vector_load %arg11[%get3A_194] {strides = array<i32>} : memref<320xf32, #tpu.memory_space<vmem>>, vector<16xf32>,
        %gt3A_196 = arith.cmpf ogt, %get3A_195, %select_n3A_187 : vector<16xf32>
        %select_n3A_197 = arith.select %gt3A_196, %get3A_195, %select_n3A_187 : vector<16xi1>, vector<16xf32>
        %broadcast_in_dim3A_198 = arith.constant 0 : i32
        %broadcast_in_dim3A_199 = vector.broadcast %broadcast_in_dim3A_198 : i32 to vector<16xi32>
        %add3A_200 = arith.constant 14 : i32
        %add3A_201 = vector.broadcast %add3A_200 : i32 to vector<16xi32>
        %add3A_202 = arith.addi %broadcast_in_dim3A_199, %add3A_201 : vector<16xi32>
        %select_n3A_203 = arith.select %gt3A_196, %add3A_202, %select_n3A_193 : vector<16xi1>, vector<16xi32>
        %get3A_204 = arith.constant 240 : index
        %get3A_205 = tpu.vector_load %arg11[%get3A_204] {strides = array<i32>} : memref<320xf32, #tpu.memory_space<vmem>>, vector<16xf32>,
        %gt3A_206 = arith.cmpf ogt, %get3A_205, %select_n3A_197 : vector<16xf32>
        %select_n3A_207 = arith.select %gt3A_206, %get3A_205, %select_n3A_197 : vector<16xi1>, vector<16xf32>
        %broadcast_in_dim3A_208 = arith.constant 0 : i32
        %broadcast_in_dim3A_209 = vector.broadcast %broadcast_in_dim3A_208 : i32 to vector<16xi32>
        %add3A_210 = arith.constant 15 : i32
        %add3A_211 = vector.broadcast %add3A_210 : i32 to vector<16xi32>
        %add3A_212 = arith.addi %broadcast_in_dim3A_209, %add3A_211 : vector<16xi32>
        %select_n3A_213 = arith.select %gt3A_206, %add3A_212, %select_n3A_203 : vector<16xi1>, vector<16xi32>
        %get3A_214 = arith.constant 256 : index
        %get3A_215 = tpu.vector_load %arg11[%get3A_214] {strides = array<i32>} : memref<320xf32, #tpu.memory_space<vmem>>, vector<16xf32>,
        %gt3A_216 = arith.cmpf ogt, %get3A_215, %select_n3A_207 : vector<16xf32>
        %select_n3A_217 = arith.select %gt3A_216, %get3A_215, %select_n3A_207 : vector<16xi1>, vector<16xf32>
        %broadcast_in_dim3A_218 = arith.constant 0 : i32
        %broadcast_in_dim3A_219 = vector.broadcast %broadcast_in_dim3A_218 : i32 to vector<16xi32>
        %add3A_220 = arith.constant 16 : i32
        %add3A_221 = vector.broadcast %add3A_220 : i32 to vector<16xi32>
        %add3A_222 = arith.addi %broadcast_in_dim3A_219, %add3A_221 : vector<16xi32>
        %select_n3A_223 = arith.select %gt3A_216, %add3A_222, %select_n3A_213 : vector<16xi1>, vector<16xi32>
        %get3A_224 = arith.constant 272 : index
        %get3A_225 = tpu.vector_load %arg11[%get3A_224] {strides = array<i32>} : memref<320xf32, #tpu.memory_space<vmem>>, vector<16xf32>,
        %gt3A_226 = arith.cmpf ogt, %get3A_225, %select_n3A_217 : vector<16xf32>
        %select_n3A_227 = arith.select %gt3A_226, %get3A_225, %select_n3A_217 : vector<16xi1>, vector<16xf32>
        %broadcast_in_dim3A_228 = arith.constant 0 : i32
        %broadcast_in_dim3A_229 = vector.broadcast %broadcast_in_dim3A_228 : i32 to vector<16xi32>
        %add3A_230 = arith.constant 17 : i32
        %add3A_231 = vector.broadcast %add3A_230 : i32 to vector<16xi32>
        %add3A_232 = arith.addi %broadcast_in_dim3A_229, %add3A_231 : vector<16xi32>
        %select_n3A_233 = arith.select %gt3A_226, %add3A_232, %select_n3A_223 : vector<16xi1>, vector<16xi32>
        %get3A_234 = arith.constant 288 : index
        %get3A_235 = tpu.vector_load %arg11[%get3A_234] {strides = array<i32>} : memref<320xf32, #tpu.memory_space<vmem>>, vector<16xf32>,
        %gt3A_236 = arith.cmpf ogt, %get3A_235, %select_n3A_227 : vector<16xf32>
        %select_n3A_237 = arith.select %gt3A_236, %get3A_235, %select_n3A_227 : vector<16xi1>, vector<16xf32>
        %broadcast_in_dim3A_238 = arith.constant 0 : i32
        %broadcast_in_dim3A_239 = vector.broadcast %broadcast_in_dim3A_238 : i32 to vector<16xi32>
        %add3A_240 = arith.constant 18 : i32
        %add3A_241 = vector.broadcast %add3A_240 : i32 to vector<16xi32>
        %add3A_242 = arith.addi %broadcast_in_dim3A_239, %add3A_241 : vector<16xi32>
        %select_n3A_243 = arith.select %gt3A_236, %add3A_242, %select_n3A_233 : vector<16xi1>, vector<16xi32>
        %get3A_244 = arith.constant 304 : index
        %get3A_245 = tpu.vector_load %arg11[%get3A_244] {strides = array<i32>} : memref<320xf32, #tpu.memory_space<vmem>>, vector<16xf32>,
        %gt3A_246 = arith.cmpf ogt, %get3A_245, %select_n3A_237 : vector<16xf32>
        %select_n3A_247 = arith.select %gt3A_246, %get3A_245, %select_n3A_237 : vector<16xi1>, vector<16xf32>
        %broadcast_in_dim3A_248 = arith.constant 0 : i32
        %broadcast_in_dim3A_249 = vector.broadcast %broadcast_in_dim3A_248 : i32 to vector<16xi32>
        %add3A_250 = arith.constant 19 : i32
        %add3A_251 = vector.broadcast %add3A_250 : i32 to vector<16xi32>
        %add3A_252 = arith.addi %broadcast_in_dim3A_249, %add3A_251 : vector<16xi32>
        %select_n3A_253 = arith.select %gt3A_246, %add3A_252, %select_n3A_243 : vector<16xi1>, vector<16xi32>
        %iota3A_254 = tpu.iota {dimensions = array<i32: 0>} : vector<16xi32>
        %add3A_255 = arith.constant 8 : i32
        %add3A_256 = vector.broadcast %add3A_255 : i32 to vector<16xi32>
        %add3A_257 = arith.addi %iota3A_254, %add3A_256 : vector<16xi32>
        %and3A_258 = arith.constant 15 : i32
        %and3A_259 = vector.broadcast %and3A_258 : i32 to vector<16xi32>
        %and3A_260 = arith.andi %add3A_257, %and3A_259 : vector<16xi32>
        %lt3A_261 = arith.constant 0 : i32
        %lt3A_262 = vector.broadcast %lt3A_261 : i32 to vector<16xi32>
        %lt3A_263 = arith.cmpi slt, %and3A_260, %lt3A_262 : vector<16xi32>
        %add3A_264 = arith.constant 16 : i32
        %add3A_265 = vector.broadcast %add3A_264 : i32 to vector<16xi32>
        %add3A_266 = arith.addi %and3A_260, %add3A_265 : vector<16xi32>
        %select_n3A_267 = arith.select %lt3A_263, %add3A_266, %and3A_260 : vector<16xi1>, vector<16xi32>
        %broadcast_in_dim3A_268 = vector.shape_cast %select_n3A_267 : vector<16xi32> to vector<16x1xi32>
        %gather3A = vector.shape_cast %broadcast_in_dim3A_268 : vector<16x1xi32> to vector<16xi32>
        %gather3A_269 = tpu.dynamic_gather %select_n3A_247[%gather3A] in [0] : vector<16xf32>, vector<16xi32> -> vector<16xf32>
        %max3A = arith.maximumf %select_n3A_247, %gather3A_269 : vector<16xf32>
        %iota3A_270 = tpu.iota {dimensions = array<i32: 0>} : vector<16xi32>
        %add3A_271 = arith.constant 4 : i32
        %add3A_272 = vector.broadcast %add3A_271 : i32 to vector<16xi32>
        %add3A_273 = arith.addi %iota3A_270, %add3A_272 : vector<16xi32>
        %and3A_274 = arith.constant 15 : i32
        %and3A_275 = vector.broadcast %and3A_274 : i32 to vector<16xi32>
        %and3A_276 = arith.andi %add3A_273, %and3A_275 : vector<16xi32>
        %lt3A_277 = arith.constant 0 : i32
        %lt3A_278 = vector.broadcast %lt3A_277 : i32 to vector<16xi32>
        %lt3A_279 = arith.cmpi slt, %and3A_276, %lt3A_278 : vector<16xi32>
        %add3A_280 = arith.constant 16 : i32
        %add3A_281 = vector.broadcast %add3A_280 : i32 to vector<16xi32>
        %add3A_282 = arith.addi %and3A_276, %add3A_281 : vector<16xi32>
        %select_n3A_283 = arith.select %lt3A_279, %add3A_282, %and3A_276 : vector<16xi1>, vector<16xi32>
        %broadcast_in_dim3A_284 = vector.shape_cast %select_n3A_283 : vector<16xi32> to vector<16x1xi32>
        %gather3A_285 = vector.shape_cast %broadcast_in_dim3A_284 : vector<16x1xi32> to vector<16xi32>
        %gather3A_286 = tpu.dynamic_gather %max3A[%gather3A_285] in [0] : vector<16xf32>, vector<16xi32> -> vector<16xf32>
        %max3A_287 = arith.maximumf %max3A, %gather3A_286 : vector<16xf32>
        %iota3A_288 = tpu.iota {dimensions = array<i32: 0>} : vector<16xi32>
        %add3A_289 = arith.constant 2 : i32
        %add3A_290 = vector.broadcast %add3A_289 : i32 to vector<16xi32>
        %add3A_291 = arith.addi %iota3A_288, %add3A_290 : vector<16xi32>
        %and3A_292 = arith.constant 15 : i32
        %and3A_293 = vector.broadcast %and3A_292 : i32 to vector<16xi32>
        %and3A_294 = arith.andi %add3A_291, %and3A_293 : vector<16xi32>
        %lt3A_295 = arith.constant 0 : i32
        %lt3A_296 = vector.broadcast %lt3A_295 : i32 to vector<16xi32>
        %lt3A_297 = arith.cmpi slt, %and3A_294, %lt3A_296 : vector<16xi32>
        %add3A_298 = arith.constant 16 : i32
        %add3A_299 = vector.broadcast %add3A_298 : i32 to vector<16xi32>
        %add3A_300 = arith.addi %and3A_294, %add3A_299 : vector<16xi32>
        %select_n3A_301 = arith.select %lt3A_297, %add3A_300, %and3A_294 : vector<16xi1>, vector<16xi32>
        %broadcast_in_dim3A_302 = vector.shape_cast %select_n3A_301 : vector<16xi32> to vector<16x1xi32>
        %gather3A_303 = vector.shape_cast %broadcast_in_dim3A_302 : vector<16x1xi32> to vector<16xi32>
        %gather3A_304 = tpu.dynamic_gather %max3A_287[%gather3A_303] in [0] : vector<16xf32>, vector<16xi32> -> vector<16xf32>
        %max3A_305 = arith.maximumf %max3A_287, %gather3A_304 : vector<16xf32>
        %iota3A_306 = tpu.iota {dimensions = array<i32: 0>} : vector<16xi32>
        %add3A_307 = arith.constant 1 : i32
        %add3A_308 = vector.broadcast %add3A_307 : i32 to vector<16xi32>
        %add3A_309 = arith.addi %iota3A_306, %add3A_308 : vector<16xi32>
        %and3A_310 = arith.constant 15 : i32
        %and3A_311 = vector.broadcast %and3A_310 : i32 to vector<16xi32>
        %and3A_312 = arith.andi %add3A_309, %and3A_311 : vector<16xi32>
        %lt3A_313 = arith.constant 0 : i32
        %lt3A_314 = vector.broadcast %lt3A_313 : i32 to vector<16xi32>
        %lt3A_315 = arith.cmpi slt, %and3A_312, %lt3A_314 : vector<16xi32>
        %add3A_316 = arith.constant 16 : i32
        %add3A_317 = vector.broadcast %add3A_316 : i32 to vector<16xi32>
        %add3A_318 = arith.addi %and3A_312, %add3A_317 : vector<16xi32>
        %select_n3A_319 = arith.select %lt3A_315, %add3A_318, %and3A_312 : vector<16xi1>, vector<16xi32>
        %broadcast_in_dim3A_320 = vector.shape_cast %select_n3A_319 : vector<16xi32> to vector<16x1xi32>
        %gather3A_321 = vector.shape_cast %broadcast_in_dim3A_320 : vector<16x1xi32> to vector<16xi32>
        %gather3A_322 = tpu.dynamic_gather %max3A_305[%gather3A_321] in [0] : vector<16xf32>, vector<16xi32> -> vector<16xf32>
        %max3A_323 = arith.maximumf %max3A_305, %gather3A_322 : vector<16xf32>
        %eq3A_324 = arith.cmpf oeq, %select_n3A_247, %max3A_323 : vector<16xf32>
        %mul3A_325 = arith.constant 16 : i32
        %mul3A_326 = vector.broadcast %mul3A_325 : i32 to vector<16xi32>
        %mul3A_327 = arith.muli %select_n3A_253, %mul3A_326 : vector<16xi32>
        %add3A_328 = arith.addi %mul3A_327, %iota3A : vector<16xi32>
        %jit3A_329 = arith.constant 1073741824 : i32
        %broadcast_in_dim3A_330 = vector.broadcast %jit3A_329 : i32 to vector<16xi32>
        %select_n3A_331 = arith.select %eq3A_324, %add3A_328, %broadcast_in_dim3A_330 : vector<16xi1>, vector<16xi32>
        %iota3A_332 = tpu.iota {dimensions = array<i32: 0>} : vector<16xi32>
        %add3A_333 = arith.constant 8 : i32
        %add3A_334 = vector.broadcast %add3A_333 : i32 to vector<16xi32>
        %add3A_335 = arith.addi %iota3A_332, %add3A_334 : vector<16xi32>
        %and3A_336 = arith.constant 15 : i32
        %and3A_337 = vector.broadcast %and3A_336 : i32 to vector<16xi32>
        %and3A_338 = arith.andi %add3A_335, %and3A_337 : vector<16xi32>
        %lt3A_339 = arith.constant 0 : i32
        %lt3A_340 = vector.broadcast %lt3A_339 : i32 to vector<16xi32>
        %lt3A_341 = arith.cmpi slt, %and3A_338, %lt3A_340 : vector<16xi32>
        %add3A_342 = arith.constant 16 : i32
        %add3A_343 = vector.broadcast %add3A_342 : i32 to vector<16xi32>
        %add3A_344 = arith.addi %and3A_338, %add3A_343 : vector<16xi32>
        %select_n3A_345 = arith.select %lt3A_341, %add3A_344, %and3A_338 : vector<16xi1>, vector<16xi32>
        %broadcast_in_dim3A_346 = vector.shape_cast %select_n3A_345 : vector<16xi32> to vector<16x1xi32>
        %gather3A_347 = vector.shape_cast %broadcast_in_dim3A_346 : vector<16x1xi32> to vector<16xi32>
        %gather3A_348 = tpu.dynamic_gather %select_n3A_331[%gather3A_347] in [0] : vector<16xi32>, vector<16xi32> -> vector<16xi32>
        %min3A_349 = arith.minsi %select_n3A_331, %gather3A_348 : vector<16xi32>
        %iota3A_350 = tpu.iota {dimensions = array<i32: 0>} : vector<16xi32>
        %add3A_351 = arith.constant 4 : i32
        %add3A_352 = vector.broadcast %add3A_351 : i32 to vector<16xi32>
        %add3A_353 = arith.addi %iota3A_350, %add3A_352 : vector<16xi32>
        %and3A_354 = arith.constant 15 : i32
        %and3A_355 = vector.broadcast %and3A_354 : i32 to vector<16xi32>
        %and3A_356 = arith.andi %add3A_353, %and3A_355 : vector<16xi32>
        %lt3A_357 = arith.constant 0 : i32
        %lt3A_358 = vector.broadcast %lt3A_357 : i32 to vector<16xi32>
        %lt3A_359 = arith.cmpi slt, %and3A_356, %lt3A_358 : vector<16xi32>
        %add3A_360 = arith.constant 16 : i32
        %add3A_361 = vector.broadcast %add3A_360 : i32 to vector<16xi32>
        %add3A_362 = arith.addi %and3A_356, %add3A_361 : vector<16xi32>
        %select_n3A_363 = arith.select %lt3A_359, %add3A_362, %and3A_356 : vector<16xi1>, vector<16xi32>
        %broadcast_in_dim3A_364 = vector.shape_cast %select_n3A_363 : vector<16xi32> to vector<16x1xi32>
        %gather3A_365 = vector.shape_cast %broadcast_in_dim3A_364 : vector<16x1xi32> to vector<16xi32>
        %gather3A_366 = tpu.dynamic_gather %min3A_349[%gather3A_365] in [0] : vector<16xi32>, vector<16xi32> -> vector<16xi32>
        %min3A_367 = arith.minsi %min3A_349, %gather3A_366 : vector<16xi32>
        %iota3A_368 = tpu.iota {dimensions = array<i32: 0>} : vector<16xi32>
        %add3A_369 = arith.constant 2 : i32
        %add3A_370 = vector.broadcast %add3A_369 : i32 to vector<16xi32>
        %add3A_371 = arith.addi %iota3A_368, %add3A_370 : vector<16xi32>
        %and3A_372 = arith.constant 15 : i32
        %and3A_373 = vector.broadcast %and3A_372 : i32 to vector<16xi32>
        %and3A_374 = arith.andi %add3A_371, %and3A_373 : vector<16xi32>
        %lt3A_375 = arith.constant 0 : i32
        %lt3A_376 = vector.broadcast %lt3A_375 : i32 to vector<16xi32>
        %lt3A_377 = arith.cmpi slt, %and3A_374, %lt3A_376 : vector<16xi32>
        %add3A_378 = arith.constant 16 : i32
        %add3A_379 = vector.broadcast %add3A_378 : i32 to vector<16xi32>
        %add3A_380 = arith.addi %and3A_374, %add3A_379 : vector<16xi32>
        %select_n3A_381 = arith.select %lt3A_377, %add3A_380, %and3A_374 : vector<16xi1>, vector<16xi32>
        %broadcast_in_dim3A_382 = vector.shape_cast %select_n3A_381 : vector<16xi32> to vector<16x1xi32>
        %gather3A_383 = vector.shape_cast %broadcast_in_dim3A_382 : vector<16x1xi32> to vector<16xi32>
        %gather3A_384 = tpu.dynamic_gather %min3A_367[%gather3A_383] in [0] : vector<16xi32>, vector<16xi32> -> vector<16xi32>
        %min3A_385 = arith.minsi %min3A_367, %gather3A_384 : vector<16xi32>
        %iota3A_386 = tpu.iota {dimensions = array<i32: 0>} : vector<16xi32>
        %add3A_387 = arith.constant 1 : i32
        %add3A_388 = vector.broadcast %add3A_387 : i32 to vector<16xi32>
        %add3A_389 = arith.addi %iota3A_386, %add3A_388 : vector<16xi32>
        %and3A_390 = arith.constant 15 : i32
        %and3A_391 = vector.broadcast %and3A_390 : i32 to vector<16xi32>
        %and3A_392 = arith.andi %add3A_389, %and3A_391 : vector<16xi32>
        %lt3A_393 = arith.constant 0 : i32
        %lt3A_394 = vector.broadcast %lt3A_393 : i32 to vector<16xi32>
        %lt3A_395 = arith.cmpi slt, %and3A_392, %lt3A_394 : vector<16xi32>
        %add3A_396 = arith.constant 16 : i32
        %add3A_397 = vector.broadcast %add3A_396 : i32 to vector<16xi32>
        %add3A_398 = arith.addi %and3A_392, %add3A_397 : vector<16xi32>
        %select_n3A_399 = arith.select %lt3A_395, %add3A_398, %and3A_392 : vector<16xi1>, vector<16xi32>
        %broadcast_in_dim3A_400 = vector.shape_cast %select_n3A_399 : vector<16xi32> to vector<16x1xi32>
        %gather3A_401 = vector.shape_cast %broadcast_in_dim3A_400 : vector<16x1xi32> to vector<16xi32>
        %gather3A_402 = tpu.dynamic_gather %min3A_385[%gather3A_401] in [0] : vector<16xi32>, vector<16xi32> -> vector<16xi32>
        %min3A_403 = arith.minsi %min3A_385, %gather3A_402 : vector<16xi32>
        %gt3A_404 = arith.constant -5.000000e+08 : f32
        %gt3A_405 = vector.broadcast %gt3A_404 : f32 to vector<16xf32>
        %gt3A_406 = arith.cmpf ogt, %max3A_323, %gt3A_405 : vector<16xf32>
        %mul3A_407 = arith.constant 16 : i32
        %mul3A_408 = vector.broadcast %mul3A_407 : i32 to vector<16xi32>
        %mul3A_409 = arith.muli %min3A_403, %mul3A_408 : vector<16xi32>
        %add3A_410 = arith.addi %mul3A_409, %iota3A : vector<16xi32>
        %gather3A_411 = tpu.vector_load_idx %arg8[%add3A_410] : memref<5120xf32, #tpu.memory_space<vmem>>[vector<16xi32>], vector<16xf32>,
        %eq3A_412 = arith.cmpf oeq, %gather3A_411, %max3A_323 : vector<16xf32>
        %all_reduce_ffs3A = tpu.all_reduce %eq3A_412 {dim = 0 : i64, kind = #tpu.reduction_kind<find_first_set>} : vector<16xi1> -> vector<16xi32>
        %mul3A_413 = arith.constant 16 : i32
        %mul3A_414 = vector.broadcast %mul3A_413 : i32 to vector<16xi32>
        %mul3A_415 = arith.muli %min3A_403, %mul3A_414 : vector<16xi32>
        %add3A_416 = arith.addi %mul3A_415, %all_reduce_ffs3A : vector<16xi32>
        %broadcast_in_dim3A_417 = arith.constant 0 : i32
        %broadcast_in_dim3A_418 = vector.broadcast %broadcast_in_dim3A_417 : i32 to vector<16xi32>
        %gather3A_419 = tpu.vector_load_idx %arg9[%broadcast_in_dim3A_418, %add3A_416] : memref<4x5120xf32, #tpu.memory_space<vmem>>[vector<16xi32>, vector<16xi32>], vector<16xf32>,
        %broadcast_in_dim3A_420 = arith.constant 0 : i32
        %broadcast_in_dim3A_421 = vector.broadcast %broadcast_in_dim3A_420 : i32 to vector<16xi32>
        %add3A_422 = arith.constant 1 : i32
        %add3A_423 = vector.broadcast %add3A_422 : i32 to vector<16xi32>
        %add3A_424 = arith.addi %broadcast_in_dim3A_421, %add3A_423 : vector<16xi32>
        %gather3A_425 = tpu.vector_load_idx %arg9[%add3A_424, %add3A_416] : memref<4x5120xf32, #tpu.memory_space<vmem>>[vector<16xi32>, vector<16xi32>], vector<16xf32>,
        %broadcast_in_dim3A_426 = arith.constant 0 : i32
        %broadcast_in_dim3A_427 = vector.broadcast %broadcast_in_dim3A_426 : i32 to vector<16xi32>
        %add3A_428 = arith.constant 2 : i32
        %add3A_429 = vector.broadcast %add3A_428 : i32 to vector<16xi32>
        %add3A_430 = arith.addi %broadcast_in_dim3A_427, %add3A_429 : vector<16xi32>
        %gather3A_431 = tpu.vector_load_idx %arg9[%add3A_430, %add3A_416] : memref<4x5120xf32, #tpu.memory_space<vmem>>[vector<16xi32>, vector<16xi32>], vector<16xf32>,
        %broadcast_in_dim3A_432 = arith.constant 0 : i32
        %broadcast_in_dim3A_433 = vector.broadcast %broadcast_in_dim3A_432 : i32 to vector<16xi32>
        %add3A_434 = arith.constant 3 : i32
        %add3A_435 = vector.broadcast %add3A_434 : i32 to vector<16xi32>
        %add3A_436 = arith.addi %broadcast_in_dim3A_433, %add3A_435 : vector<16xi32>
        %gather3A_437 = tpu.vector_load_idx %arg9[%add3A_436, %add3A_416] : memref<4x5120xf32, #tpu.memory_space<vmem>>[vector<16xi32>, vector<16xi32>], vector<16xf32>,
        %gather3A_438 = tpu.vector_load_idx %arg10[%add3A_416] : memref<5120xf32, #tpu.memory_space<vmem>>[vector<16xi32>], vector<16xf32>,
        %and3A_439 = arith.andi %eq3A_2, %gt3A_406 : vector<16xi1>
        %not3A = arith.constant dense<true> : vector<16xi1>
        %not3A_440 = arith.xori %broadcast_in_dim3A_61, %not3A : vector<16xi1>
        %and3A_441 = arith.andi %and3A_439, %not3A_440 : vector<16xi1>
        %broadcast_in_dim3A_442 = arith.constant -1.000000e+09 : f32
        %broadcast_in_dim3A_443 = vector.broadcast %broadcast_in_dim3A_442 : f32 to vector<16xf32>
        tpu.vector_store_idx %arg8[%add3A_416], %broadcast_in_dim3A_443 masked %and3A_441 : memref<5120xf32, #tpu.memory_space<vmem>>[vector<16xi32>], vector<16xf32>, vector<16xi1>
        %eq3A_444 = arith.cmpi eq, %iota3A, %all_reduce_ffs3A : vector<16xi32>
        %jit3A_445 = arith.constant -1.000000e+09 : f32
        %broadcast_in_dim3A_446 = vector.broadcast %jit3A_445 : f32 to vector<16xf32>
        %select_n3A_447 = arith.select %eq3A_444, %broadcast_in_dim3A_446, %gather3A_411 : vector<16xi1>, vector<16xf32>
        %iota3A_448 = tpu.iota {dimensions = array<i32: 0>} : vector<16xi32>
        %add3A_449 = arith.constant 8 : i32
        %add3A_450 = vector.broadcast %add3A_449 : i32 to vector<16xi32>
        %add3A_451 = arith.addi %iota3A_448, %add3A_450 : vector<16xi32>
        %and3A_452 = arith.constant 15 : i32
        %and3A_453 = vector.broadcast %and3A_452 : i32 to vector<16xi32>
        %and3A_454 = arith.andi %add3A_451, %and3A_453 : vector<16xi32>
        %lt3A_455 = arith.constant 0 : i32
        %lt3A_456 = vector.broadcast %lt3A_455 : i32 to vector<16xi32>
        %lt3A_457 = arith.cmpi slt, %and3A_454, %lt3A_456 : vector<16xi32>
        %add3A_458 = arith.constant 16 : i32
        %add3A_459 = vector.broadcast %add3A_458 : i32 to vector<16xi32>
        %add3A_460 = arith.addi %and3A_454, %add3A_459 : vector<16xi32>
        %select_n3A_461 = arith.select %lt3A_457, %add3A_460, %and3A_454 : vector<16xi1>, vector<16xi32>
        %broadcast_in_dim3A_462 = vector.shape_cast %select_n3A_461 : vector<16xi32> to vector<16x1xi32>
        %gather3A_463 = vector.shape_cast %broadcast_in_dim3A_462 : vector<16x1xi32> to vector<16xi32>
        %gather3A_464 = tpu.dynamic_gather %select_n3A_447[%gather3A_463] in [0] : vector<16xf32>, vector<16xi32> -> vector<16xf32>
        %max3A_465 = arith.maximumf %select_n3A_447, %gather3A_464 : vector<16xf32>
        %iota3A_466 = tpu.iota {dimensions = array<i32: 0>} : vector<16xi32>
        %add3A_467 = arith.constant 4 : i32
        %add3A_468 = vector.broadcast %add3A_467 : i32 to vector<16xi32>
        %add3A_469 = arith.addi %iota3A_466, %add3A_468 : vector<16xi32>
        %and3A_470 = arith.constant 15 : i32
        %and3A_471 = vector.broadcast %and3A_470 : i32 to vector<16xi32>
        %and3A_472 = arith.andi %add3A_469, %and3A_471 : vector<16xi32>
        %lt3A_473 = arith.constant 0 : i32
        %lt3A_474 = vector.broadcast %lt3A_473 : i32 to vector<16xi32>
        %lt3A_475 = arith.cmpi slt, %and3A_472, %lt3A_474 : vector<16xi32>
        %add3A_476 = arith.constant 16 : i32
        %add3A_477 = vector.broadcast %add3A_476 : i32 to vector<16xi32>
        %add3A_478 = arith.addi %and3A_472, %add3A_477 : vector<16xi32>
        %select_n3A_479 = arith.select %lt3A_475, %add3A_478, %and3A_472 : vector<16xi1>, vector<16xi32>
        %broadcast_in_dim3A_480 = vector.shape_cast %select_n3A_479 : vector<16xi32> to vector<16x1xi32>
        %gather3A_481 = vector.shape_cast %broadcast_in_dim3A_480 : vector<16x1xi32> to vector<16xi32>
        %gather3A_482 = tpu.dynamic_gather %max3A_465[%gather3A_481] in [0] : vector<16xf32>, vector<16xi32> -> vector<16xf32>
        %max3A_483 = arith.maximumf %max3A_465, %gather3A_482 : vector<16xf32>
        %iota3A_484 = tpu.iota {dimensions = array<i32: 0>} : vector<16xi32>
        %add3A_485 = arith.constant 2 : i32
        %add3A_486 = vector.broadcast %add3A_485 : i32 to vector<16xi32>
        %add3A_487 = arith.addi %iota3A_484, %add3A_486 : vector<16xi32>
        %and3A_488 = arith.constant 15 : i32
        %and3A_489 = vector.broadcast %and3A_488 : i32 to vector<16xi32>
        %and3A_490 = arith.andi %add3A_487, %and3A_489 : vector<16xi32>
        %lt3A_491 = arith.constant 0 : i32
        %lt3A_492 = vector.broadcast %lt3A_491 : i32 to vector<16xi32>
        %lt3A_493 = arith.cmpi slt, %and3A_490, %lt3A_492 : vector<16xi32>
        %add3A_494 = arith.constant 16 : i32
        %add3A_495 = vector.broadcast %add3A_494 : i32 to vector<16xi32>
        %add3A_496 = arith.addi %and3A_490, %add3A_495 : vector<16xi32>
        %select_n3A_497 = arith.select %lt3A_493, %add3A_496, %and3A_490 : vector<16xi1>, vector<16xi32>
        %broadcast_in_dim3A_498 = vector.shape_cast %select_n3A_497 : vector<16xi32> to vector<16x1xi32>
        %gather3A_499 = vector.shape_cast %broadcast_in_dim3A_498 : vector<16x1xi32> to vector<16xi32>
        %gather3A_500 = tpu.dynamic_gather %max3A_483[%gather3A_499] in [0] : vector<16xf32>, vector<16xi32> -> vector<16xf32>
        %max3A_501 = arith.maximumf %max3A_483, %gather3A_500 : vector<16xf32>
        %iota3A_502 = tpu.iota {dimensions = array<i32: 0>} : vector<16xi32>
        %add3A_503 = arith.constant 1 : i32
        %add3A_504 = vector.broadcast %add3A_503 : i32 to vector<16xi32>
        %add3A_505 = arith.addi %iota3A_502, %add3A_504 : vector<16xi32>
        %and3A_506 = arith.constant 15 : i32
        %and3A_507 = vector.broadcast %and3A_506 : i32 to vector<16xi32>
        %and3A_508 = arith.andi %add3A_505, %and3A_507 : vector<16xi32>
        %lt3A_509 = arith.constant 0 : i32
        %lt3A_510 = vector.broadcast %lt3A_509 : i32 to vector<16xi32>
        %lt3A_511 = arith.cmpi slt, %and3A_508, %lt3A_510 : vector<16xi32>
        %add3A_512 = arith.constant 16 : i32
        %add3A_513 = vector.broadcast %add3A_512 : i32 to vector<16xi32>
        %add3A_514 = arith.addi %and3A_508, %add3A_513 : vector<16xi32>
        %select_n3A_515 = arith.select %lt3A_511, %add3A_514, %and3A_508 : vector<16xi1>, vector<16xi32>
        %broadcast_in_dim3A_516 = vector.shape_cast %select_n3A_515 : vector<16xi32> to vector<16x1xi32>
        %gather3A_517 = vector.shape_cast %broadcast_in_dim3A_516 : vector<16x1xi32> to vector<16xi32>
        %gather3A_518 = tpu.dynamic_gather %max3A_501[%gather3A_517] in [0] : vector<16xf32>, vector<16xi32> -> vector<16xf32>
        %max3A_519 = arith.maximumf %max3A_501, %gather3A_518 : vector<16xf32>
        tpu.vector_store_idx %arg11[%min3A_403], %max3A_519 masked %and3A_441 : memref<320xf32, #tpu.memory_space<vmem>>[vector<16xi32>], vector<16xf32>, vector<16xi1>
        %add3A_520 = arith.constant 31 : i32
        %add3A_521 = arith.addi %while3A_59, %add3A_520 : i32
        %jit3A_522 = arith.constant 32 : i32
        %div3A_523 = arith.divsi %add3A_521, %jit3A_522 : i32
        %sign3A_524 = arith.constant 0 : i32
        %sign3A_525 = arith.cmpi sgt, %add3A_521, %sign3A_524 : i32
        %sign3A_526 = arith.extui %sign3A_525 : i1 to i32
        %sign3A_527 = arith.constant 0 : i32
        %sign3A_528 = arith.cmpi slt, %add3A_521, %sign3A_527 : i32
        %sign3A_529 = arith.extui %sign3A_528 : i1 to i32
        %sign3A_530 = arith.subi %sign3A_526, %sign3A_529 : i32
        %sign3A_531 = arith.constant 0 : i32
        %sign3A_532 = arith.cmpi sgt, %jit3A_522, %sign3A_531 : i32
        %sign3A_533 = arith.extui %sign3A_532 : i1 to i32
        %sign3A_534 = arith.constant 0 : i32
        %sign3A_535 = arith.cmpi slt, %jit3A_522, %sign3A_534 : i32
        %sign3A_536 = arith.extui %sign3A_535 : i1 to i32
        %sign3A_537 = arith.subi %sign3A_533, %sign3A_536 : i32
        %ne3A_538 = arith.cmpi ne, %sign3A_530, %sign3A_537 : i32
        %rem3A_539 = arith.remsi %add3A_521, %jit3A_522 : i32
        %ne3A_540 = arith.constant 0 : i32
        %ne3A_541 = arith.cmpi ne, %rem3A_539, %ne3A_540 : i32
        %and3A_542 = arith.andi %ne3A_538, %ne3A_541 : i1
        %sub3A_543 = arith.constant 1 : i32
        %sub3A_544 = arith.subi %div3A_523, %sub3A_543 : i32
        %select_n3A_545 = arith.select %and3A_542, %sub3A_544, %div3A_523 : i32
        %broadcast_in_dim3A_546 = arith.constant false
        %broadcast_in_dim3A_547 = vector.broadcast %broadcast_in_dim3A_546 : i1 to vector<16xi1>
        %while3A_548 = arith.constant 0 : i32
        %while3A_549 = arith.subi %select_n3A_545, %while3A_548 : i32
        %while3A_550 = arith.addi %while3A_548, %while3A_549 : i32
        %while3A_551 = arith.constant 1 : i32
        %while3A_552 = arith.divsi %while3A_549, %while3A_551 : i32
        %while3A_553 = arith.muli %while3A_552, %while3A_551 : i32
        %while3A_554 = arith.addi %while3A_548, %while3A_553 : i32
        %while3A_555 = arith.constant 1 : i32
        %while3A_556 = scf.for %while3A_639 = %while3A_548 to %while3A_554 step %while3A_555 iter_args(%while3A_640 = %broadcast_in_dim3A_547) -> (vector<16xi1>)  : i32 {
          %mul3A_641 = arith.constant 2 : i32
          %mul3A_642 = arith.muli %while3A_639, %mul3A_641 : i32
          %mul3A_643 = arith.constant 16 : i32
          %mul3A_644 = arith.muli %mul3A_642, %mul3A_643 : i32
          %get3A_645 = arith.constant 0 : i32
          %get3A_646 = arith.index_cast %get3A_645 : i32 to index
          %get3A_647 = arith.index_cast %mul3A_644 : i32 to index
          %get3A_648 = tpu.vector_load %arg12[%get3A_646, %get3A_647] {strides = array<i32>} : memref<5x320xf32, #tpu.memory_space<vmem>>, vector<16xf32>,
          %get3A_649 = arith.constant 1 : i32
          %get3A_650 = arith.index_cast %get3A_649 : i32 to index
          %get3A_651 = arith.index_cast %mul3A_644 : i32 to index
          %get3A_652 = tpu.vector_load %arg12[%get3A_650, %get3A_651] {strides = array<i32>} : memref<5x320xf32, #tpu.memory_space<vmem>>, vector<16xf32>,
          %get3A_653 = arith.constant 2 : i32
          %get3A_654 = arith.index_cast %get3A_653 : i32 to index
          %get3A_655 = arith.index_cast %mul3A_644 : i32 to index
          %get3A_656 = tpu.vector_load %arg12[%get3A_654, %get3A_655] {strides = array<i32>} : memref<5x320xf32, #tpu.memory_space<vmem>>, vector<16xf32>,
          %get3A_657 = arith.constant 3 : i32
          %get3A_658 = arith.index_cast %get3A_657 : i32 to index
          %get3A_659 = arith.index_cast %mul3A_644 : i32 to index
          %get3A_660 = tpu.vector_load %arg12[%get3A_658, %get3A_659] {strides = array<i32>} : memref<5x320xf32, #tpu.memory_space<vmem>>, vector<16xf32>,
          %get3A_661 = arith.constant 4 : i32
          %get3A_662 = arith.index_cast %get3A_661 : i32 to index
          %get3A_663 = arith.index_cast %mul3A_644 : i32 to index
          %get3A_664 = tpu.vector_load %arg12[%get3A_662, %get3A_663] {strides = array<i32>} : memref<5x320xf32, #tpu.memory_space<vmem>>, vector<16xf32>,
          %max3A_665 = arith.maximumf %gather3A_419, %get3A_648 : vector<16xf32>
          %max3A_666 = arith.maximumf %gather3A_425, %get3A_652 : vector<16xf32>
          %min3A_667 = arith.minimumf %gather3A_431, %get3A_656 : vector<16xf32>
          %min3A_668 = arith.minimumf %gather3A_437, %get3A_660 : vector<16xf32>
          %sub3A_669 = arith.subf %min3A_667, %max3A_665 : vector<16xf32>
          %max3A_670 = arith.constant 0.000000e+00 : f32
          %max3A_671 = vector.broadcast %max3A_670 : f32 to vector<16xf32>
          %max3A_672 = arith.maximumf %sub3A_669, %max3A_671 : vector<16xf32>
          %sub3A_673 = arith.subf %min3A_668, %max3A_666 : vector<16xf32>
          %max3A_674 = arith.constant 0.000000e+00 : f32
          %max3A_675 = vector.broadcast %max3A_674 : f32 to vector<16xf32>
          %max3A_676 = arith.maximumf %sub3A_673, %max3A_675 : vector<16xf32>
          %mul3A_677 = arith.mulf %max3A_672, %max3A_676 : vector<16xf32>
          %add3A_678 = arith.addf %gather3A_438, %get3A_664 : vector<16xf32>
          %sub3A_679 = arith.subf %add3A_678, %mul3A_677 : vector<16xf32>
          %mul3A_680 = arith.constant 5.000000e-01 : f32
          %mul3A_681 = vector.broadcast %mul3A_680 : f32 to vector<16xf32>
          %mul3A_682 = arith.mulf %mul3A_681, %sub3A_679 : vector<16xf32>
          %gt3A_683 = arith.cmpf ogt, %mul3A_677, %mul3A_682 : vector<16xf32>
          %or3A = arith.ori %while3A_640, %gt3A_683 : vector<16xi1>
          %mul3A_684 = arith.constant 2 : i32
          %mul3A_685 = arith.muli %while3A_639, %mul3A_684 : i32
          %mul3A_686 = arith.constant 16 : i32
          %mul3A_687 = arith.muli %mul3A_685, %mul3A_686 : i32
          %add3A_688 = arith.constant 16 : i32
          %add3A_689 = arith.addi %mul3A_687, %add3A_688 : i32
          %get3A_690 = arith.constant 0 : i32
          %get3A_691 = arith.index_cast %get3A_690 : i32 to index
          %get3A_692 = arith.index_cast %add3A_689 : i32 to index
          %get3A_693 = tpu.vector_load %arg12[%get3A_691, %get3A_692] {strides = array<i32>} : memref<5x320xf32, #tpu.memory_space<vmem>>, vector<16xf32>,
          %get3A_694 = arith.constant 1 : i32
          %get3A_695 = arith.index_cast %get3A_694 : i32 to index
          %get3A_696 = arith.index_cast %add3A_689 : i32 to index
          %get3A_697 = tpu.vector_load %arg12[%get3A_695, %get3A_696] {strides = array<i32>} : memref<5x320xf32, #tpu.memory_space<vmem>>, vector<16xf32>,
          %get3A_698 = arith.constant 2 : i32
          %get3A_699 = arith.index_cast %get3A_698 : i32 to index
          %get3A_700 = arith.index_cast %add3A_689 : i32 to index
          %get3A_701 = tpu.vector_load %arg12[%get3A_699, %get3A_700] {strides = array<i32>} : memref<5x320xf32, #tpu.memory_space<vmem>>, vector<16xf32>,
          %get3A_702 = arith.constant 3 : i32
          %get3A_703 = arith.index_cast %get3A_702 : i32 to index
          %get3A_704 = arith.index_cast %add3A_689 : i32 to index
          %get3A_705 = tpu.vector_load %arg12[%get3A_703, %get3A_704] {strides = array<i32>} : memref<5x320xf32, #tpu.memory_space<vmem>>, vector<16xf32>,
          %get3A_706 = arith.constant 4 : i32
          %get3A_707 = arith.index_cast %get3A_706 : i32 to index
          %get3A_708 = arith.index_cast %add3A_689 : i32 to index
          %get3A_709 = tpu.vector_load %arg12[%get3A_707, %get3A_708] {strides = array<i32>} : memref<5x320xf32, #tpu.memory_space<vmem>>, vector<16xf32>,
          %max3A_710 = arith.maximumf %gather3A_419, %get3A_693 : vector<16xf32>
          %max3A_711 = arith.maximumf %gather3A_425, %get3A_697 : vector<16xf32>
          %min3A_712 = arith.minimumf %gather3A_431, %get3A_701 : vector<16xf32>
          %min3A_713 = arith.minimumf %gather3A_437, %get3A_705 : vector<16xf32>
          %sub3A_714 = arith.subf %min3A_712, %max3A_710 : vector<16xf32>
          %max3A_715 = arith.constant 0.000000e+00 : f32
          %max3A_716 = vector.broadcast %max3A_715 : f32 to vector<16xf32>
          %max3A_717 = arith.maximumf %sub3A_714, %max3A_716 : vector<16xf32>
          %sub3A_718 = arith.subf %min3A_713, %max3A_711 : vector<16xf32>
          %max3A_719 = arith.constant 0.000000e+00 : f32
          %max3A_720 = vector.broadcast %max3A_719 : f32 to vector<16xf32>
          %max3A_721 = arith.maximumf %sub3A_718, %max3A_720 : vector<16xf32>
          %mul3A_722 = arith.mulf %max3A_717, %max3A_721 : vector<16xf32>
          %add3A_723 = arith.addf %gather3A_438, %get3A_709 : vector<16xf32>
          %sub3A_724 = arith.subf %add3A_723, %mul3A_722 : vector<16xf32>
          %mul3A_725 = arith.constant 5.000000e-01 : f32
          %mul3A_726 = vector.broadcast %mul3A_725 : f32 to vector<16xf32>
          %mul3A_727 = arith.mulf %mul3A_726, %sub3A_724 : vector<16xf32>
          %gt3A_728 = arith.cmpf ogt, %mul3A_722, %mul3A_727 : vector<16xf32>
          %or3A_729 = arith.ori %or3A, %gt3A_728 : vector<16xi1>
          scf.yield %or3A_729 : vector<16xi1>
        }
        %while3A_557 = arith.constant 1 : i32
        %while3A_558 = scf.for %while3A_639 = %while3A_554 to %while3A_550 step %while3A_557 iter_args(%while3A_640 = %while3A_556) -> (vector<16xi1>)  : i32 {
          %mul3A_641 = arith.constant 2 : i32
          %mul3A_642 = arith.muli %while3A_639, %mul3A_641 : i32
          %mul3A_643 = arith.constant 16 : i32
          %mul3A_644 = arith.muli %mul3A_642, %mul3A_643 : i32
          %get3A_645 = arith.constant 0 : i32
          %get3A_646 = arith.index_cast %get3A_645 : i32 to index
          %get3A_647 = arith.index_cast %mul3A_644 : i32 to index
          %get3A_648 = tpu.vector_load %arg12[%get3A_646, %get3A_647] {strides = array<i32>} : memref<5x320xf32, #tpu.memory_space<vmem>>, vector<16xf32>,
          %get3A_649 = arith.constant 1 : i32
          %get3A_650 = arith.index_cast %get3A_649 : i32 to index
          %get3A_651 = arith.index_cast %mul3A_644 : i32 to index
          %get3A_652 = tpu.vector_load %arg12[%get3A_650, %get3A_651] {strides = array<i32>} : memref<5x320xf32, #tpu.memory_space<vmem>>, vector<16xf32>,
          %get3A_653 = arith.constant 2 : i32
          %get3A_654 = arith.index_cast %get3A_653 : i32 to index
          %get3A_655 = arith.index_cast %mul3A_644 : i32 to index
          %get3A_656 = tpu.vector_load %arg12[%get3A_654, %get3A_655] {strides = array<i32>} : memref<5x320xf32, #tpu.memory_space<vmem>>, vector<16xf32>,
          %get3A_657 = arith.constant 3 : i32
          %get3A_658 = arith.index_cast %get3A_657 : i32 to index
          %get3A_659 = arith.index_cast %mul3A_644 : i32 to index
          %get3A_660 = tpu.vector_load %arg12[%get3A_658, %get3A_659] {strides = array<i32>} : memref<5x320xf32, #tpu.memory_space<vmem>>, vector<16xf32>,
          %get3A_661 = arith.constant 4 : i32
          %get3A_662 = arith.index_cast %get3A_661 : i32 to index
          %get3A_663 = arith.index_cast %mul3A_644 : i32 to index
          %get3A_664 = tpu.vector_load %arg12[%get3A_662, %get3A_663] {strides = array<i32>} : memref<5x320xf32, #tpu.memory_space<vmem>>, vector<16xf32>,
          %max3A_665 = arith.maximumf %gather3A_419, %get3A_648 : vector<16xf32>
          %max3A_666 = arith.maximumf %gather3A_425, %get3A_652 : vector<16xf32>
          %min3A_667 = arith.minimumf %gather3A_431, %get3A_656 : vector<16xf32>
          %min3A_668 = arith.minimumf %gather3A_437, %get3A_660 : vector<16xf32>
          %sub3A_669 = arith.subf %min3A_667, %max3A_665 : vector<16xf32>
          %max3A_670 = arith.constant 0.000000e+00 : f32
          %max3A_671 = vector.broadcast %max3A_670 : f32 to vector<16xf32>
          %max3A_672 = arith.maximumf %sub3A_669, %max3A_671 : vector<16xf32>
          %sub3A_673 = arith.subf %min3A_668, %max3A_666 : vector<16xf32>
          %max3A_674 = arith.constant 0.000000e+00 : f32
          %max3A_675 = vector.broadcast %max3A_674 : f32 to vector<16xf32>
          %max3A_676 = arith.maximumf %sub3A_673, %max3A_675 : vector<16xf32>
          %mul3A_677 = arith.mulf %max3A_672, %max3A_676 : vector<16xf32>
          %add3A_678 = arith.addf %gather3A_438, %get3A_664 : vector<16xf32>
          %sub3A_679 = arith.subf %add3A_678, %mul3A_677 : vector<16xf32>
          %mul3A_680 = arith.constant 5.000000e-01 : f32
          %mul3A_681 = vector.broadcast %mul3A_680 : f32 to vector<16xf32>
          %mul3A_682 = arith.mulf %mul3A_681, %sub3A_679 : vector<16xf32>
          %gt3A_683 = arith.cmpf ogt, %mul3A_677, %mul3A_682 : vector<16xf32>
          %or3A = arith.ori %while3A_640, %gt3A_683 : vector<16xi1>
          %mul3A_684 = arith.constant 2 : i32
          %mul3A_685 = arith.muli %while3A_639, %mul3A_684 : i32
          %mul3A_686 = arith.constant 16 : i32
          %mul3A_687 = arith.muli %mul3A_685, %mul3A_686 : i32
          %add3A_688 = arith.constant 16 : i32
          %add3A_689 = arith.addi %mul3A_687, %add3A_688 : i32
          %get3A_690 = arith.constant 0 : i32
          %get3A_691 = arith.index_cast %get3A_690 : i32 to index
          %get3A_692 = arith.index_cast %add3A_689 : i32 to index
          %get3A_693 = tpu.vector_load %arg12[%get3A_691, %get3A_692] {strides = array<i32>} : memref<5x320xf32, #tpu.memory_space<vmem>>, vector<16xf32>,
          %get3A_694 = arith.constant 1 : i32
          %get3A_695 = arith.index_cast %get3A_694 : i32 to index
          %get3A_696 = arith.index_cast %add3A_689 : i32 to index
          %get3A_697 = tpu.vector_load %arg12[%get3A_695, %get3A_696] {strides = array<i32>} : memref<5x320xf32, #tpu.memory_space<vmem>>, vector<16xf32>,
          %get3A_698 = arith.constant 2 : i32
          %get3A_699 = arith.index_cast %get3A_698 : i32 to index
          %get3A_700 = arith.index_cast %add3A_689 : i32 to index
          %get3A_701 = tpu.vector_load %arg12[%get3A_699, %get3A_700] {strides = array<i32>} : memref<5x320xf32, #tpu.memory_space<vmem>>, vector<16xf32>,
          %get3A_702 = arith.constant 3 : i32
          %get3A_703 = arith.index_cast %get3A_702 : i32 to index
          %get3A_704 = arith.index_cast %add3A_689 : i32 to index
          %get3A_705 = tpu.vector_load %arg12[%get3A_703, %get3A_704] {strides = array<i32>} : memref<5x320xf32, #tpu.memory_space<vmem>>, vector<16xf32>,
          %get3A_706 = arith.constant 4 : i32
          %get3A_707 = arith.index_cast %get3A_706 : i32 to index
          %get3A_708 = arith.index_cast %add3A_689 : i32 to index
          %get3A_709 = tpu.vector_load %arg12[%get3A_707, %get3A_708] {strides = array<i32>} : memref<5x320xf32, #tpu.memory_space<vmem>>, vector<16xf32>,
          %max3A_710 = arith.maximumf %gather3A_419, %get3A_693 : vector<16xf32>
          %max3A_711 = arith.maximumf %gather3A_425, %get3A_697 : vector<16xf32>
          %min3A_712 = arith.minimumf %gather3A_431, %get3A_701 : vector<16xf32>
          %min3A_713 = arith.minimumf %gather3A_437, %get3A_705 : vector<16xf32>
          %sub3A_714 = arith.subf %min3A_712, %max3A_710 : vector<16xf32>
          %max3A_715 = arith.constant 0.000000e+00 : f32
          %max3A_716 = vector.broadcast %max3A_715 : f32 to vector<16xf32>
          %max3A_717 = arith.maximumf %sub3A_714, %max3A_716 : vector<16xf32>
          %sub3A_718 = arith.subf %min3A_713, %max3A_711 : vector<16xf32>
          %max3A_719 = arith.constant 0.000000e+00 : f32
          %max3A_720 = vector.broadcast %max3A_719 : f32 to vector<16xf32>
          %max3A_721 = arith.maximumf %sub3A_718, %max3A_720 : vector<16xf32>
          %mul3A_722 = arith.mulf %max3A_717, %max3A_721 : vector<16xf32>
          %add3A_723 = arith.addf %gather3A_438, %get3A_709 : vector<16xf32>
          %sub3A_724 = arith.subf %add3A_723, %mul3A_722 : vector<16xf32>
          %mul3A_725 = arith.constant 5.000000e-01 : f32
          %mul3A_726 = vector.broadcast %mul3A_725 : f32 to vector<16xf32>
          %mul3A_727 = arith.mulf %mul3A_726, %sub3A_724 : vector<16xf32>
          %gt3A_728 = arith.cmpf ogt, %mul3A_722, %mul3A_727 : vector<16xf32>
          %or3A_729 = arith.ori %or3A, %gt3A_728 : vector<16xi1>
          scf.yield %or3A_729 : vector<16xi1>
        }
        %all_reduce_population_count3A = tpu.all_reduce %while3A_558 {dim = 0 : i64, kind = #tpu.reduction_kind<sum>} : vector<16xi1> -> vector<16xi32>
        %gt3A_559 = arith.constant 0 : i32
        %gt3A_560 = vector.broadcast %gt3A_559 : i32 to vector<16xi32>
        %gt3A_561 = arith.cmpi sgt, %all_reduce_population_count3A, %gt3A_560 : vector<16xi32>
        %not3A_562 = arith.constant dense<true> : vector<16xi1>
        %not3A_563 = arith.xori %gt3A_561, %not3A_562 : vector<16xi1>
        %and3A_564 = arith.andi %gt3A_406, %not3A_563 : vector<16xi1>
        %broadcast_in_dim3A_565 = arith.constant 0 : i32
        %broadcast_in_dim3A_566 = vector.broadcast %broadcast_in_dim3A_565 : i32 to vector<16xi32>
        %add3A_567 = arith.constant 0 : i32
        %add3A_568 = vector.broadcast %add3A_567 : i32 to vector<16xi32>
        %add3A_569 = arith.addi %broadcast_in_dim3A_566, %add3A_568 : vector<16xi32>
        %gt3A_570 = arith.constant 0 : i32
        %gt3A_571 = vector.broadcast %gt3A_570 : i32 to vector<16xi32>
        %gt3A_572 = arith.cmpi sgt, %add3A_569, %gt3A_571 : vector<16xi32>
        %and3A_573 = arith.andi %eq3A_2, %and3A_564 : vector<16xi1>
        %not3A_574 = arith.constant dense<true> : vector<16xi1>
        %not3A_575 = arith.xori %gt3A_572, %not3A_574 : vector<16xi1>
        %and3A_576 = arith.andi %and3A_573, %not3A_575 : vector<16xi1>
        %broadcast_in_dim3A_577 = arith.constant 0 : i32
        %broadcast_in_dim3A_578 = vector.broadcast %broadcast_in_dim3A_577 : i32 to vector<16xi32>
        %add3A_579 = vector.broadcast %while3A_59 : i32 to vector<16xi32>
        %add3A_580 = arith.addi %broadcast_in_dim3A_578, %add3A_579 : vector<16xi32>
        %broadcast_in_dim3A_581 = arith.constant 0 : i32
        %broadcast_in_dim3A_582 = vector.broadcast %broadcast_in_dim3A_581 : i32 to vector<16xi32>
        tpu.vector_store_idx %arg12[%broadcast_in_dim3A_582, %add3A_580], %gather3A_419 masked %and3A_576 : memref<5x320xf32, #tpu.memory_space<vmem>>[vector<16xi32>, vector<16xi32>], vector<16xf32>, vector<16xi1>
        %broadcast_in_dim3A_583 = arith.constant 0 : i32
        %broadcast_in_dim3A_584 = vector.broadcast %broadcast_in_dim3A_583 : i32 to vector<16xi32>
        %add3A_585 = arith.constant 1 : i32
        %add3A_586 = vector.broadcast %add3A_585 : i32 to vector<16xi32>
        %add3A_587 = arith.addi %broadcast_in_dim3A_584, %add3A_586 : vector<16xi32>
        tpu.vector_store_idx %arg12[%add3A_587, %add3A_580], %gather3A_425 masked %and3A_576 : memref<5x320xf32, #tpu.memory_space<vmem>>[vector<16xi32>, vector<16xi32>], vector<16xf32>, vector<16xi1>
        %broadcast_in_dim3A_588 = arith.constant 0 : i32
        %broadcast_in_dim3A_589 = vector.broadcast %broadcast_in_dim3A_588 : i32 to vector<16xi32>
        %add3A_590 = arith.constant 2 : i32
        %add3A_591 = vector.broadcast %add3A_590 : i32 to vector<16xi32>
        %add3A_592 = arith.addi %broadcast_in_dim3A_589, %add3A_591 : vector<16xi32>
        tpu.vector_store_idx %arg12[%add3A_592, %add3A_580], %gather3A_431 masked %and3A_576 : memref<5x320xf32, #tpu.memory_space<vmem>>[vector<16xi32>, vector<16xi32>], vector<16xf32>, vector<16xi1>
        %broadcast_in_dim3A_593 = arith.constant 0 : i32
        %broadcast_in_dim3A_594 = vector.broadcast %broadcast_in_dim3A_593 : i32 to vector<16xi32>
        %add3A_595 = arith.constant 3 : i32
        %add3A_596 = vector.broadcast %add3A_595 : i32 to vector<16xi32>
        %add3A_597 = arith.addi %broadcast_in_dim3A_594, %add3A_596 : vector<16xi32>
        tpu.vector_store_idx %arg12[%add3A_597, %add3A_580], %gather3A_437 masked %and3A_576 : memref<5x320xf32, #tpu.memory_space<vmem>>[vector<16xi32>, vector<16xi32>], vector<16xf32>, vector<16xi1>
        %broadcast_in_dim3A_598 = arith.constant 0 : i32
        %broadcast_in_dim3A_599 = vector.broadcast %broadcast_in_dim3A_598 : i32 to vector<16xi32>
        %add3A_600 = arith.constant 4 : i32
        %add3A_601 = vector.broadcast %add3A_600 : i32 to vector<16xi32>
        %add3A_602 = arith.addi %broadcast_in_dim3A_599, %add3A_601 : vector<16xi32>
        tpu.vector_store_idx %arg12[%add3A_602, %add3A_580], %gather3A_438 masked %and3A_576 : memref<5x320xf32, #tpu.memory_space<vmem>>[vector<16xi32>, vector<16xi32>], vector<16xf32>, vector<16xi1>
        %broadcast_in_dim3A_603 = arith.constant 0 : i32
        %broadcast_in_dim3A_604 = vector.broadcast %broadcast_in_dim3A_603 : i32 to vector<16xi32>
        %add3A_605 = vector.broadcast %while3A_58 : i32 to vector<16xi32>
        %add3A_606 = arith.addi %broadcast_in_dim3A_604, %add3A_605 : vector<16xi32>
        tpu.vector_store_idx %arg13[%add3A_606], %add3A_416 masked %and3A_576 : memref<304xi32, #tpu.memory_space<vmem>>[vector<16xi32>], vector<16xi32>, vector<16xi1>
        %broadcast_in_dim3A_607 = arith.constant 0 : i32
        %broadcast_in_dim3A_608 = vector.broadcast %broadcast_in_dim3A_607 : i32 to vector<16xi32>
        %add3A_609 = vector.broadcast %while3A_58 : i32 to vector<16xi32>
        %add3A_610 = arith.addi %broadcast_in_dim3A_608, %add3A_609 : vector<16xi32>
        tpu.vector_store_idx %arg14[%add3A_610], %max3A_323 masked %and3A_576 : memref<304xf32, #tpu.memory_space<vmem>>[vector<16xi32>], vector<16xf32>, vector<16xi1>
        %reduce_or3A = arith.constant 1.000000e+00 : f32
        %reduce_or3A_611 = arith.constant 0.000000e+00 : f32
        %reduce_or3A_612 = vector.broadcast %reduce_or3A : f32 to vector<16xf32>
        %reduce_or3A_613 = vector.broadcast %reduce_or3A_611 : f32 to vector<16xf32>
        %reduce_or3A_614 = arith.select %and3A_564, %reduce_or3A_612, %reduce_or3A_613 : vector<16xi1>, vector<16xf32>
        %reduce_or3A_615 = arith.constant true
        %reduce_or3A_616 = vector.broadcast %reduce_or3A_615 : i1 to vector<16xi1>
        %reduce_or3A_617 = tpu.scan <max>, %reduce_or3A_614 masked %reduce_or3A_616 : vector<16xf32>, vector<16xi1> -> vector<16xf32>
        %reduce_or3A_618 = vector.extract %reduce_or3A_617[15] : f32 from vector<16xf32>
        %reduce_or3A_619 = arith.constant 0.000000e+00 : f32
        %reduce_or3A_620 = arith.cmpf ogt, %reduce_or3A_618, %reduce_or3A_619 : f32
        %reduce_or3A_621 = arith.constant 1.000000e+00 : f32
        %reduce_or3A_622 = arith.constant 0.000000e+00 : f32
        %reduce_or3A_623 = vector.broadcast %reduce_or3A_621 : f32 to vector<16xf32>
        %reduce_or3A_624 = vector.broadcast %reduce_or3A_622 : f32 to vector<16xf32>
        %reduce_or3A_625 = arith.select %gt3A_406, %reduce_or3A_623, %reduce_or3A_624 : vector<16xi1>, vector<16xf32>
        %reduce_or3A_626 = arith.constant true
        %reduce_or3A_627 = vector.broadcast %reduce_or3A_626 : i1 to vector<16xi1>
        %reduce_or3A_628 = tpu.scan <max>, %reduce_or3A_625 masked %reduce_or3A_627 : vector<16xf32>, vector<16xi1> -> vector<16xf32>
        %reduce_or3A_629 = vector.extract %reduce_or3A_628[15] : f32 from vector<16xf32>
        %reduce_or3A_630 = arith.constant 0.000000e+00 : f32
        %reduce_or3A_631 = arith.cmpf ogt, %reduce_or3A_629, %reduce_or3A_630 : f32
        %jit3A_632 = arith.constant 1 : i32
        %jit3A_633 = arith.constant 0 : i32
        %select_n3A_634 = arith.select %reduce_or3A_620, %jit3A_632, %jit3A_633 : i32
        %add3A_635 = arith.addi %while3A_58, %select_n3A_634 : i32
        %add3A_636 = arith.addi %while3A_59, %select_n3A_634 : i32
        %jit3A_637 = arith.constant 0 : i32
        %select_n3A_638 = arith.select %reduce_or3A_631, %while3A_60, %jit3A_637 : i32
        scf.yield %add3A_635, %add3A_636, %select_n3A_638 : i32, i32, i32
      }
      %cond3A_57 = arith.constant 0 : i32
      scf.yield %cond3A_57 : i32
    }
    %rem3A_47 = arith.constant 20 : i32
    %rem3A_48 = arith.remsi %add3A_5, %rem3A_47 : i32
    "tpu.region"() ({
      %run_scoped3A = tpu.sem_alloc : memref<!tpu.dma_semaphore, #tpu.memory_space<semaphore_mem>>
      %dma_start3A = arith.constant 0 : i32
      %dma_start3A_54 = tpu.memref_slice %arg23[%rem3A_48, %dma_start3A] : memref<20x304xi32, #tpu.memory_space<vmem_shared>> -> memref<1x304xi32, #tpu.memory_space<vmem_shared>>
      %dma_start3A_55 = tpu.memref_squeeze %dma_start3A_54 : memref<1x304xi32, #tpu.memory_space<vmem_shared>> -> memref<304xi32, #tpu.memory_space<vmem_shared>>
      %dma_start3A_56 = arith.constant 0 : i32
      %dma_start3A_57 = tpu.memref_slice %arg23[%rem3A_48, %dma_start3A_56] : memref<20x304xi32, #tpu.memory_space<vmem_shared>> -> memref<1x304xi32, #tpu.memory_space<vmem_shared>>
      %dma_start3A_58 = tpu.memref_squeeze %dma_start3A_57 : memref<1x304xi32, #tpu.memory_space<vmem_shared>> -> memref<304xi32, #tpu.memory_space<vmem_shared>>
      tpu.enqueue_dma source(%arg13 : memref<304xi32, #tpu.memory_space<vmem>>) target(%dma_start3A_58 : memref<304xi32, #tpu.memory_space<vmem_shared>>) target_semaphore(%run_scoped3A : memref<!tpu.dma_semaphore, #tpu.memory_space<semaphore_mem>>)
      %dma_wait3A = arith.constant 0 : i32
      %dma_wait3A_59 = tpu.memref_slice %arg23[%rem3A_48, %dma_wait3A] : memref<20x304xi32, #tpu.memory_space<vmem_shared>> -> memref<1x304xi32, #tpu.memory_space<vmem_shared>>
      %dma_wait3A_60 = tpu.memref_squeeze %dma_wait3A_59 : memref<1x304xi32, #tpu.memory_space<vmem_shared>> -> memref<304xi32, #tpu.memory_space<vmem_shared>>
      %dma_wait3A_61 = arith.constant 0 : i32
      %dma_wait3A_62 = tpu.memref_slice %arg23[%rem3A_48, %dma_wait3A_61] : memref<20x304xi32, #tpu.memory_space<vmem_shared>> -> memref<1x304xi32, #tpu.memory_space<vmem_shared>>
      %dma_wait3A_63 = tpu.memref_squeeze %dma_wait3A_62 : memref<1x304xi32, #tpu.memory_space<vmem_shared>> -> memref<304xi32, #tpu.memory_space<vmem_shared>>
      tpu.wait_dma2 semaphore(%run_scoped3A : memref<!tpu.dma_semaphore, #tpu.memory_space<semaphore_mem>>) src(%arg13 : memref<304xi32, #tpu.memory_space<vmem>>) dst(%dma_wait3A_63 : memref<304xi32, #tpu.memory_space<vmem_shared>>)
      tpu.yield
    }) : () -> ()
    "tpu.region"() ({
      %run_scoped3A = tpu.sem_alloc : memref<!tpu.dma_semaphore, #tpu.memory_space<semaphore_mem>>
      %dma_start3A = arith.constant 0 : i32
      %dma_start3A_54 = tpu.memref_slice %arg24[%rem3A_48, %dma_start3A] : memref<20x304xf32, #tpu.memory_space<vmem_shared>> -> memref<1x304xf32, #tpu.memory_space<vmem_shared>>
      %dma_start3A_55 = tpu.memref_squeeze %dma_start3A_54 : memref<1x304xf32, #tpu.memory_space<vmem_shared>> -> memref<304xf32, #tpu.memory_space<vmem_shared>>
      %dma_start3A_56 = arith.constant 0 : i32
      %dma_start3A_57 = tpu.memref_slice %arg24[%rem3A_48, %dma_start3A_56] : memref<20x304xf32, #tpu.memory_space<vmem_shared>> -> memref<1x304xf32, #tpu.memory_space<vmem_shared>>
      %dma_start3A_58 = tpu.memref_squeeze %dma_start3A_57 : memref<1x304xf32, #tpu.memory_space<vmem_shared>> -> memref<304xf32, #tpu.memory_space<vmem_shared>>
      tpu.enqueue_dma source(%arg14 : memref<304xf32, #tpu.memory_space<vmem>>) target(%dma_start3A_58 : memref<304xf32, #tpu.memory_space<vmem_shared>>) target_semaphore(%run_scoped3A : memref<!tpu.dma_semaphore, #tpu.memory_space<semaphore_mem>>)
      %dma_wait3A = arith.constant 0 : i32
      %dma_wait3A_59 = tpu.memref_slice %arg24[%rem3A_48, %dma_wait3A] : memref<20x304xf32, #tpu.memory_space<vmem_shared>> -> memref<1x304xf32, #tpu.memory_space<vmem_shared>>
      %dma_wait3A_60 = tpu.memref_squeeze %dma_wait3A_59 : memref<1x304xf32, #tpu.memory_space<vmem_shared>> -> memref<304xf32, #tpu.memory_space<vmem_shared>>
      %dma_wait3A_61 = arith.constant 0 : i32
      %dma_wait3A_62 = tpu.memref_slice %arg24[%rem3A_48, %dma_wait3A_61] : memref<20x304xf32, #tpu.memory_space<vmem_shared>> -> memref<1x304xf32, #tpu.memory_space<vmem_shared>>
      %dma_wait3A_63 = tpu.memref_squeeze %dma_wait3A_62 : memref<1x304xf32, #tpu.memory_space<vmem_shared>> -> memref<304xf32, #tpu.memory_space<vmem_shared>>
      tpu.wait_dma2 semaphore(%run_scoped3A : memref<!tpu.dma_semaphore, #tpu.memory_space<semaphore_mem>>) src(%arg14 : memref<304xf32, #tpu.memory_space<vmem>>) dst(%dma_wait3A_63 : memref<304xf32, #tpu.memory_space<vmem_shared>>)
      tpu.yield
    }) : () -> ()
    %barrier3A = arith.constant 0 : index
    tpu.barrier barrier_id(%barrier3A)
    %eq3A_49 = arith.constant 15 : i32
    %eq3A_50 = arith.cmpi eq, %arg1, %eq3A_49 : i32
    %convert_element_type3A_51 = arith.extui %eq3A_50 : i1 to i32
    %cond3A_52 = arith.constant 0 : i32
    %cond3A_53 = arith.cmpi ne, %convert_element_type3A_51, %cond3A_52 : i32
    scf.if %cond3A_53 {
      "tpu.region"() ({
        %run_scoped3A = tpu.sem_alloc : memref<!tpu.dma_semaphore, #tpu.memory_space<semaphore_mem>>
        tpu.enqueue_dma source(%arg24 : memref<20x304xf32, #tpu.memory_space<vmem_shared>>) target(%arg26 : memref<20x304xf32, #tpu.memory_space<vmem>>) target_semaphore(%run_scoped3A : memref<!tpu.dma_semaphore, #tpu.memory_space<semaphore_mem>>)
        tpu.wait_dma2 semaphore(%run_scoped3A : memref<!tpu.dma_semaphore, #tpu.memory_space<semaphore_mem>>) src(%arg24 : memref<20x304xf32, #tpu.memory_space<vmem_shared>>) dst(%arg26 : memref<20x304xf32, #tpu.memory_space<vmem>>)
        tpu.yield
      }) : () -> ()
      "tpu.region"() ({
        %run_scoped3A = tpu.sem_alloc : memref<!tpu.dma_semaphore, #tpu.memory_space<semaphore_mem>>
        tpu.enqueue_dma source(%arg23 : memref<20x304xi32, #tpu.memory_space<vmem_shared>>) target(%arg25 : memref<20x304xi32, #tpu.memory_space<vmem>>) target_semaphore(%run_scoped3A : memref<!tpu.dma_semaphore, #tpu.memory_space<semaphore_mem>>)
        tpu.wait_dma2 semaphore(%run_scoped3A : memref<!tpu.dma_semaphore, #tpu.memory_space<semaphore_mem>>) src(%arg23 : memref<20x304xi32, #tpu.memory_space<vmem_shared>>) dst(%arg25 : memref<20x304xi32, #tpu.memory_space<vmem>>)
        tpu.yield
      }) : () -> ()
      %broadcast_in_dim3A = arith.constant 0 : i32
      %broadcast_in_dim3A_54 = vector.broadcast %broadcast_in_dim3A : i32 to vector<16xi32>
      %swap3A = arith.constant 0 : index
      %swap3A_55 = tpu.vector_load %arg27[%swap3A] {strides = array<i32>} : memref<32xi32, #tpu.memory_space<vmem>>, vector<16xi32>,
      tpu.vector_store %arg27[%swap3A], %broadcast_in_dim3A_54 {strides = array<i32>} : memref<32xi32, #tpu.memory_space<vmem>>, vector<16xi32>,
      %broadcast_in_dim3A_56 = arith.constant 0 : i32
      %broadcast_in_dim3A_57 = vector.broadcast %broadcast_in_dim3A_56 : i32 to vector<16xi32>
      %swap3A_58 = arith.constant 16 : index
      %swap3A_59 = tpu.vector_load %arg27[%swap3A_58] {strides = array<i32>} : memref<32xi32, #tpu.memory_space<vmem>>, vector<16xi32>,
      tpu.vector_store %arg27[%swap3A_58], %broadcast_in_dim3A_57 {strides = array<i32>} : memref<32xi32, #tpu.memory_space<vmem>>, vector<16xi32>,
      %scan3A_60 = arith.constant 0 : i32
      %scan3A_61 = arith.constant 0 : i32
      %scan3A_62 = arith.constant 19 : i32
      %scan3A_63 = arith.addi %scan3A_61, %scan3A_62 : i32
      %scan3A_64 = arith.constant 1 : i32
      scf.for %scan3A_78 = %scan3A_61 to %scan3A_63 step %scan3A_64  : i32 {
        %broadcast_in_dim3A_79 = arith.constant -1.000000e+00 : f32
        %broadcast_in_dim3A_80 = vector.broadcast %broadcast_in_dim3A_79 : f32 to vector<16xf32>
        %mul3A_81 = arith.constant 16 : i32
        %mul3A_82 = arith.muli %scan3A_78, %mul3A_81 : i32
        %swap3A_83 = arith.index_cast %mul3A_82 : i32 to index
        %swap3A_84 = tpu.vector_load %arg29[%swap3A_83] {strides = array<i32>} : memref<304xf32, #tpu.memory_space<vmem>>, vector<16xf32>,
        tpu.vector_store %arg29[%swap3A_83], %broadcast_in_dim3A_80 {strides = array<i32>} : memref<304xf32, #tpu.memory_space<vmem>>, vector<16xf32>,
        %broadcast_in_dim3A_85 = arith.constant -1 : i32
        %broadcast_in_dim3A_86 = vector.broadcast %broadcast_in_dim3A_85 : i32 to vector<16xi32>
        %mul3A_87 = arith.constant 16 : i32
        %mul3A_88 = arith.muli %scan3A_78, %mul3A_87 : i32
        %swap3A_89 = arith.index_cast %mul3A_88 : i32 to index
        %swap3A_90 = tpu.vector_load %arg30[%swap3A_89] {strides = array<i32>} : memref<304xi32, #tpu.memory_space<vmem>>, vector<16xi32>,
        tpu.vector_store %arg30[%swap3A_89], %broadcast_in_dim3A_86 {strides = array<i32>} : memref<304xi32, #tpu.memory_space<vmem>>, vector<16xi32>,
      }
      %scan3A_65 = arith.constant 19 : i32
      %scan3A_66 = arith.constant 0 : i32
      %scan3A_67 = arith.constant 0 : i32
      %scan3A_68 = arith.constant 76 : i32
      %scan3A_69 = arith.addi %scan3A_67, %scan3A_68 : i32
      %scan3A_70 = arith.constant 1 : i32
      scf.for %scan3A_78 = %scan3A_67 to %scan3A_69 step %scan3A_70  : i32 {
        %broadcast_in_dim3A_79 = arith.constant -1.000000e+00 : f32
        %broadcast_in_dim3A_80 = vector.broadcast %broadcast_in_dim3A_79 : f32 to vector<16xf32>
        %mul3A_81 = arith.constant 16 : i32
        %mul3A_82 = arith.muli %scan3A_78, %mul3A_81 : i32
        %swap3A_83 = arith.index_cast %mul3A_82 : i32 to index
        %swap3A_84 = tpu.vector_load %arg28[%swap3A_83] {strides = array<i32>} : memref<1216xf32, #tpu.memory_space<vmem>>, vector<16xf32>,
        tpu.vector_store %arg28[%swap3A_83], %broadcast_in_dim3A_80 {strides = array<i32>} : memref<1216xf32, #tpu.memory_space<vmem>>, vector<16xf32>,
      }
      %scan3A_71 = arith.constant 76 : i32
      %scan3A_72 = arith.constant 0 : i32
      %scan3A_73 = arith.constant 0 : i32
      %scan3A_74 = arith.constant 300 : i32
      %scan3A_75 = arith.addi %scan3A_73, %scan3A_74 : i32
      %scan3A_76 = arith.constant 1 : i32
      scf.for %scan3A_78 = %scan3A_73 to %scan3A_75 step %scan3A_76  : i32 {
        %gather3A = tpu.vector_load_idx %arg27[%iota3A] : memref<32xi32, #tpu.memory_space<vmem>>[vector<16xi32>], vector<16xi32>,
        %gather3A_79 = tpu.vector_load_idx %arg26[%iota3A, %gather3A] : memref<20x304xf32, #tpu.memory_space<vmem>>[vector<16xi32>, vector<16xi32>], vector<16xf32>,
        %add3A_80 = arith.constant 16 : i32
        %add3A_81 = vector.broadcast %add3A_80 : i32 to vector<16xi32>
        %add3A_82 = arith.addi %iota3A, %add3A_81 : vector<16xi32>
        %min3A_83 = arith.constant 19 : i32
        %min3A_84 = vector.broadcast %min3A_83 : i32 to vector<16xi32>
        %min3A_85 = arith.minsi %add3A_82, %min3A_84 : vector<16xi32>
        %add3A_86 = arith.constant 16 : i32
        %add3A_87 = vector.broadcast %add3A_86 : i32 to vector<16xi32>
        %add3A_88 = arith.addi %iota3A, %add3A_87 : vector<16xi32>
        %gather3A_89 = tpu.vector_load_idx %arg27[%add3A_88] : memref<32xi32, #tpu.memory_space<vmem>>[vector<16xi32>], vector<16xi32>,
        %gather3A_90 = tpu.vector_load_idx %arg26[%min3A_85, %gather3A_89] : memref<20x304xf32, #tpu.memory_space<vmem>>[vector<16xi32>, vector<16xi32>], vector<16xf32>,
        %lt3A_91 = arith.constant 4 : i32
        %lt3A_92 = vector.broadcast %lt3A_91 : i32 to vector<16xi32>
        %lt3A_93 = arith.cmpi slt, %iota3A, %lt3A_92 : vector<16xi32>
        %jit3A_94 = arith.constant -2.000000e+00 : f32
        %broadcast_in_dim3A_95 = vector.broadcast %jit3A_94 : f32 to vector<16xf32>
        %select_n3A_96 = arith.select %lt3A_93, %gather3A_90, %broadcast_in_dim3A_95 : vector<16xi1>, vector<16xf32>
        %max3A = arith.maximumf %gather3A_79, %select_n3A_96 : vector<16xf32>
        %iota3A_97 = tpu.iota {dimensions = array<i32: 0>} : vector<16xi32>
        %add3A_98 = arith.constant 8 : i32
        %add3A_99 = vector.broadcast %add3A_98 : i32 to vector<16xi32>
        %add3A_100 = arith.addi %iota3A_97, %add3A_99 : vector<16xi32>
        %and3A_101 = arith.constant 15 : i32
        %and3A_102 = vector.broadcast %and3A_101 : i32 to vector<16xi32>
        %and3A_103 = arith.andi %add3A_100, %and3A_102 : vector<16xi32>
        %lt3A_104 = arith.constant 0 : i32
        %lt3A_105 = vector.broadcast %lt3A_104 : i32 to vector<16xi32>
        %lt3A_106 = arith.cmpi slt, %and3A_103, %lt3A_105 : vector<16xi32>
        %add3A_107 = arith.constant 16 : i32
        %add3A_108 = vector.broadcast %add3A_107 : i32 to vector<16xi32>
        %add3A_109 = arith.addi %and3A_103, %add3A_108 : vector<16xi32>
        %select_n3A_110 = arith.select %lt3A_106, %add3A_109, %and3A_103 : vector<16xi1>, vector<16xi32>
        %broadcast_in_dim3A_111 = vector.shape_cast %select_n3A_110 : vector<16xi32> to vector<16x1xi32>
        %gather3A_112 = vector.shape_cast %broadcast_in_dim3A_111 : vector<16x1xi32> to vector<16xi32>
        %gather3A_113 = tpu.dynamic_gather %max3A[%gather3A_112] in [0] : vector<16xf32>, vector<16xi32> -> vector<16xf32>
        %max3A_114 = arith.maximumf %max3A, %gather3A_113 : vector<16xf32>
        %iota3A_115 = tpu.iota {dimensions = array<i32: 0>} : vector<16xi32>
        %add3A_116 = arith.constant 4 : i32
        %add3A_117 = vector.broadcast %add3A_116 : i32 to vector<16xi32>
        %add3A_118 = arith.addi %iota3A_115, %add3A_117 : vector<16xi32>
        %and3A_119 = arith.constant 15 : i32
        %and3A_120 = vector.broadcast %and3A_119 : i32 to vector<16xi32>
        %and3A_121 = arith.andi %add3A_118, %and3A_120 : vector<16xi32>
        %lt3A_122 = arith.constant 0 : i32
        %lt3A_123 = vector.broadcast %lt3A_122 : i32 to vector<16xi32>
        %lt3A_124 = arith.cmpi slt, %and3A_121, %lt3A_123 : vector<16xi32>
        %add3A_125 = arith.constant 16 : i32
        %add3A_126 = vector.broadcast %add3A_125 : i32 to vector<16xi32>
        %add3A_127 = arith.addi %and3A_121, %add3A_126 : vector<16xi32>
        %select_n3A_128 = arith.select %lt3A_124, %add3A_127, %and3A_121 : vector<16xi1>, vector<16xi32>
        %broadcast_in_dim3A_129 = vector.shape_cast %select_n3A_128 : vector<16xi32> to vector<16x1xi32>
        %gather3A_130 = vector.shape_cast %broadcast_in_dim3A_129 : vector<16x1xi32> to vector<16xi32>
        %gather3A_131 = tpu.dynamic_gather %max3A_114[%gather3A_130] in [0] : vector<16xf32>, vector<16xi32> -> vector<16xf32>
        %max3A_132 = arith.maximumf %max3A_114, %gather3A_131 : vector<16xf32>
        %iota3A_133 = tpu.iota {dimensions = array<i32: 0>} : vector<16xi32>
        %add3A_134 = arith.constant 2 : i32
        %add3A_135 = vector.broadcast %add3A_134 : i32 to vector<16xi32>
        %add3A_136 = arith.addi %iota3A_133, %add3A_135 : vector<16xi32>
        %and3A_137 = arith.constant 15 : i32
        %and3A_138 = vector.broadcast %and3A_137 : i32 to vector<16xi32>
        %and3A_139 = arith.andi %add3A_136, %and3A_138 : vector<16xi32>
        %lt3A_140 = arith.constant 0 : i32
        %lt3A_141 = vector.broadcast %lt3A_140 : i32 to vector<16xi32>
        %lt3A_142 = arith.cmpi slt, %and3A_139, %lt3A_141 : vector<16xi32>
        %add3A_143 = arith.constant 16 : i32
        %add3A_144 = vector.broadcast %add3A_143 : i32 to vector<16xi32>
        %add3A_145 = arith.addi %and3A_139, %add3A_144 : vector<16xi32>
        %select_n3A_146 = arith.select %lt3A_142, %add3A_145, %and3A_139 : vector<16xi1>, vector<16xi32>
        %broadcast_in_dim3A_147 = vector.shape_cast %select_n3A_146 : vector<16xi32> to vector<16x1xi32>
        %gather3A_148 = vector.shape_cast %broadcast_in_dim3A_147 : vector<16x1xi32> to vector<16xi32>
        %gather3A_149 = tpu.dynamic_gather %max3A_132[%gather3A_148] in [0] : vector<16xf32>, vector<16xi32> -> vector<16xf32>
        %max3A_150 = arith.maximumf %max3A_132, %gather3A_149 : vector<16xf32>
        %iota3A_151 = tpu.iota {dimensions = array<i32: 0>} : vector<16xi32>
        %add3A_152 = arith.constant 1 : i32
        %add3A_153 = vector.broadcast %add3A_152 : i32 to vector<16xi32>
        %add3A_154 = arith.addi %iota3A_151, %add3A_153 : vector<16xi32>
        %and3A_155 = arith.constant 15 : i32
        %and3A_156 = vector.broadcast %and3A_155 : i32 to vector<16xi32>
        %and3A_157 = arith.andi %add3A_154, %and3A_156 : vector<16xi32>
        %lt3A_158 = arith.constant 0 : i32
        %lt3A_159 = vector.broadcast %lt3A_158 : i32 to vector<16xi32>
        %lt3A_160 = arith.cmpi slt, %and3A_157, %lt3A_159 : vector<16xi32>
        %add3A_161 = arith.constant 16 : i32
        %add3A_162 = vector.broadcast %add3A_161 : i32 to vector<16xi32>
        %add3A_163 = arith.addi %and3A_157, %add3A_162 : vector<16xi32>
        %select_n3A_164 = arith.select %lt3A_160, %add3A_163, %and3A_157 : vector<16xi1>, vector<16xi32>
        %broadcast_in_dim3A_165 = vector.shape_cast %select_n3A_164 : vector<16xi32> to vector<16x1xi32>
        %gather3A_166 = vector.shape_cast %broadcast_in_dim3A_165 : vector<16x1xi32> to vector<16xi32>
        %gather3A_167 = tpu.dynamic_gather %max3A_150[%gather3A_166] in [0] : vector<16xf32>, vector<16xi32> -> vector<16xf32>
        %max3A_168 = arith.maximumf %max3A_150, %gather3A_167 : vector<16xf32>
        %eq3A_169 = arith.cmpf oeq, %gather3A_79, %max3A_168 : vector<16xf32>
        %all_reduce_population_count3A = tpu.all_reduce %eq3A_169 {dim = 0 : i64, kind = #tpu.reduction_kind<sum>} : vector<16xi1> -> vector<16xi32>
        %gt3A = arith.constant 0 : i32
        %gt3A_170 = vector.broadcast %gt3A : i32 to vector<16xi32>
        %gt3A_171 = arith.cmpi sgt, %all_reduce_population_count3A, %gt3A_170 : vector<16xi32>
        %eq3A_172 = arith.cmpf oeq, %gather3A_79, %max3A_168 : vector<16xf32>
        %all_reduce_ffs3A = tpu.all_reduce %eq3A_172 {dim = 0 : i64, kind = #tpu.reduction_kind<find_first_set>} : vector<16xi1> -> vector<16xi32>
        %eq3A_173 = arith.cmpf oeq, %select_n3A_96, %max3A_168 : vector<16xf32>
        %all_reduce_ffs3A_174 = tpu.all_reduce %eq3A_173 {dim = 0 : i64, kind = #tpu.reduction_kind<find_first_set>} : vector<16xi1> -> vector<16xi32>
        %add3A_175 = arith.constant 16 : i32
        %add3A_176 = vector.broadcast %add3A_175 : i32 to vector<16xi32>
        %add3A_177 = arith.addi %all_reduce_ffs3A_174, %add3A_176 : vector<16xi32>
        %select_n3A_178 = arith.select %gt3A_171, %all_reduce_ffs3A, %add3A_177 : vector<16xi1>, vector<16xi32>
        %gather3A_179 = tpu.vector_load_idx %arg27[%select_n3A_178] : memref<32xi32, #tpu.memory_space<vmem>>[vector<16xi32>], vector<16xi32>,
        %add3A_180 = arith.constant 1 : i32
        %add3A_181 = vector.broadcast %add3A_180 : i32 to vector<16xi32>
        %add3A_182 = arith.addi %gather3A_179, %add3A_181 : vector<16xi32>
        tpu.vector_store_idx %arg27[%select_n3A_178], %add3A_182 masked %eq3A_2 : memref<32xi32, #tpu.memory_space<vmem>>[vector<16xi32>], vector<16xi32>, vector<16xi1>
        %gather3A_183 = tpu.vector_load_idx %arg25[%select_n3A_178, %gather3A_179] : memref<20x304xi32, #tpu.memory_space<vmem>>[vector<16xi32>, vector<16xi32>], vector<16xi32>,
        %ge3A = arith.constant 0 : i32
        %ge3A_184 = vector.broadcast %ge3A : i32 to vector<16xi32>
        %ge3A_185 = arith.cmpi sge, %gather3A_183, %ge3A_184 : vector<16xi32>
        %max3A_186 = arith.constant 0 : i32
        %max3A_187 = vector.broadcast %max3A_186 : i32 to vector<16xi32>
        %max3A_188 = arith.maxsi %gather3A_183, %max3A_187 : vector<16xi32>
        %rem3A_189 = arith.constant 4 : i32
        %rem3A_190 = vector.broadcast %rem3A_189 : i32 to vector<16xi32>
        %rem3A_191 = arith.remsi %iota3A, %rem3A_190 : vector<16xi32>
        %gather3A_192 = tpu.vector_load_idx %arg9[%rem3A_191, %max3A_188] : memref<4x5120xf32, #tpu.memory_space<vmem>>[vector<16xi32>, vector<16xi32>], vector<16xf32>,
        %jit3A_193 = arith.constant -1.000000e+00 : f32
        %broadcast_in_dim3A_194 = vector.broadcast %jit3A_193 : f32 to vector<16xf32>
        %select_n3A_195 = arith.select %ge3A_185, %gather3A_192, %broadcast_in_dim3A_194 : vector<16xi1>, vector<16xf32>
        %mul3A_196 = arith.constant 4 : i32
        %mul3A_197 = arith.muli %scan3A_78, %mul3A_196 : i32
        %broadcast_in_dim3A_198 = arith.constant 0 : i32
        %broadcast_in_dim3A_199 = vector.broadcast %broadcast_in_dim3A_198 : i32 to vector<16xi32>
        %add3A_200 = vector.broadcast %mul3A_197 : i32 to vector<16xi32>
        %add3A_201 = arith.addi %broadcast_in_dim3A_199, %add3A_200 : vector<16xi32>
        %add3A_202 = arith.addi %add3A_201, %rem3A_191 : vector<16xi32>
        %lt3A_203 = arith.constant 4 : i32
        %lt3A_204 = vector.broadcast %lt3A_203 : i32 to vector<16xi32>
        %lt3A_205 = arith.cmpi slt, %iota3A, %lt3A_204 : vector<16xi32>
        tpu.vector_store_idx %arg28[%add3A_202], %select_n3A_195 masked %lt3A_205 : memref<1216xf32, #tpu.memory_space<vmem>>[vector<16xi32>], vector<16xf32>, vector<16xi1>
        %broadcast_in_dim3A_206 = arith.constant 0 : i32
        %broadcast_in_dim3A_207 = vector.broadcast %broadcast_in_dim3A_206 : i32 to vector<16xi32>
        %add3A_208 = vector.broadcast %scan3A_78 : i32 to vector<16xi32>
        %add3A_209 = arith.addi %broadcast_in_dim3A_207, %add3A_208 : vector<16xi32>
        %jit3A_210 = arith.constant -1.000000e+00 : f32
        %broadcast_in_dim3A_211 = vector.broadcast %jit3A_210 : f32 to vector<16xf32>
        %select_n3A_212 = arith.select %ge3A_185, %max3A_168, %broadcast_in_dim3A_211 : vector<16xi1>, vector<16xf32>
        tpu.vector_store_idx %arg29[%add3A_209], %select_n3A_212 masked %eq3A_2 : memref<304xf32, #tpu.memory_space<vmem>>[vector<16xi32>], vector<16xf32>, vector<16xi1>
        %broadcast_in_dim3A_213 = arith.constant 0 : i32
        %broadcast_in_dim3A_214 = vector.broadcast %broadcast_in_dim3A_213 : i32 to vector<16xi32>
        %add3A_215 = vector.broadcast %scan3A_78 : i32 to vector<16xi32>
        %add3A_216 = arith.addi %broadcast_in_dim3A_214, %add3A_215 : vector<16xi32>
        %jit3A_217 = arith.constant -1 : i32
        %broadcast_in_dim3A_218 = vector.broadcast %jit3A_217 : i32 to vector<16xi32>
        %select_n3A_219 = arith.select %ge3A_185, %select_n3A_178, %broadcast_in_dim3A_218 : vector<16xi1>, vector<16xi32>
        tpu.vector_store_idx %arg30[%add3A_216], %select_n3A_219 masked %eq3A_2 : memref<304xi32, #tpu.memory_space<vmem>>[vector<16xi32>], vector<16xi32>, vector<16xi1>
      }
      %scan3A_77 = arith.constant 300 : i32
      "tpu.region"() ({
        %run_scoped3A = tpu.sem_alloc : memref<!tpu.dma_semaphore, #tpu.memory_space<semaphore_mem>>
        %dma_start3A = arith.constant 0 : i32
        %dma_start3A_78 = tpu.memref_slice %arg4[%arg0, %dma_start3A] : memref<2x1216xf32, #tpu.memory_space<hbm>> -> memref<1x1216xf32, #tpu.memory_space<hbm>>
        %dma_start3A_79 = tpu.memref_squeeze %dma_start3A_78 : memref<1x1216xf32, #tpu.memory_space<hbm>> -> memref<1216xf32, #tpu.memory_space<hbm>>
        %dma_start3A_80 = arith.constant 0 : i32
        %dma_start3A_81 = tpu.memref_slice %arg4[%arg0, %dma_start3A_80] : memref<2x1216xf32, #tpu.memory_space<hbm>> -> memref<1x1216xf32, #tpu.memory_space<hbm>>
        %dma_start3A_82 = tpu.memref_squeeze %dma_start3A_81 : memref<1x1216xf32, #tpu.memory_space<hbm>> -> memref<1216xf32, #tpu.memory_space<hbm>>
        tpu.enqueue_dma source(%arg28 : memref<1216xf32, #tpu.memory_space<vmem>>) target(%dma_start3A_82 : memref<1216xf32, #tpu.memory_space<hbm>>) target_semaphore(%run_scoped3A : memref<!tpu.dma_semaphore, #tpu.memory_space<semaphore_mem>>)
        %dma_wait3A = arith.constant 0 : i32
        %dma_wait3A_83 = tpu.memref_slice %arg4[%arg0, %dma_wait3A] : memref<2x1216xf32, #tpu.memory_space<hbm>> -> memref<1x1216xf32, #tpu.memory_space<hbm>>
        %dma_wait3A_84 = tpu.memref_squeeze %dma_wait3A_83 : memref<1x1216xf32, #tpu.memory_space<hbm>> -> memref<1216xf32, #tpu.memory_space<hbm>>
        %dma_wait3A_85 = arith.constant 0 : i32
        %dma_wait3A_86 = tpu.memref_slice %arg4[%arg0, %dma_wait3A_85] : memref<2x1216xf32, #tpu.memory_space<hbm>> -> memref<1x1216xf32, #tpu.memory_space<hbm>>
        %dma_wait3A_87 = tpu.memref_squeeze %dma_wait3A_86 : memref<1x1216xf32, #tpu.memory_space<hbm>> -> memref<1216xf32, #tpu.memory_space<hbm>>
        tpu.wait_dma2 semaphore(%run_scoped3A : memref<!tpu.dma_semaphore, #tpu.memory_space<semaphore_mem>>) src(%arg28 : memref<1216xf32, #tpu.memory_space<vmem>>) dst(%dma_wait3A_87 : memref<1216xf32, #tpu.memory_space<hbm>>)
        tpu.yield
      }) : () -> ()
      "tpu.region"() ({
        %run_scoped3A = tpu.sem_alloc : memref<!tpu.dma_semaphore, #tpu.memory_space<semaphore_mem>>
        %dma_start3A = arith.constant 0 : i32
        %dma_start3A_78 = tpu.memref_slice %arg5[%arg0, %dma_start3A] : memref<2x304xf32, #tpu.memory_space<hbm>> -> memref<1x304xf32, #tpu.memory_space<hbm>>
        %dma_start3A_79 = tpu.memref_squeeze %dma_start3A_78 : memref<1x304xf32, #tpu.memory_space<hbm>> -> memref<304xf32, #tpu.memory_space<hbm>>
        %dma_start3A_80 = arith.constant 0 : i32
        %dma_start3A_81 = tpu.memref_slice %arg5[%arg0, %dma_start3A_80] : memref<2x304xf32, #tpu.memory_space<hbm>> -> memref<1x304xf32, #tpu.memory_space<hbm>>
        %dma_start3A_82 = tpu.memref_squeeze %dma_start3A_81 : memref<1x304xf32, #tpu.memory_space<hbm>> -> memref<304xf32, #tpu.memory_space<hbm>>
        tpu.enqueue_dma source(%arg29 : memref<304xf32, #tpu.memory_space<vmem>>) target(%dma_start3A_82 : memref<304xf32, #tpu.memory_space<hbm>>) target_semaphore(%run_scoped3A : memref<!tpu.dma_semaphore, #tpu.memory_space<semaphore_mem>>)
        %dma_wait3A = arith.constant 0 : i32
        %dma_wait3A_83 = tpu.memref_slice %arg5[%arg0, %dma_wait3A] : memref<2x304xf32, #tpu.memory_space<hbm>> -> memref<1x304xf32, #tpu.memory_space<hbm>>
        %dma_wait3A_84 = tpu.memref_squeeze %dma_wait3A_83 : memref<1x304xf32, #tpu.memory_space<hbm>> -> memref<304xf32, #tpu.memory_space<hbm>>
        %dma_wait3A_85 = arith.constant 0 : i32
        %dma_wait3A_86 = tpu.memref_slice %arg5[%arg0, %dma_wait3A_85] : memref<2x304xf32, #tpu.memory_space<hbm>> -> memref<1x304xf32, #tpu.memory_space<hbm>>
        %dma_wait3A_87 = tpu.memref_squeeze %dma_wait3A_86 : memref<1x304xf32, #tpu.memory_space<hbm>> -> memref<304xf32, #tpu.memory_space<hbm>>
        tpu.wait_dma2 semaphore(%run_scoped3A : memref<!tpu.dma_semaphore, #tpu.memory_space<semaphore_mem>>) src(%arg29 : memref<304xf32, #tpu.memory_space<vmem>>) dst(%dma_wait3A_87 : memref<304xf32, #tpu.memory_space<hbm>>)
        tpu.yield
      }) : () -> ()
      "tpu.region"() ({
        %run_scoped3A = tpu.sem_alloc : memref<!tpu.dma_semaphore, #tpu.memory_space<semaphore_mem>>
        %dma_start3A = arith.constant 0 : i32
        %dma_start3A_78 = tpu.memref_slice %arg6[%arg0, %dma_start3A] : memref<2x304xi32, #tpu.memory_space<hbm>> -> memref<1x304xi32, #tpu.memory_space<hbm>>
        %dma_start3A_79 = tpu.memref_squeeze %dma_start3A_78 : memref<1x304xi32, #tpu.memory_space<hbm>> -> memref<304xi32, #tpu.memory_space<hbm>>
        %dma_start3A_80 = arith.constant 0 : i32
        %dma_start3A_81 = tpu.memref_slice %arg6[%arg0, %dma_start3A_80] : memref<2x304xi32, #tpu.memory_space<hbm>> -> memref<1x304xi32, #tpu.memory_space<hbm>>
        %dma_start3A_82 = tpu.memref_squeeze %dma_start3A_81 : memref<1x304xi32, #tpu.memory_space<hbm>> -> memref<304xi32, #tpu.memory_space<hbm>>
        tpu.enqueue_dma source(%arg30 : memref<304xi32, #tpu.memory_space<vmem>>) target(%dma_start3A_82 : memref<304xi32, #tpu.memory_space<hbm>>) target_semaphore(%run_scoped3A : memref<!tpu.dma_semaphore, #tpu.memory_space<semaphore_mem>>)
        %dma_wait3A = arith.constant 0 : i32
        %dma_wait3A_83 = tpu.memref_slice %arg6[%arg0, %dma_wait3A] : memref<2x304xi32, #tpu.memory_space<hbm>> -> memref<1x304xi32, #tpu.memory_space<hbm>>
        %dma_wait3A_84 = tpu.memref_squeeze %dma_wait3A_83 : memref<1x304xi32, #tpu.memory_space<hbm>> -> memref<304xi32, #tpu.memory_space<hbm>>
        %dma_wait3A_85 = arith.constant 0 : i32
        %dma_wait3A_86 = tpu.memref_slice %arg6[%arg0, %dma_wait3A_85] : memref<2x304xi32, #tpu.memory_space<hbm>> -> memref<1x304xi32, #tpu.memory_space<hbm>>
        %dma_wait3A_87 = tpu.memref_squeeze %dma_wait3A_86 : memref<1x304xi32, #tpu.memory_space<hbm>> -> memref<304xi32, #tpu.memory_space<hbm>>
        tpu.wait_dma2 semaphore(%run_scoped3A : memref<!tpu.dma_semaphore, #tpu.memory_space<semaphore_mem>>) src(%arg30 : memref<304xi32, #tpu.memory_space<vmem>>) dst(%dma_wait3A_87 : memref<304xi32, #tpu.memory_space<hbm>>)
        tpu.yield
      }) : () -> ()
    } else {
    }
    return
  }
}

</mosaic_0001>

<sc_bundles>
// kernel: kernel.3.cloned.1.call-start
scs
__scs_entry_jumppad:
0x0: {  	(pc) =	sbr.rel $0x88, $3  }
0x1: {  	(tag) =	ssettag $0x0;
	lr =	simm.s32 $0x1  }
0x2: {  	[smem:$0x3F9F] =	sst lr;
	_ =	strace $0xD0000000  }
0x3: {  	_ = 	snop  }
0x4: {  	_ = 	snop  }
0x5: {  	_ = 	snop  }
0x6: {  	_ = 	snop  }
0x7: {  	_ = 	snop  }
__scs_overlays_trampoline_lowered:
0x8: {  	[smem:$0x3FAE] =	sst s0  }
0x9: {  	[smem:$0x3FAF] =	sst s1  }
0xa: {  	[smem:$0x3FB0] =	sst s2  }
0xb: {  	[smem:$0x3FB1] =	sst s3  }
0xc: {  	[smem:$0x3FB2] =	sst s4  }
0xd: {  	[smem:$0x3FB3] =	sst s5  }
0xe: {  	[smem:$0x3FB4] =	sst s6  }
0xf: {  	[smem:$0x3FB5] =	sst s7  }
0x10: {  	[smem:$0x3FB6] =	sst s8  }
0x11: {  	[smem:$0x3FB7] =	sst s9;
	s0 =	simm.s32 @!p0 $0x0  }
0x12: {  	s1 =	sld [smem:$0x3F9D];
	s0 =	simm.s32 @p0 $0x1  }
0x13: {  	[smem:$0x3FB8] =	sst s0;
	s0 =	simm.s32 @!p1 $0x0  }
0x14: {  	s2 =	sld [smem:$0x3F9C];
	s0 =	simm.s32 @p1 $0x1  }
0x15: {  	[smem:$0x3FB9] =	sst s0;
	s0 =	simm.s32 @!p2 $0x0  }
0x16: {  	s3 =	sld [smem:$0x3FDB];
	s0 =	simm.s32 @p2 $0x1  }
0x17: {  	s4 =	simm.s32 $0x1BF5;
	[smem:$0x3FBB] =	sst s0  }
0x18: {  	s0 =	sld [smem:$0x3F9E];
	_ =	swait.ge [sflag:s4], $0x0  }
0x19: {  	s7 =	sld [smem:$0x3F9F]  }
0x1a: {  	s8 =	sadd.s32 $0xFFFFE003, lr  }
0x1b: {  	s9 =	sadd.s32 $0xFFFFFEF7, lr;
	s5 =	simm.s32 $0xFFFFFFFF;
	p2 =	slt.u32 s8, $0xFFFFF086  }
0x1c: {  	p1 =	slt.u32 s9, $0xF7A;
	s5 =	simm.s32 @!p2 $0x0  }
0x1d: {  	s5 =	simm.s32 @p1 $0x1;
	p0 =	seq.s32 s7, s2  }
0x1e: {  	s7 =	smul.u32 @!p0 $0xF7A, s2;
	p2 =	seq.s32 @!p0 s5, $0x0  }
0x1f: {  	s9 =	smul.u32 $0xF7A, s1;
	s8 =	simm.s32 @!p0 $0x1BF5;
	p2 =	por !p2, p0  }
0x20: {  	[sflag:s8] =	ssyncset.s32 @!p0 $0xFFFFF086;
	s6 =	sadd.s32 @!p0 s3, s7;
	s7 =	simm.s32 @!p0 $0x108  }
0x21: {  	s3 =	sadd.s32 s3, s9;
	s6 =	sadd.s32 @!p0 $0x88, s6;
	s7 =	simm.s32 @p2 $0x1082  }
0x22: {  	[simem:s7], [sflag:s8] =	dma.local @!p0 [hbm:s6], $0xF7A  }
0x23: {  	s9 =	sor.u32 $0xD0000000, s2;
	s6 =	simm.s32 $0x108;
	_ =	swait.ge @!p0 [sflag:s8], $0x0  }
0x24: {  	s3 =	sadd.s32 $0x88, s3;
	s6 =	simm.s32 @!p1 $0x1082;
	[sflag:s4] =	ssyncset.s32 $0xFFFFF086  }
0x25: {  	[simem:s6], [sflag:s4] =	dma.local [hbm:s3], $0xF7A  }
0x26: {  	[smem:$0x3F9F] =	sst s1;
	(tag) =	ssettag s2;
	_ =	strace s9  }
0x27: {  	s1 =	sld [smem:$0x3FAF]  }
0x28: {  	s2 =	sld [smem:$0x3FB0]  }
0x29: {  	s4 =	sld [smem:$0x3FB2]  }
0x2a: {  	p0 =	seq.s32 s5, $0x0;
	s5 =	sld [smem:$0x3FB3]  }
0x2b: {  	s6 =	sld [smem:$0x3FB4]  }
0x2c: {  	s7 =	sld [smem:$0x3FB5]  }
0x2d: {  	s3 =	simm.s32 $0x108;
	s8 =	sld [smem:$0x3FB6]  }
0x2e: {  	s3 =	simm.s32 @!p0 $0x1082;
	s9 =	sld [smem:$0x3FB7]  }
0x2f: {  	lr =	sadd.s32 s0, s3;
	s0 =	sld [smem:$0x3FAE]  }
0x30: {  	s3 =	sld [smem:$0x3FB1]  }
0x31: {  	[smem:$0x3FBA] =	sst s10  }
0x32: {  	s10 =	sld [smem:$0x3FB8];
	_ =	sdelay $0x3  }
0x33: {  	p0 =	seq.s32 s10, $0x1;
	s10 =	sld [smem:$0x3FBA];
	_ =	sdelay $0x3  }
0x34: {  	[smem:$0x3FBA] =	sst s10  }
0x35: {  	s10 =	sld [smem:$0x3FB9];
	_ =	sdelay $0x3  }
0x36: {  	p1 =	seq.s32 s10, $0x1;
	s10 =	sld [smem:$0x3FBA];
	_ =	sdelay $0x3  }
0x37: {  	[smem:$0x3FBA] =	sst s10  }
0x38: {  	s10 =	sld [smem:$0x3FBB]  }
0x39: {  	_ = 	snop;
	(pc) =	sbr.ind lr, $3  }
0x3a: {  	_ = 	snop  }
0x3b: {  	_ = 	snop  }
0x3c: {  	p2 =	seq.s32 s10, $0x1;
	s10 =	sld [smem:$0x3FBA]  }
0x3d: {  	_ =	shalt  }
0x3e: {  	_ =	shalt  }
0x3f: {  	_ =	shalt  }
0x40: {  	_ =	shalt  }
0x41: {  	_ =	shalt  }
0x42: {  	_ =	shalt  }
0x43: {  	_ =	shalt  }
0x44: {  	_ =	shalt  }
0x45: {  	_ =	shalt  }
0x46: {  	_ =	shalt  }
0x47: {  	_ =	shalt  }
0x48: {  	_ =	shalt  }
0x49: {  	_ =	shalt  }
0x4a: {  	_ =	shalt  }
0x4b: {  	_ =	shalt  }
0x4c: {  	_ =	shalt  }
0x4d: {  	_ =	shalt  }
0x4e: {  	_ =	shalt  }
0x4f: {  	_ =	shalt  }
0x50: {  	_ =	shalt  }
0x51: {  	_ =	shalt  }
0x52: {  	_ =	shalt  }
0x53: {  	_ =	shalt  }
0x54: {  	_ =	shalt  }
0x55: {  	_ =	shalt  }
0x56: {  	_ =	shalt  }
0x57: {  	_ =	shalt  }
0x58: {  	_ =	shalt  }
0x59: {  	_ =	shalt  }
0x5a: {  	_ =	shalt  }
0x5b: {  	_ =	shalt  }
0x5c: {  	_ =	shalt  }
0x5d: {  	_ =	shalt  }
0x5e: {  	_ =	shalt  }
0x5f: {  	_ =	shalt  }
0x60: {  	_ =	shalt  }
0x61: {  	_ =	shalt  }
0x62: {  	_ =	shalt  }
0x63: {  	_ =	shalt  }
0x64: {  	_ =	shalt  }
0x65: {  	_ =	shalt  }
0x66: {  	_ =	shalt  }
0x67: {  	_ =	shalt  }
0x68: {  	_ =	shalt  }
0x69: {  	_ =	shalt  }
0x6a: {  	_ =	shalt  }
0x6b: {  	_ =	shalt  }
0x6c: {  	_ =	shalt  }
0x6d: {  	_ =	shalt  }
0x6e: {  	_ =	shalt  }
0x6f: {  	_ =	shalt  }
0x70: {  	_ =	shalt  }
0x71: {  	_ =	shalt  }
0x72: {  	_ =	shalt  }
0x73: {  	_ =	shalt  }
0x74: {  	_ =	shalt  }
0x75: {  	_ =	shalt  }
0x76: {  	_ =	shalt  }
0x77: {  	_ =	shalt  }
0x78: {  	_ =	shalt  }
0x79: {  	_ =	shalt  }
0x7a: {  	_ =	shalt  }
0x7b: {  	_ =	shalt  }
0x7c: {  	_ =	shalt  }
0x7d: {  	_ =	shalt  }
0x7e: {  	_ =	shalt  }
0x7f: {  	_ =	shalt  }
0x80: {  	_ =	shalt  }
0x81: {  	_ =	shalt  }
0x82: {  	_ =	shalt  }
0x83: {  	_ =	shalt  }
0x84: {  	_ =	shalt  }
0x85: {  	_ =	shalt  }
0x86: {  	_ =	shalt  }
0x87: {  	_ =	shalt  }
.Lfunc_end0:
.L_simem_size_0:
called_computation_lowered:
.L_overlay_start_0:
0x88: {  	s2 =	sld [smem:$0x3FD9]  }
0x89: {  	s3 =	sld [smem:$0x3FFE];
	_ =	sdelay $0x1  }
0x8a: {  	s1 =	srdreg.scid  }
0x8b: {  	s0 =	sand.u32 $0x1, s1  }
0x8c: {  	s14 =	sshll.u32 s0, $0xA;
	s2 =	sadd.s32 s3, s2  }
0x8d: {  	s2 =	sadd.s32 s2, s14  }
0x8e: {  	[smem:$0x3FC6] =	sst s2  }
0x8f: {  	_ = 	snop  }
0x90: {  	s2 =	sld [smem:$0x3FD0];
	_ =	sdelay $0x2  }
0x91: {  	s15 =	simm.s32 $0xA;
	s4 =	simm.s32 $0x10  }
0x92: {  	[smem:s4], [sflag:s15] =	dma.local [hbm:s2], $0x1  }
0x93: {  	_ =	swait.eq [sflag:s15], $0x1  }
0x94: {  	[sflag:s15] =	ssyncset.done $0x0  }
0x95: {  	[sflag:s15] =	ssyncadd.s32 $0xFFFFFFFF  }
0x96: {  	s16 =	sld [smem:$0x10];
	(tm) =	ssettm $0x1  }
0x97: {  	s17 =	sld [smem:$0x3FFB];
	_ =	sdelay $0x3  }
0x98: {  	_ =	strace s17  }
0x99: {  	s3 =	sld [smem:$0x3FFC];
	_ =	sdelay $0x3  }
0x9a: {  	_ =	strace s3  }
0x9b: {  	s3 =	sld [smem:$0x3FFD];
	_ =	sdelay $0x3  }
0x9c: {  	_ =	strace s3  }
0x9d: {  	_ =	strace $0x8FFFFFFF  }
0x9e: {  	s18 =	sld [smem:$0x3FDB];
	_ =	sdelay $0x1  }
0x9f: {  	s19 =	simm.s32 $_scs_section_size  }
0xa0: {  	s5 =	simm.s32 $_size__tile_overlayer_lowered;
	s6 =	simm.s32 $_tile_overlayer_lowered  }
0xa1: {  	s22 =	simm.s32 $0x1BFF;
	s21 =	sshll.u32 s6, $0x1;
	s3 =	sadd.s32 s19, s18  }
0xa2: {  	s7 =	simm.s32 $0x0;
	s20 =	sshll.u32 s5, $0x1;
	s5 =	sadd.s32 s21, s3  }
0xa3: {  	[timem:s7], [sflag:s22] =	dma.local [hbm:s5], s20  }
0xa4: {  	_ =	swait.ge [sflag:s22], s20  }
0xa5: {  	s4 =	ssub.s32 $0x0, s20;
	[sflag:s22] =	ssyncset.done $0x0  }
0xa6: {  	[sflag:s22] =	ssyncadd.s32 s4;
	_ =	sdelay $0x1  }
0xa7: {  	s23 =	simm.s32 $0x1B8B  }
0xa8: {  	_ =	swait.ge [sflag:s23], $0x1  }
0xa9: {  	[sflag:s23] =	ssyncset.done $0x0  }
0xaa: {  	s25 =	simm.s32 $0x1B8E;
	s24 =	sld [smem:$0x3FFE];
	[sflag:s23] =	ssyncadd.s32 $0xFFFFFFFF  }
0xab: {  	s26 =	simm.s32 $execute0_lowered;
	[smem:$0x3FD2] =	sst s25  }
0xac: {  	s5 =	sshll.u32 s26, $0x1;
	_ =	strace $0x80000046;
	[dreg:$0x1] =	wrdreg $0xFFFFFFFF  }
0xad: {  	s28 =	simm.s32 $_size_execute0_lowered;
	s3 =	sadd.s32 s3, s5;
	[dreg:$0x0] =	wrdreg $0x0  }
0xae: {  	s5 =	sshll.u32 s28, $0x1;
	[dreg:$0x2] =	wrdreg s3  }
0xaf: {  	[dreg:$0x3] =	wrdreg s5  }
0xb0: {  	[dreg:$0x4] =	wrdreg $0xC0  }
0xb1: {  	_ =	task [dreg:s7], $0x5FFFF  }
0xb2: {  	[dreg:$0x1] =	wrdreg $0xFFFFFFFF  }
0xb3: {  	[dreg:$0x0] =	wrdreg $0x60  }
0xb4: {  	[dreg:$0x2] =	wrdreg s24  }
0xb5: {  	[dreg:$0x3] =	wrdreg s16  }
0xb6: {  	[dreg:$0x4] =	wrdreg $0x12BC00  }
0xb7: {  	[dreg:$0x5] =	wrdreg $0x12D400  }
0xb8: {  	[dreg:$0x6] =	wrdreg $0x9  }
0xb9: {  	_ =	task.clear_ibuf [dreg:s7], $0x7FFFF;
	_ =	strace $0x90000046  }
0xba: {  	s29 =	simm.s32 $0x9;
	_ =	strace $0x80000048  }
0xbb: {  	_ =	swait.ge [sflag:s29], $0x1  }
0xbc: {  	[sflag:s29] =	ssyncadd.s32 $0xFFFFFFFF  }
0xbd: {  	_ =	strace $0x90000048  }
0xbe: {  	_ =	sfence  }
0xbf: {  	s30 =	sld [smem:$0x0];
	_ =	sdelay $0x2  }
0xc0: {  	s31 =	sshll.u32 s1, $0xD;
	s1 =	sshrl.u32 s1, $0x2  }
0xc1: {  	s3 =	sand.u32 $0x4000, s31;
	s1 =	sadd.s32 s1, s30  }
0xc2: {  	s0 =	sor.u32 s3, s0;
	s1 =	sshll.u32 s1, $0x11  }
0xc3: {  	s0 =	sor.u32 s1, s0  }
0xc4: {  	s0 =	sadd.s32 $0x8F2B, s0  }
0xc5: {  	[sflag:s0] =	ssyncadd.remote.s32 $0x1  }
0xc6: {  	_ =	sfence.sel $0xFFFF  }
0xc7: {  	[dreg:$0x0] =	wrdreg $0xFFFFFFFF;
	(pc) =	sbr.abs _section_cstart, $3  }
0xc8: {  	[dreg:$0x1] =	wrdreg $0xFFFFFFFF  }
0xc9: {  	_ =	task.clear_ibuf [dreg:s7], $0x2FFFF;
	_ =	strace $0x9FFFFFFF  }
0xca: {  	(tm) =	ssettm $0x7FFFFFFF  }
0xcb: {  	_ =	shalt  }
tec
execute0_lowered:
.L_overlay_start_1:
0x0: {  	(tag) =	ssettag $0x1  }
0x1: {  	s1 =	rddreg [dreg:$0x0]  }
0x2: {  	s0 =	rddreg [dreg:$0x1]  }
0x3: {  	s12 =	rddreg [dreg:$0x2];
	s2 =	srdreg.scid  }
0x4: {  	s13 =	rddreg [dreg:$0x3];
	s3 =	simm.s32 $0x0;
	s14 =	stileid.u32  }
0x5: {  	s28 =	simm.s32 $0x8D40;
	s29 =	simm.s32 $0x9380;
	s30 =	simm.s32 $0x94B0  }
0x6: {  	s31 =	simm.s32 $0x12320;
	s2 =	sand.u32 $0x1, s2;
	[smem:$0x7FF] =	sst s3  }
0x7: {  	s26 =	sadd.s32 $0xE00, s1;
	s4 =	sadd.s32 $0x7200, s1;
	s5 =	smul.u32 $0x14, s2  }
0x8: {  	s11 =	smin.u32 s14, $0x3;
	p4 =	sgt.u32 s14, $0x3;
	s6 =	smul.u32 $0x26, s2  }
0x9: {  	_ =	strace $0x80000047;
	s15 =	ssub.s32 $0x2, s2;
	s2 =	smul.u32 $0x98, s2  }
0xa: {  	s10 =	sshrl.u32 s15, $0x1;
	s7 =	sadd.s32 s14, s5;
	s1 =	sadd.s32 s6, s1  }
0xb: {  	s6 =	ssub.s32 s15, s10;
	s5 =	sor.u32 s11, s5;
	s10 =	simm.s32 $0x19000  }
0xc: {  	v2 =	vimm.s32 $0xFEDCBA98;
	v5 =	vimm.s32 $0x76543210;
	s11 =	simm.s32 $0xA00;
	s0 =	sadd.s32 s0, s2;
	s2 =	simm.s32 $0x15E40  }
0xd: {  	v6 =	vimm.s32 $0x3210FEDC;
	v7 =	vimm.s32 $0xBA987654;
	s8 =	sadd.s32 $0xFFFFFFEC, s7;
	p0 =	sgt.u32 s7, $0x13;
	s16 =	sadd.s32 $0x10, s5  }
0xe: {  	v0 =	vimm.s32 $0xFFFFFFFF;
	v8 =	vimm.s32 $0x10FEDCBA;
	v9 =	vimm.s32 $0x98765432;
	s5 =	sadd.s32 $0xFFFFFFFC, s5;
	[dreg:$0xd] =	wrdreg s0;
	s24 =	sadd.s32 $0x8600, s1  }
0xf: {  	v1 =	vimm.f32 $-1.000000000e+00;
	v3 =	vimm.f32 $0.0e+00;
	v10 =	vimm.s32 $0xFEDCBA9;
	s25 =	sadd.s32 $0x8800, s1;
	s0 =	simm.s32 $0x12960;
	s1 =	simm.s32 $0x12EC0  }
0x10: {  	v11 =	vimm.s32 $0x87654321;
	v31 =	vimm.s32 $0x1690;
	vm0 =	vcmask $0x300;
	s8 =	smin.u32 s7, s8;
	s7 =	simm.s32 $0x19000;
	s5 =	smin.u32 s16, s5  }
0x11: {  	vm14 =	vcmask $0x704;
	vm1 =	vmmov $0x1;
	vm15 =	vcmask $0xB08;
	p1 =	sgt.u32 s16, $0x13;
	[dreg:$0xe] =	wrdreg s24;
	s9 =	smul.u32 $0x1400, s8  }
0x12: {  	v54 =	vimm.f32 $-1.000000000e+09;
	v4 =	vunpack.c.l.s4.s8 v2;
	v2 =	vimm.f32 $3.000000000e+00;
	[dreg:$0xf] =	wrdreg s25;
	s24 =	simm.s32 $0x7800;
	s17 =	smul.u32 $0x1400, s5  }
0x13: {  	v5 =	vunpack.c.l.s4.s8 v5;
	v6 =	vunpack.c.l.s4.s8 v6;
	v7 =	vunpack.c.l.s4.s8 v7;
	s25 =	simm.s32 $0xA9E0;
	s7 =	simm.s32 @!p0 $0x0;
	s5 =	smul.u32 $0x130, s5  }
0x14: {  	v8 =	vunpack.c.l.s4.s8 v8;
	v9 =	vunpack.c.l.s4.s8 v9;
	v31 =	vsel vm0, $0x1300, v31;
	s10 =	simm.s32 @!p1 $0x0;
	s11 =	simm.s32 @!p1 $0x0;
	s8 =	smul.u32 $0x130, s8  }
0x15: {  	v10 =	vunpack.c.l.s4.s8 v10;
	v11 =	vunpack.c.l.s4.s8 v11;
	v33 =	vsel vm14, $0x1430, v31;
	p1 =	sne.s32 s14, $0xF;
	s19 =	sadd.s32 s4, s11;
	s7 =	sadd.s32 s9, s7  }
0x16: {  	v4 =	vunpack.c.0.s8.s32 v4;
	v6 =	vunpack.c.0.s8.s32 v6;
	v7 =	vunpack.c.0.s8.s32 v7;
	s18 =	sadd.s32 s17, s10;
	[dreg:$0x8] =	wrdreg s19;
	s20 =	sadd.s32 s5, s12  }
0x17: {  	v8 =	vunpack.c.0.s8.s32 v8;
	v9 =	vunpack.c.0.s8.s32 v9;
	v12 =	vunpack.c.0.s8.s32 v5;
	s21 =	sadd.s32 s5, s13;
	s22 =	sadd.s32 s8, s12;
	s23 =	sadd.s32 s8, s13  }
0x18: {  	v10 =	vunpack.c.0.s8.s32 v10;
	v11 =	vunpack.c.0.s8.s32 v11;
	v37 =	vsel vm15, $0x1560, v33;
	s17 =	simm.s32 $0x1;
	s19 =	simm.s32 $0x8C00;
	[dreg:$0x9] =	wrdreg s20  }
0x19: {  	v13 =	vand.u32 $0xF, v4;
	v34 =	vcombine.low v7, v6;
	v35 =	vcombine.low v9, v8;
	s8 =	simm.s32 $0x16320;
	s9 =	simm.s32 $0x16450;
	[dreg:$0xa] =	wrdreg s21  }
0x1a: {  	v36 =	vcombine.low v11, v10;
	v10 =	vlaneseq.u32;
	v4 =	vimm.s32 $0x0;
	s10 =	simm.s32 $0x0;
	s7 =	sshrl.u32 s7, $0x3;
	[dreg:$0xb] =	wrdreg s22  }
0x1b: {  	v6 =	vcombine.low v13, v12;
	v12 =	vor.u32 $0x10, v10;
	v13 =	vor.u32 $0x20, v10;
	[dreg:$0xc] =	wrdreg s23;
	s21 =	simm.s32 $0xBDE0;
	s7 =	sadd.s32 s26, s7  }
0x1c: {  	v14 =	vor.u32 $0x30, v10;
	v15 =	vor.u32 $0x40, v10;
	v16 =	vor.u32 $0x50, v10;
	s22 =	simm.s32 $0x121E0;
	[dreg:$0x5] =	wrdreg s7;
	s7 =	simm.s32 $0xA00  }
0x1d: {  	v17 =	vor.u32 $0x60, v10;
	v18 =	vor.u32 $0x70, v10;
	v19 =	vor.u32 $0x80, v10;
	s23 =	simm.s32 $0x1400;
	s20 =	simm.s32 $0x14680;
	s7 =	simm.s32 @!p0 $0x0  }
.Ltmp0:
0x1e: {  	[tilespmem:$0x1FFF0] =	vst v37;
	v20 =	vor.u32 $0x90, v10;
	v21 =	vor.u32 $0xA0, v10;
	v4 =	vsel vm1, $0xFFFFFFFF, v4;
	s7 =	sadd.s32 s4, s7;
	s4 =	simm.s32 @!p1 $0x0;
	(pc) =	sbr.rel .LBB2_1-.Ltmp0, $4  }
0x1f: {  	v22 =	vor.u32 $0xB0, v10;
	v23 =	vor.u32 $0xC0, v10;
	v24 =	vor.u32 $0xD0, v10;
	[tilespmem:$0x1FFB0] =	vst v4;
	[dreg:$0x6] =	wrdreg s7;
	s7 =	sshrl.u32 s18, $0x3;
	s4 =	simm.s32 @p1 $0x1  }
0x20: {  	v25 =	vor.u32 $0xE0, v10;
	v26 =	vor.u32 $0xF0, v10;
	v27 =	vor.u32 $0x100, v10;
	[tilespmem:$0x1FFC0] =	vst v34;
	s18 =	simm.s32 $0x2800;
	s3 =	sadd.s32 s26, s7;
	[smem:$0x7FD] =	sst s4  }
0x21: {  	v28 =	vor.u32 $0x110, v10;
	v29 =	vor.u32 $0x120, v10;
	v30 =	vor.u32 $0x130, v10;
	[tilespmem:$0x1FFD0] =	vst v35;
	s26 =	smax.u32 s6, $0x1;
	s7 =	simm.s32 $0x15E60;
	[dreg:$0x7] =	wrdreg s3  }
0x22: {  	v8 =	vand.u32 $0xF, v34;
	v9 =	vand.u32 $0xF, v35;
	v11 =	vand.u32 $0xF, v36;
	[tilespmem:$0x1FFE0] =	vst v36;
	[dreg:$0x10] =	wrdreg s26;
	s26 =	simm.s32 $0x10DE0;
	s3 =	simm.s32 $0x12A90  }
.LBB2_31:
0x23: {  	s10 =	sadd.s32 $0x1, s10;
	s4 =	rddreg [dreg:$0x10]  }
0x24: {  	p0 =	sne.s32 s10, s4  }
.Ltmp1:
0x25: {  	_ = 	snop;
	(pc) =	sbr.rel @!p0 .LBB2_32-.Ltmp1, $1  }
0x26: {  	_ =	sdelay $0x3  }
.LBB2_1:
0x27: {  	s4 =	simm.s32 $0x0;
	s5 =	rddreg [dreg:$0x5]  }
0x28: {  	[tilespmem:s4], [sflag:$0x1] =	stream.linear.gather [hbm4b:s5+s4], $0x1400, $0x38;
	[tilespmem:$0x16580] =	vst v63  }
0x29: {  	_ =	swait.ge [sflag:s17], $0x1400  }
0x2a: {  	[sflag:s17] =	ssyncset.done $0x0  }
0x2b: {  	s16 =	rddreg [dreg:$0x6];
	[sflag:s17] =	ssyncadd.s32 $0xFFFFEC00  }
0x2c: {  	[tilespmem:s18], [sflag:$0x1] =	stream.linear.gather [hbm4b:s16+s4], $0x5000, $0x38;
	[tilespmem:$0x16580] =	vst v63  }
0x2d: {  	_ =	swait.ge [sflag:s17], $0x5000  }
0x2e: {  	[sflag:s17] =	ssyncset.done $0x0  }
0x2f: {  	s5 =	simm.s32 $0x40;
	s4 =	simm.s32 $0x0;
	[sflag:s17] =	ssyncadd.s32 $0xFFFFB000  }
.LBB2_2:
0x30: {  	p2 =	sne.s32 s5, $0x480;
	[tilespmem:s4+$0x9240] =	vst v3  }
0x31: {  	[tilespmem:s4+$0x9380] =	vst v0  }
.Ltmp2:
0x32: {  	[tilespmem:s4+$0x94B0] =	vst v1;
	(pc) =	sbr.rel @p2 .LBB2_2-.Ltmp2, $4  }
0x33: {  	[tilespmem:s4+$0x8D40] =	vst v2  }
0x34: {  	[tilespmem:s4+$0x8E80] =	vst v2  }
0x35: {  	[tilespmem:s4+$0x8FC0] =	vst v3  }
0x36: {  	[tilespmem:s4+$0x9100] =	vst v3;
	s4 =	sshra.s32 s5, $0x2;
	s5 =	sadd.s32 $0x40, s5  }
0x37: {  	[tilespmem:s4+$0x9240] =	vst v3  }
0x38: {  	[tilespmem:s4+$0x9380] =	vst v0  }
0x39: {  	[tilespmem:s4+$0x94B0] =	vst v1  }
0x3a: {  	[tilespmem:s4+$0x8D40] =	vst v2  }
0x3b: {  	[tilespmem:s4+$0x8E80] =	vst v2  }
0x3c: {  	[tilespmem:s4+$0x8FC0] =	vst v3  }
0x3d: {  	[tilespmem:s4+$0x9100] =	vst v3  }
0x3e: {  	[tilespmem:$0x8E70] =	vst v2  }
0x3f: {  	[tilespmem:$0x8FB0] =	vst v2  }
0x40: {  	[tilespmem:$0x90F0] =	vst v3  }
0x41: {  	[tilespmem:$0x9230] =	vst v3  }
0x42: {  	s15 =	simm.s32 $0x20;
	[tilespmem:$0x9370] =	vst v3  }
0x43: {  	v34 =	vld [tilespmem:s15+$0xFFFFFFE0];
	_ =	sdelay $0x4  }
0x44: {  	vm0 =	vgt.f32 v34, $5.000000070e-02  }
0x45: {  	s5 =	simm.s32 $0x1420;
	v34 =	vnsel vm0, $0xCE6E6B28, v34  }
0x46: {  	s6 =	simm.s32 $0x5000;
	[tilespmem:s5+$0xFFFFFFE0] =	vst v34  }
0x47: {  	v35 =	vld [tilespmem:s6+$0x1400]  }
0x48: {  	v36 =	vld [tilespmem:s6+$0x0]  }
0x49: {  	v37 =	vld [tilespmem:s6+$0xFFFFD800]  }
0x4a: {  	(xrf0) =	vmax.scan.msk.f32 $0xffff, v34;
	v46 =	vld [tilespmem:s6+$0xFFFFEC00];
	_ =	sdelay $0x1  }
0x4b: {  	s11 =	simm.s32 $0x0  }
0x4c: {  	v38 =	vmov s11  }
0x4d: {  	v38 =	vand.u32 $0xFFFFFFFC, v38  }
0x4e: {  	v47 =	vbroadcast v38, $0x0;
	v36 =	vsub.f32 v36, v37;
	v34 =	vsub.f32 v35, v46  }
0x4f: {  	v48, _, _ =	vpop (xrf0)  }
0x50: {  	v37 =	vadd.f32 $0.0e+00, v48;
	v36 =	vmax.f32 v36, $0.0e+00;
	v34 =	vmax.f32 v34, $0.0e+00  }
0x51: {  	v34 =	vmul.f32 v34, v36  }
0x52: {  	s11 =	simm.s32 $0x7820;
	v49 =	vbroadcast v37, $0xF  }
0x53: {  	[tilespmem:s11+$0xFFFFFFE0] =	vst v34  }
0x54: {  	[tilespmem:v47+s19+$0x0] =	vst.idx.msk $0x1, v49  }
0x55: {  	v34 =	vld [tilespmem:s15+$0xFFFFFFF0];
	_ =	sdelay $0x4  }
0x56: {  	vm13 =	vgt.f32 v34, $5.000000070e-02  }
0x57: {  	v34 =	vnsel vm13, $0xCE6E6B28, v34  }
0x58: {  	[tilespmem:s5+$0xFFFFFFF0] =	vst v34  }
0x59: {  	v35 =	vld [tilespmem:s6+$0x1410]  }
0x5a: {  	v36 =	vld [tilespmem:s6+$0xFFFFEC10]  }
0x5b: {  	v50 =	vld [tilespmem:s6+$0xFFFFD810]  }
0x5c: {  	(xrf0) =	vmax.scan.msk.f32 $0xffff, v34;
	v51 =	vld [tilespmem:s6+$0x10];
	_ =	sdelay $0x1  }
0x5d: {  	s12 =	simm.s32 $0x1  }
0x5e: {  	v52 =	vmov s12  }
0x5f: {  	v38 =	vand.u32 $0xFFFFFFFD, v52  }
0x60: {  	v53 =	vbroadcast v38, $0x0;
	v35 =	vsub.f32 v35, v36;
	v34 =	vsub.f32 v51, v50  }
0x61: {  	v55, _, _ =	vpop (xrf0)  }
0x62: {  	v37 =	vadd.f32 $0.0e+00, v55;
	v35 =	vmax.f32 v35, $0.0e+00;
	v34 =	vmax.f32 v34, $0.0e+00  }
0x63: {  	v34 =	vmul.f32 v35, v34  }
0x64: {  	v56 =	vbroadcast v37, $0xF  }
0x65: {  	[tilespmem:s11+$0xFFFFFFF0] =	vst v34  }
0x66: {  	[tilespmem:v53+s19+$0x0] =	vst.idx.msk $0x1, v56  }
0x67: {  	v34 =	vld [tilespmem:s15+$0x0];
	_ =	sdelay $0x4  }
0x68: {  	vm14 =	vgt.f32 v34, $5.000000070e-02  }
0x69: {  	v34 =	vnsel vm14, $0xCE6E6B28, v34  }
0x6a: {  	[tilespmem:s5+$0x0] =	vst v34  }
0x6b: {  	v35 =	vld [tilespmem:s6+$0x1420]  }
0x6c: {  	v36 =	vld [tilespmem:s6+$0xFFFFEC20]  }
0x6d: {  	v57 =	vld [tilespmem:s6+$0xFFFFD820]  }
0x6e: {  	(xrf0) =	vmax.scan.msk.f32 $0xffff, v34;
	v58 =	vld [tilespmem:s6+$0x20];
	_ =	sdelay $0x1  }
0x6f: {  	s16 =	simm.s32 $0x2  }
0x70: {  	v59 =	vmov s16  }
0x71: {  	v38 =	vand.u32 $0xFFFFFFFE, v59  }
0x72: {  	v60 =	vbroadcast v38, $0x0;
	v35 =	vsub.f32 v35, v36;
	v34 =	vsub.f32 v58, v57  }
0x73: {  	v61, _, _ =	vpop (xrf0)  }
0x74: {  	v37 =	vadd.f32 $0.0e+00, v61;
	v35 =	vmax.f32 v35, $0.0e+00;
	v34 =	vmax.f32 v34, $0.0e+00  }
0x75: {  	v34 =	vmul.f32 v35, v34  }
0x76: {  	v62 =	vbroadcast v37, $0xF  }
0x77: {  	[tilespmem:s11+$0x0] =	vst v34  }
0x78: {  	[tilespmem:v60+s19+$0x0] =	vst.idx.msk $0x1, v62  }
0x79: {  	v34 =	vld [tilespmem:s15+$0x10];
	_ =	sdelay $0x4  }
0x7a: {  	vm15 =	vgt.f32 v34, $5.000000070e-02  }
0x7b: {  	v63 =	vnsel vm15, $0xCE6E6B28, v34  }
0x7c: {  	[tilespmem:s5+$0x10] =	vst v63  }
0x7d: {  	s13 =	simm.s32 $0x3;
	s14 =	simm.s32 $0x7820;
	(xrf0) =	vmax.scan.msk.f32 $0xffff, v63;
	v34 =	vld [tilespmem:s6+$0x1430]  }
0x7e: {  	s12 =	simm.s32 $0x60;
	s16 =	simm.s32 $0x5000;
	s15 =	simm.s32 $0x7;
	v35 =	vld [tilespmem:s6+$0x30]  }
.LBB2_4:
0x7f: {  	s5 =	sadd.s32 $0x40, s5  }
0x80: {  	v36 =	vld [tilespmem:s6+$0xFFFFD830];
	s16 =	sadd.s32 $0x40, s16;
	s11 =	sadd.s32 $0x40, s11;
	s4 =	smov.u32 s15  }
0x81: {  	p2 =	sne.s32 s15, $0x13F;
	s15 =	sadd.s32 $0x4, s15;
	v37 =	vld [tilespmem:s6+$0xFFFFEC30];
	s6 =	smov.u32 s16  }
0x82: {  	_ = 	snop  }
0x83: {  	v38, _, _ =	vpop (xrf0)  }
0x84: {  	v38 =	vadd.f32 $0.0e+00, v38  }
0x85: {  	v35 =	vsub.f32 v35, v36  }
0x86: {  	v36 =	vmov s13;
	s13 =	smov.u32 s4;
	v34 =	vsub.f32 v34, v37  }
0x87: {  	v35 =	vmax.f32 v35, $0.0e+00  }
0x88: {  	v34 =	vmax.f32 v34, $0.0e+00  }
0x89: {  	v34 =	vmul.f32 v34, v35;
	v35 =	vbroadcast v38, $0xF;
	_ =	sdelay $0x1  }
0x8a: {  	[tilespmem:s14+$0x10] =	vst v34;
	s14 =	smov.u32 s11  }
0x8b: {  	[tilespmem:v36+s19+$0x0] =	vst.idx.msk $0x1, v35  }
0x8c: {  	v34 =	vld [tilespmem:s12+$0xFFFFFFE0];
	_ =	sdelay $0x4  }
0x8d: {  	vm0 =	vgt.f32 v34, $5.000000070e-02  }
0x8e: {  	v34 =	vnsel vm0, $0xCE6E6B28, v34  }
0x8f: {  	[tilespmem:s5+$0xFFFFFFE0] =	vst v34;
	(xrf0) =	vmax.scan.msk.f32 $0xffff, v34  }
0x90: {  	v34 =	vld [tilespmem:s16+$0x1400]  }
0x91: {  	v35 =	vld [tilespmem:s16+$0x0]  }
0x92: {  	v36 =	vld [tilespmem:s16+$0xFFFFD800]  }
0x93: {  	v37 =	vld [tilespmem:s16+$0xFFFFEC00];
	_ =	sdelay $0x1  }
0x94: {  	s4 =	sadd.s32 $0xFFFFFFFD, s13;
	v38, _, _ =	vpop (xrf0)  }
0x95: {  	v39 =	vmov s4  }
0x96: {  	v35 =	vsub.f32 v35, v36;
	v36 =	vand.u32 $0xFFFFFFFC, v39  }
0x97: {  	v34 =	vsub.f32 v34, v37;
	v36 =	vbroadcast v36, $0x0  }
0x98: {  	v35 =	vmax.f32 v35, $0.0e+00  }
0x99: {  	v37 =	vadd.f32 $0.0e+00, v38;
	v34 =	vmax.f32 v34, $0.0e+00  }
0x9a: {  	v34 =	vmul.f32 v34, v35  }
0x9b: {  	v35 =	vbroadcast v37, $0xF  }
0x9c: {  	[tilespmem:s11+$0xFFFFFFE0] =	vst v34  }
0x9d: {  	[tilespmem:v36+s19+$0x0] =	vst.idx.msk $0x1, v35  }
0x9e: {  	v34 =	vld [tilespmem:s12+$0xFFFFFFF0];
	_ =	sdelay $0x4  }
0x9f: {  	vm0 =	vgt.f32 v34, $5.000000070e-02  }
0xa0: {  	v34 =	vnsel vm0, $0xCE6E6B28, v34  }
0xa1: {  	[tilespmem:s5+$0xFFFFFFF0] =	vst v34;
	(xrf0) =	vmax.scan.msk.f32 $0xffff, v34  }
0xa2: {  	v34 =	vld [tilespmem:s16+$0x1410]  }
0xa3: {  	v35 =	vld [tilespmem:s16+$0xFFFFEC10]  }
0xa4: {  	v36 =	vld [tilespmem:s16+$0xFFFFD810]  }
0xa5: {  	v37 =	vld [tilespmem:s16+$0x10];
	_ =	sdelay $0x1  }
0xa6: {  	s4 =	sadd.s32 $0xFFFFFFFE, s13;
	v38, _, _ =	vpop (xrf0)  }
0xa7: {  	v34 =	vsub.f32 v34, v35;
	v35 =	vmov s4;
	v38 =	vadd.f32 $0.0e+00, v38  }
0xa8: {  	v35 =	vand.u32 $0xFFFFFFFD, v35  }
0xa9: {  	v36 =	vsub.f32 v37, v36;
	v34 =	vmax.f32 v34, $0.0e+00;
	v35 =	vbroadcast v35, $0x0;
	_ =	sdelay $0x1  }
0xaa: {  	v36 =	vmax.f32 v36, $0.0e+00  }
0xab: {  	v34 =	vmul.f32 v34, v36  }
0xac: {  	v36 =	vbroadcast v38, $0xF  }
0xad: {  	[tilespmem:s11+$0xFFFFFFF0] =	vst v34  }
0xae: {  	[tilespmem:v35+s19+$0x0] =	vst.idx.msk $0x1, v36  }
0xaf: {  	v34 =	vld [tilespmem:s12+$0x0];
	_ =	sdelay $0x4  }
0xb0: {  	vm0 =	vgt.f32 v34, $5.000000070e-02  }
0xb1: {  	v34 =	vnsel vm0, $0xCE6E6B28, v34  }
0xb2: {  	[tilespmem:s5+$0x0] =	vst v34;
	(xrf0) =	vmax.scan.msk.f32 $0xffff, v34  }
0xb3: {  	v34 =	vld [tilespmem:s16+$0x1420]  }
0xb4: {  	v35 =	vld [tilespmem:s16+$0xFFFFEC20]  }
0xb5: {  	v36 =	vld [tilespmem:s16+$0xFFFFD820]  }
0xb6: {  	v37 =	vld [tilespmem:s16+$0x20];
	_ =	sdelay $0x1  }
0xb7: {  	s4 =	sadd.s32 $0xFFFFFFFF, s13;
	v38, _, _ =	vpop (xrf0)  }
0xb8: {  	v34 =	vsub.f32 v34, v35;
	v35 =	vmov s4;
	v38 =	vadd.f32 $0.0e+00, v38  }
0xb9: {  	v35 =	vand.u32 $0xFFFFFFFE, v35  }
0xba: {  	v36 =	vsub.f32 v37, v36;
	v35 =	vbroadcast v35, $0x0  }
0xbb: {  	v34 =	vmax.f32 v34, $0.0e+00  }
0xbc: {  	v36 =	vmax.f32 v36, $0.0e+00  }
0xbd: {  	v34 =	vmul.f32 v34, v36  }
0xbe: {  	v36 =	vbroadcast v38, $0xF  }
0xbf: {  	[tilespmem:s11+$0x0] =	vst v34  }
0xc0: {  	[tilespmem:v35+s19+$0x0] =	vst.idx.msk $0x1, v36  }
0xc1: {  	v34 =	vld [tilespmem:s12+$0x10];
	_ =	sdelay $0x4  }
.Ltmp3:
0xc2: {  	vm0 =	vgt.f32 v34, $5.000000070e-02;
	(pc) =	sbr.rel @p2 .LBB2_4-.Ltmp3, $4  }
0xc3: {  	v34 =	vnsel vm0, $0xCE6E6B28, v34  }
0xc4: {  	[tilespmem:s5+$0x10] =	vst v34;
	(xrf0) =	vmax.scan.msk.f32 $0xffff, v34  }
0xc5: {  	v34 =	vld [tilespmem:s16+$0x1430]  }
0xc6: {  	s12 =	sadd.s32 $0x40, s12;
	v35 =	vld [tilespmem:s16+$0x30]  }
0xc7: {  	v36 =	vld [tilespmem:s6+$0xFFFFD830]  }
0xc8: {  	v37 =	vld [tilespmem:s6+$0xFFFFEC30];
	_ =	sdelay $0x4  }
0xc9: {  	v35 =	vsub.f32 v35, v36;
	v34 =	vsub.f32 v34, v37  }
0xca: {  	v62 =	vmov s13;
	v61, _, _ =	vpop (xrf0)  }
.Ltmp4:
0xcb: {  	v36 =	vadd.f32 $0.0e+00, v61;
	v35 =	vmax.f32 v35, $0.0e+00;
	v34 =	vmax.f32 v34, $0.0e+00;
	(pc) =	sbr.rel @p4 .LBB2_17-.Ltmp4, $4  }
0xcc: {  	v34 =	vmul.f32 v34, v35  }
0xcd: {  	v63 =	vbroadcast v36, $0xF  }
0xce: {  	[tilespmem:s14+$0x10] =	vst v34  }
0xcf: {  	s5 =	simm.s32 $0x0;
	s6 =	simm.s32 $0x0;
	[tilespmem:v62+s19+$0x0] =	vst.idx.msk $0x1, v63  }
0xd0: {  	s4 =	simm.s32 $0x0;
	s5 =	rddreg [dreg:$0x7];
	s6 =	simm.s32 $0x95E0  }
0xd1: {  	[tilespmem:s6], [sflag:$0x1] =	stream.linear.gather [hbm4b:s5+s4], $0x1400, $0x38;
	[tilespmem:$0x16580] =	vst v63  }
0xd2: {  	_ =	swait.ge [sflag:s17], $0x1400  }
0xd3: {  	[sflag:s17] =	ssyncset.done $0x0  }
0xd4: {  	s16 =	rddreg [dreg:$0x8];
	[sflag:s17] =	ssyncadd.s32 $0xFFFFEC00  }
0xd5: {  	[tilespmem:s21], [sflag:$0x1] =	stream.linear.gather [hbm4b:s16+s4], $0x5000, $0x38;
	[tilespmem:$0x16580] =	vst v63  }
0xd6: {  	_ =	swait.ge [sflag:s17], $0x5000  }
0xd7: {  	[sflag:s17] =	ssyncset.done $0x0  }
0xd8: {  	s5 =	simm.s32 $0x40;
	s4 =	simm.s32 $0x0;
	[sflag:s17] =	ssyncadd.s32 $0xFFFFB000  }
.LBB2_7:
0xd9: {  	p2 =	sne.s32 s5, $0x480;
	[tilespmem:s4+$0x12820] =	vst v3  }
0xda: {  	[tilespmem:s4+$0x12960] =	vst v0  }
.Ltmp5:
0xdb: {  	[tilespmem:s4+$0x12A90] =	vst v1;
	(pc) =	sbr.rel @p2 .LBB2_7-.Ltmp5, $4  }
0xdc: {  	[tilespmem:s4+$0x12320] =	vst v2  }
0xdd: {  	[tilespmem:s4+$0x12460] =	vst v2  }
0xde: {  	[tilespmem:s4+$0x125A0] =	vst v3  }
0xdf: {  	[tilespmem:s4+$0x126E0] =	vst v3;
	s4 =	sshra.s32 s5, $0x2;
	s5 =	sadd.s32 $0x40, s5  }
0xe0: {  	[tilespmem:s4+$0x12820] =	vst v3  }
0xe1: {  	[tilespmem:s4+$0x12960] =	vst v0  }
0xe2: {  	[tilespmem:s4+$0x12A90] =	vst v1  }
0xe3: {  	[tilespmem:s4+$0x12320] =	vst v2  }
0xe4: {  	[tilespmem:s4+$0x12460] =	vst v2  }
0xe5: {  	[tilespmem:s4+$0x125A0] =	vst v3  }
0xe6: {  	[tilespmem:s4+$0x126E0] =	vst v3  }
0xe7: {  	[tilespmem:$0x12450] =	vst v2  }
0xe8: {  	[tilespmem:$0x12590] =	vst v2  }
0xe9: {  	[tilespmem:$0x126D0] =	vst v3  }
0xea: {  	[tilespmem:$0x12810] =	vst v3  }
0xeb: {  	s15 =	simm.s32 $0x9600;
	[tilespmem:$0x12950] =	vst v3  }
0xec: {  	v34 =	vld [tilespmem:s15+$0xFFFFFFE0];
	_ =	sdelay $0x4  }
0xed: {  	vm0 =	vgt.f32 v34, $5.000000070e-02  }
0xee: {  	s5 =	simm.s32 $0xAA00;
	v34 =	vnsel vm0, $0xCE6E6B28, v34  }
0xef: {  	s6 =	simm.s32 $0xE5E0;
	[tilespmem:s5+$0xFFFFFFE0] =	vst v34  }
0xf0: {  	v35 =	vld [tilespmem:s6+$0x1400]  }
0xf1: {  	v36 =	vld [tilespmem:s6+$0x0]  }
0xf2: {  	v37 =	vld [tilespmem:s6+$0xFFFFD800]  }
0xf3: {  	(xrf0) =	vmax.scan.msk.f32 $0xffff, v34;
	v46 =	vld [tilespmem:s6+$0xFFFFEC00];
	_ =	sdelay $0x1  }
0xf4: {  	s11 =	simm.s32 $0x0  }
0xf5: {  	v38 =	vmov s11  }
0xf6: {  	v38 =	vand.u32 $0xFFFFFFFC, v38  }
0xf7: {  	v47 =	vbroadcast v38, $0x0;
	v36 =	vsub.f32 v36, v37;
	v34 =	vsub.f32 v35, v46  }
0xf8: {  	v48, _, _ =	vpop (xrf0)  }
0xf9: {  	v37 =	vadd.f32 $0.0e+00, v48;
	v36 =	vmax.f32 v36, $0.0e+00;
	v34 =	vmax.f32 v34, $0.0e+00  }
0xfa: {  	v34 =	vmul.f32 v34, v36  }
0xfb: {  	s11 =	simm.s32 $0x10E00;
	v49 =	vbroadcast v37, $0xF  }
0xfc: {  	[tilespmem:s11+$0xFFFFFFE0] =	vst v34  }
0xfd: {  	[tilespmem:v47+s22+$0x0] =	vst.idx.msk $0x1, v49  }
0xfe: {  	v34 =	vld [tilespmem:s15+$0xFFFFFFF0];
	_ =	sdelay $0x4  }
0xff: {  	vm13 =	vgt.f32 v34, $5.000000070e-02  }
0x100: {  	v34 =	vnsel vm13, $0xCE6E6B28, v34  }
0x101: {  	[tilespmem:s5+$0xFFFFFFF0] =	vst v34  }
0x102: {  	v35 =	vld [tilespmem:s6+$0x1410]  }
0x103: {  	v36 =	vld [tilespmem:s6+$0xFFFFEC10]  }
0x104: {  	v50 =	vld [tilespmem:s6+$0xFFFFD810]  }
0x105: {  	(xrf0) =	vmax.scan.msk.f32 $0xffff, v34;
	v51 =	vld [tilespmem:s6+$0x10];
	_ =	sdelay $0x1  }
0x106: {  	s12 =	simm.s32 $0x1  }
0x107: {  	v52 =	vmov s12  }
0x108: {  	v38 =	vand.u32 $0xFFFFFFFD, v52  }
0x109: {  	v53 =	vbroadcast v38, $0x0;
	v35 =	vsub.f32 v35, v36;
	v34 =	vsub.f32 v51, v50  }
0x10a: {  	v55, _, _ =	vpop (xrf0)  }
0x10b: {  	v37 =	vadd.f32 $0.0e+00, v55;
	v35 =	vmax.f32 v35, $0.0e+00;
	v34 =	vmax.f32 v34, $0.0e+00  }
0x10c: {  	v34 =	vmul.f32 v35, v34  }
0x10d: {  	v56 =	vbroadcast v37, $0xF  }
0x10e: {  	[tilespmem:s11+$0xFFFFFFF0] =	vst v34  }
0x10f: {  	[tilespmem:v53+s22+$0x0] =	vst.idx.msk $0x1, v56  }
0x110: {  	v34 =	vld [tilespmem:s15+$0x0];
	_ =	sdelay $0x4  }
0x111: {  	vm14 =	vgt.f32 v34, $5.000000070e-02  }
0x112: {  	v34 =	vnsel vm14, $0xCE6E6B28, v34  }
0x113: {  	[tilespmem:s5+$0x0] =	vst v34  }
0x114: {  	v35 =	vld [tilespmem:s6+$0x1420]  }
0x115: {  	v36 =	vld [tilespmem:s6+$0xFFFFEC20]  }
0x116: {  	v57 =	vld [tilespmem:s6+$0xFFFFD820]  }
0x117: {  	(xrf0) =	vmax.scan.msk.f32 $0xffff, v34;
	v58 =	vld [tilespmem:s6+$0x20];
	_ =	sdelay $0x1  }
0x118: {  	s16 =	simm.s32 $0x2  }
0x119: {  	v59 =	vmov s16  }
0x11a: {  	v38 =	vand.u32 $0xFFFFFFFE, v59  }
0x11b: {  	v60 =	vbroadcast v38, $0x0;
	v35 =	vsub.f32 v35, v36;
	v34 =	vsub.f32 v58, v57  }
0x11c: {  	v61, _, _ =	vpop (xrf0)  }
0x11d: {  	v37 =	vadd.f32 $0.0e+00, v61;
	v35 =	vmax.f32 v35, $0.0e+00;
	v34 =	vmax.f32 v34, $0.0e+00  }
0x11e: {  	v34 =	vmul.f32 v35, v34  }
0x11f: {  	v62 =	vbroadcast v37, $0xF  }
0x120: {  	[tilespmem:s11+$0x0] =	vst v34  }
0x121: {  	[tilespmem:v60+s22+$0x0] =	vst.idx.msk $0x1, v62  }
0x122: {  	v34 =	vld [tilespmem:s15+$0x10];
	_ =	sdelay $0x4  }
0x123: {  	vm15 =	vgt.f32 v34, $5.000000070e-02  }
0x124: {  	v63 =	vnsel vm15, $0xCE6E6B28, v34  }
0x125: {  	[tilespmem:s5+$0x10] =	vst v63  }
0x126: {  	p1 =	por p4, p4;
	s13 =	simm.s32 $0x3;
	s14 =	simm.s32 $0x7;
	(xrf0) =	vmax.scan.msk.f32 $0xffff, v63;
	v34 =	vld [tilespmem:s6+$0x1430]  }
0x127: {  	s12 =	simm.s32 $0x9640;
	s16 =	simm.s32 $0xE5E0;
	s15 =	simm.s32 $0x10E00;
	v35 =	vld [tilespmem:s6+$0x30]  }
.LBB2_9:
0x128: {  	s5 =	sadd.s32 $0x40, s5  }
0x129: {  	v36 =	vld [tilespmem:s6+$0xFFFFD830];
	s16 =	sadd.s32 $0x40, s16;
	s11 =	sadd.s32 $0x40, s11;
	s4 =	smov.u32 s14  }
0x12a: {  	p2 =	sne.s32 s14, $0x13F;
	s14 =	sadd.s32 $0x4, s14;
	v37 =	vld [tilespmem:s6+$0xFFFFEC30];
	s6 =	smov.u32 s16  }
0x12b: {  	_ = 	snop  }
0x12c: {  	v38, _, _ =	vpop (xrf0)  }
0x12d: {  	v38 =	vadd.f32 $0.0e+00, v38  }
0x12e: {  	v35 =	vsub.f32 v35, v36  }
0x12f: {  	v36 =	vmov s13;
	s13 =	smov.u32 s4;
	v34 =	vsub.f32 v34, v37  }
0x130: {  	v35 =	vmax.f32 v35, $0.0e+00  }
0x131: {  	v34 =	vmax.f32 v34, $0.0e+00  }
0x132: {  	v34 =	vmul.f32 v34, v35;
	v35 =	vbroadcast v38, $0xF;
	_ =	sdelay $0x1  }
0x133: {  	[tilespmem:s15+$0x10] =	vst v34;
	s15 =	smov.u32 s11  }
0x134: {  	[tilespmem:v36+s22+$0x0] =	vst.idx.msk $0x1, v35  }
0x135: {  	v34 =	vld [tilespmem:s12+$0xFFFFFFE0];
	_ =	sdelay $0x4  }
0x136: {  	vm0 =	vgt.f32 v34, $5.000000070e-02  }
0x137: {  	v34 =	vnsel vm0, $0xCE6E6B28, v34  }
0x138: {  	[tilespmem:s5+$0xFFFFFFE0] =	vst v34;
	(xrf0) =	vmax.scan.msk.f32 $0xffff, v34  }
0x139: {  	v34 =	vld [tilespmem:s16+$0x1400]  }
0x13a: {  	v35 =	vld [tilespmem:s16+$0x0]  }
0x13b: {  	v36 =	vld [tilespmem:s16+$0xFFFFD800]  }
0x13c: {  	v37 =	vld [tilespmem:s16+$0xFFFFEC00];
	_ =	sdelay $0x1  }
0x13d: {  	s4 =	sadd.s32 $0xFFFFFFFD, s13;
	v38, _, _ =	vpop (xrf0)  }
0x13e: {  	v39 =	vmov s4  }
0x13f: {  	v35 =	vsub.f32 v35, v36;
	v36 =	vand.u32 $0xFFFFFFFC, v39  }
0x140: {  	v34 =	vsub.f32 v34, v37;
	v36 =	vbroadcast v36, $0x0  }
0x141: {  	v35 =	vmax.f32 v35, $0.0e+00  }
0x142: {  	v37 =	vadd.f32 $0.0e+00, v38;
	v34 =	vmax.f32 v34, $0.0e+00  }
0x143: {  	v34 =	vmul.f32 v34, v35  }
0x144: {  	v35 =	vbroadcast v37, $0xF  }
0x145: {  	[tilespmem:s11+$0xFFFFFFE0] =	vst v34  }
0x146: {  	[tilespmem:v36+s22+$0x0] =	vst.idx.msk $0x1, v35  }
0x147: {  	v34 =	vld [tilespmem:s12+$0xFFFFFFF0];
	_ =	sdelay $0x4  }
0x148: {  	vm0 =	vgt.f32 v34, $5.000000070e-02  }
0x149: {  	v34 =	vnsel vm0, $0xCE6E6B28, v34  }
0x14a: {  	[tilespmem:s5+$0xFFFFFFF0] =	vst v34;
	(xrf0) =	vmax.scan.msk.f32 $0xffff, v34  }
0x14b: {  	v34 =	vld [tilespmem:s16+$0x1410]  }
0x14c: {  	v35 =	vld [tilespmem:s16+$0xFFFFEC10]  }
0x14d: {  	v36 =	vld [tilespmem:s16+$0xFFFFD810]  }
0x14e: {  	v37 =	vld [tilespmem:s16+$0x10];
	_ =	sdelay $0x1  }
0x14f: {  	s4 =	sadd.s32 $0xFFFFFFFE, s13;
	v38, _, _ =	vpop (xrf0)  }
0x150: {  	v34 =	vsub.f32 v34, v35;
	v35 =	vmov s4;
	v38 =	vadd.f32 $0.0e+00, v38  }
0x151: {  	v35 =	vand.u32 $0xFFFFFFFD, v35  }
0x152: {  	v36 =	vsub.f32 v37, v36;
	v34 =	vmax.f32 v34, $0.0e+00;
	v35 =	vbroadcast v35, $0x0;
	_ =	sdelay $0x1  }
0x153: {  	v36 =	vmax.f32 v36, $0.0e+00  }
0x154: {  	v34 =	vmul.f32 v34, v36  }
0x155: {  	v36 =	vbroadcast v38, $0xF  }
0x156: {  	[tilespmem:s11+$0xFFFFFFF0] =	vst v34  }
0x157: {  	[tilespmem:v35+s22+$0x0] =	vst.idx.msk $0x1, v36  }
0x158: {  	v34 =	vld [tilespmem:s12+$0x0];
	_ =	sdelay $0x4  }
0x159: {  	vm0 =	vgt.f32 v34, $5.000000070e-02  }
0x15a: {  	v34 =	vnsel vm0, $0xCE6E6B28, v34  }
0x15b: {  	[tilespmem:s5+$0x0] =	vst v34;
	(xrf0) =	vmax.scan.msk.f32 $0xffff, v34  }
0x15c: {  	v34 =	vld [tilespmem:s16+$0x1420]  }
0x15d: {  	v35 =	vld [tilespmem:s16+$0xFFFFEC20]  }
0x15e: {  	v36 =	vld [tilespmem:s16+$0xFFFFD820]  }
0x15f: {  	v37 =	vld [tilespmem:s16+$0x20];
	_ =	sdelay $0x1  }
0x160: {  	s4 =	sadd.s32 $0xFFFFFFFF, s13;
	v38, _, _ =	vpop (xrf0)  }
0x161: {  	v34 =	vsub.f32 v34, v35;
	v35 =	vmov s4;
	v38 =	vadd.f32 $0.0e+00, v38  }
0x162: {  	v35 =	vand.u32 $0xFFFFFFFE, v35  }
0x163: {  	v36 =	vsub.f32 v37, v36;
	v35 =	vbroadcast v35, $0x0  }
0x164: {  	v34 =	vmax.f32 v34, $0.0e+00  }
0x165: {  	v36 =	vmax.f32 v36, $0.0e+00  }
0x166: {  	v34 =	vmul.f32 v34, v36  }
0x167: {  	v36 =	vbroadcast v38, $0xF  }
0x168: {  	[tilespmem:s11+$0x0] =	vst v34  }
0x169: {  	[tilespmem:v35+s22+$0x0] =	vst.idx.msk $0x1, v36  }
0x16a: {  	v34 =	vld [tilespmem:s12+$0x10];
	_ =	sdelay $0x4  }
.Ltmp6:
0x16b: {  	vm0 =	vgt.f32 v34, $5.000000070e-02;
	(pc) =	sbr.rel @p2 .LBB2_9-.Ltmp6, $4  }
0x16c: {  	v34 =	vnsel vm0, $0xCE6E6B28, v34  }
0x16d: {  	[tilespmem:s5+$0x10] =	vst v34;
	(xrf0) =	vmax.scan.msk.f32 $0xffff, v34  }
0x16e: {  	v34 =	vld [tilespmem:s16+$0x1430]  }
0x16f: {  	s12 =	sadd.s32 $0x40, s12;
	v35 =	vld [tilespmem:s16+$0x30]  }
0x170: {  	v36 =	vld [tilespmem:s6+$0xFFFFD830]  }
0x171: {  	v37 =	vld [tilespmem:s6+$0xFFFFEC30];
	_ =	sdelay $0x4  }
0x172: {  	v35 =	vsub.f32 v35, v36;
	v34 =	vsub.f32 v34, v37  }
0x173: {  	v62 =	vmov s13;
	v61, _, _ =	vpop (xrf0)  }
.Ltmp7:
0x174: {  	v36 =	vadd.f32 $0.0e+00, v61;
	v35 =	vmax.f32 v35, $0.0e+00;
	v34 =	vmax.f32 v34, $0.0e+00;
	(pc) =	sbr.rel .LBB2_11-.Ltmp7, $4  }
0x175: {  	v34 =	vmul.f32 v34, v35  }
0x176: {  	s13 =	simm.s32 $0x0;
	s14 =	simm.s32 $0x1;
	v63 =	vbroadcast v36, $0xF  }
0x177: {  	p3 =	por $0x1, $0x1;
	p2 =	por $0x1, $0x1;
	s5 =	simm.s32 $0x1;
	[tilespmem:s15+$0x10] =	vst v34  }
0x178: {  	s6 =	simm.s32 $0x0;
	s11 =	simm.s32 $0x0;
	s15 =	simm.s32 $0x0;
	[tilespmem:v62+s22+$0x0] =	vst.idx.msk $0x1, v63  }
.LBB2_14:
0x179: {  	v4 =	vmax.f32 v58, $0.0e+00;
	v5 =	vmax.f32 v59, $0.0e+00;
	v7 =	vadd.f32 v49, v47  }
0x17a: {  	v32 =	vmax.f32 v40, v51;
	v33 =	vmax.f32 v60, $0.0e+00;
	v49 =	vmax.f32 v61, $0.0e+00  }
0x17b: {  	v31 =	vld [tilespmem:s12+$0x270];
	v50 =	vmax.f32 v39, v50;
	v61 =	vmin.f32 v38, v52;
	v62 =	vmin.f32 v37, v53  }
0x17c: {  	v63 =	vld [tilespmem:s12+$0x280];
	v54 =	vmax.f32 v40, v54;
	v55 =	vmax.f32 v39, v55;
	v57 =	vmin.f32 v38, v57  }
0x17d: {  	v60 =	vmin.f32 v37, v56;
	v32 =	vsub.f32 v61, v32;
	v50 =	vsub.f32 v62, v50  }
0x17e: {  	v4 =	vmul.f32 v5, v4;
	v5 =	vsub.f32 v57, v54;
	v51 =	vsub.f32 v60, v55  }
0x17f: {  	v33 =	vmul.f32 v49, v33;
	v32 =	vmax.f32 v32, $0.0e+00;
	v61 =	vmax.f32 v50, $0.0e+00  }
0x180: {  	v5 =	vmax.f32 v5, $0.0e+00;
	v62 =	vmax.f32 v51, $0.0e+00;
	v32 =	vmul.f32 v61, v32  }
0x181: {  	v5 =	vmul.f32 v62, v5;
	v31 =	vadd.f32 v31, v36;
	v63 =	vadd.f32 v63, v36  }
0x182: {  	v48 =	vsub.f32 v48, v4;
	v7 =	vsub.f32 v7, v33  }
0x183: {  	v31 =	vsub.f32 v31, v32;
	v49 =	vsub.f32 v63, v5  }
0x184: {  	v48 =	vmul.f32 $5.000000000e-01, v48;
	v7 =	vmul.f32 $5.000000000e-01, v7  }
0x185: {  	v31 =	vmul.f32 $5.000000000e-01, v31;
	v49 =	vmul.f32 $5.000000000e-01, v49  }
0x186: {  	vm0 =	vgt.f32 v4, v48  }
0x187: {  	vm3 =	vgt.f32 v33, v7;
	vm1 =	vgt.f32 v32, v31;
	vm2 =	vgt.f32 v5, v49  }
0x188: {  	vm1 =	vmor vm1, vm2;
	vm2 =	vmor vm0, vm3  }
0x189: {  	v54 =	vimm.f32 $-1.000000000e+09;
	vm0 =	vmor vm6, vm1;
	vm1 =	vmor vm7, vm2  }
.LBB2_15:
0x18a: {  	v5 =	vld [tilespmem:$0x1FFA0];
	_ =	sdelay $0x2  }
0x18b: {  	v4 =	vmpcnt.ones.xlane vm0;
	_ =	sdelay $0x1  }
0x18c: {  	vm0 =	vlt.s32 v4, $0x1;
	v4 =	vmpcnt.ones.xlane vm1;
	vm2 =	vnez.u8 v5  }
0x18d: {  	vm0 =	vmand vm2, vm0  }
0x18e: {  	vm1 =	vlt.s32 v4, $0x1;
	v4 =	vsel vm0, $0x3F800000, v3  }
0x18f: {  	vm1 =	vmand vm5, vm1;
	(xrf0) =	vmax.scan.msk.f32 $0xffff, v4;
	v4 =	vsel vm2, $0x3F800000, v3  }
0x190: {  	(xrf0) =	vmax.scan.msk.f32 $0xffff, v4;
	v4 =	vsel vm1, $0x3F800000, v3  }
0x191: {  	(xrf0) =	vmax.scan.msk.f32 $0xffff, v4;
	v4 =	vsel vm5, $0x3F800000, v3  }
0x192: {  	(xrf0) =	vmax.scan.msk.f32 $0xffff, v4;
	_ =	sdelay $0x2  }
0x193: {  	v4, _, _ =	vpop (xrf0)  }
0x194: {  	v5, _, _ =	vpop (xrf0);
	(v2sf) =	vpush v4, $0xF  }
0x195: {  	v4, _, _ =	vpop (xrf0);
	(v2sf) =	vpush v5, $0xF  }
0x196: {  	(v2sf) =	vpush v4, $0xF;
	v4, _, _ =	vpop (xrf0)  }
0x197: {  	(v2sf) =	vpush v4, $0xF;
	_ =	sdelay $0x2  }
0x198: {  	v4 =	vld [tilespmem:$0x1FF90];
	_ =	sdelay $0x4  }
0x199: {  	vm13 =	vnez.u8 v4  }
0x19a: {  	vm0 =	vmand vm0, vm13  }
0x19b: {  	vm3 =	vmand vm0, vm8  }
0x19c: {  	v4 =	vmov s6  }
0x19d: {  	v5 =	vadd.s32 $0x140, v4;
	s4 =	spop (v2sf)  }
0x19e: {  	v7 =	vadd.s32 $0x280, v4;
	s12 =	spop (v2sf);
	p4 =	sgt.f32 s4, $0.0e+00;
	s4 =	simm.s32 $0x1  }
0x19f: {  	v31 =	vadd.s32 $0x3C0, v4;
	s16 =	spop (v2sf);
	p5 =	sgt.f32 s12, $0.0e+00;
	s12 =	smov.u32 s5  }
0x1a0: {  	v32 =	vadd.s32 $0x500, v4;
	p6 =	sgt.f32 s16, $0.0e+00;
	s16 =	spop (v2sf);
	p0 =	por !p3, !p4  }
0x1a1: {  	vm14 =	vmand vm1, vm4;
	[tilespmem:v4+s28+$0x0] =	vst.idx.msk vm3, v40;
	v4 =	vmov s11;
	p4 =	sgt.f32 s16, $0.0e+00;
	p0 =	por !p0, !p0;
	s12 =	simm.s32 @!p5 $0x0  }
0x1a2: {  	vm15 =	vmand vm14, vm8;
	[tilespmem:v5+s28+$0x0] =	vst.idx.msk vm3, v39;
	s16 =	simm.s32 $0x1;
	s4 =	simm.s32 @!p0 $0x0;
	p6 =	por !p2, !p6  }
0x1a3: {  	v5 =	vmov s13;
	[tilespmem:v7+s28+$0x0] =	vst.idx.msk vm3, v38;
	s5 =	smov.u32 @p3 s12;
	s12 =	smov.u32 s14;
	p0 =	por !p6, !p6  }
0x1a4: {  	v7 =	vadd.s32 $0x140, v5;
	[tilespmem:v31+s28+$0x0] =	vst.idx.msk vm3, v37;
	s12 =	simm.s32 @!p4 $0x0;
	s11 =	sadd.s32 s4, s11;
	s16 =	simm.s32 @!p0 $0x0  }
0x1a5: {  	v63 =	vmov s15;
	v31 =	vadd.s32 $0x280, v5;
	[tilespmem:v32+s28+$0x0] =	vst.idx.msk vm3, v36;
	p3 =	sne.s32 s5, $0x0;
	s14 =	smov.u32 @p2 s12;
	s15 =	sadd.s32 s16, s15  }
0x1a6: {  	v33 =	vadd.s32 $0x3C0, v5;
	[tilespmem:v4+s29+$0x0] =	vst.idx.msk vm3, v35;
	p2 =	slt.s32 s11, $0x12C;
	p5 =	sne.s32 s14, $0x0;
	p4 =	slt.s32 s15, $0x12C  }
0x1a7: {  	[tilespmem:v4+s30+$0x0] =	vst.idx.msk vm3, v34;
	v4 =	vadd.s32 $0x500, v5;
	p0 =	por !p2, !p3;
	p6 =	por !p4, !p5  }
0x1a8: {  	[tilespmem:v5+s31+$0x0] =	vst.idx.msk vm15, v43;
	p4 =	por !p0, !p0;
	p2 =	por !p6, !p6  }
0x1a9: {  	[tilespmem:v7+s31+$0x0] =	vst.idx.msk vm15, v44;
	p5 =	por p4, p2  }
.Ltmp8:
0x1aa: {  	[tilespmem:v31+s31+$0x0] =	vst.idx.msk vm15, v45;
	(pc) =	sbr.rel @!p5 .LBB2_16-.Ltmp8, $4  }
0x1ab: {  	s6 =	sadd.s32 s4, s6;
	s13 =	sadd.s32 s16, s13;
	[tilespmem:v33+s31+$0x0] =	vst.idx.msk vm15, v46  }
0x1ac: {  	p3 =	por p4, p4;
	s14 =	smov.u32 @p4 s14;
	s13 =	smov.u32 @p4 s13;
	[tilespmem:v4+s31+$0x0] =	vst.idx.msk vm15, v47  }
0x1ad: {  	s15 =	smov.u32 @p4 s15;
	s5 =	smov.u32 @p4 s5;
	s6 =	smov.u32 @p4 s6;
	[tilespmem:v63+s0+$0x0] =	vst.idx.msk vm15, v42  }
0x1ae: {  	s11 =	smov.u32 @p4 s11;
	p2 =	por @!p4 p2, p2;
	p3 =	por @!p4 p4, p4;
	[tilespmem:v63+s3+$0x0] =	vst.idx.msk vm15, v41  }
.LBB2_11:
0x1af: {  	v34 =	vld [tilespmem:$0x8C00]  }
0x1b0: {  	v35 =	vld [tilespmem:$0x8C10];
	_ =	sdelay $0x1  }
0x1b1: {  	v36 =	vld [tilespmem:$0x8C20];
	_ =	sdelay $0x1  }
0x1b2: {  	v37 =	vld [tilespmem:$0x8C30]  }
0x1b3: {  	vm2 =	vgt.f32 v35, v34  }
0x1b4: {  	v45 =	vld [tilespmem:$0x8C40];
	v34 =	vsel vm2, v35, v34  }
0x1b5: {  	vm3 =	vgt.f32 v36, v34  }
0x1b6: {  	v46 =	vld [tilespmem:$0x8C50];
	v34 =	vsel vm3, v36, v34  }
0x1b7: {  	vm4 =	vgt.f32 v37, v34  }
0x1b8: {  	v47 =	vld [tilespmem:$0x8C60];
	v34 =	vsel vm4, v37, v34  }
0x1b9: {  	vm5 =	vgt.f32 v45, v34  }
0x1ba: {  	v48 =	vld [tilespmem:$0x8C70];
	v34 =	vsel vm5, v45, v34  }
0x1bb: {  	vm6 =	vgt.f32 v46, v34  }
0x1bc: {  	v49 =	vld [tilespmem:$0x8C80];
	v34 =	vsel vm6, v46, v34  }
0x1bd: {  	vm7 =	vgt.f32 v47, v34  }
0x1be: {  	v50 =	vld [tilespmem:$0x8C90];
	v34 =	vsel vm7, v47, v34  }
0x1bf: {  	vm8 =	vgt.f32 v48, v34  }
0x1c0: {  	v51 =	vld [tilespmem:$0x8CA0];
	v34 =	vsel vm8, v48, v34  }
0x1c1: {  	vm9 =	vgt.f32 v49, v34  }
0x1c2: {  	v52 =	vld [tilespmem:$0x8CB0];
	v34 =	vsel vm9, v49, v34  }
0x1c3: {  	vm10 =	vgt.f32 v50, v34  }
0x1c4: {  	v53 =	vld [tilespmem:$0x8CC0];
	v34 =	vsel vm10, v50, v34  }
0x1c5: {  	vm11 =	vgt.f32 v51, v34  }
0x1c6: {  	v55 =	vld [tilespmem:$0x8CD0];
	v34 =	vsel vm11, v51, v34  }
0x1c7: {  	vm12 =	vgt.f32 v52, v34  }
0x1c8: {  	v56 =	vld [tilespmem:$0x8CE0];
	v34 =	vsel vm12, v52, v34  }
0x1c9: {  	vm13 =	vgt.f32 v53, v34  }
0x1ca: {  	v57 =	vld [tilespmem:$0x8CF0];
	v34 =	vsel vm13, v53, v34  }
0x1cb: {  	vm14 =	vgt.f32 v55, v34  }
0x1cc: {  	v58 =	vld [tilespmem:$0x8D00];
	v34 =	vsel vm14, v55, v34  }
0x1cd: {  	vm0 =	vgt.f32 v56, v34  }
0x1ce: {  	v59 =	vld [tilespmem:$0x8D10];
	v34 =	vsel vm0, v56, v34  }
0x1cf: {  	vm1 =	vgt.f32 v57, v34  }
0x1d0: {  	v60 =	vld [tilespmem:$0x8D20];
	v34 =	vsel vm1, v57, v34  }
0x1d1: {  	vm15 =	vgt.f32 v58, v34  }
0x1d2: {  	v61 =	vld [tilespmem:$0x8D30];
	v34 =	vsel vm15, v58, v34  }
0x1d3: {  	v38 =	vsel vm2, v12, v10;
	vm2 =	vgt.f32 v59, v34  }
0x1d4: {  	v62 =	vsel vm3, v13, v38;
	v34 =	vsel vm2, v59, v34  }
0x1d5: {  	v36 =	vsel vm4, v14, v62;
	vm3 =	vgt.f32 v60, v34  }
0x1d6: {  	v36 =	vsel vm5, v15, v36;
	v34 =	vsel vm3, v60, v34  }
0x1d7: {  	v36 =	vsel vm6, v16, v36;
	vm4 =	vgt.f32 v61, v34  }
0x1d8: {  	v63 =	vsel vm7, v17, v36;
	v35 =	vsel vm4, v61, v34  }
0x1d9: {  	v34 =	vsel vm8, v18, v63;
	v40 =	vperm.xlane v35, v6  }
0x1da: {  	v34 =	vsel vm9, v19, v34  }
0x1db: {  	v34 =	vsel vm10, v20, v34;
	v36 =	vmax.f32 v35, v40  }
0x1dc: {  	v34 =	vsel vm11, v21, v34;
	v41 =	vperm.xlane v36, v8  }
0x1dd: {  	v34 =	vsel vm12, v22, v34  }
0x1de: {  	v34 =	vsel vm13, v23, v34;
	v36 =	vmax.f32 v36, v41  }
0x1df: {  	v34 =	vsel vm14, v24, v34;
	v37 =	vperm.xlane v36, v9  }
0x1e0: {  	v34 =	vsel vm0, v25, v34  }
0x1e1: {  	v34 =	vsel vm1, v26, v34;
	v36 =	vmax.f32 v36, v37  }
0x1e2: {  	v34 =	vsel vm15, v27, v34;
	v37 =	vperm.xlane v36, v11  }
0x1e3: {  	v42 =	vsel vm2, v28, v34  }
0x1e4: {  	v43 =	vsel vm3, v29, v42;
	v34 =	vmax.f32 v36, v37  }
0x1e5: {  	v44 =	vsel vm4, v30, v43;
	vm0 =	veq.f32 v35, v34  }
0x1e6: {  	v35 =	vnsel vm0, $0x40000000, v44  }
0x1e7: {  	v45 =	vperm.xlane v35, v6;
	_ =	sdelay $0x1  }
0x1e8: {  	vm0 =	vlt.s32 v35, v45  }
0x1e9: {  	v35 =	vsel vm0, v35, v45  }
0x1ea: {  	v36 =	vperm.xlane v35, v8;
	_ =	sdelay $0x1  }
0x1eb: {  	vm0 =	vlt.s32 v35, v36  }
0x1ec: {  	v35 =	vsel vm0, v35, v36  }
0x1ed: {  	v36 =	vperm.xlane v35, v9;
	_ =	sdelay $0x1  }
0x1ee: {  	vm0 =	vlt.s32 v35, v36  }
0x1ef: {  	v35 =	vsel vm0, v35, v36  }
0x1f0: {  	v36 =	vperm.xlane v35, v11;
	_ =	sdelay $0x1  }
0x1f1: {  	vm0 =	vlt.s32 v35, v36  }
0x1f2: {  	v41 =	vsel vm0, v35, v36  }
0x1f3: {  	v35 =	vshll.u32 v41, $0x4  }
0x1f4: {  	v46 =	vor.u32 v10, v35;
	_ =	sdelay $0x4  }
0x1f5: {  	v36 =	vld.idx.msk [tilespmem:v46+s23+$0x0], $0xffff;
	_ =	sdelay $0x4  }
0x1f6: {  	vm0 =	veq.f32 v36, v34  }
0x1f7: {  	v47 =	vmctz.xlane vm0;
	_ =	sdelay $0x1  }
0x1f8: {  	vm0 =	veq.s32 v47, v10  }
0x1f9: {  	v36 =	vsel vm0, $0xCE6E6B28, v36;
	vm0 =	vmxor vm0, vm0  }
0x1fa: {  	v4 =	vimm.s32 $0x0;
	vm0 =	vmneg @p3 vm0  }
0x1fb: {  	v4 =	vsel vm0, $0xFFFFFFFF, v4  }
0x1fc: {  	vm1 =	vgt.f32 v34, $-5.000000000e+08;
	[tilespmem:$0x1FF90] =	vst v4;
	v4 =	vimm.s32 $0x0  }
0x1fd: {  	v4 =	vsel vm1, $0xFFFFFFFF, v4  }
0x1fe: {  	[tilespmem:$0x1FFA0] =	vst v4;
	v4 =	vld [tilespmem:$0x1FFB0]  }
0x1ff: {  	v35 =	vadd.s32 v47, v35;
	v39 =	vperm.xlane v36, v6  }
0x200: {  	v37 =	vand.u32 $0x7, v47;
	v48 =	vand.u32 $0xFFFFFFF8, v35  }
0x201: {  	v37 =	vor.u32 v37, v48;
	v36 =	vmax.f32 v36, v39  }
0x202: {  	v38 =	vadd.s32 $0x1400, v37;
	v39 =	vperm.xlane v36, v8  }
0x203: {  	v42 =	vadd.s32 $0x2800, v37;
	vm0 =	vmand vm1, vm0;
	vm1 =	vnez.u8 v4  }
0x204: {  	v37 =	vadd.s32 $0x3C00, v37;
	v36 =	vmax.f32 v36, v39;
	vm0 =	vmand vm0, vm1  }
0x205: {  	v43 =	vperm.xlane v36, v9  }
0x206: {  	v40 =	vld.idx.msk [tilespmem:v35+s18+$0x0], $0xffff  }
0x207: {  	v39 =	vld.idx.msk [tilespmem:v38+s18+$0x0], $0xffff;
	v49 =	vmax.f32 v36, v43  }
0x208: {  	v38 =	vld.idx.msk [tilespmem:v42+s18+$0x0], $0xffff;
	v43 =	vperm.xlane v49, v11  }
0x209: {  	v37 =	vld.idx.msk [tilespmem:v37+s18+$0x0], $0xffff  }
0x20a: {  	v36 =	vld.idx.msk [tilespmem:v35+s24+$0x0], $0xffff;
	v42 =	vmax.f32 v49, v43;
	[tilespmem:v35+s23+$0x0] =	vst.idx.msk vm0, v54  }
0x20b: {  	[tilespmem:v41+s19+$0x0] =	vst.idx.msk vm0, v42  }
0x20c: {  	v41 =	vld [tilespmem:$0x121E0]  }
0x20d: {  	v42 =	vld [tilespmem:$0x121F0];
	_ =	sdelay $0x1  }
0x20e: {  	v50 =	vld [tilespmem:$0x12200];
	_ =	sdelay $0x1  }
0x20f: {  	v44 =	vld [tilespmem:$0x12210]  }
0x210: {  	vm4 =	vgt.f32 v42, v41  }
0x211: {  	v51 =	vld [tilespmem:$0x12220];
	v41 =	vsel vm4, v42, v41  }
0x212: {  	vm5 =	vgt.f32 v50, v41  }
0x213: {  	v52 =	vld [tilespmem:$0x12230];
	v41 =	vsel vm5, v50, v41  }
0x214: {  	vm6 =	vgt.f32 v44, v41  }
0x215: {  	v53 =	vld [tilespmem:$0x12240];
	v41 =	vsel vm6, v44, v41  }
0x216: {  	vm7 =	vgt.f32 v51, v41  }
0x217: {  	v55 =	vld [tilespmem:$0x12250];
	v41 =	vsel vm7, v51, v41  }
0x218: {  	vm8 =	vgt.f32 v52, v41  }
0x219: {  	v56 =	vld [tilespmem:$0x12260];
	v41 =	vsel vm8, v52, v41  }
0x21a: {  	vm9 =	vgt.f32 v53, v41  }
0x21b: {  	v57 =	vld [tilespmem:$0x12270];
	v41 =	vsel vm9, v53, v41  }
0x21c: {  	vm10 =	vgt.f32 v55, v41  }
0x21d: {  	v58 =	vld [tilespmem:$0x12280];
	v41 =	vsel vm10, v55, v41  }
0x21e: {  	vm11 =	vgt.f32 v56, v41  }
0x21f: {  	v59 =	vld [tilespmem:$0x12290];
	v41 =	vsel vm11, v56, v41  }
0x220: {  	vm12 =	vgt.f32 v57, v41  }
0x221: {  	v60 =	vld [tilespmem:$0x122A0];
	v41 =	vsel vm12, v57, v41  }
0x222: {  	vm13 =	vgt.f32 v58, v41  }
0x223: {  	v61 =	vld [tilespmem:$0x122B0];
	v41 =	vsel vm13, v58, v41  }
0x224: {  	vm14 =	vgt.f32 v59, v41  }
0x225: {  	v62 =	vld [tilespmem:$0x122C0];
	v41 =	vsel vm14, v59, v41  }
0x226: {  	vm15 =	vgt.f32 v60, v41  }
0x227: {  	v63 =	vld [tilespmem:$0x122D0];
	v41 =	vsel vm15, v60, v41  }
0x228: {  	vm0 =	vgt.f32 v61, v41  }
0x229: {  	v32 =	vld [tilespmem:$0x122E0];
	v41 =	vsel vm0, v61, v41  }
0x22a: {  	vm1 =	vgt.f32 v62, v41  }
0x22b: {  	v33 =	vld [tilespmem:$0x122F0];
	v41 =	vsel vm1, v62, v41  }
0x22c: {  	vm3 =	vgt.f32 v63, v41  }
0x22d: {  	v48 =	vld [tilespmem:$0x12300];
	v41 =	vsel vm3, v63, v41  }
0x22e: {  	vm2 =	vgt.f32 v32, v41  }
0x22f: {  	v49 =	vld [tilespmem:$0x12310];
	v41 =	vsel vm2, v32, v41  }
0x230: {  	v45 =	vsel vm4, v12, v10;
	vm4 =	vgt.f32 v33, v41  }
0x231: {  	v45 =	vsel vm5, v13, v45;
	v41 =	vsel vm4, v33, v41  }
0x232: {  	v50 =	vsel vm6, v14, v45;
	vm5 =	vgt.f32 v48, v41  }
0x233: {  	v43 =	vsel vm7, v15, v50;
	v41 =	vsel vm5, v48, v41  }
0x234: {  	v43 =	vsel vm8, v16, v43;
	vm6 =	vgt.f32 v49, v41  }
0x235: {  	v43 =	vsel vm9, v17, v43;
	v42 =	vsel vm6, v49, v41  }
0x236: {  	v51 =	vsel vm10, v18, v43;
	v52 =	vperm.xlane v42, v6  }
0x237: {  	v41 =	vsel vm11, v19, v51  }
0x238: {  	v41 =	vsel vm12, v20, v41;
	v43 =	vmax.f32 v42, v52  }
0x239: {  	v41 =	vsel vm13, v21, v41;
	v53 =	vperm.xlane v43, v8  }
0x23a: {  	v41 =	vsel vm14, v22, v41  }
0x23b: {  	v41 =	vsel vm15, v23, v41;
	v43 =	vmax.f32 v43, v53  }
0x23c: {  	v41 =	vsel vm0, v24, v41;
	v44 =	vperm.xlane v43, v9  }
0x23d: {  	v41 =	vsel vm1, v25, v41  }
0x23e: {  	v41 =	vsel vm3, v26, v41;
	v43 =	vmax.f32 v43, v44  }
0x23f: {  	v41 =	vsel vm2, v27, v41;
	v44 =	vperm.xlane v43, v11  }
0x240: {  	v55 =	vsel vm4, v28, v41  }
0x241: {  	v56 =	vsel vm5, v29, v55;
	v41 =	vmax.f32 v43, v44  }
0x242: {  	v57 =	vsel vm6, v30, v56;
	vm0 =	veq.f32 v42, v41  }
0x243: {  	v42 =	vnsel vm0, $0x40000000, v57  }
0x244: {  	v58 =	vperm.xlane v42, v6;
	_ =	sdelay $0x1  }
0x245: {  	vm0 =	vlt.s32 v42, v58  }
0x246: {  	v42 =	vsel vm0, v42, v58  }
0x247: {  	v43 =	vperm.xlane v42, v8;
	_ =	sdelay $0x1  }
0x248: {  	vm0 =	vlt.s32 v42, v43  }
0x249: {  	v42 =	vsel vm0, v42, v43  }
0x24a: {  	v43 =	vperm.xlane v42, v9;
	_ =	sdelay $0x1  }
0x24b: {  	vm0 =	vlt.s32 v42, v43  }
0x24c: {  	v42 =	vsel vm0, v42, v43  }
0x24d: {  	v43 =	vperm.xlane v42, v11;
	_ =	sdelay $0x1  }
0x24e: {  	vm0 =	vlt.s32 v42, v43  }
0x24f: {  	v48 =	vsel vm0, v42, v43  }
0x250: {  	v42 =	vshll.u32 v48, $0x4  }
0x251: {  	v59 =	vor.u32 v10, v42;
	_ =	sdelay $0x4  }
0x252: {  	v43 =	vld.idx.msk [tilespmem:v59+s25+$0x0], $0xffff;
	_ =	sdelay $0x4  }
0x253: {  	vm0 =	veq.f32 v43, v41  }
0x254: {  	v60 =	vmctz.xlane vm0;
	_ =	sdelay $0x1  }
0x255: {  	p4 =	sgt.s32 s6, s13;
	s4 =	smov.u32 s13;
	vm0 =	veq.s32 v60, v10  }
0x256: {  	s4 =	smov.u32 @p4 s6;
	v4 =	vld [tilespmem:$0x1FFB0];
	vm1 =	vmxor vm1, vm1;
	v43 =	vsel vm0, $0xCE6E6B28, v43  }
0x257: {  	s4 =	sadd.s32 $0x1F, s4;
	vm4 =	vmmov vm1;
	v46 =	vperm.xlane v43, v6  }
0x258: {  	s12 =	sand.u32 $0x1F, s4;
	vm4 =	vmneg @p2 vm4;
	v42 =	vadd.s32 v60, v42  }
0x259: {  	s16 =	sshra.s32 s4, $0x1F;
	p5 =	slt.s32 s4, $0x1;
	p6 =	sne.s32 s12, $0x0;
	v44 =	vand.u32 $0x7, v60;
	v61 =	vand.u32 $0xFFFFFFF8, v42;
	v43 =	vmax.f32 v43, v46  }
0x25a: {  	s12 =	sshrl.u32 s16, $0x1B;
	p4 =	por !p5, !p6;
	vm5 =	vgt.f32 v41, $-5.000000000e+08;
	v44 =	vor.u32 v44, v61;
	v47 =	vperm.xlane v43, v8  }
0x25b: {  	s4 =	sadd.s32 s12, s4;
	s12 =	simm.s32 $0x1;
	p4 =	por !p4, !p4;
	vm8 =	vnez.u8 v4;
	vm0 =	vmand vm5, vm4;
	v45 =	vadd.s32 $0x1400, v44  }
0x25c: {  	s4 =	sshra.s32 s4, $0x5;
	s12 =	simm.s32 @!p4 $0x0;
	vm0 =	vmand vm0, vm8;
	v62 =	vadd.s32 $0x2800, v44;
	v47 =	vmax.f32 v43, v47  }
0x25d: {  	s4 =	ssub.s32 s4, s12;
	v49 =	vadd.s32 $0x3C00, v44;
	v50 =	vperm.xlane v47, v9  }
0x25e: {  	p4 =	slt.s32 s4, $0x1;
	v43 =	vld.idx.msk [tilespmem:v42+s21+$0x0], $0xffff  }
.Ltmp9:
0x25f: {  	v50 =	vmax.f32 v47, v50;
	v47 =	vld.idx.msk [tilespmem:v42+s26+$0x0], $0xffff;
	(pc) =	sbr.rel @p4 .LBB2_15-.Ltmp9, $4  }
0x260: {  	v44 =	vld.idx.msk [tilespmem:v45+s21+$0x0], $0xffff;
	v63 =	vperm.xlane v50, v11  }
0x261: {  	v45 =	vld.idx.msk [tilespmem:v62+s21+$0x0], $0xffff  }
0x262: {  	v46 =	vld.idx.msk [tilespmem:v49+s21+$0x0], $0xffff;
	[tilespmem:v42+s25+$0x0] =	vst.idx.msk vm0, v54;
	v49 =	vmax.f32 v50, v63  }
0x263: {  	[tilespmem:v48+s22+$0x0] =	vst.idx.msk vm0, v49;
	vm0 =	vmmov vm1  }
0x264: {  	s16 =	simm.s32 $0x125B0  }
0x265: {  	v48 =	vld [tilespmem:s16+$0x270]  }
0x266: {  	v49 =	vld [tilespmem:s16+$0x280]  }
0x267: {  	v53 =	vld [tilespmem:s16+$0xFFFFFD70]  }
0x268: {  	v54 =	vld [tilespmem:s16+$0xFFFFFEB0]  }
0x269: {  	v55 =	vld [tilespmem:s16+$0xFFFFFFF0]  }
0x26a: {  	v56 =	vld [tilespmem:s16+$0x130]  }
0x26b: {  	v57 =	vld [tilespmem:s16+$0xFFFFFD80]  }
0x26c: {  	v58 =	vld [tilespmem:s16+$0xFFFFFEC0]  }
0x26d: {  	v59 =	vld [tilespmem:s16+$0x0]  }
0x26e: {  	s12 =	simm.s32 $0x8FD0;
	v60 =	vld [tilespmem:s16+$0x140]  }
0x26f: {  	v51 =	vld [tilespmem:s12+$0xFFFFFD70]  }
0x270: {  	v50 =	vld [tilespmem:s12+$0xFFFFFEB0]  }
0x271: {  	p4 =	sne.s32 s4, $0x1;
	v52 =	vld [tilespmem:s12+$0xFFFFFFF0]  }
.Ltmp10:
0x272: {  	vm7 =	vmxor vm7, vm7;
	v48 =	vadd.f32 v48, v47;
	v61 =	vmax.f32 v43, v53;
	v53 =	vld [tilespmem:s12+$0x130];
	(pc) =	sbr.rel @!p4 .LBB2_14-.Ltmp10, $4  }
0x273: {  	v62 =	vmax.f32 v44, v54;
	v63 =	vmin.f32 v45, v55;
	v56 =	vmin.f32 v46, v56;
	v54 =	vld [tilespmem:s12+$0xFFFFFD80]  }
0x274: {  	v55 =	vld [tilespmem:s12+$0xFFFFFEC0];
	v32 =	vmax.f32 v43, v57;
	v4 =	vmax.f32 v44, v58;
	v5 =	vmin.f32 v45, v59  }
0x275: {  	v57 =	vld [tilespmem:s12+$0x0];
	v33 =	vmin.f32 v46, v60;
	v58 =	vsub.f32 v63, v61;
	v59 =	vsub.f32 v56, v62  }
0x276: {  	s4 =	sadd.s32 $0xFFFFFFFF, s4;
	s16 =	simm.s32 $0x125D0;
	vm6 =	vmmov vm7;
	v56 =	vld [tilespmem:s12+$0x140];
	v60 =	vsub.f32 v5, v32;
	v61 =	vsub.f32 v33, v4  }
.LBB2_13:
0x277: {  	v4 =	vld [tilespmem:s16+$0x270];
	p4 =	sne.s32 s4, $0x1;
	v5 =	vmax.f32 v58, $0.0e+00;
	v32 =	vmax.f32 v59, $0.0e+00;
	v58 =	vadd.f32 v49, v47  }
0x278: {  	v51 =	vmax.f32 v40, v51;
	v60 =	vmax.f32 v60, $0.0e+00;
	v61 =	vmax.f32 v61, $0.0e+00;
	v59 =	vld [tilespmem:s12+$0x270]  }
0x279: {  	v50 =	vmax.f32 v39, v50;
	v52 =	vmin.f32 v38, v52;
	v53 =	vmin.f32 v37, v53;
	v49 =	vld [tilespmem:s16+$0x280]  }
0x27a: {  	v54 =	vmax.f32 v40, v54;
	v55 =	vmax.f32 v39, v55;
	v57 =	vmin.f32 v38, v57;
	v62 =	vld [tilespmem:s12+$0x280]  }
0x27b: {  	v51 =	vsub.f32 v52, v51;
	v50 =	vsub.f32 v53, v50;
	v52 =	vmin.f32 v37, v56;
	v63 =	vld [tilespmem:s16+$0xFFFFFD70]  }
0x27c: {  	v5 =	vmul.f32 v32, v5;
	v32 =	vsub.f32 v57, v54;
	v52 =	vsub.f32 v52, v55;
	v53 =	vld [tilespmem:s16+$0xFFFFFEB0]  }
0x27d: {  	v56 =	vmul.f32 v61, v60;
	v51 =	vmax.f32 v51, $0.0e+00;
	v54 =	vld [tilespmem:s16+$0xFFFFFFF0];
	v55 =	vadd.f32 v59, v36  }
0x27e: {  	v50 =	vmax.f32 v50, $0.0e+00;
	v32 =	vmax.f32 v32, $0.0e+00;
	v52 =	vmax.f32 v52, $0.0e+00;
	v57 =	vld [tilespmem:s16+$0x130]  }
0x27f: {  	v60 =	vmul.f32 v50, v51;
	v32 =	vmul.f32 v52, v32;
	v59 =	vld [tilespmem:s16+$0xFFFFFD80];
	v50 =	vadd.f32 v62, v36  }
0x280: {  	v48 =	vsub.f32 v48, v5;
	v51 =	vsub.f32 v58, v56;
	v61 =	vld [tilespmem:s16+$0xFFFFFEC0]  }
0x281: {  	v52 =	vsub.f32 v55, v60;
	v58 =	vld [tilespmem:s16+$0x0];
	v50 =	vsub.f32 v50, v32  }
0x282: {  	s12 =	sadd.s32 $0x20, s12;
	v7 =	vmul.f32 $5.000000000e-01, v51;
	v55 =	vmul.f32 $5.000000000e-01, v48;
	v62 =	vld [tilespmem:s16+$0x140]  }
0x283: {  	v48 =	vadd.f32 v4, v47;
	v4 =	vmul.f32 $5.000000000e-01, v52;
	v51 =	vld [tilespmem:s12+$0xFFFFFD70];
	v33 =	vmul.f32 $5.000000000e-01, v50  }
0x284: {  	v63 =	vmax.f32 v43, v63;
	v31 =	vmax.f32 v44, v53;
	vm0 =	vgt.f32 v5, v55;
	v50 =	vld [tilespmem:s12+$0xFFFFFEB0]  }
0x285: {  	vm3 =	vgt.f32 v56, v7;
	vm1 =	vgt.f32 v60, v4;
	v52 =	vld [tilespmem:s12+$0xFFFFFFF0];
	vm2 =	vgt.f32 v32, v33  }
.Ltmp11:
0x286: {  	vm0 =	vmor vm0, vm3;
	v4 =	vmin.f32 v45, v54;
	v53 =	vld [tilespmem:s12+$0x130];
	vm1 =	vmor vm1, vm2;
	(pc) =	sbr.rel @p4 .LBB2_13-.Ltmp11, $4  }
0x287: {  	v5 =	vmin.f32 v46, v57;
	vm7 =	vmor vm7, vm0;
	v54 =	vld [tilespmem:s12+$0xFFFFFD80];
	vm6 =	vmor vm6, vm1  }
0x288: {  	v7 =	vmax.f32 v43, v59;
	v32 =	vmax.f32 v44, v61;
	v33 =	vmin.f32 v45, v58;
	v55 =	vld [tilespmem:s12+$0xFFFFFEC0]  }
0x289: {  	v59 =	vsub.f32 v5, v31;
	v58 =	vsub.f32 v4, v63;
	v4 =	vmin.f32 v46, v62;
	v57 =	vld [tilespmem:s12+$0x0]  }
0x28a: {  	s4 =	sadd.s32 $0xFFFFFFFF, s4;
	s16 =	sadd.s32 $0x20, s16;
	v60 =	vsub.f32 v33, v7;
	v61 =	vsub.f32 v4, v32;
	v56 =	vld [tilespmem:s12+$0x140]  }
.Ltmp12:
0x28b: {  	_ = 	snop;
	(pc) =	sbr.rel .LBB2_14-.Ltmp12, $1  }
0x28c: {  	_ =	sdelay $0x3  }
.LBB2_16:
0x28d: {  	s4 =	rddreg [dreg:$0x9]  }
0x28e: {  	[spmem:s4] =	stream.linear.scatter [tilespmem:s0], [sflag:$0x1], $0x130, $0x38;
	[tilespmem:$0x16580] =	vst v63  }
0x28f: {  	_ =	swait.ge [sflag:s17], $0x130  }
0x290: {  	[sflag:s17] =	ssyncset.done $0x0  }
0x291: {  	s15 =	rddreg [dreg:$0xa];
	[sflag:s17] =	ssyncadd.s32 $0xFFFFFED0  }
0x292: {  	[spmem:s15] =	stream.linear.scatter [tilespmem:s3], [sflag:$0x1], $0x130, $0x38;
	[tilespmem:$0x16580] =	vst v63  }
0x293: {  	_ =	swait.ge [sflag:s17], $0x130  }
0x294: {  	s16 =	sld [smem:$0x7FD];
	_ =	sdelay $0x1  }
0x295: {  	[sflag:s17] =	ssyncset.done $0x0  }
0x296: {  	p4 =	por p1, p1;
	[sflag:s17] =	ssyncadd.s32 $0xFFFFFED0;
	p1 =	seq.s32 s16, $0x1  }
.LBB2_25:
0x297: {  	s4 =	rddreg [dreg:$0xb]  }
0x298: {  	[spmem:s4] =	stream.linear.scatter [tilespmem:s29], [sflag:$0x1], $0x130, $0x38;
	[tilespmem:$0x16580] =	vst v63  }
0x299: {  	_ =	swait.ge [sflag:s17], $0x130  }
0x29a: {  	[sflag:s17] =	ssyncset.done $0x0  }
0x29b: {  	s16 =	rddreg [dreg:$0xc];
	[sflag:s17] =	ssyncadd.s32 $0xFFFFFED0  }
0x29c: {  	[spmem:s16] =	stream.linear.scatter [tilespmem:s30], [sflag:$0x1], $0x130, $0x38;
	[tilespmem:$0x16580] =	vst v63  }
0x29d: {  	_ =	swait.ge [sflag:s17], $0x130  }
0x29e: {  	[sflag:s17] =	ssyncset.done $0x0  }
0x29f: {  	[sflag:s17] =	ssyncadd.s32 $0xFFFFFED0  }
.Ltmp13:
0x2a0: {  	[bflag:$0x0] =	sbarrier.arrive $0xFFFF;
	(pc) =	sbr.rel @p1 .LBB2_31-.Ltmp13, $4  }
0x2a1: {  	v34 =	vld [tilespmem:$0x1FFC0]  }
0x2a2: {  	v35 =	vld [tilespmem:$0x1FFD0]  }
0x2a3: {  	v36 =	vld [tilespmem:$0x1FFE0]  }
0x2a4: {  	v37 =	vld [tilespmem:$0x1FFF0]  }
0x2a5: {  	s4 =	rddreg [dreg:$0x3]  }
0x2a6: {  	[tilespmem:s20], [sflag:$0x1] =	stream.linear.gather [spmem:s4], $0x17C0, $0x38;
	[tilespmem:$0x16580] =	vst v63  }
0x2a7: {  	_ =	swait.ge [sflag:s17], $0x17C0  }
0x2a8: {  	[sflag:s17] =	ssyncset.done $0x0  }
0x2a9: {  	[sflag:s17] =	ssyncadd.s32 $0xFFFFE840  }
0x2aa: {  	s16 =	rddreg [dreg:$0x2]  }
0x2ab: {  	[tilespmem:s1], [sflag:$0x1] =	stream.linear.gather [spmem:s16], $0x17C0, $0x38;
	[tilespmem:$0x16580] =	vst v63  }
0x2ac: {  	_ =	swait.ge [sflag:s17], $0x17C0  }
0x2ad: {  	[sflag:s17] =	ssyncset.done $0x0  }
0x2ae: {  	v4 =	vimm.s32 $0x0;
	[sflag:s17] =	ssyncadd.s32 $0xFFFFE840  }
0x2af: {  	[tilespmem:$0x15E40] =	vst v4  }
0x2b0: {  	[tilespmem:$0x15E50] =	vst v4  }
0x2b1: {  	[tilespmem:$0x16320] =	vst v1  }
0x2b2: {  	[tilespmem:$0x16450] =	vst v0  }
0x2b3: {  	[tilespmem:$0x16330] =	vst v1  }
0x2b4: {  	[tilespmem:$0x16460] =	vst v0  }
0x2b5: {  	[tilespmem:$0x16340] =	vst v1  }
0x2b6: {  	[tilespmem:$0x16470] =	vst v0  }
0x2b7: {  	[tilespmem:$0x16350] =	vst v1  }
0x2b8: {  	[tilespmem:$0x16480] =	vst v0  }
0x2b9: {  	[tilespmem:$0x16360] =	vst v1  }
0x2ba: {  	[tilespmem:$0x16490] =	vst v0  }
0x2bb: {  	[tilespmem:$0x16370] =	vst v1  }
0x2bc: {  	[tilespmem:$0x164A0] =	vst v0  }
0x2bd: {  	[tilespmem:$0x16380] =	vst v1  }
0x2be: {  	[tilespmem:$0x164B0] =	vst v0  }
0x2bf: {  	[tilespmem:$0x16390] =	vst v1  }
0x2c0: {  	[tilespmem:$0x164C0] =	vst v0  }
0x2c1: {  	[tilespmem:$0x163A0] =	vst v1  }
0x2c2: {  	[tilespmem:$0x164D0] =	vst v0  }
0x2c3: {  	[tilespmem:$0x163B0] =	vst v1  }
0x2c4: {  	[tilespmem:$0x164E0] =	vst v0  }
0x2c5: {  	[tilespmem:$0x163C0] =	vst v1  }
0x2c6: {  	[tilespmem:$0x164F0] =	vst v0  }
0x2c7: {  	[tilespmem:$0x163D0] =	vst v1  }
0x2c8: {  	[tilespmem:$0x16500] =	vst v0  }
0x2c9: {  	[tilespmem:$0x163E0] =	vst v1  }
0x2ca: {  	[tilespmem:$0x16510] =	vst v0  }
0x2cb: {  	[tilespmem:$0x163F0] =	vst v1  }
0x2cc: {  	[tilespmem:$0x16520] =	vst v0  }
0x2cd: {  	[tilespmem:$0x16400] =	vst v1  }
0x2ce: {  	[tilespmem:$0x16530] =	vst v0  }
0x2cf: {  	[tilespmem:$0x16410] =	vst v1  }
0x2d0: {  	[tilespmem:$0x16540] =	vst v0  }
0x2d1: {  	[tilespmem:$0x16420] =	vst v1  }
0x2d2: {  	[tilespmem:$0x16550] =	vst v0  }
0x2d3: {  	[tilespmem:$0x16430] =	vst v1  }
0x2d4: {  	[tilespmem:$0x16560] =	vst v0  }
0x2d5: {  	[tilespmem:$0x16440] =	vst v1  }
0x2d6: {  	s5 =	simm.s32 $0x40;
	s6 =	simm.s32 $0x0;
	s4 =	simm.s32 $0x0;
	[tilespmem:$0x16570] =	vst v0  }
.LBB2_27:
0x2d7: {  	p0 =	sne.s32 s5, $0x12C0;
	[tilespmem:s6+$0x15E60] =	vst v1;
	s6 =	smov.u32 s5;
	s5 =	sadd.s32 $0x40, s5  }
.Ltmp14:
0x2d8: {  	(pc) =	sbr.rel @p0 .LBB2_27-.Ltmp14, $2  }
0x2d9: {  	_ =	sdelay $0x2  }
0x2da: {  	s6 =	sshra.s32 s6, $0x2  }
0x2db: {  	[tilespmem:s6+$0x15E60] =	vst v1;
	s5 =	simm.s32 $0x0  }
.LBB2_29:
0x2dc: {  	v4 =	vld.idx.msk [tilespmem:v12+s2+$0x0], $0xffff  }
0x2dd: {  	v5 =	vld.idx.msk [tilespmem:v10+s2+$0x0], $0xffff;
	_ =	sdelay $0x2  }
0x2de: {  	v7 =	vmul.u32 $0x130, v10  }
0x2df: {  	v4 =	vadd.s32 v37, v4  }
0x2e0: {  	v5 =	vadd.s32 v7, v5;
	_ =	sdelay $0x3  }
0x2e1: {  	v4 =	vld.idx.msk [tilespmem:v4+s20+$0x0], $0xffff  }
0x2e2: {  	v5 =	vld.idx.msk [tilespmem:v5+s20+$0x0], $0xffff;
	_ =	sdelay $0x2  }
0x2e3: {  	vm0 =	vmmov $0xf  }
0x2e4: {  	v4 =	vnsel vm0, $0xC0000000, v4  }
0x2e5: {  	v7 =	vmax.f32 v5, v4  }
0x2e6: {  	v31 =	vperm.xlane v7, v6;
	_ =	sdelay $0x1  }
0x2e7: {  	v7 =	vmax.f32 v7, v31  }
0x2e8: {  	v31 =	vperm.xlane v7, v34;
	_ =	sdelay $0x1  }
0x2e9: {  	v7 =	vmax.f32 v7, v31  }
0x2ea: {  	v31 =	vperm.xlane v7, v35;
	_ =	sdelay $0x1  }
0x2eb: {  	v7 =	vmax.f32 v7, v31  }
0x2ec: {  	v31 =	vperm.xlane v7, v36;
	_ =	sdelay $0x1  }
0x2ed: {  	v7 =	vmax.f32 v7, v31  }
0x2ee: {  	vm12 =	veq.f32 v5, v7;
	vm1 =	veq.f32 v4, v7  }
0x2ef: {  	v4 =	vmpcnt.ones.xlane vm12;
	v5 =	vmctz.xlane vm1  }
0x2f0: {  	v31 =	vmctz.xlane vm12  }
0x2f1: {  	vm13 =	vgt.s32 v4, $0x0;
	v4 =	vadd.s32 $0x10, v5  }
0x2f2: {  	v4 =	vsel vm13, v31, v4;
	_ =	sdelay $0x4  }
0x2f3: {  	v5 =	vld.idx.msk [tilespmem:v4+s2+$0x0], $0xffff;
	_ =	sdelay $0x3  }
0x2f4: {  	v31 =	vmul.u32 $0x130, v4  }
0x2f5: {  	v32 =	vand.u32 $0xFFFFFFF8, v5  }
0x2f6: {  	v33 =	vand.u32 $0x7, v5;
	v31 =	vadd.s32 v32, v31  }
0x2f7: {  	v31 =	vor.u32 v33, v31;
	_ =	sdelay $0x2  }
0x2f8: {  	v5 =	vadd.s32 $0x1, v5  }
0x2f9: {  	[tilespmem:v4+s2+$0x0] =	vst.idx.msk $0x1, v5  }
0x2fa: {  	v5 =	vld.idx.msk [tilespmem:v31+s1+$0x0], $0xffff;
	_ =	sdelay $0x3  }
0x2fb: {  	v31 =	vand.u32 $0x3, v10  }
0x2fc: {  	v61 =	vmul.u32 $0x1400, v31;
	vm14 =	vgt.s32 v5, $0x0  }
0x2fd: {  	v62 =	vnsel vm14, $0x0, v5  }
0x2fe: {  	v32 =	vadd.s32 v61, v62;
	_ =	sdelay $0x4  }
0x2ff: {  	v32 =	vld.idx.msk [tilespmem:v32+s18+$0x0], $0xffff  }
0x300: {  	v31 =	vor.u32 s4, v31  }
0x301: {  	v63 =	vmov s5  }
0x302: {  	p0 =	sne.s32 s5, $0x12B  }
.Ltmp15:
0x303: {  	vm15 =	vgt.s32 v5, $0xFFFFFFFF;
	(pc) =	sbr.rel @p0 .LBB2_29-.Ltmp15, $4  }
0x304: {  	v5 =	vnsel vm15, $0xBF800000, v32  }
0x305: {  	[tilespmem:v31+s7+$0x0] =	vst.idx.msk $0xf, v5;
	v5 =	vnsel vm15, $0xBF800000, v7  }
0x306: {  	v4 =	vnsel vm15, $0xFFFFFFFF, v4;
	[tilespmem:v63+s8+$0x0] =	vst.idx.msk $0x1, v5  }
0x307: {  	s5 =	sadd.s32 $0x1, s5;
	s4 =	sadd.s32 $0x4, s4;
	[tilespmem:v63+s9+$0x0] =	vst.idx.msk $0x1, v4  }
0x308: {  	s4 =	simm.s32 $0x0;
	s5 =	rddreg [dreg:$0xd]  }
0x309: {  	[hbm4b:s5+s4] =	stream.linear.scatter [tilespmem:s7], [sflag:$0x1], $0x4C0, $0x38;
	[tilespmem:$0x16580] =	vst v63  }
0x30a: {  	_ =	swait.ge [sflag:s17], $0x4C0  }
0x30b: {  	[sflag:s17] =	ssyncset.done $0x0  }
0x30c: {  	s15 =	rddreg [dreg:$0xe];
	[sflag:s17] =	ssyncadd.s32 $0xFFFFFB40  }
0x30d: {  	[hbm4b:s15+s4] =	stream.linear.scatter [tilespmem:s8], [sflag:$0x1], $0x130, $0x38;
	[tilespmem:$0x16580] =	vst v63  }
0x30e: {  	_ =	swait.ge [sflag:s17], $0x130  }
0x30f: {  	[sflag:s17] =	ssyncset.done $0x0  }
.Ltmp16:
0x310: {  	s16 =	rddreg [dreg:$0xf];
	[sflag:s17] =	ssyncadd.s32 $0xFFFFFED0;
	(pc) =	sbr.rel .LBB2_31-.Ltmp16, $4  }
0x311: {  	[hbm4b:s16+s4] =	stream.linear.scatter [tilespmem:s9], [sflag:$0x1], $0x130, $0x38;
	[tilespmem:$0x16580] =	vst v63  }
0x312: {  	_ =	swait.ge [sflag:s17], $0x130  }
0x313: {  	[sflag:s17] =	ssyncset.done $0x0  }
0x314: {  	[sflag:s17] =	ssyncadd.s32 $0xFFFFFED0  }
.LBB2_19:
0x315: {  	vm3 =	vmxor vm3, vm3  }
.LBB2_23:
0x316: {  	v4 =	vmax.f32 v37, v42  }
0x317: {  	v5 =	vsub.f32 @p2 v52, v49;
	v7 =	vmin.f32 v38, v41;
	v31 =	vmin.f32 v39, v44  }
0x318: {  	v32 =	vld [tilespmem:s11+$0x280];
	v33 =	vmax.f32 v36, v45;
	v58 =	vmax.f32 v37, v47;
	v59 =	vmin.f32 v38, v46  }
0x319: {  	v60 =	vmin.f32 v39, v48;
	v7 =	vsub.f32 v7, v51;
	v4 =	vsub.f32 v31, v4  }
0x31a: {  	v31 =	vsub.f32 v59, v33;
	v61 =	vsub.f32 v60, v58  }
0x31b: {  	v41 =	vsub.f32 @p2 v53, v50;
	v62 =	vadd.f32 v43, v40;
	v7 =	vmax.f32 v7, $0.0e+00  }
0x31c: {  	v4 =	vmax.f32 v4, $0.0e+00;
	v31 =	vmax.f32 v31, $0.0e+00;
	v33 =	vmax.f32 v61, $0.0e+00  }
0x31d: {  	v4 =	vmul.f32 v4, v7;
	v7 =	vmul.f32 v33, v31;
	v31 =	vadd.f32 v32, v40  }
0x31e: {  	v5 =	vmul.f32 @p2 $5.000000000e-01, v5  }
0x31f: {  	v32 =	vmul.f32 @p2 $5.000000000e-01, v41;
	v63 =	vsub.f32 v62, v4;
	v31 =	vsub.f32 v31, v7  }
0x320: {  	vm0 =	vgt.f32 @p2 v49, v5  }
0x321: {  	vm1 =	vgt.f32 @p2 v50, v32;
	v5 =	vmul.f32 $5.000000000e-01, v63;
	v31 =	vmul.f32 $5.000000000e-01, v31  }
0x322: {  	vm0 =	vmor @p2 vm0, vm1;
	vm1 =	vmxor vm1, vm1  }
0x323: {  	vm0 =	vmor @p2 vm3, vm0;
	vm3 =	vgt.f32 v4, v5;
	vm4 =	vgt.f32 v7, v31  }
0x324: {  	vm1 =	vmmov @p2 vm0;
	vm0 =	vmor vm3, vm4  }
0x325: {  	vm0 =	vmor vm1, vm0  }
.LBB2_24:
0x326: {  	v4 =	vmpcnt.ones.xlane vm0;
	_ =	sdelay $0x1  }
0x327: {  	vm0 =	vlt.s32 v4, $0x1  }
0x328: {  	vm0 =	vmand vm2, vm0  }
0x329: {  	v4 =	vsel vm0, $0x3F800000, v3  }
0x32a: {  	(xrf0) =	vmax.scan.msk.f32 $0xffff, v4;
	_ =	sdelay $0x2  }
0x32b: {  	v4 =	vsel vm2, $0x3F800000, v3;
	_ =	sdelay $0x1  }
0x32c: {  	(xrf0) =	vmax.scan.msk.f32 $0xffff, v4  }
0x32d: {  	v4, _, _ =	vpop (xrf0)  }
0x32e: {  	(v2sf) =	vpush v4, $0xF;
	_ =	sdelay $0x3  }
0x32f: {  	v4, _, _ =	vpop (xrf0)  }
0x330: {  	(v2sf) =	vpush v4, $0xF;
	_ =	sdelay $0x7  }
0x331: {  	vm0 =	vmand vm0, vm5  }
0x332: {  	v4 =	vmov s5  }
0x333: {  	s4 =	spop (v2sf)  }
0x334: {  	p0 =	sgt.f32 s4, $0.0e+00  }
0x335: {  	s4 =	simm.s32 $0x1  }
0x336: {  	v5 =	vadd.s32 $0x140, v4;
	v7 =	vadd.s32 $0x280, v4;
	s4 =	simm.s32 @!p0 $0x0  }
0x337: {  	v31 =	vadd.s32 $0x3C0, v4;
	v32 =	vadd.s32 $0x500, v4;
	[tilespmem:v4+s28+$0x0] =	vst.idx.msk vm0, v36;
	v4 =	vmov s6;
	s6 =	sadd.s32 s4, s6  }
0x338: {  	s11 =	spop (v2sf);
	p0 =	sgt.u32 s6, $0x12B  }
0x339: {  	p2 =	sgt.f32 @!p0 s11, $0.0e+00;
	_ =	sdelay $0x1  }
0x33a: {  	[tilespmem:v5+s28+$0x0] =	vst.idx.msk vm0, v37;
	p0 =	por p0, !p2  }
.Ltmp17:
0x33b: {  	[tilespmem:v7+s28+$0x0] =	vst.idx.msk vm0, v38;
	(pc) =	sbr.rel @p0 .LBB2_25-.Ltmp17, $4  }
0x33c: {  	[tilespmem:v31+s28+$0x0] =	vst.idx.msk vm0, v39  }
0x33d: {  	[tilespmem:v32+s28+$0x0] =	vst.idx.msk vm0, v40  }
0x33e: {  	[tilespmem:v4+s29+$0x0] =	vst.idx.msk vm0, v35  }
0x33f: {  	[tilespmem:v4+s30+$0x0] =	vst.idx.msk vm0, v34;
	s5 =	sadd.s32 s4, s5  }
.LBB2_17:
0x340: {  	v4 =	vld [tilespmem:$0x8C00]  }
0x341: {  	v5 =	vld [tilespmem:$0x8C10];
	_ =	sdelay $0x1  }
0x342: {  	v7 =	vld [tilespmem:$0x8C20];
	_ =	sdelay $0x1  }
0x343: {  	v31 =	vld [tilespmem:$0x8C30]  }
0x344: {  	vm2 =	vgt.f32 v5, v4  }
0x345: {  	v4 =	vsel vm2, v5, v4;
	v5 =	vld [tilespmem:$0x8C40]  }
0x346: {  	vm3 =	vgt.f32 v7, v4  }
0x347: {  	v4 =	vsel vm3, v7, v4;
	v7 =	vld [tilespmem:$0x8C50]  }
0x348: {  	vm4 =	vgt.f32 v31, v4  }
0x349: {  	v4 =	vsel vm4, v31, v4;
	v31 =	vld [tilespmem:$0x8C60]  }
0x34a: {  	vm5 =	vgt.f32 v5, v4  }
0x34b: {  	v4 =	vsel vm5, v5, v4;
	v5 =	vld [tilespmem:$0x8C70]  }
0x34c: {  	vm6 =	vgt.f32 v7, v4  }
0x34d: {  	v4 =	vsel vm6, v7, v4;
	v7 =	vld [tilespmem:$0x8C80]  }
0x34e: {  	vm7 =	vgt.f32 v31, v4  }
0x34f: {  	v4 =	vsel vm7, v31, v4;
	v31 =	vld [tilespmem:$0x8C90]  }
0x350: {  	vm8 =	vgt.f32 v5, v4  }
0x351: {  	v4 =	vsel vm8, v5, v4;
	v5 =	vld [tilespmem:$0x8CA0]  }
0x352: {  	vm9 =	vgt.f32 v7, v4  }
0x353: {  	v4 =	vsel vm9, v7, v4;
	v7 =	vld [tilespmem:$0x8CB0]  }
0x354: {  	vm10 =	vgt.f32 v31, v4  }
0x355: {  	v4 =	vsel vm10, v31, v4;
	v31 =	vld [tilespmem:$0x8CC0]  }
0x356: {  	vm11 =	vgt.f32 v5, v4  }
0x357: {  	v4 =	vsel vm11, v5, v4;
	v5 =	vld [tilespmem:$0x8CD0]  }
0x358: {  	vm12 =	vgt.f32 v7, v4  }
0x359: {  	v4 =	vsel vm12, v7, v4;
	v7 =	vld [tilespmem:$0x8CE0]  }
0x35a: {  	vm13 =	vgt.f32 v31, v4  }
0x35b: {  	v4 =	vsel vm13, v31, v4;
	v31 =	vld [tilespmem:$0x8CF0]  }
0x35c: {  	vm14 =	vgt.f32 v5, v4  }
0x35d: {  	v4 =	vsel vm14, v5, v4;
	v5 =	vld [tilespmem:$0x8D00]  }
0x35e: {  	vm0 =	vgt.f32 v7, v4  }
0x35f: {  	v4 =	vsel vm0, v7, v4;
	v7 =	vld [tilespmem:$0x8D10]  }
0x360: {  	vm1 =	vgt.f32 v31, v4  }
0x361: {  	v4 =	vsel vm1, v31, v4;
	v31 =	vld [tilespmem:$0x8D20]  }
0x362: {  	vm15 =	vgt.f32 v5, v4  }
0x363: {  	v32 =	vsel vm2, v12, v10;
	v4 =	vsel vm15, v5, v4;
	v5 =	vld [tilespmem:$0x8D30]  }
0x364: {  	v32 =	vsel vm3, v13, v32;
	vm2 =	vgt.f32 v7, v4  }
0x365: {  	v4 =	vsel vm2, v7, v4;
	v7 =	vsel vm4, v14, v32  }
0x366: {  	vm3 =	vgt.f32 v31, v4;
	v7 =	vsel vm5, v15, v7  }
0x367: {  	v4 =	vsel vm3, v31, v4;
	v7 =	vsel vm6, v16, v7  }
0x368: {  	vm4 =	vgt.f32 v5, v4;
	v7 =	vsel vm7, v17, v7  }
0x369: {  	v4 =	vsel vm4, v5, v4;
	v5 =	vsel vm8, v18, v7;
	v7 =	vld [tilespmem:$0x1FFB0];
	_ =	sdelay $0x4  }
0x36a: {  	vm5 =	vnez.u8 v7;
	v7 =	vperm.xlane v4, v6  }
0x36b: {  	v5 =	vsel vm9, v19, v5  }
0x36c: {  	v5 =	vsel vm10, v20, v5;
	v7 =	vmax.f32 v4, v7  }
0x36d: {  	v5 =	vsel vm11, v21, v5;
	v31 =	vperm.xlane v7, v8  }
0x36e: {  	v5 =	vsel vm12, v22, v5  }
0x36f: {  	v5 =	vsel vm13, v23, v5;
	v7 =	vmax.f32 v7, v31  }
0x370: {  	v5 =	vsel vm14, v24, v5;
	v31 =	vperm.xlane v7, v9  }
0x371: {  	v5 =	vsel vm0, v25, v5  }
0x372: {  	v5 =	vsel vm1, v26, v5;
	v7 =	vmax.f32 v7, v31  }
0x373: {  	v5 =	vsel vm15, v27, v5;
	v31 =	vperm.xlane v7, v11  }
0x374: {  	v5 =	vsel vm2, v28, v5  }
0x375: {  	v5 =	vsel vm3, v29, v5;
	v34 =	vmax.f32 v7, v31  }
0x376: {  	vm0 =	veq.f32 v4, v34;
	v4 =	vsel vm4, v30, v5  }
0x377: {  	v4 =	vnsel vm0, $0x40000000, v4  }
0x378: {  	v5 =	vperm.xlane v4, v6;
	_ =	sdelay $0x1  }
0x379: {  	vm0 =	vlt.s32 v4, v5  }
0x37a: {  	v4 =	vsel vm0, v4, v5  }
0x37b: {  	v5 =	vperm.xlane v4, v8;
	_ =	sdelay $0x1  }
0x37c: {  	vm0 =	vlt.s32 v4, v5  }
0x37d: {  	v4 =	vsel vm0, v4, v5  }
0x37e: {  	v5 =	vperm.xlane v4, v9;
	_ =	sdelay $0x1  }
0x37f: {  	vm0 =	vlt.s32 v4, v5  }
0x380: {  	v4 =	vsel vm0, v4, v5  }
0x381: {  	v5 =	vperm.xlane v4, v11;
	_ =	sdelay $0x1  }
0x382: {  	vm0 =	vlt.s32 v4, v5  }
0x383: {  	v4 =	vsel vm0, v4, v5  }
0x384: {  	v5 =	vshll.u32 v4, $0x4  }
0x385: {  	v7 =	vor.u32 v10, v5;
	_ =	sdelay $0x4  }
0x386: {  	v7 =	vld.idx.msk [tilespmem:v7+s23+$0x0], $0xffff;
	_ =	sdelay $0x4  }
0x387: {  	vm0 =	veq.f32 v7, v34  }
0x388: {  	v31 =	vmctz.xlane vm0;
	_ =	sdelay $0x1  }
0x389: {  	vm0 =	veq.s32 v31, v10  }
0x38a: {  	v35 =	vadd.s32 v31, v5;
	v5 =	vsel vm0, $0xCE6E6B28, v7  }
0x38b: {  	s4 =	sadd.s32 $0x1F, s5;
	v31 =	vand.u32 $0x7, v31;
	v7 =	vand.u32 $0xFFFFFFF8, v35;
	v62 =	vperm.xlane v5, v6  }
0x38c: {  	s11 =	sand.u32 $0x1F, s4;
	v7 =	vor.u32 v31, v7  }
0x38d: {  	s16 =	sshra.s32 s4, $0x1F;
	p2 =	slt.s32 s4, $0x1;
	p0 =	sne.s32 s11, $0x0;
	v31 =	vadd.s32 $0x1400, v7;
	v5 =	vmax.f32 v5, v62  }
0x38e: {  	s11 =	sshrl.u32 s16, $0x1B;
	p0 =	por !p2, !p0;
	v63 =	vadd.s32 $0x2800, v7;
	v33 =	vperm.xlane v5, v8  }
0x38f: {  	s4 =	sadd.s32 s11, s4;
	s11 =	simm.s32 $0x1;
	p0 =	por !p0, !p0;
	vm2 =	vgt.f32 v34, $-5.000000000e+08;
	v7 =	vadd.s32 $0x3C00, v7  }
0x390: {  	s4 =	sshra.s32 s4, $0x5;
	s11 =	simm.s32 @!p0 $0x0;
	vm0 =	vmand vm2, vm5;
	v5 =	vmax.f32 v5, v33  }
0x391: {  	s4 =	ssub.s32 s4, s11;
	v36 =	vld.idx.msk [tilespmem:v35+s18+$0x0], $0xffff;
	v33 =	vperm.xlane v5, v9  }
0x392: {  	p0 =	slt.s32 s4, $0x1;
	v37 =	vld.idx.msk [tilespmem:v31+s18+$0x0], $0xffff  }
.Ltmp18:
0x393: {  	v38 =	vld.idx.msk [tilespmem:v63+s18+$0x0], $0xffff;
	v5 =	vmax.f32 v5, v33;
	(pc) =	sbr.rel @p0 .LBB2_24-.Ltmp18, $3  }
0x394: {  	v39 =	vld.idx.msk [tilespmem:v7+s18+$0x0], $0xffff;
	v7 =	vperm.xlane v5, v11;
	_ =	sdelay $0x1  }
0x395: {  	v40 =	vld.idx.msk [tilespmem:v35+s24+$0x0], $0xffff;
	[tilespmem:v35+s23+$0x0] =	vst.idx.msk vm0, v54;
	v5 =	vmax.f32 v5, v7  }
0x396: {  	s11 =	simm.s32 $0x8FD0;
	[tilespmem:v4+s19+$0x0] =	vst.idx.msk vm0, v5;
	vm0 =	vmxor vm0, vm0  }
0x397: {  	v4 =	vld [tilespmem:s11+$0xFFFFFD70]  }
0x398: {  	v42 =	vld [tilespmem:s11+$0xFFFFFEB0]  }
0x399: {  	v41 =	vld [tilespmem:s11+$0xFFFFFFF0]  }
0x39a: {  	v44 =	vld [tilespmem:s11+$0x130];
	p0 =	sne.s32 s4, $0x1  }
.Ltmp19:
0x39b: {  	v45 =	vld [tilespmem:s11+$0xFFFFFD80];
	(pc) =	sbr.rel @!p0 .LBB2_19-.Ltmp19, $4  }
0x39c: {  	v47 =	vld [tilespmem:s11+$0xFFFFFEC0]  }
0x39d: {  	v46 =	vld [tilespmem:s11+$0x0]  }
0x39e: {  	v48 =	vld [tilespmem:s11+$0x140]  }
0x39f: {  	v43 =	vld [tilespmem:s11+$0x270];
	s4 =	sadd.s32 $0xFFFFFFFF, s4;
	p2 =	por $0x0, $0x0;
	v51 =	vmax.f32 v36, v4  }
0x3a0: {  	v4 =	vld [tilespmem:s11+$0x280];
	s11 =	sadd.s32 $0x20, s11  }
0x3a1: {  	v7 =	vld [tilespmem:s11+$0xFFFFFD70]  }
0x3a2: {  	v5 =	vmax.f32 v37, v42;
	v31 =	vmin.f32 v38, v41;
	v32 =	vmin.f32 v39, v44;
	v42 =	vld [tilespmem:s11+$0xFFFFFEB0]  }
0x3a3: {  	v33 =	vmax.f32 v36, v45;
	v41 =	vld [tilespmem:s11+$0xFFFFFFF0];
	v47 =	vmax.f32 v37, v47;
	v31 =	vsub.f32 v31, v51  }
0x3a4: {  	p0 =	sne.s32 s4, $0x1;
	v44 =	vld [tilespmem:s11+$0x130];
	v5 =	vsub.f32 v32, v5;
	v46 =	vmin.f32 v38, v46;
	v48 =	vmin.f32 v39, v48  }
.Ltmp20:
0x3a5: {  	v45 =	vld [tilespmem:s11+$0xFFFFFD80];
	v62 =	vsub.f32 v46, v33;
	v63 =	vsub.f32 v48, v47;
	(pc) =	sbr.rel @!p0 .LBB2_21-.Ltmp20, $4  }
0x3a6: {  	v31 =	vmax.f32 v31, $0.0e+00;
	v46 =	vld [tilespmem:s11+$0x0];
	v5 =	vmax.f32 v5, $0.0e+00  }
0x3a7: {  	v47 =	vld [tilespmem:s11+$0xFFFFFEC0];
	v52 =	vadd.f32 v43, v40;
	v32 =	vmax.f32 v62, $0.0e+00;
	v33 =	vmax.f32 v63, $0.0e+00  }
0x3a8: {  	v48 =	vld [tilespmem:s11+$0x140];
	v49 =	vmul.f32 v5, v31;
	v53 =	vadd.f32 v4, v40;
	v50 =	vmul.f32 v33, v32  }
0x3a9: {  	s4 =	sadd.s32 $0xFFFFFFFF, s4;
	p2 =	por $0x1, $0x1;
	vm3 =	vmxor vm3, vm3;
	v43 =	vld [tilespmem:s11+$0x270];
	v51 =	vmax.f32 v36, v7  }
.LBB2_22:
0x3aa: {  	p3 =	sne.s32 s4, $0x1;
	v4 =	vmax.f32 v37, v42;
	v5 =	vld [tilespmem:s11+$0x280];
	s11 =	sadd.s32 $0x20, s11;
	v7 =	vsub.f32 v52, v49;
	v31 =	vsub.f32 v53, v50  }
0x3ab: {  	v33 =	vmin.f32 v38, v41;
	v52 =	vmin.f32 v39, v44;
	v53 =	vmax.f32 v36, v45;
	v32 =	vld [tilespmem:s11+$0xFFFFFD70]  }
0x3ac: {  	v47 =	vmax.f32 v37, v47;
	v42 =	vld [tilespmem:s11+$0xFFFFFEB0];
	v7 =	vmul.f32 $5.000000000e-01, v7;
	v31 =	vmul.f32 $5.000000000e-01, v31  }
0x3ad: {  	v46 =	vmin.f32 v38, v46;
	v48 =	vmin.f32 v39, v48;
	v33 =	vsub.f32 v33, v51;
	v41 =	vld [tilespmem:s11+$0xFFFFFFF0]  }
0x3ae: {  	v4 =	vsub.f32 v52, v4;
	v44 =	vld [tilespmem:s11+$0x130];
	vm0 =	vgt.f32 v49, v7;
	vm1 =	vgt.f32 v50, v31  }
.Ltmp21:
0x3af: {  	v7 =	vsub.f32 v46, v53;
	v31 =	vsub.f32 v48, v47;
	v45 =	vld [tilespmem:s11+$0xFFFFFD80];
	vm0 =	vmor vm0, vm1;
	(pc) =	sbr.rel @p3 .LBB2_22-.Ltmp21, $4  }
0x3b0: {  	v52 =	vadd.f32 v43, v40;
	v33 =	vmax.f32 v33, $0.0e+00;
	v47 =	vld [tilespmem:s11+$0xFFFFFEC0];
	vm3 =	vmor vm3, vm0  }
0x3b1: {  	v4 =	vmax.f32 v4, $0.0e+00;
	v7 =	vmax.f32 v7, $0.0e+00;
	v31 =	vmax.f32 v31, $0.0e+00;
	v46 =	vld [tilespmem:s11+$0x0]  }
0x3b2: {  	v49 =	vmul.f32 v4, v33;
	v53 =	vadd.f32 v5, v40;
	v50 =	vmul.f32 v31, v7;
	v48 =	vld [tilespmem:s11+$0x140]  }
0x3b3: {  	s4 =	sadd.s32 $0xFFFFFFFF, s4;
	v51 =	vmax.f32 v36, v32;
	v43 =	vld [tilespmem:s11+$0x270]  }
.Ltmp22:
0x3b4: {  	_ = 	snop;
	(pc) =	sbr.rel .LBB2_23-.Ltmp22, $1  }
0x3b5: {  	_ =	sdelay $0x3  }
.LBB2_21:
.Ltmp23:
0x3b6: {  	(pc) =	sbr.rel .LBB2_23-.Ltmp23, $2  }
0x3b7: {  	_ =	sdelay $0x2  }
0x3b8: {  	vm3 =	vmxor vm3, vm3  }
.LBB2_32:
0x3b9: {  	_ =	sfence.sel $0x180000  }
0x3ba: {  	[bflag:$0x0] =	sbarrier.arrive $0xFFFF  }
0x3bb: {  	_ =	strace $0x90000047  }
0x3bc: {  	s0 =	stileid.u32;
	[bflag:$0x2] =	sbarrier.arrive $0xFFFF  }
0x3bd: {  	p0 =	sne.s32 s0, $0x0;
	s0 =	rddreg [dreg:$0x4]  }
0x3be: {  	s0 =	sadd.s32 @!p0 $0x100000, s0  }
0x3bf: {  	[sflag:s0] =	ssyncadd.tile.s32 @!p0 $0x1;
	_ =	shalt  }
.Lfunc_end2:
_tile_overlayer_lowered:
.L_overlay_start_2:
0x3c0: {  	(tag) =	ssettag $0x2  }
0x3c1: {  	s0 =	rddreg [dreg:$0x0];
	s2 =	stileid.u32  }
0x3c2: {  	s1 =	rddreg [dreg:$0x1];
	p0 =	sne.s32 s2, $0x0  }
0x3c3: {  	s3 =	rddreg [dreg:$0x2];
	[bflag:$0x3] =	sbarrier.arrive $0xFFFF;
	s2 =	simm.s32 @!p0 $0x1C01  }
0x3c4: {  	[timem:s3], [sflag:s2] =	dma.local @!p0 [hbm:s0], s1  }
0x3c5: {  	s0 =	simm.s32 @!p0 $0x1  }
0x3c6: {  	_ =	swait.ge @!p0 [sflag:s0], s1  }
0x3c7: {  	s1 =	ssub.s32 @!p0 $0x0, s1;
	[sflag:s0] =	ssyncset.done @!p0 $0x0  }
0x3c8: {  	[sflag:s0] =	ssyncadd.s32 @!p0 s1  }
0x3c9: {  	[bflag:$0x3] =	sbarrier.arrive $0xFFFF  }
0x3ca: {  	_ =	shalt  }

</sc_bundles>
